<compile_context>
chip_gen: v7x
topology: tpu7x:2x2x1
jax: 0.10.2.dev20260603
libtpu: 0.0.44.dev20260713+nightly
codegen_flags: <defaults>
</compile_context>

<pallas_src>
import functools

import jax
import jax.numpy as jnp
from jax import lax
from jax.experimental import pallas as pl
from jax.experimental.pallas import tpu as pltpu
from jax.experimental.pallas import tpu_sc as plsc

_WB = 384


def _transpose_pack(tblT, tailP, *, num_cores, num_subcores):
    D, V = tblT.shape
    nw = num_cores * num_subcores
    nb = V // _WB
    tail_rows = (V - nb * _WB) // 2
    nk = (nb + nw - 1) // nw
    nk += nk % 2
    _OB = _WB // 2

    mesh = plsc.VectorSubcoreMesh(core_axis_name="c", subcore_axis_name="s")

    @functools.partial(
        pl.kernel,
        out_type=jax.ShapeDtypeStruct((V // 2, 2 * D), jnp.float32),
        mesh=mesh,
        compiler_params=pltpu.CompilerParams(
            use_tc_tiling_on_sc=True, skip_device_barrier=True,
            needs_layout_passes=False),
        scratch_types=[
            pltpu.VMEM((D, _WB), jnp.float32),
            pltpu.VMEM((D, _WB), jnp.float32),
            pltpu.VMEM((_OB, 2 * D), jnp.float32),
            pltpu.VMEM((_OB, 2 * D), jnp.float32),
            pltpu.SemaphoreType.DMA,
            pltpu.SemaphoreType.DMA,
            pltpu.SemaphoreType.DMA,
            pltpu.SemaphoreType.DMA,
        ],
    )
    def tp(tblT_hbm, tail_hbm, out_hbm, in0, in1, ou0, ou1,
           isem0, isem1, osem0, osem1):
        wid = lax.axis_index("s") * num_cores + lax.axis_index("c")
        ins = (in0, in1)
        ous = (ou0, ou1)
        isems = (isem0, isem1)
        osems = (osem0, osem1)

        def blk(ki):
            return jnp.minimum(wid + ki * nw, nb - 1)

        def start_in(ki, b):
            off = pl.multiple_of(blk(ki) * _WB, _WB)
            pltpu.async_copy(
                tblT_hbm.at[:, pl.ds(off, _WB)], ins[b], isems[b])

        def wait_in(b):
            pltpu.make_async_copy(
                tblT_hbm.at[:, pl.ds(0, _WB)], ins[b], isems[b]).wait()

        def start_out(ki, b):
            off = pl.multiple_of(blk(ki) * _OB, _OB)
            pltpu.async_copy(
                ous[b], out_hbm.at[pl.ds(off, _OB)], osems[b])

        def wait_out(b):
            pltpu.make_async_copy(
                ous[b], out_hbm.at[pl.ds(0, _OB)], osems[b]).wait()

        @pl.when(wid == nw - 1)
        def _tail():
            pltpu.sync_copy(
                tail_hbm, out_hbm.at[pl.ds(nb * _OB, tail_rows)])

        start_in(0, 0)
        start_in(1, 1)
        lanes = jax.lax.iota(jnp.int32, 16)
        diags = [(lanes + s) % 16 for s in range(16)]
        rowhalf = lanes // 2
        colbase = (lanes % 2) * D

        @pl.loop(0, nk // 2)
        def _body(o):
            for b in range(2):
                ki = o * 2 + b
                wait_in(b)

                @pl.when(ki >= 2)
                def _drain():
                    wait_out(b)

                @pl.loop(0, _WB // 16)
                def _rows(r0):
                    r16 = pl.multiple_of(r0 * 16, 16)
                    row_ids = r16 + lanes
                    prow_ids = r16 // 2 + rowhalf
                    for d0 in range(0, D, 16):
                        vs = [
                            plsc.load_gather(
                                ins[b], [d0 + diags[s], row_ids])
                            for s in range(16)
                        ]
                        for s in range(16):
                            plsc.store_scatter(
                                ous[b],
                                [prow_ids, colbase + d0 + diags[s]],
                                vs[s])

                start_out(ki, b)

                @pl.when(ki + 2 < nk)
                def _refill():
                    start_in(ki + 2, b)

        wait_out(0)
        wait_out(1)

    return tp(tblT, tailP)


def _emb_lookup(idx, table, *, num_cores, num_subcores, chunk):
    B, = idx.shape
    V, D = table.shape
    nw = num_cores * num_subcores
    b_per_w = B // nw
    nchunks = b_per_w // chunk

    mesh = plsc.VectorSubcoreMesh(core_axis_name="c", subcore_axis_name="s")

    @functools.partial(
        pl.kernel,
        out_type=jax.ShapeDtypeStruct((B, 2 * D), jnp.float32),
        mesh=mesh,
        compiler_params=pltpu.CompilerParams(
            use_tc_tiling_on_sc=False, skip_device_barrier=True),
        scratch_types=[
            pltpu.VMEM((b_per_w,), jnp.int32),
            pltpu.VMEM((chunk, D), jnp.float32),
            pltpu.VMEM((chunk, D), jnp.float32),
            pltpu.SemaphoreType.DMA,
            pltpu.SemaphoreType.DMA,
            pltpu.SemaphoreType.DMA,
            pltpu.SemaphoreType.DMA,
        ],
    )
    def emb(idx_hbm, table_hbm, out_hbm, idx_v, rows0, rows1,
            gsem0, gsem1, ssem0, ssem1):
        wid = lax.axis_index("s") * num_cores + lax.axis_index("c")
        base = wid * b_per_w
        base2 = wid * (b_per_w // 2)
        pltpu.sync_copy(idx_hbm.at[pl.ds(base, b_per_w)], idx_v)

        bufs = (rows0, rows1)
        gsems = (gsem0, gsem1)
        ssems = (ssem0, ssem1)
        c2 = chunk // 2

        def start_gather(g, b):
            pltpu.async_copy(
                table_hbm.at[idx_v.at[pl.ds(g * chunk, chunk)]],
                bufs[b], gsems[b])

        def start_store(g, b):
            pltpu.async_copy(
                bufs[b],
                out_hbm.at[pl.ds(base + g * chunk, chunk), pl.ds(0, D)],
                ssems[b])

        def wait_gather(b):
            pltpu.make_async_copy(
                table_hbm.at[pl.ds(0, chunk)], bufs[b], gsems[b]).wait()

        def wait_store(b):
            pltpu.make_async_copy(
                bufs[b],
                out_hbm.at[pl.ds(base, chunk), pl.ds(0, D)],
                ssems[b]).wait()

        start_gather(0, 0)
        start_gather(1, 1)

        @pl.loop(0, nchunks // 2)
        def _body(o):
            for b in range(2):
                g = o * 2 + b
                wait_gather(b)
                start_store(g, b)

                @pl.when(g + 2 < nchunks)
                def _refill():
                    wait_store(b)
                    start_gather(g + 2, b)

        wait_store(0)
        wait_store(1)

    return emb(idx, table)


def kernel(X, table):
    B0, B1 = X.shape
    B = B0 * B1
    V, D = table.shape
    idx = X.reshape(B).astype(jnp.int32)
    info = plsc.get_sparse_core_info()

    nb = V // _WB
    tailP = table[nb * _WB:, :].reshape(-1, 2 * D)
    tblP = _transpose_pack(
        table.T, tailP,
        num_cores=info.num_cores, num_subcores=info.num_subcores)

    out = _emb_lookup(
        idx,
        tblP.reshape(V, D),
        num_cores=info.num_cores,
        num_subcores=info.num_subcores,
        chunk=512,
    )
    return out.reshape(B0, B1, 2 * D)[:, :, :D]

# --- scband reference (transcript-rebuilt; emitter-appended) ---
"""Pipeline reference for scband-embedder-38680475467878 (READ-ONLY COPY).

The authoritative reference and input builder live on the scoring server;
editing this copy changes nothing except your own understanding.
"""

import jax, jax.numpy as jnp
import numpy as np

VOCAB = 1000000
DIM = 64

def setup_inputs(seed: int = 0) -> dict:
    key = jax.random.key(seed)
    k1, k2 = jax.random.split(key)
    X = jax.random.randint(k1, (4096, 200), 0, VOCAB, dtype=jnp.int64 if jax.config.jax_enable_x64 else jnp.int32)
    table = jax.random.normal(k2, (VOCAB, DIM), dtype=jnp.float32) * 0.02
    return {"X": X, "table": table}

def reference(X, table):
    # nn.Embedding forward: gather rows of the table by index
    return jnp.take(table, X, axis=0)

if __name__ == "__main__":
    import jax
    _d = setup_inputs()
    print(jax.jit(kernel)(*tuple(_d.values())))

</pallas_src>

<mosaic_0001>
#map = affine_map<(d0, d1) -> (0, 0)>
module attributes {stable_mosaic.version = 14 : i64} {
  func.func @tp(%arg0: i32, %arg1: i32, %arg2: memref<64x1000000xf32, #tpu.memory_space<hbm>>, %arg3: memref<32x128xf32, #tpu.memory_space<hbm>>, %arg4: memref<500000x128xf32, #tpu.memory_space<hbm>>, %arg5: memref<64x384xf32, #tpu.memory_space<vmem>>, %arg6: memref<64x384xf32, #tpu.memory_space<vmem>>, %arg7: memref<192x128xf32, #tpu.memory_space<vmem>>, %arg8: memref<192x128xf32, #tpu.memory_space<vmem>>, %arg9: memref<!tpu.dma_semaphore, #tpu.memory_space<semaphore_mem>>, %arg10: memref<!tpu.dma_semaphore, #tpu.memory_space<semaphore_mem>>, %arg11: memref<!tpu.dma_semaphore, #tpu.memory_space<semaphore_mem>>, %arg12: memref<!tpu.dma_semaphore, #tpu.memory_space<semaphore_mem>>) attributes {dimension_semantics = [#tpu.dimension_semantics<core_parallel>, #tpu.dimension_semantics<subcore_parallel>], iteration_bounds = array<i64: 2, 16>, scalar_prefetch = 0 : i64, scratch_operands = 8 : i64, tpu.core_type = #tpu.core_type<sc_vector_subcore>, window_params = [{transform_indices = #map}, {transform_indices = #map}, {transform_indices = #map}]} {
    %mul3A = arith.constant 2 : i32
    %mul3A_0 = arith.muli %arg1, %mul3A : i32
    %add3A = arith.addi %mul3A_0, %arg0 : i32
    %eq3A = arith.constant 31 : i32
    %eq3A_1 = arith.cmpi eq, %add3A, %eq3A : i32
    %convert_element_type3A = arith.extui %eq3A_1 : i1 to i32
    %cond3A = arith.constant 0 : i32
    %cond3A_2 = arith.cmpi ne, %convert_element_type3A, %cond3A : i32
    scf.if %cond3A_2 {
      "tpu.region"() ({
        %run_scoped3A = tpu.sem_alloc : memref<!tpu.dma_semaphore, #tpu.memory_space<semaphore_mem>>
        %dma_start3A_484 = arith.constant 499968 : i32
        %dma_start3A_485 = arith.constant 0 : i32
        %dma_start3A_486 = tpu.memref_slice %arg4[%dma_start3A_484, %dma_start3A_485] : memref<500000x128xf32, #tpu.memory_space<hbm>> -> memref<32x128xf32, #tpu.memory_space<hbm>>
        tpu.enqueue_dma source(%arg3 : memref<32x128xf32, #tpu.memory_space<hbm>>) target(%dma_start3A_486 : memref<32x128xf32, #tpu.memory_space<hbm>>) target_semaphore(%run_scoped3A : memref<!tpu.dma_semaphore, #tpu.memory_space<semaphore_mem>>)
        %dma_wait3A_487 = arith.constant 499968 : i32
        %dma_wait3A_488 = arith.constant 0 : i32
        %dma_wait3A_489 = tpu.memref_slice %arg4[%dma_wait3A_487, %dma_wait3A_488] : memref<500000x128xf32, #tpu.memory_space<hbm>> -> memref<32x128xf32, #tpu.memory_space<hbm>>
        tpu.wait_dma2 semaphore(%run_scoped3A : memref<!tpu.dma_semaphore, #tpu.memory_space<semaphore_mem>>) src(%arg3 : memref<32x128xf32, #tpu.memory_space<hbm>>) dst(%dma_wait3A_489 : memref<32x128xf32, #tpu.memory_space<hbm>>)
        tpu.yield
      }) : () -> ()
    } else {
    }
    %add3A_3 = arith.constant 0 : i32
    %add3A_4 = arith.addi %add3A, %add3A_3 : i32
    %min3A = arith.constant 2603 : i32
    %min3A_5 = arith.minsi %add3A_4, %min3A : i32
    %mul3A_6 = arith.constant 384 : i32
    %mul3A_7 = arith.muli %min3A_5, %mul3A_6 : i32
    %multiple_of3A = tpu.assume_multiple %mul3A_7, 384 : i32
    %dma_start3A = arith.constant 0 : i32
    %dma_start3A_8 = tpu.memref_slice %arg2[%dma_start3A, %multiple_of3A] : memref<64x1000000xf32, #tpu.memory_space<hbm>> -> memref<64x384xf32, #tpu.memory_space<hbm>>
    %dma_start3A_9 = arith.constant 0 : i32
    %dma_start3A_10 = tpu.memref_slice %arg2[%dma_start3A_9, %multiple_of3A] : memref<64x1000000xf32, #tpu.memory_space<hbm>> -> memref<64x384xf32, #tpu.memory_space<hbm>>
    tpu.enqueue_dma source(%dma_start3A_10 : memref<64x384xf32, #tpu.memory_space<hbm>>) target(%arg5 : memref<64x384xf32, #tpu.memory_space<vmem>>) target_semaphore(%arg9 : memref<!tpu.dma_semaphore, #tpu.memory_space<semaphore_mem>>)
    %add3A_11 = arith.constant 32 : i32
    %add3A_12 = arith.addi %add3A, %add3A_11 : i32
    %min3A_13 = arith.constant 2603 : i32
    %min3A_14 = arith.minsi %add3A_12, %min3A_13 : i32
    %mul3A_15 = arith.constant 384 : i32
    %mul3A_16 = arith.muli %min3A_14, %mul3A_15 : i32
    %multiple_of3A_17 = tpu.assume_multiple %mul3A_16, 384 : i32
    %dma_start3A_18 = arith.constant 0 : i32
    %dma_start3A_19 = tpu.memref_slice %arg2[%dma_start3A_18, %multiple_of3A_17] : memref<64x1000000xf32, #tpu.memory_space<hbm>> -> memref<64x384xf32, #tpu.memory_space<hbm>>
    %dma_start3A_20 = arith.constant 0 : i32
    %dma_start3A_21 = tpu.memref_slice %arg2[%dma_start3A_20, %multiple_of3A_17] : memref<64x1000000xf32, #tpu.memory_space<hbm>> -> memref<64x384xf32, #tpu.memory_space<hbm>>
    tpu.enqueue_dma source(%dma_start3A_21 : memref<64x384xf32, #tpu.memory_space<hbm>>) target(%arg6 : memref<64x384xf32, #tpu.memory_space<vmem>>) target_semaphore(%arg10 : memref<!tpu.dma_semaphore, #tpu.memory_space<semaphore_mem>>)
    %iota3A = tpu.iota {dimensions = array<i32: 0>} : vector<16xi32>
    %add3A_22 = arith.constant 0 : i32
    %add3A_23 = vector.broadcast %add3A_22 : i32 to vector<16xi32>
    %add3A_24 = arith.addi %iota3A, %add3A_23 : vector<16xi32>
    %jit3A = arith.constant 16 : i32
    %eq3A_25 = arith.constant 0 : i32
    %eq3A_26 = arith.cmpi eq, %jit3A, %eq3A_25 : i32
    %jit3A_27 = arith.constant 1 : i32
    %select_n3A = arith.select %eq3A_26, %jit3A_27, %jit3A : i32
    %rem3A = vector.broadcast %select_n3A : i32 to vector<16xi32>
    %rem3A_28 = arith.remsi %add3A_24, %rem3A : vector<16xi32>
    %ne3A = arith.constant 0 : i32
    %ne3A_29 = vector.broadcast %ne3A : i32 to vector<16xi32>
    %ne3A_30 = arith.cmpi ne, %rem3A_28, %ne3A_29 : vector<16xi32>
    %lt3A = arith.constant 0 : i32
    %lt3A_31 = vector.broadcast %lt3A : i32 to vector<16xi32>
    %lt3A_32 = arith.cmpi slt, %rem3A_28, %lt3A_31 : vector<16xi32>
    %lt3A_33 = arith.constant 0 : i32
    %lt3A_34 = arith.cmpi slt, %select_n3A, %lt3A_33 : i32
    %ne3A_35 = vector.broadcast %lt3A_34 : i1 to vector<16xi1>
    %ne3A_36 = vector.broadcast %ne3A_35 : vector<16xi1> to vector<16xi1>
    %ne3A_37 = arith.xori %lt3A_32, %ne3A_36 : vector<16xi1>
    %and3A = arith.andi %ne3A_37, %ne3A_30 : vector<16xi1>
    %add3A_38 = vector.broadcast %select_n3A : i32 to vector<16xi32>
    %add3A_39 = arith.addi %rem3A_28, %add3A_38 : vector<16xi32>
    %select_n3A_40 = arith.select %and3A, %add3A_39, %rem3A_28 : vector<16xi1>, vector<16xi32>
    %add3A_41 = arith.constant 1 : i32
    %add3A_42 = vector.broadcast %add3A_41 : i32 to vector<16xi32>
    %add3A_43 = arith.addi %iota3A, %add3A_42 : vector<16xi32>
    %jit3A_44 = arith.constant 16 : i32
    %eq3A_45 = arith.constant 0 : i32
    %eq3A_46 = arith.cmpi eq, %jit3A_44, %eq3A_45 : i32
    %jit3A_47 = arith.constant 1 : i32
    %select_n3A_48 = arith.select %eq3A_46, %jit3A_47, %jit3A_44 : i32
    %rem3A_49 = vector.broadcast %select_n3A_48 : i32 to vector<16xi32>
    %rem3A_50 = arith.remsi %add3A_43, %rem3A_49 : vector<16xi32>
    %ne3A_51 = arith.constant 0 : i32
    %ne3A_52 = vector.broadcast %ne3A_51 : i32 to vector<16xi32>
    %ne3A_53 = arith.cmpi ne, %rem3A_50, %ne3A_52 : vector<16xi32>
    %lt3A_54 = arith.constant 0 : i32
    %lt3A_55 = vector.broadcast %lt3A_54 : i32 to vector<16xi32>
    %lt3A_56 = arith.cmpi slt, %rem3A_50, %lt3A_55 : vector<16xi32>
    %lt3A_57 = arith.constant 0 : i32
    %lt3A_58 = arith.cmpi slt, %select_n3A_48, %lt3A_57 : i32
    %ne3A_59 = vector.broadcast %lt3A_58 : i1 to vector<16xi1>
    %ne3A_60 = vector.broadcast %ne3A_59 : vector<16xi1> to vector<16xi1>
    %ne3A_61 = arith.xori %lt3A_56, %ne3A_60 : vector<16xi1>
    %and3A_62 = arith.andi %ne3A_61, %ne3A_53 : vector<16xi1>
    %add3A_63 = vector.broadcast %select_n3A_48 : i32 to vector<16xi32>
    %add3A_64 = arith.addi %rem3A_50, %add3A_63 : vector<16xi32>
    %select_n3A_65 = arith.select %and3A_62, %add3A_64, %rem3A_50 : vector<16xi1>, vector<16xi32>
    %add3A_66 = arith.constant 2 : i32
    %add3A_67 = vector.broadcast %add3A_66 : i32 to vector<16xi32>
    %add3A_68 = arith.addi %iota3A, %add3A_67 : vector<16xi32>
    %jit3A_69 = arith.constant 16 : i32
    %eq3A_70 = arith.constant 0 : i32
    %eq3A_71 = arith.cmpi eq, %jit3A_69, %eq3A_70 : i32
    %jit3A_72 = arith.constant 1 : i32
    %select_n3A_73 = arith.select %eq3A_71, %jit3A_72, %jit3A_69 : i32
    %rem3A_74 = vector.broadcast %select_n3A_73 : i32 to vector<16xi32>
    %rem3A_75 = arith.remsi %add3A_68, %rem3A_74 : vector<16xi32>
    %ne3A_76 = arith.constant 0 : i32
    %ne3A_77 = vector.broadcast %ne3A_76 : i32 to vector<16xi32>
    %ne3A_78 = arith.cmpi ne, %rem3A_75, %ne3A_77 : vector<16xi32>
    %lt3A_79 = arith.constant 0 : i32
    %lt3A_80 = vector.broadcast %lt3A_79 : i32 to vector<16xi32>
    %lt3A_81 = arith.cmpi slt, %rem3A_75, %lt3A_80 : vector<16xi32>
    %lt3A_82 = arith.constant 0 : i32
    %lt3A_83 = arith.cmpi slt, %select_n3A_73, %lt3A_82 : i32
    %ne3A_84 = vector.broadcast %lt3A_83 : i1 to vector<16xi1>
    %ne3A_85 = vector.broadcast %ne3A_84 : vector<16xi1> to vector<16xi1>
    %ne3A_86 = arith.xori %lt3A_81, %ne3A_85 : vector<16xi1>
    %and3A_87 = arith.andi %ne3A_86, %ne3A_78 : vector<16xi1>
    %add3A_88 = vector.broadcast %select_n3A_73 : i32 to vector<16xi32>
    %add3A_89 = arith.addi %rem3A_75, %add3A_88 : vector<16xi32>
    %select_n3A_90 = arith.select %and3A_87, %add3A_89, %rem3A_75 : vector<16xi1>, vector<16xi32>
    %add3A_91 = arith.constant 3 : i32
    %add3A_92 = vector.broadcast %add3A_91 : i32 to vector<16xi32>
    %add3A_93 = arith.addi %iota3A, %add3A_92 : vector<16xi32>
    %jit3A_94 = arith.constant 16 : i32
    %eq3A_95 = arith.constant 0 : i32
    %eq3A_96 = arith.cmpi eq, %jit3A_94, %eq3A_95 : i32
    %jit3A_97 = arith.constant 1 : i32
    %select_n3A_98 = arith.select %eq3A_96, %jit3A_97, %jit3A_94 : i32
    %rem3A_99 = vector.broadcast %select_n3A_98 : i32 to vector<16xi32>
    %rem3A_100 = arith.remsi %add3A_93, %rem3A_99 : vector<16xi32>
    %ne3A_101 = arith.constant 0 : i32
    %ne3A_102 = vector.broadcast %ne3A_101 : i32 to vector<16xi32>
    %ne3A_103 = arith.cmpi ne, %rem3A_100, %ne3A_102 : vector<16xi32>
    %lt3A_104 = arith.constant 0 : i32
    %lt3A_105 = vector.broadcast %lt3A_104 : i32 to vector<16xi32>
    %lt3A_106 = arith.cmpi slt, %rem3A_100, %lt3A_105 : vector<16xi32>
    %lt3A_107 = arith.constant 0 : i32
    %lt3A_108 = arith.cmpi slt, %select_n3A_98, %lt3A_107 : i32
    %ne3A_109 = vector.broadcast %lt3A_108 : i1 to vector<16xi1>
    %ne3A_110 = vector.broadcast %ne3A_109 : vector<16xi1> to vector<16xi1>
    %ne3A_111 = arith.xori %lt3A_106, %ne3A_110 : vector<16xi1>
    %and3A_112 = arith.andi %ne3A_111, %ne3A_103 : vector<16xi1>
    %add3A_113 = vector.broadcast %select_n3A_98 : i32 to vector<16xi32>
    %add3A_114 = arith.addi %rem3A_100, %add3A_113 : vector<16xi32>
    %select_n3A_115 = arith.select %and3A_112, %add3A_114, %rem3A_100 : vector<16xi1>, vector<16xi32>
    %add3A_116 = arith.constant 4 : i32
    %add3A_117 = vector.broadcast %add3A_116 : i32 to vector<16xi32>
    %add3A_118 = arith.addi %iota3A, %add3A_117 : vector<16xi32>
    %jit3A_119 = arith.constant 16 : i32
    %eq3A_120 = arith.constant 0 : i32
    %eq3A_121 = arith.cmpi eq, %jit3A_119, %eq3A_120 : i32
    %jit3A_122 = arith.constant 1 : i32
    %select_n3A_123 = arith.select %eq3A_121, %jit3A_122, %jit3A_119 : i32
    %rem3A_124 = vector.broadcast %select_n3A_123 : i32 to vector<16xi32>
    %rem3A_125 = arith.remsi %add3A_118, %rem3A_124 : vector<16xi32>
    %ne3A_126 = arith.constant 0 : i32
    %ne3A_127 = vector.broadcast %ne3A_126 : i32 to vector<16xi32>
    %ne3A_128 = arith.cmpi ne, %rem3A_125, %ne3A_127 : vector<16xi32>
    %lt3A_129 = arith.constant 0 : i32
    %lt3A_130 = vector.broadcast %lt3A_129 : i32 to vector<16xi32>
    %lt3A_131 = arith.cmpi slt, %rem3A_125, %lt3A_130 : vector<16xi32>
    %lt3A_132 = arith.constant 0 : i32
    %lt3A_133 = arith.cmpi slt, %select_n3A_123, %lt3A_132 : i32
    %ne3A_134 = vector.broadcast %lt3A_133 : i1 to vector<16xi1>
    %ne3A_135 = vector.broadcast %ne3A_134 : vector<16xi1> to vector<16xi1>
    %ne3A_136 = arith.xori %lt3A_131, %ne3A_135 : vector<16xi1>
    %and3A_137 = arith.andi %ne3A_136, %ne3A_128 : vector<16xi1>
    %add3A_138 = vector.broadcast %select_n3A_123 : i32 to vector<16xi32>
    %add3A_139 = arith.addi %rem3A_125, %add3A_138 : vector<16xi32>
    %select_n3A_140 = arith.select %and3A_137, %add3A_139, %rem3A_125 : vector<16xi1>, vector<16xi32>
    %add3A_141 = arith.constant 5 : i32
    %add3A_142 = vector.broadcast %add3A_141 : i32 to vector<16xi32>
    %add3A_143 = arith.addi %iota3A, %add3A_142 : vector<16xi32>
    %jit3A_144 = arith.constant 16 : i32
    %eq3A_145 = arith.constant 0 : i32
    %eq3A_146 = arith.cmpi eq, %jit3A_144, %eq3A_145 : i32
    %jit3A_147 = arith.constant 1 : i32
    %select_n3A_148 = arith.select %eq3A_146, %jit3A_147, %jit3A_144 : i32
    %rem3A_149 = vector.broadcast %select_n3A_148 : i32 to vector<16xi32>
    %rem3A_150 = arith.remsi %add3A_143, %rem3A_149 : vector<16xi32>
    %ne3A_151 = arith.constant 0 : i32
    %ne3A_152 = vector.broadcast %ne3A_151 : i32 to vector<16xi32>
    %ne3A_153 = arith.cmpi ne, %rem3A_150, %ne3A_152 : vector<16xi32>
    %lt3A_154 = arith.constant 0 : i32
    %lt3A_155 = vector.broadcast %lt3A_154 : i32 to vector<16xi32>
    %lt3A_156 = arith.cmpi slt, %rem3A_150, %lt3A_155 : vector<16xi32>
    %lt3A_157 = arith.constant 0 : i32
    %lt3A_158 = arith.cmpi slt, %select_n3A_148, %lt3A_157 : i32
    %ne3A_159 = vector.broadcast %lt3A_158 : i1 to vector<16xi1>
    %ne3A_160 = vector.broadcast %ne3A_159 : vector<16xi1> to vector<16xi1>
    %ne3A_161 = arith.xori %lt3A_156, %ne3A_160 : vector<16xi1>
    %and3A_162 = arith.andi %ne3A_161, %ne3A_153 : vector<16xi1>
    %add3A_163 = vector.broadcast %select_n3A_148 : i32 to vector<16xi32>
    %add3A_164 = arith.addi %rem3A_150, %add3A_163 : vector<16xi32>
    %select_n3A_165 = arith.select %and3A_162, %add3A_164, %rem3A_150 : vector<16xi1>, vector<16xi32>
    %add3A_166 = arith.constant 6 : i32
    %add3A_167 = vector.broadcast %add3A_166 : i32 to vector<16xi32>
    %add3A_168 = arith.addi %iota3A, %add3A_167 : vector<16xi32>
    %jit3A_169 = arith.constant 16 : i32
    %eq3A_170 = arith.constant 0 : i32
    %eq3A_171 = arith.cmpi eq, %jit3A_169, %eq3A_170 : i32
    %jit3A_172 = arith.constant 1 : i32
    %select_n3A_173 = arith.select %eq3A_171, %jit3A_172, %jit3A_169 : i32
    %rem3A_174 = vector.broadcast %select_n3A_173 : i32 to vector<16xi32>
    %rem3A_175 = arith.remsi %add3A_168, %rem3A_174 : vector<16xi32>
    %ne3A_176 = arith.constant 0 : i32
    %ne3A_177 = vector.broadcast %ne3A_176 : i32 to vector<16xi32>
    %ne3A_178 = arith.cmpi ne, %rem3A_175, %ne3A_177 : vector<16xi32>
    %lt3A_179 = arith.constant 0 : i32
    %lt3A_180 = vector.broadcast %lt3A_179 : i32 to vector<16xi32>
    %lt3A_181 = arith.cmpi slt, %rem3A_175, %lt3A_180 : vector<16xi32>
    %lt3A_182 = arith.constant 0 : i32
    %lt3A_183 = arith.cmpi slt, %select_n3A_173, %lt3A_182 : i32
    %ne3A_184 = vector.broadcast %lt3A_183 : i1 to vector<16xi1>
    %ne3A_185 = vector.broadcast %ne3A_184 : vector<16xi1> to vector<16xi1>
    %ne3A_186 = arith.xori %lt3A_181, %ne3A_185 : vector<16xi1>
    %and3A_187 = arith.andi %ne3A_186, %ne3A_178 : vector<16xi1>
    %add3A_188 = vector.broadcast %select_n3A_173 : i32 to vector<16xi32>
    %add3A_189 = arith.addi %rem3A_175, %add3A_188 : vector<16xi32>
    %select_n3A_190 = arith.select %and3A_187, %add3A_189, %rem3A_175 : vector<16xi1>, vector<16xi32>
    %add3A_191 = arith.constant 7 : i32
    %add3A_192 = vector.broadcast %add3A_191 : i32 to vector<16xi32>
    %add3A_193 = arith.addi %iota3A, %add3A_192 : vector<16xi32>
    %jit3A_194 = arith.constant 16 : i32
    %eq3A_195 = arith.constant 0 : i32
    %eq3A_196 = arith.cmpi eq, %jit3A_194, %eq3A_195 : i32
    %jit3A_197 = arith.constant 1 : i32
    %select_n3A_198 = arith.select %eq3A_196, %jit3A_197, %jit3A_194 : i32
    %rem3A_199 = vector.broadcast %select_n3A_198 : i32 to vector<16xi32>
    %rem3A_200 = arith.remsi %add3A_193, %rem3A_199 : vector<16xi32>
    %ne3A_201 = arith.constant 0 : i32
    %ne3A_202 = vector.broadcast %ne3A_201 : i32 to vector<16xi32>
    %ne3A_203 = arith.cmpi ne, %rem3A_200, %ne3A_202 : vector<16xi32>
    %lt3A_204 = arith.constant 0 : i32
    %lt3A_205 = vector.broadcast %lt3A_204 : i32 to vector<16xi32>
    %lt3A_206 = arith.cmpi slt, %rem3A_200, %lt3A_205 : vector<16xi32>
    %lt3A_207 = arith.constant 0 : i32
    %lt3A_208 = arith.cmpi slt, %select_n3A_198, %lt3A_207 : i32
    %ne3A_209 = vector.broadcast %lt3A_208 : i1 to vector<16xi1>
    %ne3A_210 = vector.broadcast %ne3A_209 : vector<16xi1> to vector<16xi1>
    %ne3A_211 = arith.xori %lt3A_206, %ne3A_210 : vector<16xi1>
    %and3A_212 = arith.andi %ne3A_211, %ne3A_203 : vector<16xi1>
    %add3A_213 = vector.broadcast %select_n3A_198 : i32 to vector<16xi32>
    %add3A_214 = arith.addi %rem3A_200, %add3A_213 : vector<16xi32>
    %select_n3A_215 = arith.select %and3A_212, %add3A_214, %rem3A_200 : vector<16xi1>, vector<16xi32>
    %add3A_216 = arith.constant 8 : i32
    %add3A_217 = vector.broadcast %add3A_216 : i32 to vector<16xi32>
    %add3A_218 = arith.addi %iota3A, %add3A_217 : vector<16xi32>
    %jit3A_219 = arith.constant 16 : i32
    %eq3A_220 = arith.constant 0 : i32
    %eq3A_221 = arith.cmpi eq, %jit3A_219, %eq3A_220 : i32
    %jit3A_222 = arith.constant 1 : i32
    %select_n3A_223 = arith.select %eq3A_221, %jit3A_222, %jit3A_219 : i32
    %rem3A_224 = vector.broadcast %select_n3A_223 : i32 to vector<16xi32>
    %rem3A_225 = arith.remsi %add3A_218, %rem3A_224 : vector<16xi32>
    %ne3A_226 = arith.constant 0 : i32
    %ne3A_227 = vector.broadcast %ne3A_226 : i32 to vector<16xi32>
    %ne3A_228 = arith.cmpi ne, %rem3A_225, %ne3A_227 : vector<16xi32>
    %lt3A_229 = arith.constant 0 : i32
    %lt3A_230 = vector.broadcast %lt3A_229 : i32 to vector<16xi32>
    %lt3A_231 = arith.cmpi slt, %rem3A_225, %lt3A_230 : vector<16xi32>
    %lt3A_232 = arith.constant 0 : i32
    %lt3A_233 = arith.cmpi slt, %select_n3A_223, %lt3A_232 : i32
    %ne3A_234 = vector.broadcast %lt3A_233 : i1 to vector<16xi1>
    %ne3A_235 = vector.broadcast %ne3A_234 : vector<16xi1> to vector<16xi1>
    %ne3A_236 = arith.xori %lt3A_231, %ne3A_235 : vector<16xi1>
    %and3A_237 = arith.andi %ne3A_236, %ne3A_228 : vector<16xi1>
    %add3A_238 = vector.broadcast %select_n3A_223 : i32 to vector<16xi32>
    %add3A_239 = arith.addi %rem3A_225, %add3A_238 : vector<16xi32>
    %select_n3A_240 = arith.select %and3A_237, %add3A_239, %rem3A_225 : vector<16xi1>, vector<16xi32>
    %add3A_241 = arith.constant 9 : i32
    %add3A_242 = vector.broadcast %add3A_241 : i32 to vector<16xi32>
    %add3A_243 = arith.addi %iota3A, %add3A_242 : vector<16xi32>
    %jit3A_244 = arith.constant 16 : i32
    %eq3A_245 = arith.constant 0 : i32
    %eq3A_246 = arith.cmpi eq, %jit3A_244, %eq3A_245 : i32
    %jit3A_247 = arith.constant 1 : i32
    %select_n3A_248 = arith.select %eq3A_246, %jit3A_247, %jit3A_244 : i32
    %rem3A_249 = vector.broadcast %select_n3A_248 : i32 to vector<16xi32>
    %rem3A_250 = arith.remsi %add3A_243, %rem3A_249 : vector<16xi32>
    %ne3A_251 = arith.constant 0 : i32
    %ne3A_252 = vector.broadcast %ne3A_251 : i32 to vector<16xi32>
    %ne3A_253 = arith.cmpi ne, %rem3A_250, %ne3A_252 : vector<16xi32>
    %lt3A_254 = arith.constant 0 : i32
    %lt3A_255 = vector.broadcast %lt3A_254 : i32 to vector<16xi32>
    %lt3A_256 = arith.cmpi slt, %rem3A_250, %lt3A_255 : vector<16xi32>
    %lt3A_257 = arith.constant 0 : i32
    %lt3A_258 = arith.cmpi slt, %select_n3A_248, %lt3A_257 : i32
    %ne3A_259 = vector.broadcast %lt3A_258 : i1 to vector<16xi1>
    %ne3A_260 = vector.broadcast %ne3A_259 : vector<16xi1> to vector<16xi1>
    %ne3A_261 = arith.xori %lt3A_256, %ne3A_260 : vector<16xi1>
    %and3A_262 = arith.andi %ne3A_261, %ne3A_253 : vector<16xi1>
    %add3A_263 = vector.broadcast %select_n3A_248 : i32 to vector<16xi32>
    %add3A_264 = arith.addi %rem3A_250, %add3A_263 : vector<16xi32>
    %select_n3A_265 = arith.select %and3A_262, %add3A_264, %rem3A_250 : vector<16xi1>, vector<16xi32>
    %add3A_266 = arith.constant 10 : i32
    %add3A_267 = vector.broadcast %add3A_266 : i32 to vector<16xi32>
    %add3A_268 = arith.addi %iota3A, %add3A_267 : vector<16xi32>
    %jit3A_269 = arith.constant 16 : i32
    %eq3A_270 = arith.constant 0 : i32
    %eq3A_271 = arith.cmpi eq, %jit3A_269, %eq3A_270 : i32
    %jit3A_272 = arith.constant 1 : i32
    %select_n3A_273 = arith.select %eq3A_271, %jit3A_272, %jit3A_269 : i32
    %rem3A_274 = vector.broadcast %select_n3A_273 : i32 to vector<16xi32>
    %rem3A_275 = arith.remsi %add3A_268, %rem3A_274 : vector<16xi32>
    %ne3A_276 = arith.constant 0 : i32
    %ne3A_277 = vector.broadcast %ne3A_276 : i32 to vector<16xi32>
    %ne3A_278 = arith.cmpi ne, %rem3A_275, %ne3A_277 : vector<16xi32>
    %lt3A_279 = arith.constant 0 : i32
    %lt3A_280 = vector.broadcast %lt3A_279 : i32 to vector<16xi32>
    %lt3A_281 = arith.cmpi slt, %rem3A_275, %lt3A_280 : vector<16xi32>
    %lt3A_282 = arith.constant 0 : i32
    %lt3A_283 = arith.cmpi slt, %select_n3A_273, %lt3A_282 : i32
    %ne3A_284 = vector.broadcast %lt3A_283 : i1 to vector<16xi1>
    %ne3A_285 = vector.broadcast %ne3A_284 : vector<16xi1> to vector<16xi1>
    %ne3A_286 = arith.xori %lt3A_281, %ne3A_285 : vector<16xi1>
    %and3A_287 = arith.andi %ne3A_286, %ne3A_278 : vector<16xi1>
    %add3A_288 = vector.broadcast %select_n3A_273 : i32 to vector<16xi32>
    %add3A_289 = arith.addi %rem3A_275, %add3A_288 : vector<16xi32>
    %select_n3A_290 = arith.select %and3A_287, %add3A_289, %rem3A_275 : vector<16xi1>, vector<16xi32>
    %add3A_291 = arith.constant 11 : i32
    %add3A_292 = vector.broadcast %add3A_291 : i32 to vector<16xi32>
    %add3A_293 = arith.addi %iota3A, %add3A_292 : vector<16xi32>
    %jit3A_294 = arith.constant 16 : i32
    %eq3A_295 = arith.constant 0 : i32
    %eq3A_296 = arith.cmpi eq, %jit3A_294, %eq3A_295 : i32
    %jit3A_297 = arith.constant 1 : i32
    %select_n3A_298 = arith.select %eq3A_296, %jit3A_297, %jit3A_294 : i32
    %rem3A_299 = vector.broadcast %select_n3A_298 : i32 to vector<16xi32>
    %rem3A_300 = arith.remsi %add3A_293, %rem3A_299 : vector<16xi32>
    %ne3A_301 = arith.constant 0 : i32
    %ne3A_302 = vector.broadcast %ne3A_301 : i32 to vector<16xi32>
    %ne3A_303 = arith.cmpi ne, %rem3A_300, %ne3A_302 : vector<16xi32>
    %lt3A_304 = arith.constant 0 : i32
    %lt3A_305 = vector.broadcast %lt3A_304 : i32 to vector<16xi32>
    %lt3A_306 = arith.cmpi slt, %rem3A_300, %lt3A_305 : vector<16xi32>
    %lt3A_307 = arith.constant 0 : i32
    %lt3A_308 = arith.cmpi slt, %select_n3A_298, %lt3A_307 : i32
    %ne3A_309 = vector.broadcast %lt3A_308 : i1 to vector<16xi1>
    %ne3A_310 = vector.broadcast %ne3A_309 : vector<16xi1> to vector<16xi1>
    %ne3A_311 = arith.xori %lt3A_306, %ne3A_310 : vector<16xi1>
    %and3A_312 = arith.andi %ne3A_311, %ne3A_303 : vector<16xi1>
    %add3A_313 = vector.broadcast %select_n3A_298 : i32 to vector<16xi32>
    %add3A_314 = arith.addi %rem3A_300, %add3A_313 : vector<16xi32>
    %select_n3A_315 = arith.select %and3A_312, %add3A_314, %rem3A_300 : vector<16xi1>, vector<16xi32>
    %add3A_316 = arith.constant 12 : i32
    %add3A_317 = vector.broadcast %add3A_316 : i32 to vector<16xi32>
    %add3A_318 = arith.addi %iota3A, %add3A_317 : vector<16xi32>
    %jit3A_319 = arith.constant 16 : i32
    %eq3A_320 = arith.constant 0 : i32
    %eq3A_321 = arith.cmpi eq, %jit3A_319, %eq3A_320 : i32
    %jit3A_322 = arith.constant 1 : i32
    %select_n3A_323 = arith.select %eq3A_321, %jit3A_322, %jit3A_319 : i32
    %rem3A_324 = vector.broadcast %select_n3A_323 : i32 to vector<16xi32>
    %rem3A_325 = arith.remsi %add3A_318, %rem3A_324 : vector<16xi32>
    %ne3A_326 = arith.constant 0 : i32
    %ne3A_327 = vector.broadcast %ne3A_326 : i32 to vector<16xi32>
    %ne3A_328 = arith.cmpi ne, %rem3A_325, %ne3A_327 : vector<16xi32>
    %lt3A_329 = arith.constant 0 : i32
    %lt3A_330 = vector.broadcast %lt3A_329 : i32 to vector<16xi32>
    %lt3A_331 = arith.cmpi slt, %rem3A_325, %lt3A_330 : vector<16xi32>
    %lt3A_332 = arith.constant 0 : i32
    %lt3A_333 = arith.cmpi slt, %select_n3A_323, %lt3A_332 : i32
    %ne3A_334 = vector.broadcast %lt3A_333 : i1 to vector<16xi1>
    %ne3A_335 = vector.broadcast %ne3A_334 : vector<16xi1> to vector<16xi1>
    %ne3A_336 = arith.xori %lt3A_331, %ne3A_335 : vector<16xi1>
    %and3A_337 = arith.andi %ne3A_336, %ne3A_328 : vector<16xi1>
    %add3A_338 = vector.broadcast %select_n3A_323 : i32 to vector<16xi32>
    %add3A_339 = arith.addi %rem3A_325, %add3A_338 : vector<16xi32>
    %select_n3A_340 = arith.select %and3A_337, %add3A_339, %rem3A_325 : vector<16xi1>, vector<16xi32>
    %add3A_341 = arith.constant 13 : i32
    %add3A_342 = vector.broadcast %add3A_341 : i32 to vector<16xi32>
    %add3A_343 = arith.addi %iota3A, %add3A_342 : vector<16xi32>
    %jit3A_344 = arith.constant 16 : i32
    %eq3A_345 = arith.constant 0 : i32
    %eq3A_346 = arith.cmpi eq, %jit3A_344, %eq3A_345 : i32
    %jit3A_347 = arith.constant 1 : i32
    %select_n3A_348 = arith.select %eq3A_346, %jit3A_347, %jit3A_344 : i32
    %rem3A_349 = vector.broadcast %select_n3A_348 : i32 to vector<16xi32>
    %rem3A_350 = arith.remsi %add3A_343, %rem3A_349 : vector<16xi32>
    %ne3A_351 = arith.constant 0 : i32
    %ne3A_352 = vector.broadcast %ne3A_351 : i32 to vector<16xi32>
    %ne3A_353 = arith.cmpi ne, %rem3A_350, %ne3A_352 : vector<16xi32>
    %lt3A_354 = arith.constant 0 : i32
    %lt3A_355 = vector.broadcast %lt3A_354 : i32 to vector<16xi32>
    %lt3A_356 = arith.cmpi slt, %rem3A_350, %lt3A_355 : vector<16xi32>
    %lt3A_357 = arith.constant 0 : i32
    %lt3A_358 = arith.cmpi slt, %select_n3A_348, %lt3A_357 : i32
    %ne3A_359 = vector.broadcast %lt3A_358 : i1 to vector<16xi1>
    %ne3A_360 = vector.broadcast %ne3A_359 : vector<16xi1> to vector<16xi1>
    %ne3A_361 = arith.xori %lt3A_356, %ne3A_360 : vector<16xi1>
    %and3A_362 = arith.andi %ne3A_361, %ne3A_353 : vector<16xi1>
    %add3A_363 = vector.broadcast %select_n3A_348 : i32 to vector<16xi32>
    %add3A_364 = arith.addi %rem3A_350, %add3A_363 : vector<16xi32>
    %select_n3A_365 = arith.select %and3A_362, %add3A_364, %rem3A_350 : vector<16xi1>, vector<16xi32>
    %add3A_366 = arith.constant 14 : i32
    %add3A_367 = vector.broadcast %add3A_366 : i32 to vector<16xi32>
    %add3A_368 = arith.addi %iota3A, %add3A_367 : vector<16xi32>
    %jit3A_369 = arith.constant 16 : i32
    %eq3A_370 = arith.constant 0 : i32
    %eq3A_371 = arith.cmpi eq, %jit3A_369, %eq3A_370 : i32
    %jit3A_372 = arith.constant 1 : i32
    %select_n3A_373 = arith.select %eq3A_371, %jit3A_372, %jit3A_369 : i32
    %rem3A_374 = vector.broadcast %select_n3A_373 : i32 to vector<16xi32>
    %rem3A_375 = arith.remsi %add3A_368, %rem3A_374 : vector<16xi32>
    %ne3A_376 = arith.constant 0 : i32
    %ne3A_377 = vector.broadcast %ne3A_376 : i32 to vector<16xi32>
    %ne3A_378 = arith.cmpi ne, %rem3A_375, %ne3A_377 : vector<16xi32>
    %lt3A_379 = arith.constant 0 : i32
    %lt3A_380 = vector.broadcast %lt3A_379 : i32 to vector<16xi32>
    %lt3A_381 = arith.cmpi slt, %rem3A_375, %lt3A_380 : vector<16xi32>
    %lt3A_382 = arith.constant 0 : i32
    %lt3A_383 = arith.cmpi slt, %select_n3A_373, %lt3A_382 : i32
    %ne3A_384 = vector.broadcast %lt3A_383 : i1 to vector<16xi1>
    %ne3A_385 = vector.broadcast %ne3A_384 : vector<16xi1> to vector<16xi1>
    %ne3A_386 = arith.xori %lt3A_381, %ne3A_385 : vector<16xi1>
    %and3A_387 = arith.andi %ne3A_386, %ne3A_378 : vector<16xi1>
    %add3A_388 = vector.broadcast %select_n3A_373 : i32 to vector<16xi32>
    %add3A_389 = arith.addi %rem3A_375, %add3A_388 : vector<16xi32>
    %select_n3A_390 = arith.select %and3A_387, %add3A_389, %rem3A_375 : vector<16xi1>, vector<16xi32>
    %add3A_391 = arith.constant 15 : i32
    %add3A_392 = vector.broadcast %add3A_391 : i32 to vector<16xi32>
    %add3A_393 = arith.addi %iota3A, %add3A_392 : vector<16xi32>
    %jit3A_394 = arith.constant 16 : i32
    %eq3A_395 = arith.constant 0 : i32
    %eq3A_396 = arith.cmpi eq, %jit3A_394, %eq3A_395 : i32
    %jit3A_397 = arith.constant 1 : i32
    %select_n3A_398 = arith.select %eq3A_396, %jit3A_397, %jit3A_394 : i32
    %rem3A_399 = vector.broadcast %select_n3A_398 : i32 to vector<16xi32>
    %rem3A_400 = arith.remsi %add3A_393, %rem3A_399 : vector<16xi32>
    %ne3A_401 = arith.constant 0 : i32
    %ne3A_402 = vector.broadcast %ne3A_401 : i32 to vector<16xi32>
    %ne3A_403 = arith.cmpi ne, %rem3A_400, %ne3A_402 : vector<16xi32>
    %lt3A_404 = arith.constant 0 : i32
    %lt3A_405 = vector.broadcast %lt3A_404 : i32 to vector<16xi32>
    %lt3A_406 = arith.cmpi slt, %rem3A_400, %lt3A_405 : vector<16xi32>
    %lt3A_407 = arith.constant 0 : i32
    %lt3A_408 = arith.cmpi slt, %select_n3A_398, %lt3A_407 : i32
    %ne3A_409 = vector.broadcast %lt3A_408 : i1 to vector<16xi1>
    %ne3A_410 = vector.broadcast %ne3A_409 : vector<16xi1> to vector<16xi1>
    %ne3A_411 = arith.xori %lt3A_406, %ne3A_410 : vector<16xi1>
    %and3A_412 = arith.andi %ne3A_411, %ne3A_403 : vector<16xi1>
    %add3A_413 = vector.broadcast %select_n3A_398 : i32 to vector<16xi32>
    %add3A_414 = arith.addi %rem3A_400, %add3A_413 : vector<16xi32>
    %select_n3A_415 = arith.select %and3A_412, %add3A_414, %rem3A_400 : vector<16xi1>, vector<16xi32>
    %jit3A_416 = arith.constant 2 : i32
    %div3A = vector.broadcast %jit3A_416 : i32 to vector<16xi32>
    %div3A_417 = arith.divsi %iota3A, %div3A : vector<16xi32>
    %sign3A = arith.constant 0 : i32
    %sign3A_418 = vector.broadcast %sign3A : i32 to vector<16xi32>
    %sign3A_419 = arith.cmpi sgt, %iota3A, %sign3A_418 : vector<16xi32>
    %sign3A_420 = arith.extui %sign3A_419 : vector<16xi1> to vector<16xi32>
    %sign3A_421 = arith.constant 0 : i32
    %sign3A_422 = vector.broadcast %sign3A_421 : i32 to vector<16xi32>
    %sign3A_423 = arith.cmpi slt, %iota3A, %sign3A_422 : vector<16xi32>
    %sign3A_424 = arith.extui %sign3A_423 : vector<16xi1> to vector<16xi32>
    %sign3A_425 = arith.subi %sign3A_420, %sign3A_424 : vector<16xi32>
    %sign3A_426 = arith.constant 0 : i32
    %sign3A_427 = arith.cmpi sgt, %jit3A_416, %sign3A_426 : i32
    %sign3A_428 = arith.extui %sign3A_427 : i1 to i32
    %sign3A_429 = arith.constant 0 : i32
    %sign3A_430 = arith.cmpi slt, %jit3A_416, %sign3A_429 : i32
    %sign3A_431 = arith.extui %sign3A_430 : i1 to i32
    %sign3A_432 = arith.subi %sign3A_428, %sign3A_431 : i32
    %ne3A_433 = vector.broadcast %sign3A_432 : i32 to vector<16xi32>
    %ne3A_434 = arith.cmpi ne, %sign3A_425, %ne3A_433 : vector<16xi32>
    %rem3A_435 = vector.broadcast %jit3A_416 : i32 to vector<16xi32>
    %rem3A_436 = arith.remsi %iota3A, %rem3A_435 : vector<16xi32>
    %ne3A_437 = arith.constant 0 : i32
    %ne3A_438 = vector.broadcast %ne3A_437 : i32 to vector<16xi32>
    %ne3A_439 = arith.cmpi ne, %rem3A_436, %ne3A_438 : vector<16xi32>
    %and3A_440 = arith.andi %ne3A_434, %ne3A_439 : vector<16xi1>
    %sub3A = arith.constant 1 : i32
    %sub3A_441 = vector.broadcast %sub3A : i32 to vector<16xi32>
    %sub3A_442 = arith.subi %div3A_417, %sub3A_441 : vector<16xi32>
    %select_n3A_443 = arith.select %and3A_440, %sub3A_442, %div3A_417 : vector<16xi1>, vector<16xi32>
    %jit3A_444 = arith.constant 2 : i32
    %eq3A_445 = arith.constant 0 : i32
    %eq3A_446 = arith.cmpi eq, %jit3A_444, %eq3A_445 : i32
    %jit3A_447 = arith.constant 1 : i32
    %select_n3A_448 = arith.select %eq3A_446, %jit3A_447, %jit3A_444 : i32
    %rem3A_449 = vector.broadcast %select_n3A_448 : i32 to vector<16xi32>
    %rem3A_450 = arith.remsi %iota3A, %rem3A_449 : vector<16xi32>
    %ne3A_451 = arith.constant 0 : i32
    %ne3A_452 = vector.broadcast %ne3A_451 : i32 to vector<16xi32>
    %ne3A_453 = arith.cmpi ne, %rem3A_450, %ne3A_452 : vector<16xi32>
    %lt3A_454 = arith.constant 0 : i32
    %lt3A_455 = vector.broadcast %lt3A_454 : i32 to vector<16xi32>
    %lt3A_456 = arith.cmpi slt, %rem3A_450, %lt3A_455 : vector<16xi32>
    %lt3A_457 = arith.constant 0 : i32
    %lt3A_458 = arith.cmpi slt, %select_n3A_448, %lt3A_457 : i32
    %ne3A_459 = vector.broadcast %lt3A_458 : i1 to vector<16xi1>
    %ne3A_460 = vector.broadcast %ne3A_459 : vector<16xi1> to vector<16xi1>
    %ne3A_461 = arith.xori %lt3A_456, %ne3A_460 : vector<16xi1>
    %and3A_462 = arith.andi %ne3A_461, %ne3A_453 : vector<16xi1>
    %add3A_463 = vector.broadcast %select_n3A_448 : i32 to vector<16xi32>
    %add3A_464 = arith.addi %rem3A_450, %add3A_463 : vector<16xi32>
    %select_n3A_465 = arith.select %and3A_462, %add3A_464, %rem3A_450 : vector<16xi1>, vector<16xi32>
    %mul3A_466 = arith.constant 64 : i32
    %mul3A_467 = vector.broadcast %mul3A_466 : i32 to vector<16xi32>
    %mul3A_468 = arith.muli %select_n3A_465, %mul3A_467 : vector<16xi32>
    %scan3A = arith.constant 0 : i32
    %scan3A_469 = arith.constant 41 : i32
    %scan3A_470 = arith.addi %scan3A, %scan3A_469 : i32
    %scan3A_471 = arith.constant 1 : i32
    scf.for %scan3A_484 = %scan3A to %scan3A_470 step %scan3A_471  : i32 {
      %mul3A_485 = arith.constant 1 : i32
      %mul3A_486 = arith.muli %scan3A_484, %mul3A_485 : i32
      %add3A_487 = arith.constant 0 : i32
      %add3A_488 = arith.addi %add3A_487, %mul3A_486 : i32
      %mul3A_489 = arith.constant 2 : i32
      %mul3A_490 = arith.muli %add3A_488, %mul3A_489 : i32
      %add3A_491 = arith.constant 0 : i32
      %add3A_492 = arith.addi %mul3A_490, %add3A_491 : i32
      %dma_wait3A_493 = arith.constant 0 : i32
      %dma_wait3A_494 = arith.constant 0 : i32
      %dma_wait3A_495 = tpu.memref_slice %arg2[%dma_wait3A_493, %dma_wait3A_494] : memref<64x1000000xf32, #tpu.memory_space<hbm>> -> memref<64x384xf32, #tpu.memory_space<hbm>>
      %dma_wait3A_496 = arith.constant 0 : i32
      %dma_wait3A_497 = arith.constant 0 : i32
      %dma_wait3A_498 = tpu.memref_slice %arg2[%dma_wait3A_496, %dma_wait3A_497] : memref<64x1000000xf32, #tpu.memory_space<hbm>> -> memref<64x384xf32, #tpu.memory_space<hbm>>
      tpu.wait_dma2 semaphore(%arg9 : memref<!tpu.dma_semaphore, #tpu.memory_space<semaphore_mem>>) src(%dma_wait3A_498 : memref<64x384xf32, #tpu.memory_space<hbm>>) dst(%arg5 : memref<64x384xf32, #tpu.memory_space<vmem>>)
      %ge3A = arith.constant 2 : i32
      %ge3A_499 = arith.cmpi sge, %add3A_492, %ge3A : i32
      %convert_element_type3A_500 = arith.extui %ge3A_499 : i1 to i32
      %cond3A_501 = arith.constant 0 : i32
      %cond3A_502 = arith.cmpi ne, %convert_element_type3A_500, %cond3A_501 : i32
      scf.if %cond3A_502 {
        %dma_wait3A_566 = arith.constant 0 : i32
        %dma_wait3A_567 = arith.constant 0 : i32
        %dma_wait3A_568 = tpu.memref_slice %arg4[%dma_wait3A_566, %dma_wait3A_567] : memref<500000x128xf32, #tpu.memory_space<hbm>> -> memref<192x128xf32, #tpu.memory_space<hbm>>
        %dma_wait3A_569 = arith.constant 0 : i32
        %dma_wait3A_570 = arith.constant 0 : i32
        %dma_wait3A_571 = tpu.memref_slice %arg4[%dma_wait3A_569, %dma_wait3A_570] : memref<500000x128xf32, #tpu.memory_space<hbm>> -> memref<192x128xf32, #tpu.memory_space<hbm>>
        tpu.wait_dma2 semaphore(%arg11 : memref<!tpu.dma_semaphore, #tpu.memory_space<semaphore_mem>>) src(%arg7 : memref<192x128xf32, #tpu.memory_space<vmem>>) dst(%dma_wait3A_571 : memref<192x128xf32, #tpu.memory_space<hbm>>)
      } else {
      }
      %scan3A_503 = arith.constant 0 : i32
      %scan3A_504 = arith.constant 24 : i32
      %scan3A_505 = arith.addi %scan3A_503, %scan3A_504 : i32
      %scan3A_506 = arith.constant 1 : i32
      scf.for %scan3A_566 = %scan3A_503 to %scan3A_505 step %scan3A_506  : i32 {
        %mul3A_567 = arith.constant 1 : i32
        %mul3A_568 = arith.muli %scan3A_566, %mul3A_567 : i32
        %add3A_569 = arith.constant 0 : i32
        %add3A_570 = arith.addi %add3A_569, %mul3A_568 : i32
        %mul3A_571 = arith.constant 16 : i32
        %mul3A_572 = arith.muli %add3A_570, %mul3A_571 : i32
        %multiple_of3A_573 = tpu.assume_multiple %mul3A_572, 16 : i32
        %add3A_574 = vector.broadcast %multiple_of3A_573 : i32 to vector<16xi32>
        %add3A_575 = arith.addi %add3A_574, %iota3A : vector<16xi32>
        %jit3A_576 = arith.constant 2 : i32
        %div3A_577 = arith.divsi %multiple_of3A_573, %jit3A_576 : i32
        %sign3A_578 = arith.constant 0 : i32
        %sign3A_579 = arith.cmpi sgt, %multiple_of3A_573, %sign3A_578 : i32
        %sign3A_580 = arith.extui %sign3A_579 : i1 to i32
        %sign3A_581 = arith.constant 0 : i32
        %sign3A_582 = arith.cmpi slt, %multiple_of3A_573, %sign3A_581 : i32
        %sign3A_583 = arith.extui %sign3A_582 : i1 to i32
        %sign3A_584 = arith.subi %sign3A_580, %sign3A_583 : i32
        %sign3A_585 = arith.constant 0 : i32
        %sign3A_586 = arith.cmpi sgt, %jit3A_576, %sign3A_585 : i32
        %sign3A_587 = arith.extui %sign3A_586 : i1 to i32
        %sign3A_588 = arith.constant 0 : i32
        %sign3A_589 = arith.cmpi slt, %jit3A_576, %sign3A_588 : i32
        %sign3A_590 = arith.extui %sign3A_589 : i1 to i32
        %sign3A_591 = arith.subi %sign3A_587, %sign3A_590 : i32
        %ne3A_592 = arith.cmpi ne, %sign3A_584, %sign3A_591 : i32
        %rem3A_593 = arith.remsi %multiple_of3A_573, %jit3A_576 : i32
        %ne3A_594 = arith.constant 0 : i32
        %ne3A_595 = arith.cmpi ne, %rem3A_593, %ne3A_594 : i32
        %and3A_596 = arith.andi %ne3A_592, %ne3A_595 : i1
        %sub3A_597 = arith.constant 1 : i32
        %sub3A_598 = arith.subi %div3A_577, %sub3A_597 : i32
        %select_n3A_599 = arith.select %and3A_596, %sub3A_598, %div3A_577 : i32
        %add3A_600 = vector.broadcast %select_n3A_599 : i32 to vector<16xi32>
        %add3A_601 = arith.addi %add3A_600, %select_n3A_443 : vector<16xi32>
        %add3A_602 = arith.constant 0 : i32
        %add3A_603 = vector.broadcast %add3A_602 : i32 to vector<16xi32>
        %add3A_604 = arith.addi %add3A_603, %select_n3A_40 : vector<16xi32>
        %gather3A = tpu.vector_load_idx %arg5[%add3A_604, %add3A_575] : memref<64x384xf32, #tpu.memory_space<vmem>>[vector<16xi32>, vector<16xi32>], vector<16xf32>,
        %add3A_605 = arith.constant 0 : i32
        %add3A_606 = vector.broadcast %add3A_605 : i32 to vector<16xi32>
        %add3A_607 = arith.addi %add3A_606, %select_n3A_65 : vector<16xi32>
        %gather3A_608 = tpu.vector_load_idx %arg5[%add3A_607, %add3A_575] : memref<64x384xf32, #tpu.memory_space<vmem>>[vector<16xi32>, vector<16xi32>], vector<16xf32>,
        %add3A_609 = arith.constant 0 : i32
        %add3A_610 = vector.broadcast %add3A_609 : i32 to vector<16xi32>
        %add3A_611 = arith.addi %add3A_610, %select_n3A_90 : vector<16xi32>
        %gather3A_612 = tpu.vector_load_idx %arg5[%add3A_611, %add3A_575] : memref<64x384xf32, #tpu.memory_space<vmem>>[vector<16xi32>, vector<16xi32>], vector<16xf32>,
        %add3A_613 = arith.constant 0 : i32
        %add3A_614 = vector.broadcast %add3A_613 : i32 to vector<16xi32>
        %add3A_615 = arith.addi %add3A_614, %select_n3A_115 : vector<16xi32>
        %gather3A_616 = tpu.vector_load_idx %arg5[%add3A_615, %add3A_575] : memref<64x384xf32, #tpu.memory_space<vmem>>[vector<16xi32>, vector<16xi32>], vector<16xf32>,
        %add3A_617 = arith.constant 0 : i32
        %add3A_618 = vector.broadcast %add3A_617 : i32 to vector<16xi32>
        %add3A_619 = arith.addi %add3A_618, %select_n3A_140 : vector<16xi32>
        %gather3A_620 = tpu.vector_load_idx %arg5[%add3A_619, %add3A_575] : memref<64x384xf32, #tpu.memory_space<vmem>>[vector<16xi32>, vector<16xi32>], vector<16xf32>,
        %add3A_621 = arith.constant 0 : i32
        %add3A_622 = vector.broadcast %add3A_621 : i32 to vector<16xi32>
        %add3A_623 = arith.addi %add3A_622, %select_n3A_165 : vector<16xi32>
        %gather3A_624 = tpu.vector_load_idx %arg5[%add3A_623, %add3A_575] : memref<64x384xf32, #tpu.memory_space<vmem>>[vector<16xi32>, vector<16xi32>], vector<16xf32>,
        %add3A_625 = arith.constant 0 : i32
        %add3A_626 = vector.broadcast %add3A_625 : i32 to vector<16xi32>
        %add3A_627 = arith.addi %add3A_626, %select_n3A_190 : vector<16xi32>
        %gather3A_628 = tpu.vector_load_idx %arg5[%add3A_627, %add3A_575] : memref<64x384xf32, #tpu.memory_space<vmem>>[vector<16xi32>, vector<16xi32>], vector<16xf32>,
        %add3A_629 = arith.constant 0 : i32
        %add3A_630 = vector.broadcast %add3A_629 : i32 to vector<16xi32>
        %add3A_631 = arith.addi %add3A_630, %select_n3A_215 : vector<16xi32>
        %gather3A_632 = tpu.vector_load_idx %arg5[%add3A_631, %add3A_575] : memref<64x384xf32, #tpu.memory_space<vmem>>[vector<16xi32>, vector<16xi32>], vector<16xf32>,
        %add3A_633 = arith.constant 0 : i32
        %add3A_634 = vector.broadcast %add3A_633 : i32 to vector<16xi32>
        %add3A_635 = arith.addi %add3A_634, %select_n3A_240 : vector<16xi32>
        %gather3A_636 = tpu.vector_load_idx %arg5[%add3A_635, %add3A_575] : memref<64x384xf32, #tpu.memory_space<vmem>>[vector<16xi32>, vector<16xi32>], vector<16xf32>,
        %add3A_637 = arith.constant 0 : i32
        %add3A_638 = vector.broadcast %add3A_637 : i32 to vector<16xi32>
        %add3A_639 = arith.addi %add3A_638, %select_n3A_265 : vector<16xi32>
        %gather3A_640 = tpu.vector_load_idx %arg5[%add3A_639, %add3A_575] : memref<64x384xf32, #tpu.memory_space<vmem>>[vector<16xi32>, vector<16xi32>], vector<16xf32>,
        %add3A_641 = arith.constant 0 : i32
        %add3A_642 = vector.broadcast %add3A_641 : i32 to vector<16xi32>
        %add3A_643 = arith.addi %add3A_642, %select_n3A_290 : vector<16xi32>
        %gather3A_644 = tpu.vector_load_idx %arg5[%add3A_643, %add3A_575] : memref<64x384xf32, #tpu.memory_space<vmem>>[vector<16xi32>, vector<16xi32>], vector<16xf32>,
        %add3A_645 = arith.constant 0 : i32
        %add3A_646 = vector.broadcast %add3A_645 : i32 to vector<16xi32>
        %add3A_647 = arith.addi %add3A_646, %select_n3A_315 : vector<16xi32>
        %gather3A_648 = tpu.vector_load_idx %arg5[%add3A_647, %add3A_575] : memref<64x384xf32, #tpu.memory_space<vmem>>[vector<16xi32>, vector<16xi32>], vector<16xf32>,
        %add3A_649 = arith.constant 0 : i32
        %add3A_650 = vector.broadcast %add3A_649 : i32 to vector<16xi32>
        %add3A_651 = arith.addi %add3A_650, %select_n3A_340 : vector<16xi32>
        %gather3A_652 = tpu.vector_load_idx %arg5[%add3A_651, %add3A_575] : memref<64x384xf32, #tpu.memory_space<vmem>>[vector<16xi32>, vector<16xi32>], vector<16xf32>,
        %add3A_653 = arith.constant 0 : i32
        %add3A_654 = vector.broadcast %add3A_653 : i32 to vector<16xi32>
        %add3A_655 = arith.addi %add3A_654, %select_n3A_365 : vector<16xi32>
        %gather3A_656 = tpu.vector_load_idx %arg5[%add3A_655, %add3A_575] : memref<64x384xf32, #tpu.memory_space<vmem>>[vector<16xi32>, vector<16xi32>], vector<16xf32>,
        %add3A_657 = arith.constant 0 : i32
        %add3A_658 = vector.broadcast %add3A_657 : i32 to vector<16xi32>
        %add3A_659 = arith.addi %add3A_658, %select_n3A_390 : vector<16xi32>
        %gather3A_660 = tpu.vector_load_idx %arg5[%add3A_659, %add3A_575] : memref<64x384xf32, #tpu.memory_space<vmem>>[vector<16xi32>, vector<16xi32>], vector<16xf32>,
        %add3A_661 = arith.constant 0 : i32
        %add3A_662 = vector.broadcast %add3A_661 : i32 to vector<16xi32>
        %add3A_663 = arith.addi %add3A_662, %select_n3A_415 : vector<16xi32>
        %gather3A_664 = tpu.vector_load_idx %arg5[%add3A_663, %add3A_575] : memref<64x384xf32, #tpu.memory_space<vmem>>[vector<16xi32>, vector<16xi32>], vector<16xf32>,
        %add3A_665 = arith.constant 0 : i32
        %add3A_666 = vector.broadcast %add3A_665 : i32 to vector<16xi32>
        %add3A_667 = arith.addi %mul3A_468, %add3A_666 : vector<16xi32>
        %add3A_668 = arith.addi %add3A_667, %select_n3A_40 : vector<16xi32>
        tpu.vector_store_idx %arg7[%add3A_601, %add3A_668], %gather3A : memref<192x128xf32, #tpu.memory_space<vmem>>[vector<16xi32>, vector<16xi32>], vector<16xf32>,
        %add3A_669 = arith.constant 0 : i32
        %add3A_670 = vector.broadcast %add3A_669 : i32 to vector<16xi32>
        %add3A_671 = arith.addi %mul3A_468, %add3A_670 : vector<16xi32>
        %add3A_672 = arith.addi %add3A_671, %select_n3A_65 : vector<16xi32>
        tpu.vector_store_idx %arg7[%add3A_601, %add3A_672], %gather3A_608 : memref<192x128xf32, #tpu.memory_space<vmem>>[vector<16xi32>, vector<16xi32>], vector<16xf32>,
        %add3A_673 = arith.constant 0 : i32
        %add3A_674 = vector.broadcast %add3A_673 : i32 to vector<16xi32>
        %add3A_675 = arith.addi %mul3A_468, %add3A_674 : vector<16xi32>
        %add3A_676 = arith.addi %add3A_675, %select_n3A_90 : vector<16xi32>
        tpu.vector_store_idx %arg7[%add3A_601, %add3A_676], %gather3A_612 : memref<192x128xf32, #tpu.memory_space<vmem>>[vector<16xi32>, vector<16xi32>], vector<16xf32>,
        %add3A_677 = arith.constant 0 : i32
        %add3A_678 = vector.broadcast %add3A_677 : i32 to vector<16xi32>
        %add3A_679 = arith.addi %mul3A_468, %add3A_678 : vector<16xi32>
        %add3A_680 = arith.addi %add3A_679, %select_n3A_115 : vector<16xi32>
        tpu.vector_store_idx %arg7[%add3A_601, %add3A_680], %gather3A_616 : memref<192x128xf32, #tpu.memory_space<vmem>>[vector<16xi32>, vector<16xi32>], vector<16xf32>,
        %add3A_681 = arith.constant 0 : i32
        %add3A_682 = vector.broadcast %add3A_681 : i32 to vector<16xi32>
        %add3A_683 = arith.addi %mul3A_468, %add3A_682 : vector<16xi32>
        %add3A_684 = arith.addi %add3A_683, %select_n3A_140 : vector<16xi32>
        tpu.vector_store_idx %arg7[%add3A_601, %add3A_684], %gather3A_620 : memref<192x128xf32, #tpu.memory_space<vmem>>[vector<16xi32>, vector<16xi32>], vector<16xf32>,
        %add3A_685 = arith.constant 0 : i32
        %add3A_686 = vector.broadcast %add3A_685 : i32 to vector<16xi32>
        %add3A_687 = arith.addi %mul3A_468, %add3A_686 : vector<16xi32>
        %add3A_688 = arith.addi %add3A_687, %select_n3A_165 : vector<16xi32>
        tpu.vector_store_idx %arg7[%add3A_601, %add3A_688], %gather3A_624 : memref<192x128xf32, #tpu.memory_space<vmem>>[vector<16xi32>, vector<16xi32>], vector<16xf32>,
        %add3A_689 = arith.constant 0 : i32
        %add3A_690 = vector.broadcast %add3A_689 : i32 to vector<16xi32>
        %add3A_691 = arith.addi %mul3A_468, %add3A_690 : vector<16xi32>
        %add3A_692 = arith.addi %add3A_691, %select_n3A_190 : vector<16xi32>
        tpu.vector_store_idx %arg7[%add3A_601, %add3A_692], %gather3A_628 : memref<192x128xf32, #tpu.memory_space<vmem>>[vector<16xi32>, vector<16xi32>], vector<16xf32>,
        %add3A_693 = arith.constant 0 : i32
        %add3A_694 = vector.broadcast %add3A_693 : i32 to vector<16xi32>
        %add3A_695 = arith.addi %mul3A_468, %add3A_694 : vector<16xi32>
        %add3A_696 = arith.addi %add3A_695, %select_n3A_215 : vector<16xi32>
        tpu.vector_store_idx %arg7[%add3A_601, %add3A_696], %gather3A_632 : memref<192x128xf32, #tpu.memory_space<vmem>>[vector<16xi32>, vector<16xi32>], vector<16xf32>,
        %add3A_697 = arith.constant 0 : i32
        %add3A_698 = vector.broadcast %add3A_697 : i32 to vector<16xi32>
        %add3A_699 = arith.addi %mul3A_468, %add3A_698 : vector<16xi32>
        %add3A_700 = arith.addi %add3A_699, %select_n3A_240 : vector<16xi32>
        tpu.vector_store_idx %arg7[%add3A_601, %add3A_700], %gather3A_636 : memref<192x128xf32, #tpu.memory_space<vmem>>[vector<16xi32>, vector<16xi32>], vector<16xf32>,
        %add3A_701 = arith.constant 0 : i32
        %add3A_702 = vector.broadcast %add3A_701 : i32 to vector<16xi32>
        %add3A_703 = arith.addi %mul3A_468, %add3A_702 : vector<16xi32>
        %add3A_704 = arith.addi %add3A_703, %select_n3A_265 : vector<16xi32>
        tpu.vector_store_idx %arg7[%add3A_601, %add3A_704], %gather3A_640 : memref<192x128xf32, #tpu.memory_space<vmem>>[vector<16xi32>, vector<16xi32>], vector<16xf32>,
        %add3A_705 = arith.constant 0 : i32
        %add3A_706 = vector.broadcast %add3A_705 : i32 to vector<16xi32>
        %add3A_707 = arith.addi %mul3A_468, %add3A_706 : vector<16xi32>
        %add3A_708 = arith.addi %add3A_707, %select_n3A_290 : vector<16xi32>
        tpu.vector_store_idx %arg7[%add3A_601, %add3A_708], %gather3A_644 : memref<192x128xf32, #tpu.memory_space<vmem>>[vector<16xi32>, vector<16xi32>], vector<16xf32>,
        %add3A_709 = arith.constant 0 : i32
        %add3A_710 = vector.broadcast %add3A_709 : i32 to vector<16xi32>
        %add3A_711 = arith.addi %mul3A_468, %add3A_710 : vector<16xi32>
        %add3A_712 = arith.addi %add3A_711, %select_n3A_315 : vector<16xi32>
        tpu.vector_store_idx %arg7[%add3A_601, %add3A_712], %gather3A_648 : memref<192x128xf32, #tpu.memory_space<vmem>>[vector<16xi32>, vector<16xi32>], vector<16xf32>,
        %add3A_713 = arith.constant 0 : i32
        %add3A_714 = vector.broadcast %add3A_713 : i32 to vector<16xi32>
        %add3A_715 = arith.addi %mul3A_468, %add3A_714 : vector<16xi32>
        %add3A_716 = arith.addi %add3A_715, %select_n3A_340 : vector<16xi32>
        tpu.vector_store_idx %arg7[%add3A_601, %add3A_716], %gather3A_652 : memref<192x128xf32, #tpu.memory_space<vmem>>[vector<16xi32>, vector<16xi32>], vector<16xf32>,
        %add3A_717 = arith.constant 0 : i32
        %add3A_718 = vector.broadcast %add3A_717 : i32 to vector<16xi32>
        %add3A_719 = arith.addi %mul3A_468, %add3A_718 : vector<16xi32>
        %add3A_720 = arith.addi %add3A_719, %select_n3A_365 : vector<16xi32>
        tpu.vector_store_idx %arg7[%add3A_601, %add3A_720], %gather3A_656 : memref<192x128xf32, #tpu.memory_space<vmem>>[vector<16xi32>, vector<16xi32>], vector<16xf32>,
        %add3A_721 = arith.constant 0 : i32
        %add3A_722 = vector.broadcast %add3A_721 : i32 to vector<16xi32>
        %add3A_723 = arith.addi %mul3A_468, %add3A_722 : vector<16xi32>
        %add3A_724 = arith.addi %add3A_723, %select_n3A_390 : vector<16xi32>
        tpu.vector_store_idx %arg7[%add3A_601, %add3A_724], %gather3A_660 : memref<192x128xf32, #tpu.memory_space<vmem>>[vector<16xi32>, vector<16xi32>], vector<16xf32>,
        %add3A_725 = arith.constant 0 : i32
        %add3A_726 = vector.broadcast %add3A_725 : i32 to vector<16xi32>
        %add3A_727 = arith.addi %mul3A_468, %add3A_726 : vector<16xi32>
        %add3A_728 = arith.addi %add3A_727, %select_n3A_415 : vector<16xi32>
        tpu.vector_store_idx %arg7[%add3A_601, %add3A_728], %gather3A_664 : memref<192x128xf32, #tpu.memory_space<vmem>>[vector<16xi32>, vector<16xi32>], vector<16xf32>,
        %add3A_729 = arith.constant 16 : i32
        %add3A_730 = vector.broadcast %add3A_729 : i32 to vector<16xi32>
        %add3A_731 = arith.addi %add3A_730, %select_n3A_40 : vector<16xi32>
        %gather3A_732 = tpu.vector_load_idx %arg5[%add3A_731, %add3A_575] : memref<64x384xf32, #tpu.memory_space<vmem>>[vector<16xi32>, vector<16xi32>], vector<16xf32>,
        %add3A_733 = arith.constant 16 : i32
        %add3A_734 = vector.broadcast %add3A_733 : i32 to vector<16xi32>
        %add3A_735 = arith.addi %add3A_734, %select_n3A_65 : vector<16xi32>
        %gather3A_736 = tpu.vector_load_idx %arg5[%add3A_735, %add3A_575] : memref<64x384xf32, #tpu.memory_space<vmem>>[vector<16xi32>, vector<16xi32>], vector<16xf32>,
        %add3A_737 = arith.constant 16 : i32
        %add3A_738 = vector.broadcast %add3A_737 : i32 to vector<16xi32>
        %add3A_739 = arith.addi %add3A_738, %select_n3A_90 : vector<16xi32>
        %gather3A_740 = tpu.vector_load_idx %arg5[%add3A_739, %add3A_575] : memref<64x384xf32, #tpu.memory_space<vmem>>[vector<16xi32>, vector<16xi32>], vector<16xf32>,
        %add3A_741 = arith.constant 16 : i32
        %add3A_742 = vector.broadcast %add3A_741 : i32 to vector<16xi32>
        %add3A_743 = arith.addi %add3A_742, %select_n3A_115 : vector<16xi32>
        %gather3A_744 = tpu.vector_load_idx %arg5[%add3A_743, %add3A_575] : memref<64x384xf32, #tpu.memory_space<vmem>>[vector<16xi32>, vector<16xi32>], vector<16xf32>,
        %add3A_745 = arith.constant 16 : i32
        %add3A_746 = vector.broadcast %add3A_745 : i32 to vector<16xi32>
        %add3A_747 = arith.addi %add3A_746, %select_n3A_140 : vector<16xi32>
        %gather3A_748 = tpu.vector_load_idx %arg5[%add3A_747, %add3A_575] : memref<64x384xf32, #tpu.memory_space<vmem>>[vector<16xi32>, vector<16xi32>], vector<16xf32>,
        %add3A_749 = arith.constant 16 : i32
        %add3A_750 = vector.broadcast %add3A_749 : i32 to vector<16xi32>
        %add3A_751 = arith.addi %add3A_750, %select_n3A_165 : vector<16xi32>
        %gather3A_752 = tpu.vector_load_idx %arg5[%add3A_751, %add3A_575] : memref<64x384xf32, #tpu.memory_space<vmem>>[vector<16xi32>, vector<16xi32>], vector<16xf32>,
        %add3A_753 = arith.constant 16 : i32
        %add3A_754 = vector.broadcast %add3A_753 : i32 to vector<16xi32>
        %add3A_755 = arith.addi %add3A_754, %select_n3A_190 : vector<16xi32>
        %gather3A_756 = tpu.vector_load_idx %arg5[%add3A_755, %add3A_575] : memref<64x384xf32, #tpu.memory_space<vmem>>[vector<16xi32>, vector<16xi32>], vector<16xf32>,
        %add3A_757 = arith.constant 16 : i32
        %add3A_758 = vector.broadcast %add3A_757 : i32 to vector<16xi32>
        %add3A_759 = arith.addi %add3A_758, %select_n3A_215 : vector<16xi32>
        %gather3A_760 = tpu.vector_load_idx %arg5[%add3A_759, %add3A_575] : memref<64x384xf32, #tpu.memory_space<vmem>>[vector<16xi32>, vector<16xi32>], vector<16xf32>,
        %add3A_761 = arith.constant 16 : i32
        %add3A_762 = vector.broadcast %add3A_761 : i32 to vector<16xi32>
        %add3A_763 = arith.addi %add3A_762, %select_n3A_240 : vector<16xi32>
        %gather3A_764 = tpu.vector_load_idx %arg5[%add3A_763, %add3A_575] : memref<64x384xf32, #tpu.memory_space<vmem>>[vector<16xi32>, vector<16xi32>], vector<16xf32>,
        %add3A_765 = arith.constant 16 : i32
        %add3A_766 = vector.broadcast %add3A_765 : i32 to vector<16xi32>
        %add3A_767 = arith.addi %add3A_766, %select_n3A_265 : vector<16xi32>
        %gather3A_768 = tpu.vector_load_idx %arg5[%add3A_767, %add3A_575] : memref<64x384xf32, #tpu.memory_space<vmem>>[vector<16xi32>, vector<16xi32>], vector<16xf32>,
        %add3A_769 = arith.constant 16 : i32
        %add3A_770 = vector.broadcast %add3A_769 : i32 to vector<16xi32>
        %add3A_771 = arith.addi %add3A_770, %select_n3A_290 : vector<16xi32>
        %gather3A_772 = tpu.vector_load_idx %arg5[%add3A_771, %add3A_575] : memref<64x384xf32, #tpu.memory_space<vmem>>[vector<16xi32>, vector<16xi32>], vector<16xf32>,
        %add3A_773 = arith.constant 16 : i32
        %add3A_774 = vector.broadcast %add3A_773 : i32 to vector<16xi32>
        %add3A_775 = arith.addi %add3A_774, %select_n3A_315 : vector<16xi32>
        %gather3A_776 = tpu.vector_load_idx %arg5[%add3A_775, %add3A_575] : memref<64x384xf32, #tpu.memory_space<vmem>>[vector<16xi32>, vector<16xi32>], vector<16xf32>,
        %add3A_777 = arith.constant 16 : i32
        %add3A_778 = vector.broadcast %add3A_777 : i32 to vector<16xi32>
        %add3A_779 = arith.addi %add3A_778, %select_n3A_340 : vector<16xi32>
        %gather3A_780 = tpu.vector_load_idx %arg5[%add3A_779, %add3A_575] : memref<64x384xf32, #tpu.memory_space<vmem>>[vector<16xi32>, vector<16xi32>], vector<16xf32>,
        %add3A_781 = arith.constant 16 : i32
        %add3A_782 = vector.broadcast %add3A_781 : i32 to vector<16xi32>
        %add3A_783 = arith.addi %add3A_782, %select_n3A_365 : vector<16xi32>
        %gather3A_784 = tpu.vector_load_idx %arg5[%add3A_783, %add3A_575] : memref<64x384xf32, #tpu.memory_space<vmem>>[vector<16xi32>, vector<16xi32>], vector<16xf32>,
        %add3A_785 = arith.constant 16 : i32
        %add3A_786 = vector.broadcast %add3A_785 : i32 to vector<16xi32>
        %add3A_787 = arith.addi %add3A_786, %select_n3A_390 : vector<16xi32>
        %gather3A_788 = tpu.vector_load_idx %arg5[%add3A_787, %add3A_575] : memref<64x384xf32, #tpu.memory_space<vmem>>[vector<16xi32>, vector<16xi32>], vector<16xf32>,
        %add3A_789 = arith.constant 16 : i32
        %add3A_790 = vector.broadcast %add3A_789 : i32 to vector<16xi32>
        %add3A_791 = arith.addi %add3A_790, %select_n3A_415 : vector<16xi32>
        %gather3A_792 = tpu.vector_load_idx %arg5[%add3A_791, %add3A_575] : memref<64x384xf32, #tpu.memory_space<vmem>>[vector<16xi32>, vector<16xi32>], vector<16xf32>,
        %add3A_793 = arith.constant 16 : i32
        %add3A_794 = vector.broadcast %add3A_793 : i32 to vector<16xi32>
        %add3A_795 = arith.addi %mul3A_468, %add3A_794 : vector<16xi32>
        %add3A_796 = arith.addi %add3A_795, %select_n3A_40 : vector<16xi32>
        tpu.vector_store_idx %arg7[%add3A_601, %add3A_796], %gather3A_732 : memref<192x128xf32, #tpu.memory_space<vmem>>[vector<16xi32>, vector<16xi32>], vector<16xf32>,
        %add3A_797 = arith.constant 16 : i32
        %add3A_798 = vector.broadcast %add3A_797 : i32 to vector<16xi32>
        %add3A_799 = arith.addi %mul3A_468, %add3A_798 : vector<16xi32>
        %add3A_800 = arith.addi %add3A_799, %select_n3A_65 : vector<16xi32>
        tpu.vector_store_idx %arg7[%add3A_601, %add3A_800], %gather3A_736 : memref<192x128xf32, #tpu.memory_space<vmem>>[vector<16xi32>, vector<16xi32>], vector<16xf32>,
        %add3A_801 = arith.constant 16 : i32
        %add3A_802 = vector.broadcast %add3A_801 : i32 to vector<16xi32>
        %add3A_803 = arith.addi %mul3A_468, %add3A_802 : vector<16xi32>
        %add3A_804 = arith.addi %add3A_803, %select_n3A_90 : vector<16xi32>
        tpu.vector_store_idx %arg7[%add3A_601, %add3A_804], %gather3A_740 : memref<192x128xf32, #tpu.memory_space<vmem>>[vector<16xi32>, vector<16xi32>], vector<16xf32>,
        %add3A_805 = arith.constant 16 : i32
        %add3A_806 = vector.broadcast %add3A_805 : i32 to vector<16xi32>
        %add3A_807 = arith.addi %mul3A_468, %add3A_806 : vector<16xi32>
        %add3A_808 = arith.addi %add3A_807, %select_n3A_115 : vector<16xi32>
        tpu.vector_store_idx %arg7[%add3A_601, %add3A_808], %gather3A_744 : memref<192x128xf32, #tpu.memory_space<vmem>>[vector<16xi32>, vector<16xi32>], vector<16xf32>,
        %add3A_809 = arith.constant 16 : i32
        %add3A_810 = vector.broadcast %add3A_809 : i32 to vector<16xi32>
        %add3A_811 = arith.addi %mul3A_468, %add3A_810 : vector<16xi32>
        %add3A_812 = arith.addi %add3A_811, %select_n3A_140 : vector<16xi32>
        tpu.vector_store_idx %arg7[%add3A_601, %add3A_812], %gather3A_748 : memref<192x128xf32, #tpu.memory_space<vmem>>[vector<16xi32>, vector<16xi32>], vector<16xf32>,
        %add3A_813 = arith.constant 16 : i32
        %add3A_814 = vector.broadcast %add3A_813 : i32 to vector<16xi32>
        %add3A_815 = arith.addi %mul3A_468, %add3A_814 : vector<16xi32>
        %add3A_816 = arith.addi %add3A_815, %select_n3A_165 : vector<16xi32>
        tpu.vector_store_idx %arg7[%add3A_601, %add3A_816], %gather3A_752 : memref<192x128xf32, #tpu.memory_space<vmem>>[vector<16xi32>, vector<16xi32>], vector<16xf32>,
        %add3A_817 = arith.constant 16 : i32
        %add3A_818 = vector.broadcast %add3A_817 : i32 to vector<16xi32>
        %add3A_819 = arith.addi %mul3A_468, %add3A_818 : vector<16xi32>
        %add3A_820 = arith.addi %add3A_819, %select_n3A_190 : vector<16xi32>
        tpu.vector_store_idx %arg7[%add3A_601, %add3A_820], %gather3A_756 : memref<192x128xf32, #tpu.memory_space<vmem>>[vector<16xi32>, vector<16xi32>], vector<16xf32>,
        %add3A_821 = arith.constant 16 : i32
        %add3A_822 = vector.broadcast %add3A_821 : i32 to vector<16xi32>
        %add3A_823 = arith.addi %mul3A_468, %add3A_822 : vector<16xi32>
        %add3A_824 = arith.addi %add3A_823, %select_n3A_215 : vector<16xi32>
        tpu.vector_store_idx %arg7[%add3A_601, %add3A_824], %gather3A_760 : memref<192x128xf32, #tpu.memory_space<vmem>>[vector<16xi32>, vector<16xi32>], vector<16xf32>,
        %add3A_825 = arith.constant 16 : i32
        %add3A_826 = vector.broadcast %add3A_825 : i32 to vector<16xi32>
        %add3A_827 = arith.addi %mul3A_468, %add3A_826 : vector<16xi32>
        %add3A_828 = arith.addi %add3A_827, %select_n3A_240 : vector<16xi32>
        tpu.vector_store_idx %arg7[%add3A_601, %add3A_828], %gather3A_764 : memref<192x128xf32, #tpu.memory_space<vmem>>[vector<16xi32>, vector<16xi32>], vector<16xf32>,
        %add3A_829 = arith.constant 16 : i32
        %add3A_830 = vector.broadcast %add3A_829 : i32 to vector<16xi32>
        %add3A_831 = arith.addi %mul3A_468, %add3A_830 : vector<16xi32>
        %add3A_832 = arith.addi %add3A_831, %select_n3A_265 : vector<16xi32>
        tpu.vector_store_idx %arg7[%add3A_601, %add3A_832], %gather3A_768 : memref<192x128xf32, #tpu.memory_space<vmem>>[vector<16xi32>, vector<16xi32>], vector<16xf32>,
        %add3A_833 = arith.constant 16 : i32
        %add3A_834 = vector.broadcast %add3A_833 : i32 to vector<16xi32>
        %add3A_835 = arith.addi %mul3A_468, %add3A_834 : vector<16xi32>
        %add3A_836 = arith.addi %add3A_835, %select_n3A_290 : vector<16xi32>
        tpu.vector_store_idx %arg7[%add3A_601, %add3A_836], %gather3A_772 : memref<192x128xf32, #tpu.memory_space<vmem>>[vector<16xi32>, vector<16xi32>], vector<16xf32>,
        %add3A_837 = arith.constant 16 : i32
        %add3A_838 = vector.broadcast %add3A_837 : i32 to vector<16xi32>
        %add3A_839 = arith.addi %mul3A_468, %add3A_838 : vector<16xi32>
        %add3A_840 = arith.addi %add3A_839, %select_n3A_315 : vector<16xi32>
        tpu.vector_store_idx %arg7[%add3A_601, %add3A_840], %gather3A_776 : memref<192x128xf32, #tpu.memory_space<vmem>>[vector<16xi32>, vector<16xi32>], vector<16xf32>,
        %add3A_841 = arith.constant 16 : i32
        %add3A_842 = vector.broadcast %add3A_841 : i32 to vector<16xi32>
        %add3A_843 = arith.addi %mul3A_468, %add3A_842 : vector<16xi32>
        %add3A_844 = arith.addi %add3A_843, %select_n3A_340 : vector<16xi32>
        tpu.vector_store_idx %arg7[%add3A_601, %add3A_844], %gather3A_780 : memref<192x128xf32, #tpu.memory_space<vmem>>[vector<16xi32>, vector<16xi32>], vector<16xf32>,
        %add3A_845 = arith.constant 16 : i32
        %add3A_846 = vector.broadcast %add3A_845 : i32 to vector<16xi32>
        %add3A_847 = arith.addi %mul3A_468, %add3A_846 : vector<16xi32>
        %add3A_848 = arith.addi %add3A_847, %select_n3A_365 : vector<16xi32>
        tpu.vector_store_idx %arg7[%add3A_601, %add3A_848], %gather3A_784 : memref<192x128xf32, #tpu.memory_space<vmem>>[vector<16xi32>, vector<16xi32>], vector<16xf32>,
        %add3A_849 = arith.constant 16 : i32
        %add3A_850 = vector.broadcast %add3A_849 : i32 to vector<16xi32>
        %add3A_851 = arith.addi %mul3A_468, %add3A_850 : vector<16xi32>
        %add3A_852 = arith.addi %add3A_851, %select_n3A_390 : vector<16xi32>
        tpu.vector_store_idx %arg7[%add3A_601, %add3A_852], %gather3A_788 : memref<192x128xf32, #tpu.memory_space<vmem>>[vector<16xi32>, vector<16xi32>], vector<16xf32>,
        %add3A_853 = arith.constant 16 : i32
        %add3A_854 = vector.broadcast %add3A_853 : i32 to vector<16xi32>
        %add3A_855 = arith.addi %mul3A_468, %add3A_854 : vector<16xi32>
        %add3A_856 = arith.addi %add3A_855, %select_n3A_415 : vector<16xi32>
        tpu.vector_store_idx %arg7[%add3A_601, %add3A_856], %gather3A_792 : memref<192x128xf32, #tpu.memory_space<vmem>>[vector<16xi32>, vector<16xi32>], vector<16xf32>,
        %add3A_857 = arith.constant 32 : i32
        %add3A_858 = vector.broadcast %add3A_857 : i32 to vector<16xi32>
        %add3A_859 = arith.addi %add3A_858, %select_n3A_40 : vector<16xi32>
        %gather3A_860 = tpu.vector_load_idx %arg5[%add3A_859, %add3A_575] : memref<64x384xf32, #tpu.memory_space<vmem>>[vector<16xi32>, vector<16xi32>], vector<16xf32>,
        %add3A_861 = arith.constant 32 : i32
        %add3A_862 = vector.broadcast %add3A_861 : i32 to vector<16xi32>
        %add3A_863 = arith.addi %add3A_862, %select_n3A_65 : vector<16xi32>
        %gather3A_864 = tpu.vector_load_idx %arg5[%add3A_863, %add3A_575] : memref<64x384xf32, #tpu.memory_space<vmem>>[vector<16xi32>, vector<16xi32>], vector<16xf32>,
        %add3A_865 = arith.constant 32 : i32
        %add3A_866 = vector.broadcast %add3A_865 : i32 to vector<16xi32>
        %add3A_867 = arith.addi %add3A_866, %select_n3A_90 : vector<16xi32>
        %gather3A_868 = tpu.vector_load_idx %arg5[%add3A_867, %add3A_575] : memref<64x384xf32, #tpu.memory_space<vmem>>[vector<16xi32>, vector<16xi32>], vector<16xf32>,
        %add3A_869 = arith.constant 32 : i32
        %add3A_870 = vector.broadcast %add3A_869 : i32 to vector<16xi32>
        %add3A_871 = arith.addi %add3A_870, %select_n3A_115 : vector<16xi32>
        %gather3A_872 = tpu.vector_load_idx %arg5[%add3A_871, %add3A_575] : memref<64x384xf32, #tpu.memory_space<vmem>>[vector<16xi32>, vector<16xi32>], vector<16xf32>,
        %add3A_873 = arith.constant 32 : i32
        %add3A_874 = vector.broadcast %add3A_873 : i32 to vector<16xi32>
        %add3A_875 = arith.addi %add3A_874, %select_n3A_140 : vector<16xi32>
        %gather3A_876 = tpu.vector_load_idx %arg5[%add3A_875, %add3A_575] : memref<64x384xf32, #tpu.memory_space<vmem>>[vector<16xi32>, vector<16xi32>], vector<16xf32>,
        %add3A_877 = arith.constant 32 : i32
        %add3A_878 = vector.broadcast %add3A_877 : i32 to vector<16xi32>
        %add3A_879 = arith.addi %add3A_878, %select_n3A_165 : vector<16xi32>
        %gather3A_880 = tpu.vector_load_idx %arg5[%add3A_879, %add3A_575] : memref<64x384xf32, #tpu.memory_space<vmem>>[vector<16xi32>, vector<16xi32>], vector<16xf32>,
        %add3A_881 = arith.constant 32 : i32
        %add3A_882 = vector.broadcast %add3A_881 : i32 to vector<16xi32>
        %add3A_883 = arith.addi %add3A_882, %select_n3A_190 : vector<16xi32>
        %gather3A_884 = tpu.vector_load_idx %arg5[%add3A_883, %add3A_575] : memref<64x384xf32, #tpu.memory_space<vmem>>[vector<16xi32>, vector<16xi32>], vector<16xf32>,
        %add3A_885 = arith.constant 32 : i32
        %add3A_886 = vector.broadcast %add3A_885 : i32 to vector<16xi32>
        %add3A_887 = arith.addi %add3A_886, %select_n3A_215 : vector<16xi32>
        %gather3A_888 = tpu.vector_load_idx %arg5[%add3A_887, %add3A_575] : memref<64x384xf32, #tpu.memory_space<vmem>>[vector<16xi32>, vector<16xi32>], vector<16xf32>,
        %add3A_889 = arith.constant 32 : i32
        %add3A_890 = vector.broadcast %add3A_889 : i32 to vector<16xi32>
        %add3A_891 = arith.addi %add3A_890, %select_n3A_240 : vector<16xi32>
        %gather3A_892 = tpu.vector_load_idx %arg5[%add3A_891, %add3A_575] : memref<64x384xf32, #tpu.memory_space<vmem>>[vector<16xi32>, vector<16xi32>], vector<16xf32>,
        %add3A_893 = arith.constant 32 : i32
        %add3A_894 = vector.broadcast %add3A_893 : i32 to vector<16xi32>
        %add3A_895 = arith.addi %add3A_894, %select_n3A_265 : vector<16xi32>
        %gather3A_896 = tpu.vector_load_idx %arg5[%add3A_895, %add3A_575] : memref<64x384xf32, #tpu.memory_space<vmem>>[vector<16xi32>, vector<16xi32>], vector<16xf32>,
        %add3A_897 = arith.constant 32 : i32
        %add3A_898 = vector.broadcast %add3A_897 : i32 to vector<16xi32>
        %add3A_899 = arith.addi %add3A_898, %select_n3A_290 : vector<16xi32>
        %gather3A_900 = tpu.vector_load_idx %arg5[%add3A_899, %add3A_575] : memref<64x384xf32, #tpu.memory_space<vmem>>[vector<16xi32>, vector<16xi32>], vector<16xf32>,
        %add3A_901 = arith.constant 32 : i32
        %add3A_902 = vector.broadcast %add3A_901 : i32 to vector<16xi32>
        %add3A_903 = arith.addi %add3A_902, %select_n3A_315 : vector<16xi32>
        %gather3A_904 = tpu.vector_load_idx %arg5[%add3A_903, %add3A_575] : memref<64x384xf32, #tpu.memory_space<vmem>>[vector<16xi32>, vector<16xi32>], vector<16xf32>,
        %add3A_905 = arith.constant 32 : i32
        %add3A_906 = vector.broadcast %add3A_905 : i32 to vector<16xi32>
        %add3A_907 = arith.addi %add3A_906, %select_n3A_340 : vector<16xi32>
        %gather3A_908 = tpu.vector_load_idx %arg5[%add3A_907, %add3A_575] : memref<64x384xf32, #tpu.memory_space<vmem>>[vector<16xi32>, vector<16xi32>], vector<16xf32>,
        %add3A_909 = arith.constant 32 : i32
        %add3A_910 = vector.broadcast %add3A_909 : i32 to vector<16xi32>
        %add3A_911 = arith.addi %add3A_910, %select_n3A_365 : vector<16xi32>
        %gather3A_912 = tpu.vector_load_idx %arg5[%add3A_911, %add3A_575] : memref<64x384xf32, #tpu.memory_space<vmem>>[vector<16xi32>, vector<16xi32>], vector<16xf32>,
        %add3A_913 = arith.constant 32 : i32
        %add3A_914 = vector.broadcast %add3A_913 : i32 to vector<16xi32>
        %add3A_915 = arith.addi %add3A_914, %select_n3A_390 : vector<16xi32>
        %gather3A_916 = tpu.vector_load_idx %arg5[%add3A_915, %add3A_575] : memref<64x384xf32, #tpu.memory_space<vmem>>[vector<16xi32>, vector<16xi32>], vector<16xf32>,
        %add3A_917 = arith.constant 32 : i32
        %add3A_918 = vector.broadcast %add3A_917 : i32 to vector<16xi32>
        %add3A_919 = arith.addi %add3A_918, %select_n3A_415 : vector<16xi32>
        %gather3A_920 = tpu.vector_load_idx %arg5[%add3A_919, %add3A_575] : memref<64x384xf32, #tpu.memory_space<vmem>>[vector<16xi32>, vector<16xi32>], vector<16xf32>,
        %add3A_921 = arith.constant 32 : i32
        %add3A_922 = vector.broadcast %add3A_921 : i32 to vector<16xi32>
        %add3A_923 = arith.addi %mul3A_468, %add3A_922 : vector<16xi32>
        %add3A_924 = arith.addi %add3A_923, %select_n3A_40 : vector<16xi32>
        tpu.vector_store_idx %arg7[%add3A_601, %add3A_924], %gather3A_860 : memref<192x128xf32, #tpu.memory_space<vmem>>[vector<16xi32>, vector<16xi32>], vector<16xf32>,
        %add3A_925 = arith.constant 32 : i32
        %add3A_926 = vector.broadcast %add3A_925 : i32 to vector<16xi32>
        %add3A_927 = arith.addi %mul3A_468, %add3A_926 : vector<16xi32>
        %add3A_928 = arith.addi %add3A_927, %select_n3A_65 : vector<16xi32>
        tpu.vector_store_idx %arg7[%add3A_601, %add3A_928], %gather3A_864 : memref<192x128xf32, #tpu.memory_space<vmem>>[vector<16xi32>, vector<16xi32>], vector<16xf32>,
        %add3A_929 = arith.constant 32 : i32
        %add3A_930 = vector.broadcast %add3A_929 : i32 to vector<16xi32>
        %add3A_931 = arith.addi %mul3A_468, %add3A_930 : vector<16xi32>
        %add3A_932 = arith.addi %add3A_931, %select_n3A_90 : vector<16xi32>
        tpu.vector_store_idx %arg7[%add3A_601, %add3A_932], %gather3A_868 : memref<192x128xf32, #tpu.memory_space<vmem>>[vector<16xi32>, vector<16xi32>], vector<16xf32>,
        %add3A_933 = arith.constant 32 : i32
        %add3A_934 = vector.broadcast %add3A_933 : i32 to vector<16xi32>
        %add3A_935 = arith.addi %mul3A_468, %add3A_934 : vector<16xi32>
        %add3A_936 = arith.addi %add3A_935, %select_n3A_115 : vector<16xi32>
        tpu.vector_store_idx %arg7[%add3A_601, %add3A_936], %gather3A_872 : memref<192x128xf32, #tpu.memory_space<vmem>>[vector<16xi32>, vector<16xi32>], vector<16xf32>,
        %add3A_937 = arith.constant 32 : i32
        %add3A_938 = vector.broadcast %add3A_937 : i32 to vector<16xi32>
        %add3A_939 = arith.addi %mul3A_468, %add3A_938 : vector<16xi32>
        %add3A_940 = arith.addi %add3A_939, %select_n3A_140 : vector<16xi32>
        tpu.vector_store_idx %arg7[%add3A_601, %add3A_940], %gather3A_876 : memref<192x128xf32, #tpu.memory_space<vmem>>[vector<16xi32>, vector<16xi32>], vector<16xf32>,
        %add3A_941 = arith.constant 32 : i32
        %add3A_942 = vector.broadcast %add3A_941 : i32 to vector<16xi32>
        %add3A_943 = arith.addi %mul3A_468, %add3A_942 : vector<16xi32>
        %add3A_944 = arith.addi %add3A_943, %select_n3A_165 : vector<16xi32>
        tpu.vector_store_idx %arg7[%add3A_601, %add3A_944], %gather3A_880 : memref<192x128xf32, #tpu.memory_space<vmem>>[vector<16xi32>, vector<16xi32>], vector<16xf32>,
        %add3A_945 = arith.constant 32 : i32
        %add3A_946 = vector.broadcast %add3A_945 : i32 to vector<16xi32>
        %add3A_947 = arith.addi %mul3A_468, %add3A_946 : vector<16xi32>
        %add3A_948 = arith.addi %add3A_947, %select_n3A_190 : vector<16xi32>
        tpu.vector_store_idx %arg7[%add3A_601, %add3A_948], %gather3A_884 : memref<192x128xf32, #tpu.memory_space<vmem>>[vector<16xi32>, vector<16xi32>], vector<16xf32>,
        %add3A_949 = arith.constant 32 : i32
        %add3A_950 = vector.broadcast %add3A_949 : i32 to vector<16xi32>
        %add3A_951 = arith.addi %mul3A_468, %add3A_950 : vector<16xi32>
        %add3A_952 = arith.addi %add3A_951, %select_n3A_215 : vector<16xi32>
        tpu.vector_store_idx %arg7[%add3A_601, %add3A_952], %gather3A_888 : memref<192x128xf32, #tpu.memory_space<vmem>>[vector<16xi32>, vector<16xi32>], vector<16xf32>,
        %add3A_953 = arith.constant 32 : i32
        %add3A_954 = vector.broadcast %add3A_953 : i32 to vector<16xi32>
        %add3A_955 = arith.addi %mul3A_468, %add3A_954 : vector<16xi32>
        %add3A_956 = arith.addi %add3A_955, %select_n3A_240 : vector<16xi32>
        tpu.vector_store_idx %arg7[%add3A_601, %add3A_956], %gather3A_892 : memref<192x128xf32, #tpu.memory_space<vmem>>[vector<16xi32>, vector<16xi32>], vector<16xf32>,
        %add3A_957 = arith.constant 32 : i32
        %add3A_958 = vector.broadcast %add3A_957 : i32 to vector<16xi32>
        %add3A_959 = arith.addi %mul3A_468, %add3A_958 : vector<16xi32>
        %add3A_960 = arith.addi %add3A_959, %select_n3A_265 : vector<16xi32>
        tpu.vector_store_idx %arg7[%add3A_601, %add3A_960], %gather3A_896 : memref<192x128xf32, #tpu.memory_space<vmem>>[vector<16xi32>, vector<16xi32>], vector<16xf32>,
        %add3A_961 = arith.constant 32 : i32
        %add3A_962 = vector.broadcast %add3A_961 : i32 to vector<16xi32>
        %add3A_963 = arith.addi %mul3A_468, %add3A_962 : vector<16xi32>
        %add3A_964 = arith.addi %add3A_963, %select_n3A_290 : vector<16xi32>
        tpu.vector_store_idx %arg7[%add3A_601, %add3A_964], %gather3A_900 : memref<192x128xf32, #tpu.memory_space<vmem>>[vector<16xi32>, vector<16xi32>], vector<16xf32>,
        %add3A_965 = arith.constant 32 : i32
        %add3A_966 = vector.broadcast %add3A_965 : i32 to vector<16xi32>
        %add3A_967 = arith.addi %mul3A_468, %add3A_966 : vector<16xi32>
        %add3A_968 = arith.addi %add3A_967, %select_n3A_315 : vector<16xi32>
        tpu.vector_store_idx %arg7[%add3A_601, %add3A_968], %gather3A_904 : memref<192x128xf32, #tpu.memory_space<vmem>>[vector<16xi32>, vector<16xi32>], vector<16xf32>,
        %add3A_969 = arith.constant 32 : i32
        %add3A_970 = vector.broadcast %add3A_969 : i32 to vector<16xi32>
        %add3A_971 = arith.addi %mul3A_468, %add3A_970 : vector<16xi32>
        %add3A_972 = arith.addi %add3A_971, %select_n3A_340 : vector<16xi32>
        tpu.vector_store_idx %arg7[%add3A_601, %add3A_972], %gather3A_908 : memref<192x128xf32, #tpu.memory_space<vmem>>[vector<16xi32>, vector<16xi32>], vector<16xf32>,
        %add3A_973 = arith.constant 32 : i32
        %add3A_974 = vector.broadcast %add3A_973 : i32 to vector<16xi32>
        %add3A_975 = arith.addi %mul3A_468, %add3A_974 : vector<16xi32>
        %add3A_976 = arith.addi %add3A_975, %select_n3A_365 : vector<16xi32>
        tpu.vector_store_idx %arg7[%add3A_601, %add3A_976], %gather3A_912 : memref<192x128xf32, #tpu.memory_space<vmem>>[vector<16xi32>, vector<16xi32>], vector<16xf32>,
        %add3A_977 = arith.constant 32 : i32
        %add3A_978 = vector.broadcast %add3A_977 : i32 to vector<16xi32>
        %add3A_979 = arith.addi %mul3A_468, %add3A_978 : vector<16xi32>
        %add3A_980 = arith.addi %add3A_979, %select_n3A_390 : vector<16xi32>
        tpu.vector_store_idx %arg7[%add3A_601, %add3A_980], %gather3A_916 : memref<192x128xf32, #tpu.memory_space<vmem>>[vector<16xi32>, vector<16xi32>], vector<16xf32>,
        %add3A_981 = arith.constant 32 : i32
        %add3A_982 = vector.broadcast %add3A_981 : i32 to vector<16xi32>
        %add3A_983 = arith.addi %mul3A_468, %add3A_982 : vector<16xi32>
        %add3A_984 = arith.addi %add3A_983, %select_n3A_415 : vector<16xi32>
        tpu.vector_store_idx %arg7[%add3A_601, %add3A_984], %gather3A_920 : memref<192x128xf32, #tpu.memory_space<vmem>>[vector<16xi32>, vector<16xi32>], vector<16xf32>,
        %add3A_985 = arith.constant 48 : i32
        %add3A_986 = vector.broadcast %add3A_985 : i32 to vector<16xi32>
        %add3A_987 = arith.addi %add3A_986, %select_n3A_40 : vector<16xi32>
        %gather3A_988 = tpu.vector_load_idx %arg5[%add3A_987, %add3A_575] : memref<64x384xf32, #tpu.memory_space<vmem>>[vector<16xi32>, vector<16xi32>], vector<16xf32>,
        %add3A_989 = arith.constant 48 : i32
        %add3A_990 = vector.broadcast %add3A_989 : i32 to vector<16xi32>
        %add3A_991 = arith.addi %add3A_990, %select_n3A_65 : vector<16xi32>
        %gather3A_992 = tpu.vector_load_idx %arg5[%add3A_991, %add3A_575] : memref<64x384xf32, #tpu.memory_space<vmem>>[vector<16xi32>, vector<16xi32>], vector<16xf32>,
        %add3A_993 = arith.constant 48 : i32
        %add3A_994 = vector.broadcast %add3A_993 : i32 to vector<16xi32>
        %add3A_995 = arith.addi %add3A_994, %select_n3A_90 : vector<16xi32>
        %gather3A_996 = tpu.vector_load_idx %arg5[%add3A_995, %add3A_575] : memref<64x384xf32, #tpu.memory_space<vmem>>[vector<16xi32>, vector<16xi32>], vector<16xf32>,
        %add3A_997 = arith.constant 48 : i32
        %add3A_998 = vector.broadcast %add3A_997 : i32 to vector<16xi32>
        %add3A_999 = arith.addi %add3A_998, %select_n3A_115 : vector<16xi32>
        %gather3A_1000 = tpu.vector_load_idx %arg5[%add3A_999, %add3A_575] : memref<64x384xf32, #tpu.memory_space<vmem>>[vector<16xi32>, vector<16xi32>], vector<16xf32>,
        %add3A_1001 = arith.constant 48 : i32
        %add3A_1002 = vector.broadcast %add3A_1001 : i32 to vector<16xi32>
        %add3A_1003 = arith.addi %add3A_1002, %select_n3A_140 : vector<16xi32>
        %gather3A_1004 = tpu.vector_load_idx %arg5[%add3A_1003, %add3A_575] : memref<64x384xf32, #tpu.memory_space<vmem>>[vector<16xi32>, vector<16xi32>], vector<16xf32>,
        %add3A_1005 = arith.constant 48 : i32
        %add3A_1006 = vector.broadcast %add3A_1005 : i32 to vector<16xi32>
        %add3A_1007 = arith.addi %add3A_1006, %select_n3A_165 : vector<16xi32>
        %gather3A_1008 = tpu.vector_load_idx %arg5[%add3A_1007, %add3A_575] : memref<64x384xf32, #tpu.memory_space<vmem>>[vector<16xi32>, vector<16xi32>], vector<16xf32>,
        %add3A_1009 = arith.constant 48 : i32
        %add3A_1010 = vector.broadcast %add3A_1009 : i32 to vector<16xi32>
        %add3A_1011 = arith.addi %add3A_1010, %select_n3A_190 : vector<16xi32>
        %gather3A_1012 = tpu.vector_load_idx %arg5[%add3A_1011, %add3A_575] : memref<64x384xf32, #tpu.memory_space<vmem>>[vector<16xi32>, vector<16xi32>], vector<16xf32>,
        %add3A_1013 = arith.constant 48 : i32
        %add3A_1014 = vector.broadcast %add3A_1013 : i32 to vector<16xi32>
        %add3A_1015 = arith.addi %add3A_1014, %select_n3A_215 : vector<16xi32>
        %gather3A_1016 = tpu.vector_load_idx %arg5[%add3A_1015, %add3A_575] : memref<64x384xf32, #tpu.memory_space<vmem>>[vector<16xi32>, vector<16xi32>], vector<16xf32>,
        %add3A_1017 = arith.constant 48 : i32
        %add3A_1018 = vector.broadcast %add3A_1017 : i32 to vector<16xi32>
        %add3A_1019 = arith.addi %add3A_1018, %select_n3A_240 : vector<16xi32>
        %gather3A_1020 = tpu.vector_load_idx %arg5[%add3A_1019, %add3A_575] : memref<64x384xf32, #tpu.memory_space<vmem>>[vector<16xi32>, vector<16xi32>], vector<16xf32>,
        %add3A_1021 = arith.constant 48 : i32
        %add3A_1022 = vector.broadcast %add3A_1021 : i32 to vector<16xi32>
        %add3A_1023 = arith.addi %add3A_1022, %select_n3A_265 : vector<16xi32>
        %gather3A_1024 = tpu.vector_load_idx %arg5[%add3A_1023, %add3A_575] : memref<64x384xf32, #tpu.memory_space<vmem>>[vector<16xi32>, vector<16xi32>], vector<16xf32>,
        %add3A_1025 = arith.constant 48 : i32
        %add3A_1026 = vector.broadcast %add3A_1025 : i32 to vector<16xi32>
        %add3A_1027 = arith.addi %add3A_1026, %select_n3A_290 : vector<16xi32>
        %gather3A_1028 = tpu.vector_load_idx %arg5[%add3A_1027, %add3A_575] : memref<64x384xf32, #tpu.memory_space<vmem>>[vector<16xi32>, vector<16xi32>], vector<16xf32>,
        %add3A_1029 = arith.constant 48 : i32
        %add3A_1030 = vector.broadcast %add3A_1029 : i32 to vector<16xi32>
        %add3A_1031 = arith.addi %add3A_1030, %select_n3A_315 : vector<16xi32>
        %gather3A_1032 = tpu.vector_load_idx %arg5[%add3A_1031, %add3A_575] : memref<64x384xf32, #tpu.memory_space<vmem>>[vector<16xi32>, vector<16xi32>], vector<16xf32>,
        %add3A_1033 = arith.constant 48 : i32
        %add3A_1034 = vector.broadcast %add3A_1033 : i32 to vector<16xi32>
        %add3A_1035 = arith.addi %add3A_1034, %select_n3A_340 : vector<16xi32>
        %gather3A_1036 = tpu.vector_load_idx %arg5[%add3A_1035, %add3A_575] : memref<64x384xf32, #tpu.memory_space<vmem>>[vector<16xi32>, vector<16xi32>], vector<16xf32>,
        %add3A_1037 = arith.constant 48 : i32
        %add3A_1038 = vector.broadcast %add3A_1037 : i32 to vector<16xi32>
        %add3A_1039 = arith.addi %add3A_1038, %select_n3A_365 : vector<16xi32>
        %gather3A_1040 = tpu.vector_load_idx %arg5[%add3A_1039, %add3A_575] : memref<64x384xf32, #tpu.memory_space<vmem>>[vector<16xi32>, vector<16xi32>], vector<16xf32>,
        %add3A_1041 = arith.constant 48 : i32
        %add3A_1042 = vector.broadcast %add3A_1041 : i32 to vector<16xi32>
        %add3A_1043 = arith.addi %add3A_1042, %select_n3A_390 : vector<16xi32>
        %gather3A_1044 = tpu.vector_load_idx %arg5[%add3A_1043, %add3A_575] : memref<64x384xf32, #tpu.memory_space<vmem>>[vector<16xi32>, vector<16xi32>], vector<16xf32>,
        %add3A_1045 = arith.constant 48 : i32
        %add3A_1046 = vector.broadcast %add3A_1045 : i32 to vector<16xi32>
        %add3A_1047 = arith.addi %add3A_1046, %select_n3A_415 : vector<16xi32>
        %gather3A_1048 = tpu.vector_load_idx %arg5[%add3A_1047, %add3A_575] : memref<64x384xf32, #tpu.memory_space<vmem>>[vector<16xi32>, vector<16xi32>], vector<16xf32>,
        %add3A_1049 = arith.constant 48 : i32
        %add3A_1050 = vector.broadcast %add3A_1049 : i32 to vector<16xi32>
        %add3A_1051 = arith.addi %mul3A_468, %add3A_1050 : vector<16xi32>
        %add3A_1052 = arith.addi %add3A_1051, %select_n3A_40 : vector<16xi32>
        tpu.vector_store_idx %arg7[%add3A_601, %add3A_1052], %gather3A_988 : memref<192x128xf32, #tpu.memory_space<vmem>>[vector<16xi32>, vector<16xi32>], vector<16xf32>,
        %add3A_1053 = arith.constant 48 : i32
        %add3A_1054 = vector.broadcast %add3A_1053 : i32 to vector<16xi32>
        %add3A_1055 = arith.addi %mul3A_468, %add3A_1054 : vector<16xi32>
        %add3A_1056 = arith.addi %add3A_1055, %select_n3A_65 : vector<16xi32>
        tpu.vector_store_idx %arg7[%add3A_601, %add3A_1056], %gather3A_992 : memref<192x128xf32, #tpu.memory_space<vmem>>[vector<16xi32>, vector<16xi32>], vector<16xf32>,
        %add3A_1057 = arith.constant 48 : i32
        %add3A_1058 = vector.broadcast %add3A_1057 : i32 to vector<16xi32>
        %add3A_1059 = arith.addi %mul3A_468, %add3A_1058 : vector<16xi32>
        %add3A_1060 = arith.addi %add3A_1059, %select_n3A_90 : vector<16xi32>
        tpu.vector_store_idx %arg7[%add3A_601, %add3A_1060], %gather3A_996 : memref<192x128xf32, #tpu.memory_space<vmem>>[vector<16xi32>, vector<16xi32>], vector<16xf32>,
        %add3A_1061 = arith.constant 48 : i32
        %add3A_1062 = vector.broadcast %add3A_1061 : i32 to vector<16xi32>
        %add3A_1063 = arith.addi %mul3A_468, %add3A_1062 : vector<16xi32>
        %add3A_1064 = arith.addi %add3A_1063, %select_n3A_115 : vector<16xi32>
        tpu.vector_store_idx %arg7[%add3A_601, %add3A_1064], %gather3A_1000 : memref<192x128xf32, #tpu.memory_space<vmem>>[vector<16xi32>, vector<16xi32>], vector<16xf32>,
        %add3A_1065 = arith.constant 48 : i32
        %add3A_1066 = vector.broadcast %add3A_1065 : i32 to vector<16xi32>
        %add3A_1067 = arith.addi %mul3A_468, %add3A_1066 : vector<16xi32>
        %add3A_1068 = arith.addi %add3A_1067, %select_n3A_140 : vector<16xi32>
        tpu.vector_store_idx %arg7[%add3A_601, %add3A_1068], %gather3A_1004 : memref<192x128xf32, #tpu.memory_space<vmem>>[vector<16xi32>, vector<16xi32>], vector<16xf32>,
        %add3A_1069 = arith.constant 48 : i32
        %add3A_1070 = vector.broadcast %add3A_1069 : i32 to vector<16xi32>
        %add3A_1071 = arith.addi %mul3A_468, %add3A_1070 : vector<16xi32>
        %add3A_1072 = arith.addi %add3A_1071, %select_n3A_165 : vector<16xi32>
        tpu.vector_store_idx %arg7[%add3A_601, %add3A_1072], %gather3A_1008 : memref<192x128xf32, #tpu.memory_space<vmem>>[vector<16xi32>, vector<16xi32>], vector<16xf32>,
        %add3A_1073 = arith.constant 48 : i32
        %add3A_1074 = vector.broadcast %add3A_1073 : i32 to vector<16xi32>
        %add3A_1075 = arith.addi %mul3A_468, %add3A_1074 : vector<16xi32>
        %add3A_1076 = arith.addi %add3A_1075, %select_n3A_190 : vector<16xi32>
        tpu.vector_store_idx %arg7[%add3A_601, %add3A_1076], %gather3A_1012 : memref<192x128xf32, #tpu.memory_space<vmem>>[vector<16xi32>, vector<16xi32>], vector<16xf32>,
        %add3A_1077 = arith.constant 48 : i32
        %add3A_1078 = vector.broadcast %add3A_1077 : i32 to vector<16xi32>
        %add3A_1079 = arith.addi %mul3A_468, %add3A_1078 : vector<16xi32>
        %add3A_1080 = arith.addi %add3A_1079, %select_n3A_215 : vector<16xi32>
        tpu.vector_store_idx %arg7[%add3A_601, %add3A_1080], %gather3A_1016 : memref<192x128xf32, #tpu.memory_space<vmem>>[vector<16xi32>, vector<16xi32>], vector<16xf32>,
        %add3A_1081 = arith.constant 48 : i32
        %add3A_1082 = vector.broadcast %add3A_1081 : i32 to vector<16xi32>
        %add3A_1083 = arith.addi %mul3A_468, %add3A_1082 : vector<16xi32>
        %add3A_1084 = arith.addi %add3A_1083, %select_n3A_240 : vector<16xi32>
        tpu.vector_store_idx %arg7[%add3A_601, %add3A_1084], %gather3A_1020 : memref<192x128xf32, #tpu.memory_space<vmem>>[vector<16xi32>, vector<16xi32>], vector<16xf32>,
        %add3A_1085 = arith.constant 48 : i32
        %add3A_1086 = vector.broadcast %add3A_1085 : i32 to vector<16xi32>
        %add3A_1087 = arith.addi %mul3A_468, %add3A_1086 : vector<16xi32>
        %add3A_1088 = arith.addi %add3A_1087, %select_n3A_265 : vector<16xi32>
        tpu.vector_store_idx %arg7[%add3A_601, %add3A_1088], %gather3A_1024 : memref<192x128xf32, #tpu.memory_space<vmem>>[vector<16xi32>, vector<16xi32>], vector<16xf32>,
        %add3A_1089 = arith.constant 48 : i32
        %add3A_1090 = vector.broadcast %add3A_1089 : i32 to vector<16xi32>
        %add3A_1091 = arith.addi %mul3A_468, %add3A_1090 : vector<16xi32>
        %add3A_1092 = arith.addi %add3A_1091, %select_n3A_290 : vector<16xi32>
        tpu.vector_store_idx %arg7[%add3A_601, %add3A_1092], %gather3A_1028 : memref<192x128xf32, #tpu.memory_space<vmem>>[vector<16xi32>, vector<16xi32>], vector<16xf32>,
        %add3A_1093 = arith.constant 48 : i32
        %add3A_1094 = vector.broadcast %add3A_1093 : i32 to vector<16xi32>
        %add3A_1095 = arith.addi %mul3A_468, %add3A_1094 : vector<16xi32>
        %add3A_1096 = arith.addi %add3A_1095, %select_n3A_315 : vector<16xi32>
        tpu.vector_store_idx %arg7[%add3A_601, %add3A_1096], %gather3A_1032 : memref<192x128xf32, #tpu.memory_space<vmem>>[vector<16xi32>, vector<16xi32>], vector<16xf32>,
        %add3A_1097 = arith.constant 48 : i32
        %add3A_1098 = vector.broadcast %add3A_1097 : i32 to vector<16xi32>
        %add3A_1099 = arith.addi %mul3A_468, %add3A_1098 : vector<16xi32>
        %add3A_1100 = arith.addi %add3A_1099, %select_n3A_340 : vector<16xi32>
        tpu.vector_store_idx %arg7[%add3A_601, %add3A_1100], %gather3A_1036 : memref<192x128xf32, #tpu.memory_space<vmem>>[vector<16xi32>, vector<16xi32>], vector<16xf32>,
        %add3A_1101 = arith.constant 48 : i32
        %add3A_1102 = vector.broadcast %add3A_1101 : i32 to vector<16xi32>
        %add3A_1103 = arith.addi %mul3A_468, %add3A_1102 : vector<16xi32>
        %add3A_1104 = arith.addi %add3A_1103, %select_n3A_365 : vector<16xi32>
        tpu.vector_store_idx %arg7[%add3A_601, %add3A_1104], %gather3A_1040 : memref<192x128xf32, #tpu.memory_space<vmem>>[vector<16xi32>, vector<16xi32>], vector<16xf32>,
        %add3A_1105 = arith.constant 48 : i32
        %add3A_1106 = vector.broadcast %add3A_1105 : i32 to vector<16xi32>
        %add3A_1107 = arith.addi %mul3A_468, %add3A_1106 : vector<16xi32>
        %add3A_1108 = arith.addi %add3A_1107, %select_n3A_390 : vector<16xi32>
        tpu.vector_store_idx %arg7[%add3A_601, %add3A_1108], %gather3A_1044 : memref<192x128xf32, #tpu.memory_space<vmem>>[vector<16xi32>, vector<16xi32>], vector<16xf32>,
        %add3A_1109 = arith.constant 48 : i32
        %add3A_1110 = vector.broadcast %add3A_1109 : i32 to vector<16xi32>
        %add3A_1111 = arith.addi %mul3A_468, %add3A_1110 : vector<16xi32>
        %add3A_1112 = arith.addi %add3A_1111, %select_n3A_415 : vector<16xi32>
        tpu.vector_store_idx %arg7[%add3A_601, %add3A_1112], %gather3A_1048 : memref<192x128xf32, #tpu.memory_space<vmem>>[vector<16xi32>, vector<16xi32>], vector<16xf32>,
      }
      %scan3A_507 = arith.constant 24 : i32
      %mul3A_508 = arith.constant 32 : i32
      %mul3A_509 = arith.muli %add3A_492, %mul3A_508 : i32
      %add3A_510 = arith.addi %add3A, %mul3A_509 : i32
      %min3A_511 = arith.constant 2603 : i32
      %min3A_512 = arith.minsi %add3A_510, %min3A_511 : i32
      %mul3A_513 = arith.constant 192 : i32
      %mul3A_514 = arith.muli %min3A_512, %mul3A_513 : i32
      %multiple_of3A_515 = tpu.assume_multiple %mul3A_514, 192 : i32
      %dma_start3A_516 = arith.constant 0 : i32
      %dma_start3A_517 = tpu.memref_slice %arg4[%multiple_of3A_515, %dma_start3A_516] : memref<500000x128xf32, #tpu.memory_space<hbm>> -> memref<192x128xf32, #tpu.memory_space<hbm>>
      %dma_start3A_518 = arith.constant 0 : i32
      %dma_start3A_519 = tpu.memref_slice %arg4[%multiple_of3A_515, %dma_start3A_518] : memref<500000x128xf32, #tpu.memory_space<hbm>> -> memref<192x128xf32, #tpu.memory_space<hbm>>
      tpu.enqueue_dma source(%arg7 : memref<192x128xf32, #tpu.memory_space<vmem>>) target(%dma_start3A_519 : memref<192x128xf32, #tpu.memory_space<hbm>>) target_semaphore(%arg11 : memref<!tpu.dma_semaphore, #tpu.memory_space<semaphore_mem>>)
      %add3A_520 = arith.constant 2 : i32
      %add3A_521 = arith.addi %add3A_492, %add3A_520 : i32
      %lt3A_522 = arith.constant 82 : i32
      %lt3A_523 = arith.cmpi slt, %add3A_521, %lt3A_522 : i32
      %convert_element_type3A_524 = arith.extui %lt3A_523 : i1 to i32
      %cond3A_525 = arith.constant 0 : i32
      %cond3A_526 = arith.cmpi ne, %convert_element_type3A_524, %cond3A_525 : i32
      scf.if %cond3A_526 {
        %add3A_566 = arith.constant 2 : i32
        %add3A_567 = arith.addi %add3A_492, %add3A_566 : i32
        %mul3A_568 = arith.constant 32 : i32
        %mul3A_569 = arith.muli %add3A_567, %mul3A_568 : i32
        %add3A_570 = arith.addi %add3A, %mul3A_569 : i32
        %min3A_571 = arith.constant 2603 : i32
        %min3A_572 = arith.minsi %add3A_570, %min3A_571 : i32
        %mul3A_573 = arith.constant 384 : i32
        %mul3A_574 = arith.muli %min3A_572, %mul3A_573 : i32
        %multiple_of3A_575 = tpu.assume_multiple %mul3A_574, 384 : i32
        %dma_start3A_576 = arith.constant 0 : i32
        %dma_start3A_577 = tpu.memref_slice %arg2[%dma_start3A_576, %multiple_of3A_575] : memref<64x1000000xf32, #tpu.memory_space<hbm>> -> memref<64x384xf32, #tpu.memory_space<hbm>>
        %dma_start3A_578 = arith.constant 0 : i32
        %dma_start3A_579 = tpu.memref_slice %arg2[%dma_start3A_578, %multiple_of3A_575] : memref<64x1000000xf32, #tpu.memory_space<hbm>> -> memref<64x384xf32, #tpu.memory_space<hbm>>
        tpu.enqueue_dma source(%dma_start3A_579 : memref<64x384xf32, #tpu.memory_space<hbm>>) target(%arg5 : memref<64x384xf32, #tpu.memory_space<vmem>>) target_semaphore(%arg9 : memref<!tpu.dma_semaphore, #tpu.memory_space<semaphore_mem>>)
      } else {
      }
      %mul3A_527 = arith.constant 2 : i32
      %mul3A_528 = arith.muli %add3A_488, %mul3A_527 : i32
      %add3A_529 = arith.constant 1 : i32
      %add3A_530 = arith.addi %mul3A_528, %add3A_529 : i32
      %dma_wait3A_531 = arith.constant 0 : i32
      %dma_wait3A_532 = arith.constant 0 : i32
      %dma_wait3A_533 = tpu.memref_slice %arg2[%dma_wait3A_531, %dma_wait3A_532] : memref<64x1000000xf32, #tpu.memory_space<hbm>> -> memref<64x384xf32, #tpu.memory_space<hbm>>
      %dma_wait3A_534 = arith.constant 0 : i32
      %dma_wait3A_535 = arith.constant 0 : i32
      %dma_wait3A_536 = tpu.memref_slice %arg2[%dma_wait3A_534, %dma_wait3A_535] : memref<64x1000000xf32, #tpu.memory_space<hbm>> -> memref<64x384xf32, #tpu.memory_space<hbm>>
      tpu.wait_dma2 semaphore(%arg10 : memref<!tpu.dma_semaphore, #tpu.memory_space<semaphore_mem>>) src(%dma_wait3A_536 : memref<64x384xf32, #tpu.memory_space<hbm>>) dst(%arg6 : memref<64x384xf32, #tpu.memory_space<vmem>>)
      %ge3A_537 = arith.constant 2 : i32
      %ge3A_538 = arith.cmpi sge, %add3A_530, %ge3A_537 : i32
      %convert_element_type3A_539 = arith.extui %ge3A_538 : i1 to i32
      %cond3A_540 = arith.constant 0 : i32
      %cond3A_541 = arith.cmpi ne, %convert_element_type3A_539, %cond3A_540 : i32
      scf.if %cond3A_541 {
        %dma_wait3A_566 = arith.constant 0 : i32
        %dma_wait3A_567 = arith.constant 0 : i32
        %dma_wait3A_568 = tpu.memref_slice %arg4[%dma_wait3A_566, %dma_wait3A_567] : memref<500000x128xf32, #tpu.memory_space<hbm>> -> memref<192x128xf32, #tpu.memory_space<hbm>>
        %dma_wait3A_569 = arith.constant 0 : i32
        %dma_wait3A_570 = arith.constant 0 : i32
        %dma_wait3A_571 = tpu.memref_slice %arg4[%dma_wait3A_569, %dma_wait3A_570] : memref<500000x128xf32, #tpu.memory_space<hbm>> -> memref<192x128xf32, #tpu.memory_space<hbm>>
        tpu.wait_dma2 semaphore(%arg12 : memref<!tpu.dma_semaphore, #tpu.memory_space<semaphore_mem>>) src(%arg8 : memref<192x128xf32, #tpu.memory_space<vmem>>) dst(%dma_wait3A_571 : memref<192x128xf32, #tpu.memory_space<hbm>>)
      } else {
      }
      %scan3A_542 = arith.constant 0 : i32
      %scan3A_543 = arith.constant 24 : i32
      %scan3A_544 = arith.addi %scan3A_542, %scan3A_543 : i32
      %scan3A_545 = arith.constant 1 : i32
      scf.for %scan3A_566 = %scan3A_542 to %scan3A_544 step %scan3A_545  : i32 {
        %mul3A_567 = arith.constant 1 : i32
        %mul3A_568 = arith.muli %scan3A_566, %mul3A_567 : i32
        %add3A_569 = arith.constant 0 : i32
        %add3A_570 = arith.addi %add3A_569, %mul3A_568 : i32
        %mul3A_571 = arith.constant 16 : i32
        %mul3A_572 = arith.muli %add3A_570, %mul3A_571 : i32
        %multiple_of3A_573 = tpu.assume_multiple %mul3A_572, 16 : i32
        %add3A_574 = vector.broadcast %multiple_of3A_573 : i32 to vector<16xi32>
        %add3A_575 = arith.addi %add3A_574, %iota3A : vector<16xi32>
        %jit3A_576 = arith.constant 2 : i32
        %div3A_577 = arith.divsi %multiple_of3A_573, %jit3A_576 : i32
        %sign3A_578 = arith.constant 0 : i32
        %sign3A_579 = arith.cmpi sgt, %multiple_of3A_573, %sign3A_578 : i32
        %sign3A_580 = arith.extui %sign3A_579 : i1 to i32
        %sign3A_581 = arith.constant 0 : i32
        %sign3A_582 = arith.cmpi slt, %multiple_of3A_573, %sign3A_581 : i32
        %sign3A_583 = arith.extui %sign3A_582 : i1 to i32
        %sign3A_584 = arith.subi %sign3A_580, %sign3A_583 : i32
        %sign3A_585 = arith.constant 0 : i32
        %sign3A_586 = arith.cmpi sgt, %jit3A_576, %sign3A_585 : i32
        %sign3A_587 = arith.extui %sign3A_586 : i1 to i32
        %sign3A_588 = arith.constant 0 : i32
        %sign3A_589 = arith.cmpi slt, %jit3A_576, %sign3A_588 : i32
        %sign3A_590 = arith.extui %sign3A_589 : i1 to i32
        %sign3A_591 = arith.subi %sign3A_587, %sign3A_590 : i32
        %ne3A_592 = arith.cmpi ne, %sign3A_584, %sign3A_591 : i32
        %rem3A_593 = arith.remsi %multiple_of3A_573, %jit3A_576 : i32
        %ne3A_594 = arith.constant 0 : i32
        %ne3A_595 = arith.cmpi ne, %rem3A_593, %ne3A_594 : i32
        %and3A_596 = arith.andi %ne3A_592, %ne3A_595 : i1
        %sub3A_597 = arith.constant 1 : i32
        %sub3A_598 = arith.subi %div3A_577, %sub3A_597 : i32
        %select_n3A_599 = arith.select %and3A_596, %sub3A_598, %div3A_577 : i32
        %add3A_600 = vector.broadcast %select_n3A_599 : i32 to vector<16xi32>
        %add3A_601 = arith.addi %add3A_600, %select_n3A_443 : vector<16xi32>
        %add3A_602 = arith.constant 0 : i32
        %add3A_603 = vector.broadcast %add3A_602 : i32 to vector<16xi32>
        %add3A_604 = arith.addi %add3A_603, %select_n3A_40 : vector<16xi32>
        %gather3A = tpu.vector_load_idx %arg6[%add3A_604, %add3A_575] : memref<64x384xf32, #tpu.memory_space<vmem>>[vector<16xi32>, vector<16xi32>], vector<16xf32>,
        %add3A_605 = arith.constant 0 : i32
        %add3A_606 = vector.broadcast %add3A_605 : i32 to vector<16xi32>
        %add3A_607 = arith.addi %add3A_606, %select_n3A_65 : vector<16xi32>
        %gather3A_608 = tpu.vector_load_idx %arg6[%add3A_607, %add3A_575] : memref<64x384xf32, #tpu.memory_space<vmem>>[vector<16xi32>, vector<16xi32>], vector<16xf32>,
        %add3A_609 = arith.constant 0 : i32
        %add3A_610 = vector.broadcast %add3A_609 : i32 to vector<16xi32>
        %add3A_611 = arith.addi %add3A_610, %select_n3A_90 : vector<16xi32>
        %gather3A_612 = tpu.vector_load_idx %arg6[%add3A_611, %add3A_575] : memref<64x384xf32, #tpu.memory_space<vmem>>[vector<16xi32>, vector<16xi32>], vector<16xf32>,
        %add3A_613 = arith.constant 0 : i32
        %add3A_614 = vector.broadcast %add3A_613 : i32 to vector<16xi32>
        %add3A_615 = arith.addi %add3A_614, %select_n3A_115 : vector<16xi32>
        %gather3A_616 = tpu.vector_load_idx %arg6[%add3A_615, %add3A_575] : memref<64x384xf32, #tpu.memory_space<vmem>>[vector<16xi32>, vector<16xi32>], vector<16xf32>,
        %add3A_617 = arith.constant 0 : i32
        %add3A_618 = vector.broadcast %add3A_617 : i32 to vector<16xi32>
        %add3A_619 = arith.addi %add3A_618, %select_n3A_140 : vector<16xi32>
        %gather3A_620 = tpu.vector_load_idx %arg6[%add3A_619, %add3A_575] : memref<64x384xf32, #tpu.memory_space<vmem>>[vector<16xi32>, vector<16xi32>], vector<16xf32>,
        %add3A_621 = arith.constant 0 : i32
        %add3A_622 = vector.broadcast %add3A_621 : i32 to vector<16xi32>
        %add3A_623 = arith.addi %add3A_622, %select_n3A_165 : vector<16xi32>
        %gather3A_624 = tpu.vector_load_idx %arg6[%add3A_623, %add3A_575] : memref<64x384xf32, #tpu.memory_space<vmem>>[vector<16xi32>, vector<16xi32>], vector<16xf32>,
        %add3A_625 = arith.constant 0 : i32
        %add3A_626 = vector.broadcast %add3A_625 : i32 to vector<16xi32>
        %add3A_627 = arith.addi %add3A_626, %select_n3A_190 : vector<16xi32>
        %gather3A_628 = tpu.vector_load_idx %arg6[%add3A_627, %add3A_575] : memref<64x384xf32, #tpu.memory_space<vmem>>[vector<16xi32>, vector<16xi32>], vector<16xf32>,
        %add3A_629 = arith.constant 0 : i32
        %add3A_630 = vector.broadcast %add3A_629 : i32 to vector<16xi32>
        %add3A_631 = arith.addi %add3A_630, %select_n3A_215 : vector<16xi32>
        %gather3A_632 = tpu.vector_load_idx %arg6[%add3A_631, %add3A_575] : memref<64x384xf32, #tpu.memory_space<vmem>>[vector<16xi32>, vector<16xi32>], vector<16xf32>,
        %add3A_633 = arith.constant 0 : i32
        %add3A_634 = vector.broadcast %add3A_633 : i32 to vector<16xi32>
        %add3A_635 = arith.addi %add3A_634, %select_n3A_240 : vector<16xi32>
        %gather3A_636 = tpu.vector_load_idx %arg6[%add3A_635, %add3A_575] : memref<64x384xf32, #tpu.memory_space<vmem>>[vector<16xi32>, vector<16xi32>], vector<16xf32>,
        %add3A_637 = arith.constant 0 : i32
        %add3A_638 = vector.broadcast %add3A_637 : i32 to vector<16xi32>
        %add3A_639 = arith.addi %add3A_638, %select_n3A_265 : vector<16xi32>
        %gather3A_640 = tpu.vector_load_idx %arg6[%add3A_639, %add3A_575] : memref<64x384xf32, #tpu.memory_space<vmem>>[vector<16xi32>, vector<16xi32>], vector<16xf32>,
        %add3A_641 = arith.constant 0 : i32
        %add3A_642 = vector.broadcast %add3A_641 : i32 to vector<16xi32>
        %add3A_643 = arith.addi %add3A_642, %select_n3A_290 : vector<16xi32>
        %gather3A_644 = tpu.vector_load_idx %arg6[%add3A_643, %add3A_575] : memref<64x384xf32, #tpu.memory_space<vmem>>[vector<16xi32>, vector<16xi32>], vector<16xf32>,
        %add3A_645 = arith.constant 0 : i32
        %add3A_646 = vector.broadcast %add3A_645 : i32 to vector<16xi32>
        %add3A_647 = arith.addi %add3A_646, %select_n3A_315 : vector<16xi32>
        %gather3A_648 = tpu.vector_load_idx %arg6[%add3A_647, %add3A_575] : memref<64x384xf32, #tpu.memory_space<vmem>>[vector<16xi32>, vector<16xi32>], vector<16xf32>,
        %add3A_649 = arith.constant 0 : i32
        %add3A_650 = vector.broadcast %add3A_649 : i32 to vector<16xi32>
        %add3A_651 = arith.addi %add3A_650, %select_n3A_340 : vector<16xi32>
        %gather3A_652 = tpu.vector_load_idx %arg6[%add3A_651, %add3A_575] : memref<64x384xf32, #tpu.memory_space<vmem>>[vector<16xi32>, vector<16xi32>], vector<16xf32>,
        %add3A_653 = arith.constant 0 : i32
        %add3A_654 = vector.broadcast %add3A_653 : i32 to vector<16xi32>
        %add3A_655 = arith.addi %add3A_654, %select_n3A_365 : vector<16xi32>
        %gather3A_656 = tpu.vector_load_idx %arg6[%add3A_655, %add3A_575] : memref<64x384xf32, #tpu.memory_space<vmem>>[vector<16xi32>, vector<16xi32>], vector<16xf32>,
        %add3A_657 = arith.constant 0 : i32
        %add3A_658 = vector.broadcast %add3A_657 : i32 to vector<16xi32>
        %add3A_659 = arith.addi %add3A_658, %select_n3A_390 : vector<16xi32>
        %gather3A_660 = tpu.vector_load_idx %arg6[%add3A_659, %add3A_575] : memref<64x384xf32, #tpu.memory_space<vmem>>[vector<16xi32>, vector<16xi32>], vector<16xf32>,
        %add3A_661 = arith.constant 0 : i32
        %add3A_662 = vector.broadcast %add3A_661 : i32 to vector<16xi32>
        %add3A_663 = arith.addi %add3A_662, %select_n3A_415 : vector<16xi32>
        %gather3A_664 = tpu.vector_load_idx %arg6[%add3A_663, %add3A_575] : memref<64x384xf32, #tpu.memory_space<vmem>>[vector<16xi32>, vector<16xi32>], vector<16xf32>,
        %add3A_665 = arith.constant 0 : i32
        %add3A_666 = vector.broadcast %add3A_665 : i32 to vector<16xi32>
        %add3A_667 = arith.addi %mul3A_468, %add3A_666 : vector<16xi32>
        %add3A_668 = arith.addi %add3A_667, %select_n3A_40 : vector<16xi32>
        tpu.vector_store_idx %arg8[%add3A_601, %add3A_668], %gather3A : memref<192x128xf32, #tpu.memory_space<vmem>>[vector<16xi32>, vector<16xi32>], vector<16xf32>,
        %add3A_669 = arith.constant 0 : i32
        %add3A_670 = vector.broadcast %add3A_669 : i32 to vector<16xi32>
        %add3A_671 = arith.addi %mul3A_468, %add3A_670 : vector<16xi32>
        %add3A_672 = arith.addi %add3A_671, %select_n3A_65 : vector<16xi32>
        tpu.vector_store_idx %arg8[%add3A_601, %add3A_672], %gather3A_608 : memref<192x128xf32, #tpu.memory_space<vmem>>[vector<16xi32>, vector<16xi32>], vector<16xf32>,
        %add3A_673 = arith.constant 0 : i32
        %add3A_674 = vector.broadcast %add3A_673 : i32 to vector<16xi32>
        %add3A_675 = arith.addi %mul3A_468, %add3A_674 : vector<16xi32>
        %add3A_676 = arith.addi %add3A_675, %select_n3A_90 : vector<16xi32>
        tpu.vector_store_idx %arg8[%add3A_601, %add3A_676], %gather3A_612 : memref<192x128xf32, #tpu.memory_space<vmem>>[vector<16xi32>, vector<16xi32>], vector<16xf32>,
        %add3A_677 = arith.constant 0 : i32
        %add3A_678 = vector.broadcast %add3A_677 : i32 to vector<16xi32>
        %add3A_679 = arith.addi %mul3A_468, %add3A_678 : vector<16xi32>
        %add3A_680 = arith.addi %add3A_679, %select_n3A_115 : vector<16xi32>
        tpu.vector_store_idx %arg8[%add3A_601, %add3A_680], %gather3A_616 : memref<192x128xf32, #tpu.memory_space<vmem>>[vector<16xi32>, vector<16xi32>], vector<16xf32>,
        %add3A_681 = arith.constant 0 : i32
        %add3A_682 = vector.broadcast %add3A_681 : i32 to vector<16xi32>
        %add3A_683 = arith.addi %mul3A_468, %add3A_682 : vector<16xi32>
        %add3A_684 = arith.addi %add3A_683, %select_n3A_140 : vector<16xi32>
        tpu.vector_store_idx %arg8[%add3A_601, %add3A_684], %gather3A_620 : memref<192x128xf32, #tpu.memory_space<vmem>>[vector<16xi32>, vector<16xi32>], vector<16xf32>,
        %add3A_685 = arith.constant 0 : i32
        %add3A_686 = vector.broadcast %add3A_685 : i32 to vector<16xi32>
        %add3A_687 = arith.addi %mul3A_468, %add3A_686 : vector<16xi32>
        %add3A_688 = arith.addi %add3A_687, %select_n3A_165 : vector<16xi32>
        tpu.vector_store_idx %arg8[%add3A_601, %add3A_688], %gather3A_624 : memref<192x128xf32, #tpu.memory_space<vmem>>[vector<16xi32>, vector<16xi32>], vector<16xf32>,
        %add3A_689 = arith.constant 0 : i32
        %add3A_690 = vector.broadcast %add3A_689 : i32 to vector<16xi32>
        %add3A_691 = arith.addi %mul3A_468, %add3A_690 : vector<16xi32>
        %add3A_692 = arith.addi %add3A_691, %select_n3A_190 : vector<16xi32>
        tpu.vector_store_idx %arg8[%add3A_601, %add3A_692], %gather3A_628 : memref<192x128xf32, #tpu.memory_space<vmem>>[vector<16xi32>, vector<16xi32>], vector<16xf32>,
        %add3A_693 = arith.constant 0 : i32
        %add3A_694 = vector.broadcast %add3A_693 : i32 to vector<16xi32>
        %add3A_695 = arith.addi %mul3A_468, %add3A_694 : vector<16xi32>
        %add3A_696 = arith.addi %add3A_695, %select_n3A_215 : vector<16xi32>
        tpu.vector_store_idx %arg8[%add3A_601, %add3A_696], %gather3A_632 : memref<192x128xf32, #tpu.memory_space<vmem>>[vector<16xi32>, vector<16xi32>], vector<16xf32>,
        %add3A_697 = arith.constant 0 : i32
        %add3A_698 = vector.broadcast %add3A_697 : i32 to vector<16xi32>
        %add3A_699 = arith.addi %mul3A_468, %add3A_698 : vector<16xi32>
        %add3A_700 = arith.addi %add3A_699, %select_n3A_240 : vector<16xi32>
        tpu.vector_store_idx %arg8[%add3A_601, %add3A_700], %gather3A_636 : memref<192x128xf32, #tpu.memory_space<vmem>>[vector<16xi32>, vector<16xi32>], vector<16xf32>,
        %add3A_701 = arith.constant 0 : i32
        %add3A_702 = vector.broadcast %add3A_701 : i32 to vector<16xi32>
        %add3A_703 = arith.addi %mul3A_468, %add3A_702 : vector<16xi32>
        %add3A_704 = arith.addi %add3A_703, %select_n3A_265 : vector<16xi32>
        tpu.vector_store_idx %arg8[%add3A_601, %add3A_704], %gather3A_640 : memref<192x128xf32, #tpu.memory_space<vmem>>[vector<16xi32>, vector<16xi32>], vector<16xf32>,
        %add3A_705 = arith.constant 0 : i32
        %add3A_706 = vector.broadcast %add3A_705 : i32 to vector<16xi32>
        %add3A_707 = arith.addi %mul3A_468, %add3A_706 : vector<16xi32>
        %add3A_708 = arith.addi %add3A_707, %select_n3A_290 : vector<16xi32>
        tpu.vector_store_idx %arg8[%add3A_601, %add3A_708], %gather3A_644 : memref<192x128xf32, #tpu.memory_space<vmem>>[vector<16xi32>, vector<16xi32>], vector<16xf32>,
        %add3A_709 = arith.constant 0 : i32
        %add3A_710 = vector.broadcast %add3A_709 : i32 to vector<16xi32>
        %add3A_711 = arith.addi %mul3A_468, %add3A_710 : vector<16xi32>
        %add3A_712 = arith.addi %add3A_711, %select_n3A_315 : vector<16xi32>
        tpu.vector_store_idx %arg8[%add3A_601, %add3A_712], %gather3A_648 : memref<192x128xf32, #tpu.memory_space<vmem>>[vector<16xi32>, vector<16xi32>], vector<16xf32>,
        %add3A_713 = arith.constant 0 : i32
        %add3A_714 = vector.broadcast %add3A_713 : i32 to vector<16xi32>
        %add3A_715 = arith.addi %mul3A_468, %add3A_714 : vector<16xi32>
        %add3A_716 = arith.addi %add3A_715, %select_n3A_340 : vector<16xi32>
        tpu.vector_store_idx %arg8[%add3A_601, %add3A_716], %gather3A_652 : memref<192x128xf32, #tpu.memory_space<vmem>>[vector<16xi32>, vector<16xi32>], vector<16xf32>,
        %add3A_717 = arith.constant 0 : i32
        %add3A_718 = vector.broadcast %add3A_717 : i32 to vector<16xi32>
        %add3A_719 = arith.addi %mul3A_468, %add3A_718 : vector<16xi32>
        %add3A_720 = arith.addi %add3A_719, %select_n3A_365 : vector<16xi32>
        tpu.vector_store_idx %arg8[%add3A_601, %add3A_720], %gather3A_656 : memref<192x128xf32, #tpu.memory_space<vmem>>[vector<16xi32>, vector<16xi32>], vector<16xf32>,
        %add3A_721 = arith.constant 0 : i32
        %add3A_722 = vector.broadcast %add3A_721 : i32 to vector<16xi32>
        %add3A_723 = arith.addi %mul3A_468, %add3A_722 : vector<16xi32>
        %add3A_724 = arith.addi %add3A_723, %select_n3A_390 : vector<16xi32>
        tpu.vector_store_idx %arg8[%add3A_601, %add3A_724], %gather3A_660 : memref<192x128xf32, #tpu.memory_space<vmem>>[vector<16xi32>, vector<16xi32>], vector<16xf32>,
        %add3A_725 = arith.constant 0 : i32
        %add3A_726 = vector.broadcast %add3A_725 : i32 to vector<16xi32>
        %add3A_727 = arith.addi %mul3A_468, %add3A_726 : vector<16xi32>
        %add3A_728 = arith.addi %add3A_727, %select_n3A_415 : vector<16xi32>
        tpu.vector_store_idx %arg8[%add3A_601, %add3A_728], %gather3A_664 : memref<192x128xf32, #tpu.memory_space<vmem>>[vector<16xi32>, vector<16xi32>], vector<16xf32>,
        %add3A_729 = arith.constant 16 : i32
        %add3A_730 = vector.broadcast %add3A_729 : i32 to vector<16xi32>
        %add3A_731 = arith.addi %add3A_730, %select_n3A_40 : vector<16xi32>
        %gather3A_732 = tpu.vector_load_idx %arg6[%add3A_731, %add3A_575] : memref<64x384xf32, #tpu.memory_space<vmem>>[vector<16xi32>, vector<16xi32>], vector<16xf32>,
        %add3A_733 = arith.constant 16 : i32
        %add3A_734 = vector.broadcast %add3A_733 : i32 to vector<16xi32>
        %add3A_735 = arith.addi %add3A_734, %select_n3A_65 : vector<16xi32>
        %gather3A_736 = tpu.vector_load_idx %arg6[%add3A_735, %add3A_575] : memref<64x384xf32, #tpu.memory_space<vmem>>[vector<16xi32>, vector<16xi32>], vector<16xf32>,
        %add3A_737 = arith.constant 16 : i32
        %add3A_738 = vector.broadcast %add3A_737 : i32 to vector<16xi32>
        %add3A_739 = arith.addi %add3A_738, %select_n3A_90 : vector<16xi32>
        %gather3A_740 = tpu.vector_load_idx %arg6[%add3A_739, %add3A_575] : memref<64x384xf32, #tpu.memory_space<vmem>>[vector<16xi32>, vector<16xi32>], vector<16xf32>,
        %add3A_741 = arith.constant 16 : i32
        %add3A_742 = vector.broadcast %add3A_741 : i32 to vector<16xi32>
        %add3A_743 = arith.addi %add3A_742, %select_n3A_115 : vector<16xi32>
        %gather3A_744 = tpu.vector_load_idx %arg6[%add3A_743, %add3A_575] : memref<64x384xf32, #tpu.memory_space<vmem>>[vector<16xi32>, vector<16xi32>], vector<16xf32>,
        %add3A_745 = arith.constant 16 : i32
        %add3A_746 = vector.broadcast %add3A_745 : i32 to vector<16xi32>
        %add3A_747 = arith.addi %add3A_746, %select_n3A_140 : vector<16xi32>
        %gather3A_748 = tpu.vector_load_idx %arg6[%add3A_747, %add3A_575] : memref<64x384xf32, #tpu.memory_space<vmem>>[vector<16xi32>, vector<16xi32>], vector<16xf32>,
        %add3A_749 = arith.constant 16 : i32
        %add3A_750 = vector.broadcast %add3A_749 : i32 to vector<16xi32>
        %add3A_751 = arith.addi %add3A_750, %select_n3A_165 : vector<16xi32>
        %gather3A_752 = tpu.vector_load_idx %arg6[%add3A_751, %add3A_575] : memref<64x384xf32, #tpu.memory_space<vmem>>[vector<16xi32>, vector<16xi32>], vector<16xf32>,
        %add3A_753 = arith.constant 16 : i32
        %add3A_754 = vector.broadcast %add3A_753 : i32 to vector<16xi32>
        %add3A_755 = arith.addi %add3A_754, %select_n3A_190 : vector<16xi32>
        %gather3A_756 = tpu.vector_load_idx %arg6[%add3A_755, %add3A_575] : memref<64x384xf32, #tpu.memory_space<vmem>>[vector<16xi32>, vector<16xi32>], vector<16xf32>,
        %add3A_757 = arith.constant 16 : i32
        %add3A_758 = vector.broadcast %add3A_757 : i32 to vector<16xi32>
        %add3A_759 = arith.addi %add3A_758, %select_n3A_215 : vector<16xi32>
        %gather3A_760 = tpu.vector_load_idx %arg6[%add3A_759, %add3A_575] : memref<64x384xf32, #tpu.memory_space<vmem>>[vector<16xi32>, vector<16xi32>], vector<16xf32>,
        %add3A_761 = arith.constant 16 : i32
        %add3A_762 = vector.broadcast %add3A_761 : i32 to vector<16xi32>
        %add3A_763 = arith.addi %add3A_762, %select_n3A_240 : vector<16xi32>
        %gather3A_764 = tpu.vector_load_idx %arg6[%add3A_763, %add3A_575] : memref<64x384xf32, #tpu.memory_space<vmem>>[vector<16xi32>, vector<16xi32>], vector<16xf32>,
        %add3A_765 = arith.constant 16 : i32
        %add3A_766 = vector.broadcast %add3A_765 : i32 to vector<16xi32>
        %add3A_767 = arith.addi %add3A_766, %select_n3A_265 : vector<16xi32>
        %gather3A_768 = tpu.vector_load_idx %arg6[%add3A_767, %add3A_575] : memref<64x384xf32, #tpu.memory_space<vmem>>[vector<16xi32>, vector<16xi32>], vector<16xf32>,
        %add3A_769 = arith.constant 16 : i32
        %add3A_770 = vector.broadcast %add3A_769 : i32 to vector<16xi32>
        %add3A_771 = arith.addi %add3A_770, %select_n3A_290 : vector<16xi32>
        %gather3A_772 = tpu.vector_load_idx %arg6[%add3A_771, %add3A_575] : memref<64x384xf32, #tpu.memory_space<vmem>>[vector<16xi32>, vector<16xi32>], vector<16xf32>,
        %add3A_773 = arith.constant 16 : i32
        %add3A_774 = vector.broadcast %add3A_773 : i32 to vector<16xi32>
        %add3A_775 = arith.addi %add3A_774, %select_n3A_315 : vector<16xi32>
        %gather3A_776 = tpu.vector_load_idx %arg6[%add3A_775, %add3A_575] : memref<64x384xf32, #tpu.memory_space<vmem>>[vector<16xi32>, vector<16xi32>], vector<16xf32>,
        %add3A_777 = arith.constant 16 : i32
        %add3A_778 = vector.broadcast %add3A_777 : i32 to vector<16xi32>
        %add3A_779 = arith.addi %add3A_778, %select_n3A_340 : vector<16xi32>
        %gather3A_780 = tpu.vector_load_idx %arg6[%add3A_779, %add3A_575] : memref<64x384xf32, #tpu.memory_space<vmem>>[vector<16xi32>, vector<16xi32>], vector<16xf32>,
        %add3A_781 = arith.constant 16 : i32
        %add3A_782 = vector.broadcast %add3A_781 : i32 to vector<16xi32>
        %add3A_783 = arith.addi %add3A_782, %select_n3A_365 : vector<16xi32>
        %gather3A_784 = tpu.vector_load_idx %arg6[%add3A_783, %add3A_575] : memref<64x384xf32, #tpu.memory_space<vmem>>[vector<16xi32>, vector<16xi32>], vector<16xf32>,
        %add3A_785 = arith.constant 16 : i32
        %add3A_786 = vector.broadcast %add3A_785 : i32 to vector<16xi32>
        %add3A_787 = arith.addi %add3A_786, %select_n3A_390 : vector<16xi32>
        %gather3A_788 = tpu.vector_load_idx %arg6[%add3A_787, %add3A_575] : memref<64x384xf32, #tpu.memory_space<vmem>>[vector<16xi32>, vector<16xi32>], vector<16xf32>,
        %add3A_789 = arith.constant 16 : i32
        %add3A_790 = vector.broadcast %add3A_789 : i32 to vector<16xi32>
        %add3A_791 = arith.addi %add3A_790, %select_n3A_415 : vector<16xi32>
        %gather3A_792 = tpu.vector_load_idx %arg6[%add3A_791, %add3A_575] : memref<64x384xf32, #tpu.memory_space<vmem>>[vector<16xi32>, vector<16xi32>], vector<16xf32>,
        %add3A_793 = arith.constant 16 : i32
        %add3A_794 = vector.broadcast %add3A_793 : i32 to vector<16xi32>
        %add3A_795 = arith.addi %mul3A_468, %add3A_794 : vector<16xi32>
        %add3A_796 = arith.addi %add3A_795, %select_n3A_40 : vector<16xi32>
        tpu.vector_store_idx %arg8[%add3A_601, %add3A_796], %gather3A_732 : memref<192x128xf32, #tpu.memory_space<vmem>>[vector<16xi32>, vector<16xi32>], vector<16xf32>,
        %add3A_797 = arith.constant 16 : i32
        %add3A_798 = vector.broadcast %add3A_797 : i32 to vector<16xi32>
        %add3A_799 = arith.addi %mul3A_468, %add3A_798 : vector<16xi32>
        %add3A_800 = arith.addi %add3A_799, %select_n3A_65 : vector<16xi32>
        tpu.vector_store_idx %arg8[%add3A_601, %add3A_800], %gather3A_736 : memref<192x128xf32, #tpu.memory_space<vmem>>[vector<16xi32>, vector<16xi32>], vector<16xf32>,
        %add3A_801 = arith.constant 16 : i32
        %add3A_802 = vector.broadcast %add3A_801 : i32 to vector<16xi32>
        %add3A_803 = arith.addi %mul3A_468, %add3A_802 : vector<16xi32>
        %add3A_804 = arith.addi %add3A_803, %select_n3A_90 : vector<16xi32>
        tpu.vector_store_idx %arg8[%add3A_601, %add3A_804], %gather3A_740 : memref<192x128xf32, #tpu.memory_space<vmem>>[vector<16xi32>, vector<16xi32>], vector<16xf32>,
        %add3A_805 = arith.constant 16 : i32
        %add3A_806 = vector.broadcast %add3A_805 : i32 to vector<16xi32>
        %add3A_807 = arith.addi %mul3A_468, %add3A_806 : vector<16xi32>
        %add3A_808 = arith.addi %add3A_807, %select_n3A_115 : vector<16xi32>
        tpu.vector_store_idx %arg8[%add3A_601, %add3A_808], %gather3A_744 : memref<192x128xf32, #tpu.memory_space<vmem>>[vector<16xi32>, vector<16xi32>], vector<16xf32>,
        %add3A_809 = arith.constant 16 : i32
        %add3A_810 = vector.broadcast %add3A_809 : i32 to vector<16xi32>
        %add3A_811 = arith.addi %mul3A_468, %add3A_810 : vector<16xi32>
        %add3A_812 = arith.addi %add3A_811, %select_n3A_140 : vector<16xi32>
        tpu.vector_store_idx %arg8[%add3A_601, %add3A_812], %gather3A_748 : memref<192x128xf32, #tpu.memory_space<vmem>>[vector<16xi32>, vector<16xi32>], vector<16xf32>,
        %add3A_813 = arith.constant 16 : i32
        %add3A_814 = vector.broadcast %add3A_813 : i32 to vector<16xi32>
        %add3A_815 = arith.addi %mul3A_468, %add3A_814 : vector<16xi32>
        %add3A_816 = arith.addi %add3A_815, %select_n3A_165 : vector<16xi32>
        tpu.vector_store_idx %arg8[%add3A_601, %add3A_816], %gather3A_752 : memref<192x128xf32, #tpu.memory_space<vmem>>[vector<16xi32>, vector<16xi32>], vector<16xf32>,
        %add3A_817 = arith.constant 16 : i32
        %add3A_818 = vector.broadcast %add3A_817 : i32 to vector<16xi32>
        %add3A_819 = arith.addi %mul3A_468, %add3A_818 : vector<16xi32>
        %add3A_820 = arith.addi %add3A_819, %select_n3A_190 : vector<16xi32>
        tpu.vector_store_idx %arg8[%add3A_601, %add3A_820], %gather3A_756 : memref<192x128xf32, #tpu.memory_space<vmem>>[vector<16xi32>, vector<16xi32>], vector<16xf32>,
        %add3A_821 = arith.constant 16 : i32
        %add3A_822 = vector.broadcast %add3A_821 : i32 to vector<16xi32>
        %add3A_823 = arith.addi %mul3A_468, %add3A_822 : vector<16xi32>
        %add3A_824 = arith.addi %add3A_823, %select_n3A_215 : vector<16xi32>
        tpu.vector_store_idx %arg8[%add3A_601, %add3A_824], %gather3A_760 : memref<192x128xf32, #tpu.memory_space<vmem>>[vector<16xi32>, vector<16xi32>], vector<16xf32>,
        %add3A_825 = arith.constant 16 : i32
        %add3A_826 = vector.broadcast %add3A_825 : i32 to vector<16xi32>
        %add3A_827 = arith.addi %mul3A_468, %add3A_826 : vector<16xi32>
        %add3A_828 = arith.addi %add3A_827, %select_n3A_240 : vector<16xi32>
        tpu.vector_store_idx %arg8[%add3A_601, %add3A_828], %gather3A_764 : memref<192x128xf32, #tpu.memory_space<vmem>>[vector<16xi32>, vector<16xi32>], vector<16xf32>,
        %add3A_829 = arith.constant 16 : i32
        %add3A_830 = vector.broadcast %add3A_829 : i32 to vector<16xi32>
        %add3A_831 = arith.addi %mul3A_468, %add3A_830 : vector<16xi32>
        %add3A_832 = arith.addi %add3A_831, %select_n3A_265 : vector<16xi32>
        tpu.vector_store_idx %arg8[%add3A_601, %add3A_832], %gather3A_768 : memref<192x128xf32, #tpu.memory_space<vmem>>[vector<16xi32>, vector<16xi32>], vector<16xf32>,
        %add3A_833 = arith.constant 16 : i32
        %add3A_834 = vector.broadcast %add3A_833 : i32 to vector<16xi32>
        %add3A_835 = arith.addi %mul3A_468, %add3A_834 : vector<16xi32>
        %add3A_836 = arith.addi %add3A_835, %select_n3A_290 : vector<16xi32>
        tpu.vector_store_idx %arg8[%add3A_601, %add3A_836], %gather3A_772 : memref<192x128xf32, #tpu.memory_space<vmem>>[vector<16xi32>, vector<16xi32>], vector<16xf32>,
        %add3A_837 = arith.constant 16 : i32
        %add3A_838 = vector.broadcast %add3A_837 : i32 to vector<16xi32>
        %add3A_839 = arith.addi %mul3A_468, %add3A_838 : vector<16xi32>
        %add3A_840 = arith.addi %add3A_839, %select_n3A_315 : vector<16xi32>
        tpu.vector_store_idx %arg8[%add3A_601, %add3A_840], %gather3A_776 : memref<192x128xf32, #tpu.memory_space<vmem>>[vector<16xi32>, vector<16xi32>], vector<16xf32>,
        %add3A_841 = arith.constant 16 : i32
        %add3A_842 = vector.broadcast %add3A_841 : i32 to vector<16xi32>
        %add3A_843 = arith.addi %mul3A_468, %add3A_842 : vector<16xi32>
        %add3A_844 = arith.addi %add3A_843, %select_n3A_340 : vector<16xi32>
        tpu.vector_store_idx %arg8[%add3A_601, %add3A_844], %gather3A_780 : memref<192x128xf32, #tpu.memory_space<vmem>>[vector<16xi32>, vector<16xi32>], vector<16xf32>,
        %add3A_845 = arith.constant 16 : i32
        %add3A_846 = vector.broadcast %add3A_845 : i32 to vector<16xi32>
        %add3A_847 = arith.addi %mul3A_468, %add3A_846 : vector<16xi32>
        %add3A_848 = arith.addi %add3A_847, %select_n3A_365 : vector<16xi32>
        tpu.vector_store_idx %arg8[%add3A_601, %add3A_848], %gather3A_784 : memref<192x128xf32, #tpu.memory_space<vmem>>[vector<16xi32>, vector<16xi32>], vector<16xf32>,
        %add3A_849 = arith.constant 16 : i32
        %add3A_850 = vector.broadcast %add3A_849 : i32 to vector<16xi32>
        %add3A_851 = arith.addi %mul3A_468, %add3A_850 : vector<16xi32>
        %add3A_852 = arith.addi %add3A_851, %select_n3A_390 : vector<16xi32>
        tpu.vector_store_idx %arg8[%add3A_601, %add3A_852], %gather3A_788 : memref<192x128xf32, #tpu.memory_space<vmem>>[vector<16xi32>, vector<16xi32>], vector<16xf32>,
        %add3A_853 = arith.constant 16 : i32
        %add3A_854 = vector.broadcast %add3A_853 : i32 to vector<16xi32>
        %add3A_855 = arith.addi %mul3A_468, %add3A_854 : vector<16xi32>
        %add3A_856 = arith.addi %add3A_855, %select_n3A_415 : vector<16xi32>
        tpu.vector_store_idx %arg8[%add3A_601, %add3A_856], %gather3A_792 : memref<192x128xf32, #tpu.memory_space<vmem>>[vector<16xi32>, vector<16xi32>], vector<16xf32>,
        %add3A_857 = arith.constant 32 : i32
        %add3A_858 = vector.broadcast %add3A_857 : i32 to vector<16xi32>
        %add3A_859 = arith.addi %add3A_858, %select_n3A_40 : vector<16xi32>
        %gather3A_860 = tpu.vector_load_idx %arg6[%add3A_859, %add3A_575] : memref<64x384xf32, #tpu.memory_space<vmem>>[vector<16xi32>, vector<16xi32>], vector<16xf32>,
        %add3A_861 = arith.constant 32 : i32
        %add3A_862 = vector.broadcast %add3A_861 : i32 to vector<16xi32>
        %add3A_863 = arith.addi %add3A_862, %select_n3A_65 : vector<16xi32>
        %gather3A_864 = tpu.vector_load_idx %arg6[%add3A_863, %add3A_575] : memref<64x384xf32, #tpu.memory_space<vmem>>[vector<16xi32>, vector<16xi32>], vector<16xf32>,
        %add3A_865 = arith.constant 32 : i32
        %add3A_866 = vector.broadcast %add3A_865 : i32 to vector<16xi32>
        %add3A_867 = arith.addi %add3A_866, %select_n3A_90 : vector<16xi32>
        %gather3A_868 = tpu.vector_load_idx %arg6[%add3A_867, %add3A_575] : memref<64x384xf32, #tpu.memory_space<vmem>>[vector<16xi32>, vector<16xi32>], vector<16xf32>,
        %add3A_869 = arith.constant 32 : i32
        %add3A_870 = vector.broadcast %add3A_869 : i32 to vector<16xi32>
        %add3A_871 = arith.addi %add3A_870, %select_n3A_115 : vector<16xi32>
        %gather3A_872 = tpu.vector_load_idx %arg6[%add3A_871, %add3A_575] : memref<64x384xf32, #tpu.memory_space<vmem>>[vector<16xi32>, vector<16xi32>], vector<16xf32>,
        %add3A_873 = arith.constant 32 : i32
        %add3A_874 = vector.broadcast %add3A_873 : i32 to vector<16xi32>
        %add3A_875 = arith.addi %add3A_874, %select_n3A_140 : vector<16xi32>
        %gather3A_876 = tpu.vector_load_idx %arg6[%add3A_875, %add3A_575] : memref<64x384xf32, #tpu.memory_space<vmem>>[vector<16xi32>, vector<16xi32>], vector<16xf32>,
        %add3A_877 = arith.constant 32 : i32
        %add3A_878 = vector.broadcast %add3A_877 : i32 to vector<16xi32>
        %add3A_879 = arith.addi %add3A_878, %select_n3A_165 : vector<16xi32>
        %gather3A_880 = tpu.vector_load_idx %arg6[%add3A_879, %add3A_575] : memref<64x384xf32, #tpu.memory_space<vmem>>[vector<16xi32>, vector<16xi32>], vector<16xf32>,
        %add3A_881 = arith.constant 32 : i32
        %add3A_882 = vector.broadcast %add3A_881 : i32 to vector<16xi32>
        %add3A_883 = arith.addi %add3A_882, %select_n3A_190 : vector<16xi32>
        %gather3A_884 = tpu.vector_load_idx %arg6[%add3A_883, %add3A_575] : memref<64x384xf32, #tpu.memory_space<vmem>>[vector<16xi32>, vector<16xi32>], vector<16xf32>,
        %add3A_885 = arith.constant 32 : i32
        %add3A_886 = vector.broadcast %add3A_885 : i32 to vector<16xi32>
        %add3A_887 = arith.addi %add3A_886, %select_n3A_215 : vector<16xi32>
        %gather3A_888 = tpu.vector_load_idx %arg6[%add3A_887, %add3A_575] : memref<64x384xf32, #tpu.memory_space<vmem>>[vector<16xi32>, vector<16xi32>], vector<16xf32>,
        %add3A_889 = arith.constant 32 : i32
        %add3A_890 = vector.broadcast %add3A_889 : i32 to vector<16xi32>
        %add3A_891 = arith.addi %add3A_890, %select_n3A_240 : vector<16xi32>
        %gather3A_892 = tpu.vector_load_idx %arg6[%add3A_891, %add3A_575] : memref<64x384xf32, #tpu.memory_space<vmem>>[vector<16xi32>, vector<16xi32>], vector<16xf32>,
        %add3A_893 = arith.constant 32 : i32
        %add3A_894 = vector.broadcast %add3A_893 : i32 to vector<16xi32>
        %add3A_895 = arith.addi %add3A_894, %select_n3A_265 : vector<16xi32>
        %gather3A_896 = tpu.vector_load_idx %arg6[%add3A_895, %add3A_575] : memref<64x384xf32, #tpu.memory_space<vmem>>[vector<16xi32>, vector<16xi32>], vector<16xf32>,
        %add3A_897 = arith.constant 32 : i32
        %add3A_898 = vector.broadcast %add3A_897 : i32 to vector<16xi32>
        %add3A_899 = arith.addi %add3A_898, %select_n3A_290 : vector<16xi32>
        %gather3A_900 = tpu.vector_load_idx %arg6[%add3A_899, %add3A_575] : memref<64x384xf32, #tpu.memory_space<vmem>>[vector<16xi32>, vector<16xi32>], vector<16xf32>,
        %add3A_901 = arith.constant 32 : i32
        %add3A_902 = vector.broadcast %add3A_901 : i32 to vector<16xi32>
        %add3A_903 = arith.addi %add3A_902, %select_n3A_315 : vector<16xi32>
        %gather3A_904 = tpu.vector_load_idx %arg6[%add3A_903, %add3A_575] : memref<64x384xf32, #tpu.memory_space<vmem>>[vector<16xi32>, vector<16xi32>], vector<16xf32>,
        %add3A_905 = arith.constant 32 : i32
        %add3A_906 = vector.broadcast %add3A_905 : i32 to vector<16xi32>
        %add3A_907 = arith.addi %add3A_906, %select_n3A_340 : vector<16xi32>
        %gather3A_908 = tpu.vector_load_idx %arg6[%add3A_907, %add3A_575] : memref<64x384xf32, #tpu.memory_space<vmem>>[vector<16xi32>, vector<16xi32>], vector<16xf32>,
        %add3A_909 = arith.constant 32 : i32
        %add3A_910 = vector.broadcast %add3A_909 : i32 to vector<16xi32>
        %add3A_911 = arith.addi %add3A_910, %select_n3A_365 : vector<16xi32>
        %gather3A_912 = tpu.vector_load_idx %arg6[%add3A_911, %add3A_575] : memref<64x384xf32, #tpu.memory_space<vmem>>[vector<16xi32>, vector<16xi32>], vector<16xf32>,
        %add3A_913 = arith.constant 32 : i32
        %add3A_914 = vector.broadcast %add3A_913 : i32 to vector<16xi32>
        %add3A_915 = arith.addi %add3A_914, %select_n3A_390 : vector<16xi32>
        %gather3A_916 = tpu.vector_load_idx %arg6[%add3A_915, %add3A_575] : memref<64x384xf32, #tpu.memory_space<vmem>>[vector<16xi32>, vector<16xi32>], vector<16xf32>,
        %add3A_917 = arith.constant 32 : i32
        %add3A_918 = vector.broadcast %add3A_917 : i32 to vector<16xi32>
        %add3A_919 = arith.addi %add3A_918, %select_n3A_415 : vector<16xi32>
        %gather3A_920 = tpu.vector_load_idx %arg6[%add3A_919, %add3A_575] : memref<64x384xf32, #tpu.memory_space<vmem>>[vector<16xi32>, vector<16xi32>], vector<16xf32>,
        %add3A_921 = arith.constant 32 : i32
        %add3A_922 = vector.broadcast %add3A_921 : i32 to vector<16xi32>
        %add3A_923 = arith.addi %mul3A_468, %add3A_922 : vector<16xi32>
        %add3A_924 = arith.addi %add3A_923, %select_n3A_40 : vector<16xi32>
        tpu.vector_store_idx %arg8[%add3A_601, %add3A_924], %gather3A_860 : memref<192x128xf32, #tpu.memory_space<vmem>>[vector<16xi32>, vector<16xi32>], vector<16xf32>,
        %add3A_925 = arith.constant 32 : i32
        %add3A_926 = vector.broadcast %add3A_925 : i32 to vector<16xi32>
        %add3A_927 = arith.addi %mul3A_468, %add3A_926 : vector<16xi32>
        %add3A_928 = arith.addi %add3A_927, %select_n3A_65 : vector<16xi32>
        tpu.vector_store_idx %arg8[%add3A_601, %add3A_928], %gather3A_864 : memref<192x128xf32, #tpu.memory_space<vmem>>[vector<16xi32>, vector<16xi32>], vector<16xf32>,
        %add3A_929 = arith.constant 32 : i32
        %add3A_930 = vector.broadcast %add3A_929 : i32 to vector<16xi32>
        %add3A_931 = arith.addi %mul3A_468, %add3A_930 : vector<16xi32>
        %add3A_932 = arith.addi %add3A_931, %select_n3A_90 : vector<16xi32>
        tpu.vector_store_idx %arg8[%add3A_601, %add3A_932], %gather3A_868 : memref<192x128xf32, #tpu.memory_space<vmem>>[vector<16xi32>, vector<16xi32>], vector<16xf32>,
        %add3A_933 = arith.constant 32 : i32
        %add3A_934 = vector.broadcast %add3A_933 : i32 to vector<16xi32>
        %add3A_935 = arith.addi %mul3A_468, %add3A_934 : vector<16xi32>
        %add3A_936 = arith.addi %add3A_935, %select_n3A_115 : vector<16xi32>
        tpu.vector_store_idx %arg8[%add3A_601, %add3A_936], %gather3A_872 : memref<192x128xf32, #tpu.memory_space<vmem>>[vector<16xi32>, vector<16xi32>], vector<16xf32>,
        %add3A_937 = arith.constant 32 : i32
        %add3A_938 = vector.broadcast %add3A_937 : i32 to vector<16xi32>
        %add3A_939 = arith.addi %mul3A_468, %add3A_938 : vector<16xi32>
        %add3A_940 = arith.addi %add3A_939, %select_n3A_140 : vector<16xi32>
        tpu.vector_store_idx %arg8[%add3A_601, %add3A_940], %gather3A_876 : memref<192x128xf32, #tpu.memory_space<vmem>>[vector<16xi32>, vector<16xi32>], vector<16xf32>,
        %add3A_941 = arith.constant 32 : i32
        %add3A_942 = vector.broadcast %add3A_941 : i32 to vector<16xi32>
        %add3A_943 = arith.addi %mul3A_468, %add3A_942 : vector<16xi32>
        %add3A_944 = arith.addi %add3A_943, %select_n3A_165 : vector<16xi32>
        tpu.vector_store_idx %arg8[%add3A_601, %add3A_944], %gather3A_880 : memref<192x128xf32, #tpu.memory_space<vmem>>[vector<16xi32>, vector<16xi32>], vector<16xf32>,
        %add3A_945 = arith.constant 32 : i32
        %add3A_946 = vector.broadcast %add3A_945 : i32 to vector<16xi32>
        %add3A_947 = arith.addi %mul3A_468, %add3A_946 : vector<16xi32>
        %add3A_948 = arith.addi %add3A_947, %select_n3A_190 : vector<16xi32>
        tpu.vector_store_idx %arg8[%add3A_601, %add3A_948], %gather3A_884 : memref<192x128xf32, #tpu.memory_space<vmem>>[vector<16xi32>, vector<16xi32>], vector<16xf32>,
        %add3A_949 = arith.constant 32 : i32
        %add3A_950 = vector.broadcast %add3A_949 : i32 to vector<16xi32>
        %add3A_951 = arith.addi %mul3A_468, %add3A_950 : vector<16xi32>
        %add3A_952 = arith.addi %add3A_951, %select_n3A_215 : vector<16xi32>
        tpu.vector_store_idx %arg8[%add3A_601, %add3A_952], %gather3A_888 : memref<192x128xf32, #tpu.memory_space<vmem>>[vector<16xi32>, vector<16xi32>], vector<16xf32>,
        %add3A_953 = arith.constant 32 : i32
        %add3A_954 = vector.broadcast %add3A_953 : i32 to vector<16xi32>
        %add3A_955 = arith.addi %mul3A_468, %add3A_954 : vector<16xi32>
        %add3A_956 = arith.addi %add3A_955, %select_n3A_240 : vector<16xi32>
        tpu.vector_store_idx %arg8[%add3A_601, %add3A_956], %gather3A_892 : memref<192x128xf32, #tpu.memory_space<vmem>>[vector<16xi32>, vector<16xi32>], vector<16xf32>,
        %add3A_957 = arith.constant 32 : i32
        %add3A_958 = vector.broadcast %add3A_957 : i32 to vector<16xi32>
        %add3A_959 = arith.addi %mul3A_468, %add3A_958 : vector<16xi32>
        %add3A_960 = arith.addi %add3A_959, %select_n3A_265 : vector<16xi32>
        tpu.vector_store_idx %arg8[%add3A_601, %add3A_960], %gather3A_896 : memref<192x128xf32, #tpu.memory_space<vmem>>[vector<16xi32>, vector<16xi32>], vector<16xf32>,
        %add3A_961 = arith.constant 32 : i32
        %add3A_962 = vector.broadcast %add3A_961 : i32 to vector<16xi32>
        %add3A_963 = arith.addi %mul3A_468, %add3A_962 : vector<16xi32>
        %add3A_964 = arith.addi %add3A_963, %select_n3A_290 : vector<16xi32>
        tpu.vector_store_idx %arg8[%add3A_601, %add3A_964], %gather3A_900 : memref<192x128xf32, #tpu.memory_space<vmem>>[vector<16xi32>, vector<16xi32>], vector<16xf32>,
        %add3A_965 = arith.constant 32 : i32
        %add3A_966 = vector.broadcast %add3A_965 : i32 to vector<16xi32>
        %add3A_967 = arith.addi %mul3A_468, %add3A_966 : vector<16xi32>
        %add3A_968 = arith.addi %add3A_967, %select_n3A_315 : vector<16xi32>
        tpu.vector_store_idx %arg8[%add3A_601, %add3A_968], %gather3A_904 : memref<192x128xf32, #tpu.memory_space<vmem>>[vector<16xi32>, vector<16xi32>], vector<16xf32>,
        %add3A_969 = arith.constant 32 : i32
        %add3A_970 = vector.broadcast %add3A_969 : i32 to vector<16xi32>
        %add3A_971 = arith.addi %mul3A_468, %add3A_970 : vector<16xi32>
        %add3A_972 = arith.addi %add3A_971, %select_n3A_340 : vector<16xi32>
        tpu.vector_store_idx %arg8[%add3A_601, %add3A_972], %gather3A_908 : memref<192x128xf32, #tpu.memory_space<vmem>>[vector<16xi32>, vector<16xi32>], vector<16xf32>,
        %add3A_973 = arith.constant 32 : i32
        %add3A_974 = vector.broadcast %add3A_973 : i32 to vector<16xi32>
        %add3A_975 = arith.addi %mul3A_468, %add3A_974 : vector<16xi32>
        %add3A_976 = arith.addi %add3A_975, %select_n3A_365 : vector<16xi32>
        tpu.vector_store_idx %arg8[%add3A_601, %add3A_976], %gather3A_912 : memref<192x128xf32, #tpu.memory_space<vmem>>[vector<16xi32>, vector<16xi32>], vector<16xf32>,
        %add3A_977 = arith.constant 32 : i32
        %add3A_978 = vector.broadcast %add3A_977 : i32 to vector<16xi32>
        %add3A_979 = arith.addi %mul3A_468, %add3A_978 : vector<16xi32>
        %add3A_980 = arith.addi %add3A_979, %select_n3A_390 : vector<16xi32>
        tpu.vector_store_idx %arg8[%add3A_601, %add3A_980], %gather3A_916 : memref<192x128xf32, #tpu.memory_space<vmem>>[vector<16xi32>, vector<16xi32>], vector<16xf32>,
        %add3A_981 = arith.constant 32 : i32
        %add3A_982 = vector.broadcast %add3A_981 : i32 to vector<16xi32>
        %add3A_983 = arith.addi %mul3A_468, %add3A_982 : vector<16xi32>
        %add3A_984 = arith.addi %add3A_983, %select_n3A_415 : vector<16xi32>
        tpu.vector_store_idx %arg8[%add3A_601, %add3A_984], %gather3A_920 : memref<192x128xf32, #tpu.memory_space<vmem>>[vector<16xi32>, vector<16xi32>], vector<16xf32>,
        %add3A_985 = arith.constant 48 : i32
        %add3A_986 = vector.broadcast %add3A_985 : i32 to vector<16xi32>
        %add3A_987 = arith.addi %add3A_986, %select_n3A_40 : vector<16xi32>
        %gather3A_988 = tpu.vector_load_idx %arg6[%add3A_987, %add3A_575] : memref<64x384xf32, #tpu.memory_space<vmem>>[vector<16xi32>, vector<16xi32>], vector<16xf32>,
        %add3A_989 = arith.constant 48 : i32
        %add3A_990 = vector.broadcast %add3A_989 : i32 to vector<16xi32>
        %add3A_991 = arith.addi %add3A_990, %select_n3A_65 : vector<16xi32>
        %gather3A_992 = tpu.vector_load_idx %arg6[%add3A_991, %add3A_575] : memref<64x384xf32, #tpu.memory_space<vmem>>[vector<16xi32>, vector<16xi32>], vector<16xf32>,
        %add3A_993 = arith.constant 48 : i32
        %add3A_994 = vector.broadcast %add3A_993 : i32 to vector<16xi32>
        %add3A_995 = arith.addi %add3A_994, %select_n3A_90 : vector<16xi32>
        %gather3A_996 = tpu.vector_load_idx %arg6[%add3A_995, %add3A_575] : memref<64x384xf32, #tpu.memory_space<vmem>>[vector<16xi32>, vector<16xi32>], vector<16xf32>,
        %add3A_997 = arith.constant 48 : i32
        %add3A_998 = vector.broadcast %add3A_997 : i32 to vector<16xi32>
        %add3A_999 = arith.addi %add3A_998, %select_n3A_115 : vector<16xi32>
        %gather3A_1000 = tpu.vector_load_idx %arg6[%add3A_999, %add3A_575] : memref<64x384xf32, #tpu.memory_space<vmem>>[vector<16xi32>, vector<16xi32>], vector<16xf32>,
        %add3A_1001 = arith.constant 48 : i32
        %add3A_1002 = vector.broadcast %add3A_1001 : i32 to vector<16xi32>
        %add3A_1003 = arith.addi %add3A_1002, %select_n3A_140 : vector<16xi32>
        %gather3A_1004 = tpu.vector_load_idx %arg6[%add3A_1003, %add3A_575] : memref<64x384xf32, #tpu.memory_space<vmem>>[vector<16xi32>, vector<16xi32>], vector<16xf32>,
        %add3A_1005 = arith.constant 48 : i32
        %add3A_1006 = vector.broadcast %add3A_1005 : i32 to vector<16xi32>
        %add3A_1007 = arith.addi %add3A_1006, %select_n3A_165 : vector<16xi32>
        %gather3A_1008 = tpu.vector_load_idx %arg6[%add3A_1007, %add3A_575] : memref<64x384xf32, #tpu.memory_space<vmem>>[vector<16xi32>, vector<16xi32>], vector<16xf32>,
        %add3A_1009 = arith.constant 48 : i32
        %add3A_1010 = vector.broadcast %add3A_1009 : i32 to vector<16xi32>
        %add3A_1011 = arith.addi %add3A_1010, %select_n3A_190 : vector<16xi32>
        %gather3A_1012 = tpu.vector_load_idx %arg6[%add3A_1011, %add3A_575] : memref<64x384xf32, #tpu.memory_space<vmem>>[vector<16xi32>, vector<16xi32>], vector<16xf32>,
        %add3A_1013 = arith.constant 48 : i32
        %add3A_1014 = vector.broadcast %add3A_1013 : i32 to vector<16xi32>
        %add3A_1015 = arith.addi %add3A_1014, %select_n3A_215 : vector<16xi32>
        %gather3A_1016 = tpu.vector_load_idx %arg6[%add3A_1015, %add3A_575] : memref<64x384xf32, #tpu.memory_space<vmem>>[vector<16xi32>, vector<16xi32>], vector<16xf32>,
        %add3A_1017 = arith.constant 48 : i32
        %add3A_1018 = vector.broadcast %add3A_1017 : i32 to vector<16xi32>
        %add3A_1019 = arith.addi %add3A_1018, %select_n3A_240 : vector<16xi32>
        %gather3A_1020 = tpu.vector_load_idx %arg6[%add3A_1019, %add3A_575] : memref<64x384xf32, #tpu.memory_space<vmem>>[vector<16xi32>, vector<16xi32>], vector<16xf32>,
        %add3A_1021 = arith.constant 48 : i32
        %add3A_1022 = vector.broadcast %add3A_1021 : i32 to vector<16xi32>
        %add3A_1023 = arith.addi %add3A_1022, %select_n3A_265 : vector<16xi32>
        %gather3A_1024 = tpu.vector_load_idx %arg6[%add3A_1023, %add3A_575] : memref<64x384xf32, #tpu.memory_space<vmem>>[vector<16xi32>, vector<16xi32>], vector<16xf32>,
        %add3A_1025 = arith.constant 48 : i32
        %add3A_1026 = vector.broadcast %add3A_1025 : i32 to vector<16xi32>
        %add3A_1027 = arith.addi %add3A_1026, %select_n3A_290 : vector<16xi32>
        %gather3A_1028 = tpu.vector_load_idx %arg6[%add3A_1027, %add3A_575] : memref<64x384xf32, #tpu.memory_space<vmem>>[vector<16xi32>, vector<16xi32>], vector<16xf32>,
        %add3A_1029 = arith.constant 48 : i32
        %add3A_1030 = vector.broadcast %add3A_1029 : i32 to vector<16xi32>
        %add3A_1031 = arith.addi %add3A_1030, %select_n3A_315 : vector<16xi32>
        %gather3A_1032 = tpu.vector_load_idx %arg6[%add3A_1031, %add3A_575] : memref<64x384xf32, #tpu.memory_space<vmem>>[vector<16xi32>, vector<16xi32>], vector<16xf32>,
        %add3A_1033 = arith.constant 48 : i32
        %add3A_1034 = vector.broadcast %add3A_1033 : i32 to vector<16xi32>
        %add3A_1035 = arith.addi %add3A_1034, %select_n3A_340 : vector<16xi32>
        %gather3A_1036 = tpu.vector_load_idx %arg6[%add3A_1035, %add3A_575] : memref<64x384xf32, #tpu.memory_space<vmem>>[vector<16xi32>, vector<16xi32>], vector<16xf32>,
        %add3A_1037 = arith.constant 48 : i32
        %add3A_1038 = vector.broadcast %add3A_1037 : i32 to vector<16xi32>
        %add3A_1039 = arith.addi %add3A_1038, %select_n3A_365 : vector<16xi32>
        %gather3A_1040 = tpu.vector_load_idx %arg6[%add3A_1039, %add3A_575] : memref<64x384xf32, #tpu.memory_space<vmem>>[vector<16xi32>, vector<16xi32>], vector<16xf32>,
        %add3A_1041 = arith.constant 48 : i32
        %add3A_1042 = vector.broadcast %add3A_1041 : i32 to vector<16xi32>
        %add3A_1043 = arith.addi %add3A_1042, %select_n3A_390 : vector<16xi32>
        %gather3A_1044 = tpu.vector_load_idx %arg6[%add3A_1043, %add3A_575] : memref<64x384xf32, #tpu.memory_space<vmem>>[vector<16xi32>, vector<16xi32>], vector<16xf32>,
        %add3A_1045 = arith.constant 48 : i32
        %add3A_1046 = vector.broadcast %add3A_1045 : i32 to vector<16xi32>
        %add3A_1047 = arith.addi %add3A_1046, %select_n3A_415 : vector<16xi32>
        %gather3A_1048 = tpu.vector_load_idx %arg6[%add3A_1047, %add3A_575] : memref<64x384xf32, #tpu.memory_space<vmem>>[vector<16xi32>, vector<16xi32>], vector<16xf32>,
        %add3A_1049 = arith.constant 48 : i32
        %add3A_1050 = vector.broadcast %add3A_1049 : i32 to vector<16xi32>
        %add3A_1051 = arith.addi %mul3A_468, %add3A_1050 : vector<16xi32>
        %add3A_1052 = arith.addi %add3A_1051, %select_n3A_40 : vector<16xi32>
        tpu.vector_store_idx %arg8[%add3A_601, %add3A_1052], %gather3A_988 : memref<192x128xf32, #tpu.memory_space<vmem>>[vector<16xi32>, vector<16xi32>], vector<16xf32>,
        %add3A_1053 = arith.constant 48 : i32
        %add3A_1054 = vector.broadcast %add3A_1053 : i32 to vector<16xi32>
        %add3A_1055 = arith.addi %mul3A_468, %add3A_1054 : vector<16xi32>
        %add3A_1056 = arith.addi %add3A_1055, %select_n3A_65 : vector<16xi32>
        tpu.vector_store_idx %arg8[%add3A_601, %add3A_1056], %gather3A_992 : memref<192x128xf32, #tpu.memory_space<vmem>>[vector<16xi32>, vector<16xi32>], vector<16xf32>,
        %add3A_1057 = arith.constant 48 : i32
        %add3A_1058 = vector.broadcast %add3A_1057 : i32 to vector<16xi32>
        %add3A_1059 = arith.addi %mul3A_468, %add3A_1058 : vector<16xi32>
        %add3A_1060 = arith.addi %add3A_1059, %select_n3A_90 : vector<16xi32>
        tpu.vector_store_idx %arg8[%add3A_601, %add3A_1060], %gather3A_996 : memref<192x128xf32, #tpu.memory_space<vmem>>[vector<16xi32>, vector<16xi32>], vector<16xf32>,
        %add3A_1061 = arith.constant 48 : i32
        %add3A_1062 = vector.broadcast %add3A_1061 : i32 to vector<16xi32>
        %add3A_1063 = arith.addi %mul3A_468, %add3A_1062 : vector<16xi32>
        %add3A_1064 = arith.addi %add3A_1063, %select_n3A_115 : vector<16xi32>
        tpu.vector_store_idx %arg8[%add3A_601, %add3A_1064], %gather3A_1000 : memref<192x128xf32, #tpu.memory_space<vmem>>[vector<16xi32>, vector<16xi32>], vector<16xf32>,
        %add3A_1065 = arith.constant 48 : i32
        %add3A_1066 = vector.broadcast %add3A_1065 : i32 to vector<16xi32>
        %add3A_1067 = arith.addi %mul3A_468, %add3A_1066 : vector<16xi32>
        %add3A_1068 = arith.addi %add3A_1067, %select_n3A_140 : vector<16xi32>
        tpu.vector_store_idx %arg8[%add3A_601, %add3A_1068], %gather3A_1004 : memref<192x128xf32, #tpu.memory_space<vmem>>[vector<16xi32>, vector<16xi32>], vector<16xf32>,
        %add3A_1069 = arith.constant 48 : i32
        %add3A_1070 = vector.broadcast %add3A_1069 : i32 to vector<16xi32>
        %add3A_1071 = arith.addi %mul3A_468, %add3A_1070 : vector<16xi32>
        %add3A_1072 = arith.addi %add3A_1071, %select_n3A_165 : vector<16xi32>
        tpu.vector_store_idx %arg8[%add3A_601, %add3A_1072], %gather3A_1008 : memref<192x128xf32, #tpu.memory_space<vmem>>[vector<16xi32>, vector<16xi32>], vector<16xf32>,
        %add3A_1073 = arith.constant 48 : i32
        %add3A_1074 = vector.broadcast %add3A_1073 : i32 to vector<16xi32>
        %add3A_1075 = arith.addi %mul3A_468, %add3A_1074 : vector<16xi32>
        %add3A_1076 = arith.addi %add3A_1075, %select_n3A_190 : vector<16xi32>
        tpu.vector_store_idx %arg8[%add3A_601, %add3A_1076], %gather3A_1012 : memref<192x128xf32, #tpu.memory_space<vmem>>[vector<16xi32>, vector<16xi32>], vector<16xf32>,
        %add3A_1077 = arith.constant 48 : i32
        %add3A_1078 = vector.broadcast %add3A_1077 : i32 to vector<16xi32>
        %add3A_1079 = arith.addi %mul3A_468, %add3A_1078 : vector<16xi32>
        %add3A_1080 = arith.addi %add3A_1079, %select_n3A_215 : vector<16xi32>
        tpu.vector_store_idx %arg8[%add3A_601, %add3A_1080], %gather3A_1016 : memref<192x128xf32, #tpu.memory_space<vmem>>[vector<16xi32>, vector<16xi32>], vector<16xf32>,
        %add3A_1081 = arith.constant 48 : i32
        %add3A_1082 = vector.broadcast %add3A_1081 : i32 to vector<16xi32>
        %add3A_1083 = arith.addi %mul3A_468, %add3A_1082 : vector<16xi32>
        %add3A_1084 = arith.addi %add3A_1083, %select_n3A_240 : vector<16xi32>
        tpu.vector_store_idx %arg8[%add3A_601, %add3A_1084], %gather3A_1020 : memref<192x128xf32, #tpu.memory_space<vmem>>[vector<16xi32>, vector<16xi32>], vector<16xf32>,
        %add3A_1085 = arith.constant 48 : i32
        %add3A_1086 = vector.broadcast %add3A_1085 : i32 to vector<16xi32>
        %add3A_1087 = arith.addi %mul3A_468, %add3A_1086 : vector<16xi32>
        %add3A_1088 = arith.addi %add3A_1087, %select_n3A_265 : vector<16xi32>
        tpu.vector_store_idx %arg8[%add3A_601, %add3A_1088], %gather3A_1024 : memref<192x128xf32, #tpu.memory_space<vmem>>[vector<16xi32>, vector<16xi32>], vector<16xf32>,
        %add3A_1089 = arith.constant 48 : i32
        %add3A_1090 = vector.broadcast %add3A_1089 : i32 to vector<16xi32>
        %add3A_1091 = arith.addi %mul3A_468, %add3A_1090 : vector<16xi32>
        %add3A_1092 = arith.addi %add3A_1091, %select_n3A_290 : vector<16xi32>
        tpu.vector_store_idx %arg8[%add3A_601, %add3A_1092], %gather3A_1028 : memref<192x128xf32, #tpu.memory_space<vmem>>[vector<16xi32>, vector<16xi32>], vector<16xf32>,
        %add3A_1093 = arith.constant 48 : i32
        %add3A_1094 = vector.broadcast %add3A_1093 : i32 to vector<16xi32>
        %add3A_1095 = arith.addi %mul3A_468, %add3A_1094 : vector<16xi32>
        %add3A_1096 = arith.addi %add3A_1095, %select_n3A_315 : vector<16xi32>
        tpu.vector_store_idx %arg8[%add3A_601, %add3A_1096], %gather3A_1032 : memref<192x128xf32, #tpu.memory_space<vmem>>[vector<16xi32>, vector<16xi32>], vector<16xf32>,
        %add3A_1097 = arith.constant 48 : i32
        %add3A_1098 = vector.broadcast %add3A_1097 : i32 to vector<16xi32>
        %add3A_1099 = arith.addi %mul3A_468, %add3A_1098 : vector<16xi32>
        %add3A_1100 = arith.addi %add3A_1099, %select_n3A_340 : vector<16xi32>
        tpu.vector_store_idx %arg8[%add3A_601, %add3A_1100], %gather3A_1036 : memref<192x128xf32, #tpu.memory_space<vmem>>[vector<16xi32>, vector<16xi32>], vector<16xf32>,
        %add3A_1101 = arith.constant 48 : i32
        %add3A_1102 = vector.broadcast %add3A_1101 : i32 to vector<16xi32>
        %add3A_1103 = arith.addi %mul3A_468, %add3A_1102 : vector<16xi32>
        %add3A_1104 = arith.addi %add3A_1103, %select_n3A_365 : vector<16xi32>
        tpu.vector_store_idx %arg8[%add3A_601, %add3A_1104], %gather3A_1040 : memref<192x128xf32, #tpu.memory_space<vmem>>[vector<16xi32>, vector<16xi32>], vector<16xf32>,
        %add3A_1105 = arith.constant 48 : i32
        %add3A_1106 = vector.broadcast %add3A_1105 : i32 to vector<16xi32>
        %add3A_1107 = arith.addi %mul3A_468, %add3A_1106 : vector<16xi32>
        %add3A_1108 = arith.addi %add3A_1107, %select_n3A_390 : vector<16xi32>
        tpu.vector_store_idx %arg8[%add3A_601, %add3A_1108], %gather3A_1044 : memref<192x128xf32, #tpu.memory_space<vmem>>[vector<16xi32>, vector<16xi32>], vector<16xf32>,
        %add3A_1109 = arith.constant 48 : i32
        %add3A_1110 = vector.broadcast %add3A_1109 : i32 to vector<16xi32>
        %add3A_1111 = arith.addi %mul3A_468, %add3A_1110 : vector<16xi32>
        %add3A_1112 = arith.addi %add3A_1111, %select_n3A_415 : vector<16xi32>
        tpu.vector_store_idx %arg8[%add3A_601, %add3A_1112], %gather3A_1048 : memref<192x128xf32, #tpu.memory_space<vmem>>[vector<16xi32>, vector<16xi32>], vector<16xf32>,
      }
      %scan3A_546 = arith.constant 24 : i32
      %mul3A_547 = arith.constant 32 : i32
      %mul3A_548 = arith.muli %add3A_530, %mul3A_547 : i32
      %add3A_549 = arith.addi %add3A, %mul3A_548 : i32
      %min3A_550 = arith.constant 2603 : i32
      %min3A_551 = arith.minsi %add3A_549, %min3A_550 : i32
      %mul3A_552 = arith.constant 192 : i32
      %mul3A_553 = arith.muli %min3A_551, %mul3A_552 : i32
      %multiple_of3A_554 = tpu.assume_multiple %mul3A_553, 192 : i32
      %dma_start3A_555 = arith.constant 0 : i32
      %dma_start3A_556 = tpu.memref_slice %arg4[%multiple_of3A_554, %dma_start3A_555] : memref<500000x128xf32, #tpu.memory_space<hbm>> -> memref<192x128xf32, #tpu.memory_space<hbm>>
      %dma_start3A_557 = arith.constant 0 : i32
      %dma_start3A_558 = tpu.memref_slice %arg4[%multiple_of3A_554, %dma_start3A_557] : memref<500000x128xf32, #tpu.memory_space<hbm>> -> memref<192x128xf32, #tpu.memory_space<hbm>>
      tpu.enqueue_dma source(%arg8 : memref<192x128xf32, #tpu.memory_space<vmem>>) target(%dma_start3A_558 : memref<192x128xf32, #tpu.memory_space<hbm>>) target_semaphore(%arg12 : memref<!tpu.dma_semaphore, #tpu.memory_space<semaphore_mem>>)
      %add3A_559 = arith.constant 2 : i32
      %add3A_560 = arith.addi %add3A_530, %add3A_559 : i32
      %lt3A_561 = arith.constant 82 : i32
      %lt3A_562 = arith.cmpi slt, %add3A_560, %lt3A_561 : i32
      %convert_element_type3A_563 = arith.extui %lt3A_562 : i1 to i32
      %cond3A_564 = arith.constant 0 : i32
      %cond3A_565 = arith.cmpi ne, %convert_element_type3A_563, %cond3A_564 : i32
      scf.if %cond3A_565 {
        %add3A_566 = arith.constant 2 : i32
        %add3A_567 = arith.addi %add3A_530, %add3A_566 : i32
        %mul3A_568 = arith.constant 32 : i32
        %mul3A_569 = arith.muli %add3A_567, %mul3A_568 : i32
        %add3A_570 = arith.addi %add3A, %mul3A_569 : i32
        %min3A_571 = arith.constant 2603 : i32
        %min3A_572 = arith.minsi %add3A_570, %min3A_571 : i32
        %mul3A_573 = arith.constant 384 : i32
        %mul3A_574 = arith.muli %min3A_572, %mul3A_573 : i32
        %multiple_of3A_575 = tpu.assume_multiple %mul3A_574, 384 : i32
        %dma_start3A_576 = arith.constant 0 : i32
        %dma_start3A_577 = tpu.memref_slice %arg2[%dma_start3A_576, %multiple_of3A_575] : memref<64x1000000xf32, #tpu.memory_space<hbm>> -> memref<64x384xf32, #tpu.memory_space<hbm>>
        %dma_start3A_578 = arith.constant 0 : i32
        %dma_start3A_579 = tpu.memref_slice %arg2[%dma_start3A_578, %multiple_of3A_575] : memref<64x1000000xf32, #tpu.memory_space<hbm>> -> memref<64x384xf32, #tpu.memory_space<hbm>>
        tpu.enqueue_dma source(%dma_start3A_579 : memref<64x384xf32, #tpu.memory_space<hbm>>) target(%arg6 : memref<64x384xf32, #tpu.memory_space<vmem>>) target_semaphore(%arg10 : memref<!tpu.dma_semaphore, #tpu.memory_space<semaphore_mem>>)
      } else {
      }
    }
    %scan3A_472 = arith.constant 41 : i32
    %dma_wait3A = arith.constant 0 : i32
    %dma_wait3A_473 = arith.constant 0 : i32
    %dma_wait3A_474 = tpu.memref_slice %arg4[%dma_wait3A, %dma_wait3A_473] : memref<500000x128xf32, #tpu.memory_space<hbm>> -> memref<192x128xf32, #tpu.memory_space<hbm>>
    %dma_wait3A_475 = arith.constant 0 : i32
    %dma_wait3A_476 = arith.constant 0 : i32
    %dma_wait3A_477 = tpu.memref_slice %arg4[%dma_wait3A_475, %dma_wait3A_476] : memref<500000x128xf32, #tpu.memory_space<hbm>> -> memref<192x128xf32, #tpu.memory_space<hbm>>
    tpu.wait_dma2 semaphore(%arg11 : memref<!tpu.dma_semaphore, #tpu.memory_space<semaphore_mem>>) src(%arg7 : memref<192x128xf32, #tpu.memory_space<vmem>>) dst(%dma_wait3A_477 : memref<192x128xf32, #tpu.memory_space<hbm>>)
    %dma_wait3A_478 = arith.constant 0 : i32
    %dma_wait3A_479 = arith.constant 0 : i32
    %dma_wait3A_480 = tpu.memref_slice %arg4[%dma_wait3A_478, %dma_wait3A_479] : memref<500000x128xf32, #tpu.memory_space<hbm>> -> memref<192x128xf32, #tpu.memory_space<hbm>>
    %dma_wait3A_481 = arith.constant 0 : i32
    %dma_wait3A_482 = arith.constant 0 : i32
    %dma_wait3A_483 = tpu.memref_slice %arg4[%dma_wait3A_481, %dma_wait3A_482] : memref<500000x128xf32, #tpu.memory_space<hbm>> -> memref<192x128xf32, #tpu.memory_space<hbm>>
    tpu.wait_dma2 semaphore(%arg12 : memref<!tpu.dma_semaphore, #tpu.memory_space<semaphore_mem>>) src(%arg8 : memref<192x128xf32, #tpu.memory_space<vmem>>) dst(%dma_wait3A_483 : memref<192x128xf32, #tpu.memory_space<hbm>>)
    return
  }
}

#map = affine_map<(d0, d1) -> (0)>
#map1 = affine_map<(d0, d1) -> (0, 0)>
module attributes {stable_mosaic.version = 14 : i64} {
  func.func @emb(%arg0: i32, %arg1: i32, %arg2: memref<819200xi32, #tpu.memory_space<hbm>>, %arg3: memref<1000000x64xf32, #tpu.memory_space<hbm>>, %arg4: memref<819200x128xf32, #tpu.memory_space<hbm>>, %arg5: memref<25600xi32, #tpu.memory_space<vmem>>, %arg6: memref<512x64xf32, #tpu.memory_space<vmem>>, %arg7: memref<512x64xf32, #tpu.memory_space<vmem>>, %arg8: memref<!tpu.dma_semaphore, #tpu.memory_space<semaphore_mem>>, %arg9: memref<!tpu.dma_semaphore, #tpu.memory_space<semaphore_mem>>, %arg10: memref<!tpu.dma_semaphore, #tpu.memory_space<semaphore_mem>>, %arg11: memref<!tpu.dma_semaphore, #tpu.memory_space<semaphore_mem>>) attributes {dimension_semantics = [#tpu.dimension_semantics<core_parallel>, #tpu.dimension_semantics<subcore_parallel>], iteration_bounds = array<i64: 2, 16>, scalar_prefetch = 0 : i64, scratch_operands = 7 : i64, tpu.core_type = #tpu.core_type<sc_vector_subcore>, window_params = [{transform_indices = #map}, {transform_indices = #map1}, {transform_indices = #map1}]} {
    %mul3A = arith.constant 2 : i32
    %mul3A_0 = arith.muli %arg1, %mul3A : i32
    %add3A = arith.addi %mul3A_0, %arg0 : i32
    %mul3A_1 = arith.constant 25600 : i32
    %mul3A_2 = arith.muli %add3A, %mul3A_1 : i32
    %mul3A_3 = arith.constant 12800 : i32
    %mul3A_4 = arith.muli %add3A, %mul3A_3 : i32
    "tpu.region"() ({
      %run_scoped3A = tpu.sem_alloc : memref<!tpu.dma_semaphore, #tpu.memory_space<semaphore_mem>>
      %dma_start3A_25 = tpu.memref_slice %arg2[%mul3A_2] : memref<819200xi32, #tpu.memory_space<hbm>> -> memref<25600xi32, #tpu.memory_space<hbm>>
      %dma_start3A_26 = tpu.memref_slice %arg2[%mul3A_2] : memref<819200xi32, #tpu.memory_space<hbm>> -> memref<25600xi32, #tpu.memory_space<hbm>>
      tpu.enqueue_dma source(%dma_start3A_26 : memref<25600xi32, #tpu.memory_space<hbm>>) target(%arg5 : memref<25600xi32, #tpu.memory_space<vmem>>) target_semaphore(%run_scoped3A : memref<!tpu.dma_semaphore, #tpu.memory_space<semaphore_mem>>)
      %dma_wait3A_27 = tpu.memref_slice %arg2[%mul3A_2] : memref<819200xi32, #tpu.memory_space<hbm>> -> memref<25600xi32, #tpu.memory_space<hbm>>
      %dma_wait3A_28 = tpu.memref_slice %arg2[%mul3A_2] : memref<819200xi32, #tpu.memory_space<hbm>> -> memref<25600xi32, #tpu.memory_space<hbm>>
      tpu.wait_dma2 semaphore(%run_scoped3A : memref<!tpu.dma_semaphore, #tpu.memory_space<semaphore_mem>>) src(%dma_wait3A_28 : memref<25600xi32, #tpu.memory_space<hbm>>) dst(%arg5 : memref<25600xi32, #tpu.memory_space<vmem>>)
      tpu.yield
    }) : () -> ()
    %dma_start3A = arith.constant 0 : i32
    %dma_start3A_5 = tpu.memref_slice %arg5[%dma_start3A] : memref<25600xi32, #tpu.memory_space<vmem>> -> memref<512xi32, #tpu.memory_space<vmem>>
    %dma_start3A_6 = arith.constant 0 : i32
    %dma_start3A_7 = arith.constant 0 : i32
    %dma_start3A_8 = tpu.memref_slice %arg3[%dma_start3A_6, %dma_start3A_7] : memref<1000000x64xf32, #tpu.memory_space<hbm>> -> memref<1000000x64xf32, #tpu.memory_space<hbm>>
    tpu.enqueue_indirect_dma source(%dma_start3A_8 : memref<1000000x64xf32, #tpu.memory_space<hbm>>) target(%arg6 : memref<512x64xf32, #tpu.memory_space<vmem>>) offsets(%dma_start3A_5 : memref<512xi32, #tpu.memory_space<vmem>>) semaphore(%arg8 : memref<!tpu.dma_semaphore, #tpu.memory_space<semaphore_mem>>)
    %dma_start3A_9 = arith.constant 512 : i32
    %dma_start3A_10 = tpu.memref_slice %arg5[%dma_start3A_9] : memref<25600xi32, #tpu.memory_space<vmem>> -> memref<512xi32, #tpu.memory_space<vmem>>
    %dma_start3A_11 = arith.constant 0 : i32
    %dma_start3A_12 = arith.constant 0 : i32
    %dma_start3A_13 = tpu.memref_slice %arg3[%dma_start3A_11, %dma_start3A_12] : memref<1000000x64xf32, #tpu.memory_space<hbm>> -> memref<1000000x64xf32, #tpu.memory_space<hbm>>
    tpu.enqueue_indirect_dma source(%dma_start3A_13 : memref<1000000x64xf32, #tpu.memory_space<hbm>>) target(%arg7 : memref<512x64xf32, #tpu.memory_space<vmem>>) offsets(%dma_start3A_10 : memref<512xi32, #tpu.memory_space<vmem>>) semaphore(%arg9 : memref<!tpu.dma_semaphore, #tpu.memory_space<semaphore_mem>>)
    %scan3A = arith.constant 0 : i32
    %scan3A_14 = arith.constant 25 : i32
    %scan3A_15 = arith.addi %scan3A, %scan3A_14 : i32
    %scan3A_16 = arith.constant 1 : i32
    scf.for %scan3A_25 = %scan3A to %scan3A_15 step %scan3A_16  : i32 {
      %mul3A_26 = arith.constant 1 : i32
      %mul3A_27 = arith.muli %scan3A_25, %mul3A_26 : i32
      %add3A_28 = arith.constant 0 : i32
      %add3A_29 = arith.addi %add3A_28, %mul3A_27 : i32
      %mul3A_30 = arith.constant 2 : i32
      %mul3A_31 = arith.muli %add3A_29, %mul3A_30 : i32
      %add3A_32 = arith.constant 0 : i32
      %add3A_33 = arith.addi %mul3A_31, %add3A_32 : i32
      %dma_wait3A_34 = arith.constant 0 : i32
      %dma_wait3A_35 = arith.constant 0 : i32
      %dma_wait3A_36 = tpu.memref_slice %arg3[%dma_wait3A_34, %dma_wait3A_35] : memref<1000000x64xf32, #tpu.memory_space<hbm>> -> memref<512x64xf32, #tpu.memory_space<hbm>>
      %dma_wait3A_37 = arith.constant 0 : i32
      %dma_wait3A_38 = arith.constant 0 : i32
      %dma_wait3A_39 = tpu.memref_slice %arg3[%dma_wait3A_37, %dma_wait3A_38] : memref<1000000x64xf32, #tpu.memory_space<hbm>> -> memref<512x64xf32, #tpu.memory_space<hbm>>
      tpu.wait_dma2 semaphore(%arg8 : memref<!tpu.dma_semaphore, #tpu.memory_space<semaphore_mem>>) src(%dma_wait3A_39 : memref<512x64xf32, #tpu.memory_space<hbm>>) dst(%arg6 : memref<512x64xf32, #tpu.memory_space<vmem>>)
      %mul3A_40 = arith.constant 512 : i32
      %mul3A_41 = arith.muli %add3A_33, %mul3A_40 : i32
      %add3A_42 = arith.addi %mul3A_2, %mul3A_41 : i32
      %dma_start3A_43 = arith.constant 0 : i32
      %dma_start3A_44 = tpu.memref_slice %arg4[%add3A_42, %dma_start3A_43] : memref<819200x128xf32, #tpu.memory_space<hbm>> -> memref<512x64xf32, #tpu.memory_space<hbm>>
      %dma_start3A_45 = arith.constant 0 : i32
      %dma_start3A_46 = tpu.memref_slice %arg4[%add3A_42, %dma_start3A_45] : memref<819200x128xf32, #tpu.memory_space<hbm>> -> memref<512x64xf32, #tpu.memory_space<hbm>>
      tpu.enqueue_dma source(%arg6 : memref<512x64xf32, #tpu.memory_space<vmem>>) target(%dma_start3A_46 : memref<512x64xf32, #tpu.memory_space<hbm>>) target_semaphore(%arg10 : memref<!tpu.dma_semaphore, #tpu.memory_space<semaphore_mem>>)
      %add3A_47 = arith.constant 2 : i32
      %add3A_48 = arith.addi %add3A_33, %add3A_47 : i32
      %lt3A = arith.constant 50 : i32
      %lt3A_49 = arith.cmpi slt, %add3A_48, %lt3A : i32
      %convert_element_type3A = arith.extui %lt3A_49 : i1 to i32
      %cond3A = arith.constant 0 : i32
      %cond3A_50 = arith.cmpi ne, %convert_element_type3A, %cond3A : i32
      scf.if %cond3A_50 {
        %dma_wait3A_75 = arith.constant 0 : i32
        %dma_wait3A_76 = tpu.memref_slice %arg4[%mul3A_2, %dma_wait3A_75] : memref<819200x128xf32, #tpu.memory_space<hbm>> -> memref<512x64xf32, #tpu.memory_space<hbm>>
        %dma_wait3A_77 = arith.constant 0 : i32
        %dma_wait3A_78 = tpu.memref_slice %arg4[%mul3A_2, %dma_wait3A_77] : memref<819200x128xf32, #tpu.memory_space<hbm>> -> memref<512x64xf32, #tpu.memory_space<hbm>>
        tpu.wait_dma2 semaphore(%arg10 : memref<!tpu.dma_semaphore, #tpu.memory_space<semaphore_mem>>) src(%arg6 : memref<512x64xf32, #tpu.memory_space<vmem>>) dst(%dma_wait3A_78 : memref<512x64xf32, #tpu.memory_space<hbm>>)
        %add3A_79 = arith.constant 2 : i32
        %add3A_80 = arith.addi %add3A_33, %add3A_79 : i32
        %mul3A_81 = arith.constant 512 : i32
        %mul3A_82 = arith.muli %add3A_80, %mul3A_81 : i32
        %dma_start3A_83 = tpu.memref_slice %arg5[%mul3A_82] : memref<25600xi32, #tpu.memory_space<vmem>> -> memref<512xi32, #tpu.memory_space<vmem>>
        %dma_start3A_84 = arith.constant 0 : i32
        %dma_start3A_85 = arith.constant 0 : i32
        %dma_start3A_86 = tpu.memref_slice %arg3[%dma_start3A_84, %dma_start3A_85] : memref<1000000x64xf32, #tpu.memory_space<hbm>> -> memref<1000000x64xf32, #tpu.memory_space<hbm>>
        tpu.enqueue_indirect_dma source(%dma_start3A_86 : memref<1000000x64xf32, #tpu.memory_space<hbm>>) target(%arg6 : memref<512x64xf32, #tpu.memory_space<vmem>>) offsets(%dma_start3A_83 : memref<512xi32, #tpu.memory_space<vmem>>) semaphore(%arg8 : memref<!tpu.dma_semaphore, #tpu.memory_space<semaphore_mem>>)
      } else {
      }
      %mul3A_51 = arith.constant 2 : i32
      %mul3A_52 = arith.muli %add3A_29, %mul3A_51 : i32
      %add3A_53 = arith.constant 1 : i32
      %add3A_54 = arith.addi %mul3A_52, %add3A_53 : i32
      %dma_wait3A_55 = arith.constant 0 : i32
      %dma_wait3A_56 = arith.constant 0 : i32
      %dma_wait3A_57 = tpu.memref_slice %arg3[%dma_wait3A_55, %dma_wait3A_56] : memref<1000000x64xf32, #tpu.memory_space<hbm>> -> memref<512x64xf32, #tpu.memory_space<hbm>>
      %dma_wait3A_58 = arith.constant 0 : i32
      %dma_wait3A_59 = arith.constant 0 : i32
      %dma_wait3A_60 = tpu.memref_slice %arg3[%dma_wait3A_58, %dma_wait3A_59] : memref<1000000x64xf32, #tpu.memory_space<hbm>> -> memref<512x64xf32, #tpu.memory_space<hbm>>
      tpu.wait_dma2 semaphore(%arg9 : memref<!tpu.dma_semaphore, #tpu.memory_space<semaphore_mem>>) src(%dma_wait3A_60 : memref<512x64xf32, #tpu.memory_space<hbm>>) dst(%arg7 : memref<512x64xf32, #tpu.memory_space<vmem>>)
      %mul3A_61 = arith.constant 512 : i32
      %mul3A_62 = arith.muli %add3A_54, %mul3A_61 : i32
      %add3A_63 = arith.addi %mul3A_2, %mul3A_62 : i32
      %dma_start3A_64 = arith.constant 0 : i32
      %dma_start3A_65 = tpu.memref_slice %arg4[%add3A_63, %dma_start3A_64] : memref<819200x128xf32, #tpu.memory_space<hbm>> -> memref<512x64xf32, #tpu.memory_space<hbm>>
      %dma_start3A_66 = arith.constant 0 : i32
      %dma_start3A_67 = tpu.memref_slice %arg4[%add3A_63, %dma_start3A_66] : memref<819200x128xf32, #tpu.memory_space<hbm>> -> memref<512x64xf32, #tpu.memory_space<hbm>>
      tpu.enqueue_dma source(%arg7 : memref<512x64xf32, #tpu.memory_space<vmem>>) target(%dma_start3A_67 : memref<512x64xf32, #tpu.memory_space<hbm>>) target_semaphore(%arg11 : memref<!tpu.dma_semaphore, #tpu.memory_space<semaphore_mem>>)
      %add3A_68 = arith.constant 2 : i32
      %add3A_69 = arith.addi %add3A_54, %add3A_68 : i32
      %lt3A_70 = arith.constant 50 : i32
      %lt3A_71 = arith.cmpi slt, %add3A_69, %lt3A_70 : i32
      %convert_element_type3A_72 = arith.extui %lt3A_71 : i1 to i32
      %cond3A_73 = arith.constant 0 : i32
      %cond3A_74 = arith.cmpi ne, %convert_element_type3A_72, %cond3A_73 : i32
      scf.if %cond3A_74 {
        %dma_wait3A_75 = arith.constant 0 : i32
        %dma_wait3A_76 = tpu.memref_slice %arg4[%mul3A_2, %dma_wait3A_75] : memref<819200x128xf32, #tpu.memory_space<hbm>> -> memref<512x64xf32, #tpu.memory_space<hbm>>
        %dma_wait3A_77 = arith.constant 0 : i32
        %dma_wait3A_78 = tpu.memref_slice %arg4[%mul3A_2, %dma_wait3A_77] : memref<819200x128xf32, #tpu.memory_space<hbm>> -> memref<512x64xf32, #tpu.memory_space<hbm>>
        tpu.wait_dma2 semaphore(%arg11 : memref<!tpu.dma_semaphore, #tpu.memory_space<semaphore_mem>>) src(%arg7 : memref<512x64xf32, #tpu.memory_space<vmem>>) dst(%dma_wait3A_78 : memref<512x64xf32, #tpu.memory_space<hbm>>)
        %add3A_79 = arith.constant 2 : i32
        %add3A_80 = arith.addi %add3A_54, %add3A_79 : i32
        %mul3A_81 = arith.constant 512 : i32
        %mul3A_82 = arith.muli %add3A_80, %mul3A_81 : i32
        %dma_start3A_83 = tpu.memref_slice %arg5[%mul3A_82] : memref<25600xi32, #tpu.memory_space<vmem>> -> memref<512xi32, #tpu.memory_space<vmem>>
        %dma_start3A_84 = arith.constant 0 : i32
        %dma_start3A_85 = arith.constant 0 : i32
        %dma_start3A_86 = tpu.memref_slice %arg3[%dma_start3A_84, %dma_start3A_85] : memref<1000000x64xf32, #tpu.memory_space<hbm>> -> memref<1000000x64xf32, #tpu.memory_space<hbm>>
        tpu.enqueue_indirect_dma source(%dma_start3A_86 : memref<1000000x64xf32, #tpu.memory_space<hbm>>) target(%arg7 : memref<512x64xf32, #tpu.memory_space<vmem>>) offsets(%dma_start3A_83 : memref<512xi32, #tpu.memory_space<vmem>>) semaphore(%arg9 : memref<!tpu.dma_semaphore, #tpu.memory_space<semaphore_mem>>)
      } else {
      }
    }
    %scan3A_17 = arith.constant 25 : i32
    %dma_wait3A = arith.constant 0 : i32
    %dma_wait3A_18 = tpu.memref_slice %arg4[%mul3A_2, %dma_wait3A] : memref<819200x128xf32, #tpu.memory_space<hbm>> -> memref<512x64xf32, #tpu.memory_space<hbm>>
    %dma_wait3A_19 = arith.constant 0 : i32
    %dma_wait3A_20 = tpu.memref_slice %arg4[%mul3A_2, %dma_wait3A_19] : memref<819200x128xf32, #tpu.memory_space<hbm>> -> memref<512x64xf32, #tpu.memory_space<hbm>>
    tpu.wait_dma2 semaphore(%arg10 : memref<!tpu.dma_semaphore, #tpu.memory_space<semaphore_mem>>) src(%arg6 : memref<512x64xf32, #tpu.memory_space<vmem>>) dst(%dma_wait3A_20 : memref<512x64xf32, #tpu.memory_space<hbm>>)
    %dma_wait3A_21 = arith.constant 0 : i32
    %dma_wait3A_22 = tpu.memref_slice %arg4[%mul3A_2, %dma_wait3A_21] : memref<819200x128xf32, #tpu.memory_space<hbm>> -> memref<512x64xf32, #tpu.memory_space<hbm>>
    %dma_wait3A_23 = arith.constant 0 : i32
    %dma_wait3A_24 = tpu.memref_slice %arg4[%mul3A_2, %dma_wait3A_23] : memref<819200x128xf32, #tpu.memory_space<hbm>> -> memref<512x64xf32, #tpu.memory_space<hbm>>
    tpu.wait_dma2 semaphore(%arg11 : memref<!tpu.dma_semaphore, #tpu.memory_space<semaphore_mem>>) src(%arg7 : memref<512x64xf32, #tpu.memory_space<vmem>>) dst(%dma_wait3A_24 : memref<512x64xf32, #tpu.memory_space<hbm>>)
    return
  }
}

</mosaic_0001>

<sc_bundles>
// kernel: kernel.4.cloned.1.call-start
scs
__scs_entry_jumppad:
0x0: {  	(pc) =	sbr.rel $0x88, $3  }
0x1: {  	(tag) =	ssettag $0x0;
	lr =	simm.s32 $0x1  }
0x2: {  	[smem:$0x3F9F] =	sst lr;
	_ =	strace $0xD0000000  }
0x3: {  	_ = 	snop  }
0x4: {  	_ = 	snop  }
0x5: {  	_ = 	snop  }
0x6: {  	_ = 	snop  }
0x7: {  	_ = 	snop  }
__scs_overlays_trampoline_lowered:
0x8: {  	[smem:$0x3FAE] =	sst s0  }
0x9: {  	[smem:$0x3FAF] =	sst s1  }
0xa: {  	[smem:$0x3FB0] =	sst s2  }
0xb: {  	[smem:$0x3FB1] =	sst s3  }
0xc: {  	[smem:$0x3FB2] =	sst s4  }
0xd: {  	[smem:$0x3FB3] =	sst s5  }
0xe: {  	[smem:$0x3FB4] =	sst s6  }
0xf: {  	[smem:$0x3FB5] =	sst s7  }
0x10: {  	[smem:$0x3FB6] =	sst s8  }
0x11: {  	[smem:$0x3FB7] =	sst s9;
	s0 =	simm.s32 @!p0 $0x0  }
0x12: {  	s1 =	sld [smem:$0x3F9D];
	s0 =	simm.s32 @p0 $0x1  }
0x13: {  	[smem:$0x3FB8] =	sst s0;
	s0 =	simm.s32 @!p1 $0x0  }
0x14: {  	s2 =	sld [smem:$0x3F9C];
	s0 =	simm.s32 @p1 $0x1  }
0x15: {  	[smem:$0x3FB9] =	sst s0;
	s0 =	simm.s32 @!p2 $0x0  }
0x16: {  	s3 =	sld [smem:$0x3FDB];
	s0 =	simm.s32 @p2 $0x1  }
0x17: {  	s4 =	simm.s32 $0x1BF5;
	[smem:$0x3FBB] =	sst s0  }
0x18: {  	s0 =	sld [smem:$0x3F9E];
	_ =	swait.ge [sflag:s4], $0x0  }
0x19: {  	s7 =	sld [smem:$0x3F9F]  }
0x1a: {  	s8 =	sadd.s32 $0xFFFFE003, lr  }
0x1b: {  	s9 =	sadd.s32 $0xFFFFFEF7, lr;
	s5 =	simm.s32 $0xFFFFFFFF;
	p2 =	slt.u32 s8, $0xFFFFF086  }
0x1c: {  	p1 =	slt.u32 s9, $0xF7A;
	s5 =	simm.s32 @!p2 $0x0  }
0x1d: {  	s5 =	simm.s32 @p1 $0x1;
	p0 =	seq.s32 s7, s2  }
0x1e: {  	s7 =	smul.u32 @!p0 $0xF7A, s2;
	p2 =	seq.s32 @!p0 s5, $0x0  }
0x1f: {  	s9 =	smul.u32 $0xF7A, s1;
	s8 =	simm.s32 @!p0 $0x1BF5;
	p2 =	por !p2, p0  }
0x20: {  	[sflag:s8] =	ssyncset.s32 @!p0 $0xFFFFF086;
	s6 =	sadd.s32 @!p0 s3, s7;
	s7 =	simm.s32 @!p0 $0x108  }
0x21: {  	s3 =	sadd.s32 s3, s9;
	s6 =	sadd.s32 @!p0 $0x88, s6;
	s7 =	simm.s32 @p2 $0x1082  }
0x22: {  	[simem:s7], [sflag:s8] =	dma.local @!p0 [hbm:s6], $0xF7A  }
0x23: {  	s9 =	sor.u32 $0xD0000000, s2;
	s6 =	simm.s32 $0x108;
	_ =	swait.ge @!p0 [sflag:s8], $0x0  }
0x24: {  	s3 =	sadd.s32 $0x88, s3;
	s6 =	simm.s32 @!p1 $0x1082;
	[sflag:s4] =	ssyncset.s32 $0xFFFFF086  }
0x25: {  	[simem:s6], [sflag:s4] =	dma.local [hbm:s3], $0xF7A  }
0x26: {  	[smem:$0x3F9F] =	sst s1;
	(tag) =	ssettag s2;
	_ =	strace s9  }
0x27: {  	s1 =	sld [smem:$0x3FAF]  }
0x28: {  	s2 =	sld [smem:$0x3FB0]  }
0x29: {  	s4 =	sld [smem:$0x3FB2]  }
0x2a: {  	p0 =	seq.s32 s5, $0x0;
	s5 =	sld [smem:$0x3FB3]  }
0x2b: {  	s6 =	sld [smem:$0x3FB4]  }
0x2c: {  	s7 =	sld [smem:$0x3FB5]  }
0x2d: {  	s3 =	simm.s32 $0x108;
	s8 =	sld [smem:$0x3FB6]  }
0x2e: {  	s3 =	simm.s32 @!p0 $0x1082;
	s9 =	sld [smem:$0x3FB7]  }
0x2f: {  	lr =	sadd.s32 s0, s3;
	s0 =	sld [smem:$0x3FAE]  }
0x30: {  	s3 =	sld [smem:$0x3FB1]  }
0x31: {  	[smem:$0x3FBA] =	sst s10  }
0x32: {  	s10 =	sld [smem:$0x3FB8];
	_ =	sdelay $0x3  }
0x33: {  	p0 =	seq.s32 s10, $0x1;
	s10 =	sld [smem:$0x3FBA];
	_ =	sdelay $0x3  }
0x34: {  	[smem:$0x3FBA] =	sst s10  }
0x35: {  	s10 =	sld [smem:$0x3FB9];
	_ =	sdelay $0x3  }
0x36: {  	p1 =	seq.s32 s10, $0x1;
	s10 =	sld [smem:$0x3FBA];
	_ =	sdelay $0x3  }
0x37: {  	[smem:$0x3FBA] =	sst s10  }
0x38: {  	s10 =	sld [smem:$0x3FBB]  }
0x39: {  	_ = 	snop;
	(pc) =	sbr.ind lr, $3  }
0x3a: {  	_ = 	snop  }
0x3b: {  	_ = 	snop  }
0x3c: {  	p2 =	seq.s32 s10, $0x1;
	s10 =	sld [smem:$0x3FBA]  }
0x3d: {  	_ =	shalt  }
0x3e: {  	_ =	shalt  }
0x3f: {  	_ =	shalt  }
0x40: {  	_ =	shalt  }
0x41: {  	_ =	shalt  }
0x42: {  	_ =	shalt  }
0x43: {  	_ =	shalt  }
0x44: {  	_ =	shalt  }
0x45: {  	_ =	shalt  }
0x46: {  	_ =	shalt  }
0x47: {  	_ =	shalt  }
0x48: {  	_ =	shalt  }
0x49: {  	_ =	shalt  }
0x4a: {  	_ =	shalt  }
0x4b: {  	_ =	shalt  }
0x4c: {  	_ =	shalt  }
0x4d: {  	_ =	shalt  }
0x4e: {  	_ =	shalt  }
0x4f: {  	_ =	shalt  }
0x50: {  	_ =	shalt  }
0x51: {  	_ =	shalt  }
0x52: {  	_ =	shalt  }
0x53: {  	_ =	shalt  }
0x54: {  	_ =	shalt  }
0x55: {  	_ =	shalt  }
0x56: {  	_ =	shalt  }
0x57: {  	_ =	shalt  }
0x58: {  	_ =	shalt  }
0x59: {  	_ =	shalt  }
0x5a: {  	_ =	shalt  }
0x5b: {  	_ =	shalt  }
0x5c: {  	_ =	shalt  }
0x5d: {  	_ =	shalt  }
0x5e: {  	_ =	shalt  }
0x5f: {  	_ =	shalt  }
0x60: {  	_ =	shalt  }
0x61: {  	_ =	shalt  }
0x62: {  	_ =	shalt  }
0x63: {  	_ =	shalt  }
0x64: {  	_ =	shalt  }
0x65: {  	_ =	shalt  }
0x66: {  	_ =	shalt  }
0x67: {  	_ =	shalt  }
0x68: {  	_ =	shalt  }
0x69: {  	_ =	shalt  }
0x6a: {  	_ =	shalt  }
0x6b: {  	_ =	shalt  }
0x6c: {  	_ =	shalt  }
0x6d: {  	_ =	shalt  }
0x6e: {  	_ =	shalt  }
0x6f: {  	_ =	shalt  }
0x70: {  	_ =	shalt  }
0x71: {  	_ =	shalt  }
0x72: {  	_ =	shalt  }
0x73: {  	_ =	shalt  }
0x74: {  	_ =	shalt  }
0x75: {  	_ =	shalt  }
0x76: {  	_ =	shalt  }
0x77: {  	_ =	shalt  }
0x78: {  	_ =	shalt  }
0x79: {  	_ =	shalt  }
0x7a: {  	_ =	shalt  }
0x7b: {  	_ =	shalt  }
0x7c: {  	_ =	shalt  }
0x7d: {  	_ =	shalt  }
0x7e: {  	_ =	shalt  }
0x7f: {  	_ =	shalt  }
0x80: {  	_ =	shalt  }
0x81: {  	_ =	shalt  }
0x82: {  	_ =	shalt  }
0x83: {  	_ =	shalt  }
0x84: {  	_ =	shalt  }
0x85: {  	_ =	shalt  }
0x86: {  	_ =	shalt  }
0x87: {  	_ =	shalt  }
.Lfunc_end0:
.L_simem_size_0:
called_computation.1_lowered:
.L_overlay_start_0:
0x88: {  	s2 =	sld [smem:$0x3FD9]  }
0x89: {  	s3 =	sld [smem:$0x3FFE];
	_ =	sdelay $0x1  }
0x8a: {  	s1 =	srdreg.scid  }
0x8b: {  	s0 =	sand.u32 $0x1, s1  }
0x8c: {  	s17 =	sshll.u32 s0, $0xA;
	s2 =	sadd.s32 s3, s2  }
0x8d: {  	s2 =	sadd.s32 s2, s17  }
0x8e: {  	[smem:$0x3FC6] =	sst s2  }
0x8f: {  	_ = 	snop  }
0x90: {  	s2 =	sld [smem:$0x3FC8];
	(tm) =	ssettm $0x1  }
0x91: {  	s18 =	sld [smem:$0x3FFB];
	_ =	sdelay $0x3  }
0x92: {  	_ =	strace s18  }
0x93: {  	s3 =	sld [smem:$0x3FFC];
	_ =	sdelay $0x3  }
0x94: {  	_ =	strace s3  }
0x95: {  	s3 =	sld [smem:$0x3FFD];
	_ =	sdelay $0x3  }
0x96: {  	_ =	strace s3  }
0x97: {  	_ =	strace $0x8FFFFFFF  }
0x98: {  	s19 =	sld [smem:$0x3FDB];
	_ =	sdelay $0x1  }
0x99: {  	s4 =	simm.s32 $_scs_section_size  }
0x9a: {  	s5 =	simm.s32 $_size__tile_overlayer_lowered;
	s6 =	simm.s32 $_tile_overlayer_lowered  }
0x9b: {  	s22 =	simm.s32 $0x1BFF;
	s21 =	sshll.u32 s6, $0x1;
	s3 =	sadd.s32 s4, s19  }
0x9c: {  	s7 =	simm.s32 $0x0;
	s20 =	sshll.u32 s5, $0x1;
	s5 =	sadd.s32 s21, s3  }
0x9d: {  	[timem:s7], [sflag:s22] =	dma.local [hbm:s5], s20  }
0x9e: {  	_ =	swait.ge [sflag:s22], s20  }
0x9f: {  	s4 =	ssub.s32 $0x0, s20;
	[sflag:s22] =	ssyncset.done $0x0  }
0xa0: {  	[sflag:s22] =	ssyncadd.s32 s4;
	_ =	sdelay $0x1  }
0xa1: {  	s23 =	simm.s32 $0x1B8B  }
0xa2: {  	_ =	swait.ge [sflag:s23], $0x1  }
0xa3: {  	[sflag:s23] =	ssyncset.done $0x0  }
0xa4: {  	s25 =	simm.s32 $0x1B8E;
	s24 =	sld [smem:$0x3FFE];
	[sflag:s23] =	ssyncadd.s32 $0xFFFFFFFF  }
0xa5: {  	s26 =	simm.s32 $execute0_lowered;
	[smem:$0x3FD2] =	sst s25  }
0xa6: {  	s5 =	sshll.u32 s26, $0x1;
	_ =	strace $0x80000046;
	[dreg:$0x1] =	wrdreg $0xFFFFFFFF  }
0xa7: {  	s28 =	simm.s32 $_size_execute0_lowered;
	s3 =	sadd.s32 s3, s5;
	[dreg:$0x0] =	wrdreg $0x0  }
0xa8: {  	s5 =	sshll.u32 s28, $0x1;
	[dreg:$0x2] =	wrdreg s3  }
0xa9: {  	[dreg:$0x3] =	wrdreg s5  }
0xaa: {  	[dreg:$0x4] =	wrdreg $0xC0  }
0xab: {  	_ =	task [dreg:s7], $0x5FFFF  }
0xac: {  	[dreg:$0x1] =	wrdreg $0xFFFFFFFF  }
0xad: {  	[dreg:$0x0] =	wrdreg $0x60  }
0xae: {  	[dreg:$0x2] =	wrdreg s2  }
0xaf: {  	[dreg:$0x3] =	wrdreg s24  }
0xb0: {  	[dreg:$0x4] =	wrdreg $0x9  }
0xb1: {  	_ =	task.clear_ibuf [dreg:s7], $0x5FFFF;
	_ =	strace $0x90000046  }
0xb2: {  	s29 =	simm.s32 $0x9;
	_ =	strace $0x80000048  }
0xb3: {  	_ =	swait.ge [sflag:s29], $0x1  }
0xb4: {  	[sflag:s29] =	ssyncadd.s32 $0xFFFFFFFF  }
0xb5: {  	_ =	strace $0x90000048  }
0xb6: {  	_ =	sfence  }
0xb7: {  	s30 =	sld [smem:$0x0];
	_ =	sdelay $0x2  }
0xb8: {  	s31 =	sshll.u32 s1, $0xD;
	s1 =	sshrl.u32 s1, $0x2  }
0xb9: {  	s3 =	sand.u32 $0x4000, s31;
	s1 =	sadd.s32 s1, s30  }
0xba: {  	s0 =	sor.u32 s3, s0;
	s1 =	sshll.u32 s1, $0x11  }
0xbb: {  	s0 =	sor.u32 s1, s0  }
0xbc: {  	s0 =	sadd.s32 $0x8F2B, s0  }
0xbd: {  	[sflag:s0] =	ssyncadd.remote.s32 $0x1  }
0xbe: {  	_ =	sfence.sel $0xFFFF  }
0xbf: {  	[dreg:$0x0] =	wrdreg $0xFFFFFFFF;
	(pc) =	sbr.abs _section_cstart, $3  }
0xc0: {  	[dreg:$0x1] =	wrdreg $0xFFFFFFFF  }
0xc1: {  	_ =	task.clear_ibuf [dreg:s7], $0x2FFFF;
	_ =	strace $0x9FFFFFFF  }
0xc2: {  	(tm) =	ssettm $0x7FFFFFFF  }
0xc3: {  	_ =	shalt  }
tec
execute0_lowered:
.L_overlay_start_1:
0x0: {  	(tag) =	ssettag $0x1  }
0x1: {  	vm14 =	vcmask $0x300;
	v0 =	vimm.s32 $0xF80  }
0x2: {  	vm15 =	vcmask $0x704;
	vm13 =	vcmask $0xB08;
	vm11 =	vcmask $0xF0C  }
0x3: {  	vm12 =	vcmask $0x1310;
	vm10 =	vcmask $0x1714;
	vm8 =	vcmask $0x1B18  }
0x4: {  	vm9 =	vcmask $0x1F1C;
	vm7 =	vcmask $0x2320;
	vm5 =	vcmask $0x2724  }
0x5: {  	vm6 =	vcmask $0x2B28;
	vm4 =	vcmask $0x2F2C;
	vm2 =	vcmask $0x3330  }
0x6: {  	vm3 =	vcmask $0x3734;
	vm1 =	vcmask $0x3B38;
	v1 =	vimm.s32 $0x0  }
0x7: {  	v2 =	vimm.s32 $0x100;
	v3 =	vimm.s32 $0x4F0E4D0C;
	vm0 =	vcmask $0x1F10  }
0x8: {  	v4 =	vimm.s32 $0x43024100;
	v5 =	vimm.s32 $0x47064504;
	v6 =	vimm.s32 $0x4C0B4A09  }
0x9: {  	v7 =	vimm.s32 $0x400F4E0D;
	v8 =	vimm.s32 $0x44034201;
	v9 =	vimm.s32 $0x48074605  }
0xa: {  	v28 =	vimm.s32 $0x4D0C4B0A;
	v13 =	vimm.s32 $0x41004F0E;
	v14 =	vimm.s32 $0x45044302  }
0xb: {  	v15 =	vimm.s32 $0x49084706;
	v16 =	vimm.s32 $0x4E0D4C0B;
	v17 =	vimm.s32 $0x4201400F  }
0xc: {  	v18 =	vimm.s32 $0x2780;
	v20 =	vimm.s32 $0x4A094807;
	v29 =	vimm.s32 $0x3280  }
0xd: {  	v30 =	vimm.s32 $0x3300;
	v31 =	vimm.s32 $0x3D80;
	v32 =	vimm.s32 $0x3E00  }
0xe: {  	v34 =	vimm.s32 $0x3E80;
	v35 =	vimm.s32 $0x3F00;
	v48 =	vimm.s32 $0x5780  }
0xf: {  	v25 =	vimm.s32 $0x4A80;
	v26 =	vimm.s32 $0x4B00;
	v27 =	vimm.s32 $0x4B80  }
0x10: {  	v0 =	vsel vm14, $0x0, v0;
	v2 =	vsel vm14, $0x180, v2;
	v3 =	vunpack.c.0.s8.s32 v3  }
0x11: {  	v4 =	vunpack.c.0.s8.s32 v4;
	v5 =	vunpack.c.0.s8.s32 v5;
	v6 =	vunpack.c.0.s8.s32 v6  }
0x12: {  	v7 =	vunpack.c.0.s8.s32 v7;
	v8 =	vunpack.c.0.s8.s32 v8;
	v9 =	vunpack.c.0.s8.s32 v9  }
0x13: {  	v13 =	vunpack.c.0.s8.s32 v13;
	v14 =	vunpack.c.0.s8.s32 v14;
	v15 =	vunpack.c.0.s8.s32 v15  }
0x14: {  	v16 =	vunpack.c.0.s8.s32 v16;
	v17 =	vunpack.c.0.s8.s32 v17;
	v18 =	vsel vm14, $0x1800, v18  }
0x15: {  	v20 =	vunpack.c.0.s8.s32 v20;
	v25 =	vsel vm14, $0x4B00, v25;
	v26 =	vsel vm14, $0x4B80, v26  }
0x16: {  	v27 =	vsel vm14, $0x5400, v27;
	v0 =	vsel vm15, $0x80, v0;
	v2 =	vsel vm15, $0x200, v2  }
0x17: {  	v18 =	vsel vm15, $0x1880, v18;
	v25 =	vsel vm15, $0x4B80, v25;
	v26 =	vsel vm15, $0x5400, v26  }
0x18: {  	v27 =	vsel vm15, $0x5480, v27;
	v0 =	vsel vm13, $0x100, v0;
	v2 =	vsel vm13, $0x280, v2  }
0x19: {  	v10 =	vsel vm0, v7, v6;
	v11 =	vsel vm0, v9, v8;
	v22 =	vsel vm0, v15, v14  }
0x1a: {  	v18 =	vsel vm13, $0x1900, v18;
	v23 =	vsel vm0, v17, v16;
	v6 =	vsel vm0, v6, v9  }
0x1b: {  	v60 =	vsel vm0, v14, v13;
	v50 =	vsel vm0, v16, v20;
	v9 =	vimm.s32 $0x3C00  }
0x1c: {  	v14 =	vsel vm14, $0x3F00, v34;
	v16 =	vsel vm14, $0x3F80, v35;
	v34 =	vimm.s32 $0x5680  }
0x1d: {  	v0 =	vsel vm11, $0x180, v0;
	v2 =	vsel vm11, $0x300, v2;
	v19 =	vcombine.low v11, v10  }
0x1e: {  	v18 =	vsel vm11, $0x1980, v18;
	v61 =	vcombine.low v10, v11;
	v10 =	vimm.s32 $0x3C80  }
0x1f: {  	v9 =	vsel vm14, $0x3C80, v9;
	v11 =	vimm.s32 $0x3D00;
	v14 =	vsel vm15, $0x3F80, v14  }
0x20: {  	v16 =	vsel vm15, $0x3000, v16;
	v34 =	vsel vm14, $0x5700, v34;
	v0 =	vsel vm12, $0x200, v0  }
0x21: {  	v2 =	vsel vm12, $0x380, v2;
	v18 =	vsel vm12, $0x1A00, v18;
	v10 =	vsel vm14, $0x3D00, v10  }
0x22: {  	v9 =	vsel vm15, $0x3D00, v9;
	v11 =	vsel vm14, $0x3D80, v11;
	v34 =	vsel vm15, $0x5780, v34  }
0x23: {  	v14 =	vsel vm13, $0x3000, v14;
	v0 =	vsel vm10, $0x280, v0;
	v2 =	vsel vm10, $0xC00, v2  }
0x24: {  	[tilespmem:$0x1F8A0] =	vst v19;
	v19 =	vimm.s32 $0x46054403;
	v10 =	vsel vm15, $0x3D80, v10;
	v11 =	vsel vm15, $0x3E00, v11  }
0x25: {  	v9 =	vsel vm13, $0x3D80, v9;
	v14 =	vsel vm11, $0x3080, v14;
	v0 =	vsel vm8, $0x300, v0  }
0x26: {  	v2 =	vsel vm8, $0xC80, v2;
	v19 =	vunpack.c.0.s8.s32 v19;
	v0 =	vsel vm9, $0x380, v0  }
0x27: {  	v10 =	vsel vm13, $0x3E00, v10;
	v11 =	vsel vm13, $0x3E80, v11;
	v0 =	vsel vm7, $0xC00, v0  }
0x28: {  	v9 =	vsel vm11, $0x3E00, v9;
	v14 =	vsel vm12, $0x3100, v14;
	v0 =	vsel vm5, $0xC80, v0  }
0x29: {  	v2 =	vsel vm9, $0xD00, v2;
	v9 =	vsel vm12, $0x3E80, v9;
	v0 =	vsel vm6, $0xD00, v0  }
0x2a: {  	v10 =	vsel vm11, $0x3E80, v10;
	v11 =	vsel vm11, $0x3F00, v11;
	v0 =	vsel vm4, $0xD80, v0  }
0x2b: {  	v14 =	vsel vm10, $0x3180, v14;
	v2 =	vsel vm7, $0xD80, v2;
	v0 =	vsel vm2, $0xE00, v0  }
0x2c: {  	v24 =	vsel vm0, v20, v19;
	v49 =	vsel vm0, v19, v17;
	v0 =	vsel vm3, $0xE80, v0  }
0x2d: {  	v17 =	vsel vm14, $0x4800, v48;
	v20 =	vimm.s32 $0x4800;
	v0 =	vsel vm1, $0xF00, v0  }
0x2e: {  	v48 =	vlaneseq.u32;
	v10 =	vsel vm12, $0x3F00, v10;
	[tilespmem:$0x1F7D0] =	vst v0;
	v0 =	vsel vm14, $0x80, v1  }
0x2f: {  	v11 =	vsel vm12, $0x3F80, v11;
	v1 =	vimm.s32 $0x80;
	v0 =	vsel vm15, $0x100, v0  }
0x30: {  	v9 =	vsel vm10, $0x3F00, v9;
	v1 =	vsel vm14, $0x100, v1;
	v0 =	vsel vm13, $0x180, v0  }
0x31: {  	v14 =	vsel vm8, $0x3200, v14;
	v1 =	vsel vm15, $0x180, v1;
	v0 =	vsel vm11, $0x200, v0  }
0x32: {  	v2 =	vsel vm5, $0xE00, v2;
	v1 =	vsel vm13, $0x200, v1;
	v0 =	vsel vm12, $0x280, v0  }
0x33: {  	v54 =	vcombine.low v24, v23;
	v1 =	vsel vm11, $0x280, v1;
	v0 =	vsel vm10, $0x300, v0  }
0x34: {  	v62 =	vcombine.low v23, v24;
	v1 =	vsel vm12, $0x300, v1;
	v0 =	vsel vm8, $0x380, v0  }
0x35: {  	v17 =	vsel vm15, $0x4880, v17;
	v1 =	vsel vm10, $0x380, v1;
	v0 =	vsel vm9, $0xC00, v0  }
0x36: {  	v20 =	vsel vm14, $0x4880, v20;
	v1 =	vsel vm8, $0xC00, v1;
	v0 =	vsel vm7, $0xC80, v0  }
0x37: {  	v23 =	vimm.s32 $0x4980;
	v1 =	vsel vm9, $0xC80, v1;
	v0 =	vsel vm5, $0xD00, v0  }
0x38: {  	v24 =	vimm.s32 $0x4A00;
	v1 =	vsel vm7, $0xD00, v1;
	v0 =	vsel vm6, $0xD80, v0  }
0x39: {  	v48 =	vshrl.u32 v48, $0x1;
	v1 =	vsel vm5, $0xD80, v1;
	v0 =	vsel vm4, $0xE00, v0  }
0x3a: {  	v10 =	vsel vm10, $0x3F80, v10;
	v1 =	vsel vm6, $0xE00, v1;
	v0 =	vsel vm2, $0xE80, v0  }
0x3b: {  	v11 =	vsel vm10, $0x3000, v11;
	v1 =	vsel vm4, $0xE80, v1;
	v0 =	vsel vm3, $0xF00, v0  }
0x3c: {  	v2 =	vsel vm6, $0xE80, v2;
	v1 =	vsel vm2, $0xF00, v1;
	v0 =	vsel vm1, $0xF80, v0  }
0x3d: {  	v9 =	vsel vm8, $0x3F80, v9;
	v2 =	vsel vm4, $0xF00, v2;
	[tilespmem:$0x1F7E0] =	vst v0;
	v0 =	vsel vm3, $0xF80, v1  }
0x3e: {  	v14 =	vsel vm9, $0x3280, v14;
	v1 =	vsel vm2, $0xF80, v2;
	v0 =	vsel vm1, $0x0, v0  }
0x3f: {  	v20 =	vsel vm15, $0x4900, v20;
	v23 =	vsel vm14, $0x4A00, v23;
	[tilespmem:$0x1F7F0] =	vst v0;
	v0 =	vsel vm3, $0x0, v1  }
0x40: {  	v24 =	vsel vm14, $0x4A80, v24;
	v1 =	vimm.s32 $0x180;
	v0 =	vsel vm1, $0x80, v0  }
0x41: {  	v48 =	vmul.u32 $0x80, v48;
	v9 =	vsel vm9, $0x3000, v9;
	[tilespmem:$0x1F800] =	vst v0;
	v0 =	vsel vm14, $0x200, v1  }
0x42: {  	v10 =	vsel vm8, $0x3000, v10;
	v1 =	vimm.s32 $0x200;
	v0 =	vsel vm15, $0x280, v0  }
0x43: {  	v11 =	vsel vm8, $0x3080, v11;
	v1 =	vsel vm14, $0x280, v1;
	v0 =	vsel vm13, $0x300, v0  }
0x44: {  	v2 =	vimm.s32 $0x280;
	v1 =	vsel vm15, $0x300, v1;
	v0 =	vsel vm11, $0x380, v0  }
0x45: {  	v2 =	vsel vm14, $0x300, v2;
	v1 =	vsel vm13, $0x380, v1;
	v0 =	vsel vm12, $0xC00, v0  }
0x46: {  	v2 =	vsel vm15, $0x380, v2;
	v1 =	vsel vm11, $0xC00, v1;
	v0 =	vsel vm10, $0xC80, v0  }
0x47: {  	v2 =	vsel vm13, $0xC00, v2;
	v1 =	vsel vm12, $0xC80, v1;
	v0 =	vsel vm8, $0xD00, v0  }
0x48: {  	v2 =	vsel vm11, $0xC80, v2;
	v1 =	vsel vm10, $0xD00, v1;
	v0 =	vsel vm9, $0xD80, v0  }
0x49: {  	v2 =	vsel vm12, $0xD00, v2;
	v1 =	vsel vm8, $0xD80, v1;
	v0 =	vsel vm7, $0xE00, v0  }
0x4a: {  	v2 =	vsel vm10, $0xD80, v2;
	v1 =	vsel vm9, $0xE00, v1;
	v0 =	vsel vm5, $0xE80, v0  }
0x4b: {  	v2 =	vsel vm8, $0xE00, v2;
	v1 =	vsel vm7, $0xE80, v1;
	v0 =	vsel vm6, $0xF00, v0  }
0x4c: {  	v2 =	vsel vm9, $0xE80, v2;
	v1 =	vsel vm5, $0xF00, v1;
	v0 =	vsel vm4, $0xF80, v0  }
0x4d: {  	v2 =	vsel vm7, $0xF00, v2;
	v1 =	vsel vm6, $0xF80, v1;
	v0 =	vsel vm2, $0x0, v0  }
0x4e: {  	v2 =	vsel vm5, $0xF80, v2;
	v1 =	vsel vm4, $0x0, v1;
	v0 =	vsel vm3, $0x80, v0  }
0x4f: {  	v2 =	vsel vm6, $0x0, v2;
	v1 =	vsel vm2, $0x80, v1;
	v0 =	vsel vm1, $0x100, v0  }
0x50: {  	v14 =	vsel vm7, $0x3300, v14;
	v2 =	vsel vm4, $0x80, v2;
	[tilespmem:$0x1F810] =	vst v0;
	v0 =	vsel vm3, $0x100, v1  }
0x51: {  	v23 =	vsel vm15, $0x4A80, v23;
	v1 =	vsel vm2, $0x100, v2;
	v0 =	vsel vm1, $0x180, v0  }
0x52: {  	v24 =	vsel vm15, $0x4B00, v24;
	v10 =	vsel vm9, $0x3080, v10;
	[tilespmem:$0x1F820] =	vst v0;
	v0 =	vsel vm3, $0x180, v1  }
0x53: {  	v11 =	vsel vm9, $0x3100, v11;
	v1 =	vimm.s32 $0x300;
	v0 =	vsel vm1, $0x200, v0  }
0x54: {  	v9 =	vsel vm7, $0x3080, v9;
	v14 =	vsel vm5, $0x3380, v14;
	[tilespmem:$0x1F830] =	vst v0;
	v0 =	vsel vm14, $0x380, v1  }
0x55: {  	v10 =	vsel vm7, $0x3100, v10;
	v1 =	vimm.s32 $0x380;
	v0 =	vsel vm15, $0xC00, v0  }
0x56: {  	v11 =	vsel vm7, $0x3180, v11;
	v1 =	vsel vm14, $0xC00, v1;
	v0 =	vsel vm13, $0xC80, v0  }
0x57: {  	v2 =	vimm.s32 $0xC00;
	v1 =	vsel vm15, $0xC80, v1;
	v0 =	vsel vm11, $0xD00, v0  }
0x58: {  	v2 =	vsel vm14, $0xC80, v2;
	v1 =	vsel vm13, $0xD00, v1;
	v0 =	vsel vm12, $0xD80, v0  }
0x59: {  	v2 =	vsel vm15, $0xD00, v2;
	v1 =	vsel vm11, $0xD80, v1;
	v0 =	vsel vm10, $0xE00, v0  }
0x5a: {  	v2 =	vsel vm13, $0xD80, v2;
	v1 =	vsel vm12, $0xE00, v1;
	v0 =	vsel vm8, $0xE80, v0  }
0x5b: {  	v2 =	vsel vm11, $0xE00, v2;
	v1 =	vsel vm10, $0xE80, v1;
	v0 =	vsel vm9, $0xF00, v0  }
0x5c: {  	v2 =	vsel vm12, $0xE80, v2;
	v1 =	vsel vm8, $0xF00, v1;
	v0 =	vsel vm7, $0xF80, v0  }
0x5d: {  	v2 =	vsel vm10, $0xF00, v2;
	v1 =	vsel vm9, $0xF80, v1;
	v0 =	vsel vm5, $0x0, v0  }
0x5e: {  	v2 =	vsel vm8, $0xF80, v2;
	v1 =	vsel vm7, $0x0, v1;
	v0 =	vsel vm6, $0x80, v0  }
0x5f: {  	v2 =	vsel vm9, $0x0, v2;
	v1 =	vsel vm5, $0x80, v1;
	v0 =	vsel vm4, $0x100, v0  }
0x60: {  	v2 =	vsel vm7, $0x80, v2;
	v1 =	vsel vm6, $0x100, v1;
	v0 =	vsel vm2, $0x180, v0  }
0x61: {  	v2 =	vsel vm5, $0x100, v2;
	v1 =	vsel vm4, $0x180, v1;
	v0 =	vsel vm3, $0x200, v0  }
0x62: {  	v2 =	vsel vm6, $0x180, v2;
	v1 =	vsel vm2, $0x200, v1;
	v0 =	vsel vm1, $0x280, v0  }
0x63: {  	v9 =	vsel vm5, $0x3100, v9;
	v2 =	vsel vm4, $0x200, v2;
	[tilespmem:$0x1F840] =	vst v0;
	v0 =	vsel vm3, $0x280, v1  }
0x64: {  	v14 =	vsel vm6, $0x3C00, v14;
	v1 =	vsel vm2, $0x280, v2;
	v0 =	vsel vm1, $0x300, v0  }
0x65: {  	v9 =	vsel vm6, $0x3180, v9;
	v10 =	vsel vm5, $0x3180, v10;
	[tilespmem:$0x1FBD0] =	vst v0;
	v0 =	vsel vm3, $0x300, v1  }
0x66: {  	v11 =	vsel vm5, $0x3200, v11;
	v1 =	vimm.s32 $0xC80;
	v0 =	vsel vm1, $0x380, v0  }
0x67: {  	v14 =	vsel vm4, $0x3C80, v14;
	v10 =	vsel vm6, $0x3200, v10;
	[tilespmem:$0x1FBF0] =	vst v0;
	v0 =	vsel vm14, $0xD00, v1  }
0x68: {  	v11 =	vsel vm6, $0x3280, v11;
	v1 =	vimm.s32 $0xD00;
	v0 =	vsel vm15, $0xD80, v0  }
0x69: {  	v9 =	vsel vm4, $0x3200, v9;
	v1 =	vsel vm14, $0xD80, v1;
	v0 =	vsel vm13, $0xE00, v0  }
0x6a: {  	v2 =	vimm.s32 $0xD80;
	v1 =	vsel vm15, $0xE00, v1;
	v0 =	vsel vm11, $0xE80, v0  }
0x6b: {  	v2 =	vsel vm14, $0xE00, v2;
	v1 =	vsel vm13, $0xE80, v1;
	v0 =	vsel vm12, $0xF00, v0  }
0x6c: {  	v2 =	vsel vm15, $0xE80, v2;
	v1 =	vsel vm11, $0xF00, v1;
	v0 =	vsel vm10, $0xF80, v0  }
0x6d: {  	v2 =	vsel vm13, $0xF00, v2;
	v1 =	vsel vm12, $0xF80, v1;
	v0 =	vsel vm8, $0x0, v0  }
0x6e: {  	v2 =	vsel vm11, $0xF80, v2;
	v1 =	vsel vm10, $0x0, v1;
	v0 =	vsel vm9, $0x80, v0  }
0x6f: {  	v2 =	vsel vm12, $0x0, v2;
	v1 =	vsel vm8, $0x80, v1;
	v0 =	vsel vm7, $0x100, v0  }
0x70: {  	v2 =	vsel vm10, $0x80, v2;
	v1 =	vsel vm9, $0x100, v1;
	v0 =	vsel vm5, $0x180, v0  }
0x71: {  	v2 =	vsel vm8, $0x100, v2;
	v1 =	vsel vm7, $0x180, v1;
	v0 =	vsel vm6, $0x200, v0  }
0x72: {  	v2 =	vsel vm9, $0x180, v2;
	v1 =	vsel vm5, $0x200, v1;
	v0 =	vsel vm4, $0x280, v0  }
0x73: {  	v2 =	vsel vm7, $0x200, v2;
	v1 =	vsel vm6, $0x280, v1;
	v0 =	vsel vm2, $0x300, v0  }
0x74: {  	v2 =	vsel vm5, $0x280, v2;
	v1 =	vsel vm4, $0x300, v1;
	v0 =	vsel vm3, $0x380, v0  }
0x75: {  	v2 =	vsel vm6, $0x300, v2;
	v1 =	vsel vm2, $0x380, v1;
	v0 =	vsel vm1, $0xC00, v0  }
0x76: {  	v14 =	vsel vm2, $0x3D00, v14;
	v2 =	vsel vm4, $0x380, v2;
	[tilespmem:$0x1F850] =	vst v0;
	v0 =	vsel vm3, $0xC00, v1  }
0x77: {  	v10 =	vsel vm4, $0x3280, v10;
	v1 =	vsel vm2, $0xC00, v2;
	v0 =	vsel vm1, $0xC80, v0  }
0x78: {  	v11 =	vsel vm4, $0x3300, v11;
	v9 =	vsel vm2, $0x3280, v9;
	[tilespmem:$0x1FC20] =	vst v0;
	v0 =	vsel vm3, $0xC80, v1  }
0x79: {  	v14 =	vsel vm3, $0x3D80, v14;
	v1 =	vimm.s32 $0xE00;
	v0 =	vsel vm1, $0xD00, v0  }
0x7a: {  	v9 =	vsel vm3, $0x3300, v9;
	v10 =	vsel vm2, $0x3300, v10;
	[tilespmem:$0x1F860] =	vst v0;
	v0 =	vsel vm14, $0xE80, v1  }
0x7b: {  	v11 =	vsel vm2, $0x3380, v11;
	v1 =	vimm.s32 $0xE80;
	v0 =	vsel vm15, $0xF00, v0  }
0x7c: {  	v2 =	vimm.s32 $0xF00;
	v1 =	vsel vm14, $0xF00, v1;
	v0 =	vsel vm13, $0xF80, v0  }
0x7d: {  	v2 =	vsel vm14, $0xF80, v2;
	v1 =	vsel vm15, $0xF80, v1;
	v0 =	vsel vm11, $0x0, v0  }
0x7e: {  	v2 =	vsel vm15, $0x0, v2;
	v1 =	vsel vm13, $0x0, v1;
	v0 =	vsel vm12, $0x80, v0  }
0x7f: {  	v2 =	vsel vm13, $0x80, v2;
	v1 =	vsel vm11, $0x80, v1;
	v0 =	vsel vm10, $0x100, v0  }
0x80: {  	v2 =	vsel vm11, $0x100, v2;
	v1 =	vsel vm12, $0x100, v1;
	v0 =	vsel vm8, $0x180, v0  }
0x81: {  	v2 =	vsel vm12, $0x180, v2;
	v1 =	vsel vm10, $0x180, v1;
	v0 =	vsel vm9, $0x200, v0  }
0x82: {  	v2 =	vsel vm10, $0x200, v2;
	v1 =	vsel vm8, $0x200, v1;
	v0 =	vsel vm7, $0x280, v0  }
0x83: {  	v2 =	vsel vm8, $0x280, v2;
	v1 =	vsel vm9, $0x280, v1;
	v0 =	vsel vm5, $0x300, v0  }
0x84: {  	v2 =	vsel vm9, $0x300, v2;
	v1 =	vsel vm7, $0x300, v1;
	v0 =	vsel vm6, $0x380, v0  }
0x85: {  	v2 =	vsel vm7, $0x380, v2;
	v1 =	vsel vm5, $0x380, v1;
	v0 =	vsel vm4, $0xC00, v0  }
0x86: {  	v2 =	vsel vm5, $0xC00, v2;
	v1 =	vsel vm6, $0xC00, v1;
	v0 =	vsel vm2, $0xC80, v0  }
0x87: {  	v2 =	vsel vm6, $0xC80, v2;
	v1 =	vsel vm4, $0xC80, v1;
	v0 =	vsel vm3, $0xD00, v0  }
0x88: {  	v2 =	vsel vm4, $0xD00, v2;
	v1 =	vsel vm2, $0xD00, v1;
	v0 =	vsel vm1, $0xD80, v0  }
0x89: {  	[tilespmem:$0x1F870] =	vst v0;
	v0 =	vsel vm3, $0xD80, v1;
	v1 =	vsel vm2, $0xD80, v2;
	v2 =	vimm.s32 $0x4B0A4908  }
0x8a: {  	v10 =	vsel vm3, $0x3380, v10;
	v1 =	vsel vm3, $0xE00, v1;
	v2 =	vunpack.c.0.s8.s32 v2  }
0x8b: {  	v11 =	vsel vm3, $0x3C00, v11;
	v59 =	vsel vm1, $0xE00, v0;
	v0 =	vsel vm1, $0xE80, v1  }
0x8c: {  	v1 =	vsel vm0, v5, v4;
	[tilespmem:$0x1F880] =	vst v0;
	v0 =	vsel vm0, v3, v2;
	v3 =	vsel vm0, v4, v3  }
0x8d: {  	v2 =	vsel vm0, v2, v5;
	v4 =	vsel vm10, $0x1A80, v18;
	v5 =	vsel vm0, v8, v7  }
0x8e: {  	v7 =	vsel vm14, $0x3380, v30;
	v8 =	vimm.s32 $0x3380;
	v30 =	vimm.s32 $0x5500  }
0x8f: {  	v12 =	vcombine.low v1, v0;
	v4 =	vsel vm8, $0x1B00, v4;
	v57 =	vcombine.low v2, v3  }
0x90: {  	v52 =	vcombine.low v6, v5;
	v0 =	vcombine.low v0, v1;
	v7 =	vsel vm15, $0x3C00, v7  }
0x91: {  	v8 =	vsel vm14, $0x3C00, v8;
	v30 =	vsel vm14, $0x5580, v30;
	v4 =	vsel vm9, $0x1B80, v4  }
0x92: {  	v8 =	vsel vm15, $0x3C80, v8;
	v30 =	vsel vm15, $0x5600, v30;
	v7 =	vsel vm13, $0x3C80, v7  }
0x93: {  	[tilespmem:$0x1F890] =	vst v12;
	v12 =	vunpack.c.0.s8.s32 v28;
	v4 =	vsel vm7, $0x2400, v4;
	v28 =	vimm.s32 $0x5400  }
0x94: {  	v8 =	vsel vm13, $0x3D00, v8;
	v7 =	vsel vm11, $0x3D00, v7;
	v4 =	vsel vm5, $0x2480, v4  }
0x95: {  	v28 =	vsel vm14, $0x5480, v28;
	v7 =	vsel vm12, $0x3D80, v7;
	v8 =	vsel vm11, $0x3D80, v8  }
0x96: {  	[tilespmem:$0x1F8B0] =	vst v0;
	v21 =	vsel vm0, v13, v12;
	v51 =	vsel vm0, v12, v15;
	v0 =	vsel vm6, $0x2500, v4  }
0x97: {  	v4 =	vimm.s32 $0x3180;
	v12 =	vsel vm14, $0x3E00, v31;
	v13 =	vsel vm14, $0x3E80, v32  }
0x98: {  	v28 =	vsel vm15, $0x5500, v28;
	v31 =	vimm.s32 $0x5580;
	v32 =	vimm.s32 $0x5600  }
0x99: {  	v8 =	vsel vm12, $0x3E00, v8;
	v7 =	vsel vm10, $0x3E00, v7;
	v58 =	vcombine.low v22, v21  }
0x9a: {  	v1 =	vcombine.low v21, v22;
	v0 =	vsel vm4, $0x2580, v0;
	v4 =	vsel vm14, $0x3200, v4  }
0x9b: {  	v12 =	vsel vm15, $0x3E80, v12;
	v13 =	vsel vm15, $0x3F00, v13;
	v21 =	vimm.s32 $0x4880  }
0x9c: {  	v22 =	vimm.s32 $0x4900;
	v31 =	vsel vm14, $0x5600, v31;
	v32 =	vsel vm14, $0x5680, v32  }
0x9d: {  	v8 =	vsel vm10, $0x3E80, v8;
	v7 =	vsel vm8, $0x3E80, v7;
	v0 =	vsel vm2, $0x2600, v0  }
0x9e: {  	v4 =	vsel vm15, $0x3280, v4;
	v21 =	vsel vm14, $0x4900, v21;
	v22 =	vsel vm14, $0x4980, v22  }
0x9f: {  	v31 =	vsel vm15, $0x5680, v31;
	v32 =	vsel vm15, $0x5700, v32;
	v12 =	vsel vm13, $0x3F00, v12  }
0xa0: {  	v13 =	vsel vm13, $0x3F80, v13;
	v7 =	vsel vm9, $0x3F00, v7;
	v8 =	vsel vm8, $0x3F00, v8  }
0xa1: {  	[tilespmem:$0x1F8C0] =	vst v1;
	v1 =	vcombine.low v3, v2;
	v44 =	vsel vm3, $0x2680, v0;
	v0 =	vimm.s32 $0x1800  }
0xa2: {  	v2 =	vimm.s32 $0x1900;
	v3 =	vimm.s32 $0x3080;
	v21 =	vsel vm15, $0x4980, v21  }
0xa3: {  	v22 =	vsel vm15, $0x4A00, v22;
	v4 =	vsel vm13, $0x3300, v4;
	v12 =	vsel vm11, $0x3F80, v12  }
0xa4: {  	v13 =	vsel vm11, $0x3000, v13;
	v8 =	vsel vm9, $0x3F80, v8;
	v7 =	vsel vm7, $0x3F80, v7  }
0xa5: {  	v0 =	vsel vm14, $0x1880, v0;
	v44 =	vsel vm1, $0x2700, v44;
	v4 =	vsel vm11, $0x3380, v4  }
0xa6: {  	v12 =	vsel vm12, $0x3000, v12;
	v13 =	vsel vm12, $0x3080, v13;
	v8 =	vsel vm7, $0x3000, v8  }
0xa7: {  	v7 =	vsel vm5, $0x3000, v7;
	[tilespmem:$0x1F8D0] =	vst v1;
	v1 =	vcombine.low v5, v6;
	v46 =	vsel vm15, $0x1900, v0  }
0xa8: {  	v0 =	vsel vm14, $0x1980, v2;
	v2 =	vimm.s32 $0x1A80;
	v5 =	vimm.s32 $0x3200  }
0xa9: {  	v6 =	vsel vm14, $0x3300, v29;
	v29 =	vimm.s32 $0x5480;
	v4 =	vsel vm12, $0x3C00, v4  }
0xaa: {  	v12 =	vsel vm10, $0x3080, v12;
	v13 =	vsel vm10, $0x3100, v13;
	v7 =	vsel vm6, $0x3080, v7  }
0xab: {  	v8 =	vsel vm5, $0x3080, v8;
	v47 =	vsel vm15, $0x1A00, v0;
	v0 =	vimm.s32 $0x1980  }
0xac: {  	v5 =	vsel vm14, $0x3280, v5;
	v6 =	vsel vm15, $0x3380, v6;
	v29 =	vsel vm14, $0x5500, v29  }
0xad: {  	v53 =	vsel vm13, $0x1980, v46;
	v4 =	vsel vm10, $0x3C80, v4;
	v12 =	vsel vm8, $0x3100, v12  }
0xae: {  	v13 =	vsel vm8, $0x3180, v13;
	v8 =	vsel vm6, $0x3100, v8;
	v7 =	vsel vm4, $0x3100, v7  }
0xaf: {  	[tilespmem:$0x1F8E0] =	vst v1;
	v1 =	vimm.s32 $0x1880;
	v0 =	vsel vm14, $0x1A00, v0;
	v5 =	vsel vm15, $0x3300, v5  }
0xb0: {  	[tilespmem:$0x1F900] =	vst v44;
	v29 =	vsel vm15, $0x5580, v29;
	v44 =	vsel vm11, $0x1A00, v53;
	v55 =	vsel vm13, $0x1A80, v47  }
0xb1: {  	v6 =	vsel vm13, $0x3C00, v6;
	v47 =	vsel vm13, $0x4980, v20;
	v20 =	vsel vm13, $0x4B00, v23  }
0xb2: {  	v23 =	vsel vm13, $0x5480, v26;
	v4 =	vsel vm8, $0x3D00, v4;
	v12 =	vsel vm9, $0x3180, v12  }
0xb3: {  	v13 =	vsel vm9, $0x3200, v13;
	v8 =	vsel vm4, $0x3180, v8;
	v7 =	vsel vm2, $0x3180, v7  }
0xb4: {  	v1 =	vsel vm14, $0x1900, v1;
	v42 =	vsel vm15, $0x1A80, v0;
	v0 =	vsel vm14, $0x1B00, v2  }
0xb5: {  	v2 =	vimm.s32 $0x2400;
	v44 =	vsel vm12, $0x1A80, v44;
	v46 =	vsel vm11, $0x1B00, v55  }
0xb6: {  	v5 =	vsel vm13, $0x3380, v5;
	v26 =	vsel vm13, $0x5600, v29;
	v6 =	vsel vm11, $0x3C80, v6  }
0xb7: {  	v20 =	vsel vm11, $0x4B80, v20;
	v23 =	vsel vm11, $0x5500, v23;
	v4 =	vsel vm9, $0x3D80, v4  }
0xb8: {  	v12 =	vsel vm7, $0x3200, v12;
	v13 =	vsel vm7, $0x3280, v13;
	v7 =	vsel vm3, $0x3200, v7  }
0xb9: {  	v8 =	vsel vm2, $0x3200, v8;
	v45 =	vsel vm15, $0x1980, v1;
	v1 =	vimm.s32 $0x1A00  }
0xba: {  	v43 =	vsel vm15, $0x1B80, v0;
	v0 =	vimm.s32 $0x1B00;
	v44 =	vsel vm10, $0x1B00, v44  }
0xbb: {  	v46 =	vsel vm12, $0x1B80, v46;
	v42 =	vsel vm13, $0x1B00, v42;
	v5 =	vsel vm11, $0x3C00, v5  }
0xbc: {  	v6 =	vsel vm12, $0x3D00, v6;
	v20 =	vsel vm12, $0x5400, v20;
	v23 =	vsel vm12, $0x5580, v23  }
0xbd: {  	v26 =	vsel vm11, $0x5680, v26;
	v4 =	vsel vm7, $0x3E00, v4;
	v12 =	vsel vm5, $0x3280, v12  }
0xbe: {  	v13 =	vsel vm5, $0x3300, v13;
	v8 =	vsel vm3, $0x3280, v8;
	v1 =	vsel vm14, $0x1A80, v1  }
0xbf: {  	v0 =	vsel vm14, $0x1B80, v0;
	v45 =	vsel vm13, $0x1A00, v45;
	v44 =	vsel vm8, $0x1B80, v44  }
0xc0: {  	v46 =	vsel vm10, $0x2400, v46;
	v42 =	vsel vm11, $0x1B80, v42;
	v43 =	vsel vm13, $0x2400, v43  }
0xc1: {  	v5 =	vsel vm12, $0x3C80, v5;
	v26 =	vsel vm12, $0x5700, v26;
	v6 =	vsel vm10, $0x3D80, v6  }
0xc2: {  	v20 =	vsel vm10, $0x5480, v20;
	v23 =	vsel vm10, $0x5600, v23;
	v4 =	vsel vm5, $0x3E80, v4  }
0xc3: {  	v12 =	vsel vm6, $0x3300, v12;
	v13 =	vsel vm6, $0x3380, v13;
	v41 =	vsel vm15, $0x1B00, v1  }
0xc4: {  	v1 =	vimm.s32 $0x1B80;
	v39 =	vsel vm15, $0x2400, v0;
	v0 =	vsel vm14, $0x2480, v2  }
0xc5: {  	v2 =	vimm.s32 $0x2580;
	v45 =	vsel vm11, $0x1A80, v45;
	v44 =	vsel vm9, $0x2400, v44  }
0xc6: {  	v46 =	vsel vm8, $0x2480, v46;
	v42 =	vsel vm12, $0x2400, v42;
	v43 =	vsel vm11, $0x2480, v43  }
0xc7: {  	v5 =	vsel vm10, $0x3D00, v5;
	v26 =	vsel vm10, $0x5780, v26;
	v6 =	vsel vm8, $0x3E00, v6  }
0xc8: {  	v20 =	vsel vm8, $0x5500, v20;
	v23 =	vsel vm8, $0x5680, v23;
	v4 =	vsel vm6, $0x3F00, v4  }
0xc9: {  	v12 =	vsel vm4, $0x3380, v12;
	v13 =	vsel vm4, $0x3C00, v13;
	v1 =	vsel vm14, $0x2400, v1  }
0xca: {  	v40 =	vsel vm15, $0x2500, v0;
	v0 =	vimm.s32 $0x2480;
	v45 =	vsel vm12, $0x1B00, v45  }
0xcb: {  	v44 =	vsel vm7, $0x2480, v44;
	v46 =	vsel vm9, $0x2500, v46;
	v41 =	vsel vm13, $0x1B80, v41  }
0xcc: {  	v42 =	vsel vm10, $0x2480, v42;
	v43 =	vsel vm12, $0x2500, v43;
	v39 =	vsel vm13, $0x2480, v39  }
0xcd: {  	v5 =	vsel vm8, $0x3D80, v5;
	v6 =	vsel vm9, $0x3E80, v6;
	v20 =	vsel vm9, $0x5580, v20  }
0xce: {  	v23 =	vsel vm9, $0x5700, v23;
	v26 =	vsel vm8, $0x4800, v26;
	v4 =	vsel vm4, $0x3F80, v4  }
0xcf: {  	v12 =	vsel vm2, $0x3C00, v12;
	v13 =	vsel vm2, $0x3C80, v13;
	v38 =	vsel vm15, $0x2480, v1  }
0xd0: {  	v1 =	vimm.s32 $0x2500;
	v0 =	vsel vm14, $0x2500, v0;
	v45 =	vsel vm10, $0x1B80, v45  }
0xd1: {  	v44 =	vsel vm5, $0x2500, v44;
	v46 =	vsel vm7, $0x2580, v46;
	v41 =	vsel vm11, $0x2400, v41  }
0xd2: {  	v42 =	vsel vm8, $0x2500, v42;
	v43 =	vsel vm10, $0x2580, v43;
	v39 =	vsel vm11, $0x2500, v39  }
0xd3: {  	v40 =	vsel vm13, $0x2580, v40;
	v5 =	vsel vm9, $0x3E00, v5;
	v26 =	vsel vm9, $0x4880, v26  }
0xd4: {  	v6 =	vsel vm7, $0x3F00, v6;
	v20 =	vsel vm7, $0x5600, v20;
	v23 =	vsel vm7, $0x5780, v23  }
0xd5: {  	v4 =	vsel vm2, $0x3000, v4;
	v12 =	vsel vm3, $0x3C80, v12;
	v13 =	vsel vm3, $0x3D00, v13  }
0xd6: {  	v1 =	vsel vm14, $0x2580, v1;
	v36 =	vsel vm15, $0x2580, v0;
	v0 =	vsel vm14, $0x2600, v2  }
0xd7: {  	v2 =	vimm.s32 $0x2700;
	v45 =	vsel vm8, $0x2400, v45;
	v44 =	vsel vm6, $0x2580, v44  }
0xd8: {  	v46 =	vsel vm5, $0x2600, v46;
	v43 =	vsel vm8, $0x2600, v43;
	v40 =	vsel vm11, $0x2600, v40  }
0xd9: {  	v5 =	vsel vm7, $0x3E80, v5;
	v26 =	vsel vm7, $0x4900, v26;
	v6 =	vsel vm5, $0x3F80, v6  }
0xda: {  	v20 =	vsel vm5, $0x5680, v20;
	v23 =	vsel vm5, $0x4800, v23;
	v4 =	vsel vm3, $0x3080, v4  }
0xdb: {  	v33 =	vsel vm15, $0x2600, v1;
	v37 =	vsel vm15, $0x2680, v0;
	v0 =	vimm.s32 $0x2600  }
0xdc: {  	v1 =	vimm.s32 $0x2680;
	v45 =	vsel vm9, $0x2480, v45;
	v44 =	vsel vm4, $0x2600, v44  }
0xdd: {  	v46 =	vsel vm6, $0x2680, v46;
	v43 =	vsel vm9, $0x2680, v43;
	v40 =	vsel vm12, $0x2680, v40  }
0xde: {  	v5 =	vsel vm5, $0x3F00, v5;
	v6 =	vsel vm6, $0x3000, v6;
	v20 =	vsel vm6, $0x5700, v20  }
0xdf: {  	v23 =	vsel vm6, $0x4880, v23;
	v26 =	vsel vm5, $0x4980, v26;
	v0 =	vsel vm14, $0x2680, v0  }
0xe0: {  	v1 =	vsel vm14, $0x2700, v1;
	v45 =	vsel vm7, $0x2500, v45;
	v44 =	vsel vm2, $0x2680, v44  }
0xe1: {  	v46 =	vsel vm4, $0x2700, v46;
	v43 =	vsel vm7, $0x2700, v43;
	v40 =	vsel vm10, $0x2700, v40  }
0xe2: {  	v5 =	vsel vm6, $0x3F80, v5;
	v26 =	vsel vm6, $0x4A00, v26;
	v6 =	vsel vm4, $0x3080, v6  }
0xe3: {  	v20 =	vsel vm4, $0x5780, v20;
	v23 =	vsel vm4, $0x4900, v23;
	v18 =	vsel vm15, $0x2700, v0  }
0xe4: {  	v15 =	vsel vm15, $0x2780, v1;
	v0 =	vsel vm14, $0x2780, v2;
	v1 =	vimm.s32 $0x3000  }
0xe5: {  	v45 =	vsel vm5, $0x2580, v45;
	v44 =	vsel vm3, $0x2700, v44;
	v46 =	vsel vm2, $0x2780, v46  }
0xe6: {  	v43 =	vsel vm5, $0x2780, v43;
	v40 =	vsel vm8, $0x2780, v40;
	v5 =	vsel vm4, $0x3000, v5  }
0xe7: {  	v26 =	vsel vm4, $0x4A80, v26;
	v6 =	vsel vm2, $0x3100, v6;
	v20 =	vsel vm2, $0x4800, v20  }
0xe8: {  	v23 =	vsel vm2, $0x4980, v23;
	v19 =	vsel vm15, $0x1800, v0;
	v0 =	vimm.s32 $0x3F80  }
0xe9: {  	v2 =	vsel vm14, $0x3080, v1;
	v45 =	vsel vm6, $0x2600, v45;
	v44 =	vsel vm1, $0x2780, v44  }
0xea: {  	v63 =	vsel vm3, $0x1800, v46;
	v43 =	vsel vm6, $0x1800, v43;
	v40 =	vsel vm9, $0x1800, v40  }
0xeb: {  	v18 =	vsel vm13, $0x2780, v18;
	v15 =	vsel vm13, $0x1800, v15;
	v46 =	vsel vm13, $0x4900, v17  }
0xec: {  	v17 =	vsel vm11, $0x4A00, v47;
	v5 =	vsel vm2, $0x3080, v5;
	v6 =	vsel vm3, $0x3180, v6  }
0xed: {  	v20 =	vsel vm3, $0x4880, v20;
	v23 =	vsel vm3, $0x4A00, v23;
	v26 =	vsel vm2, $0x4B00, v26  }
0xee: {  	[tilespmem:$0x1F8F0] =	vst v48;
	v0 =	vsel vm14, $0x3000, v0;
	v45 =	vsel vm4, $0x2680, v45;
	v48 =	vsel vm1, $0x1880, v63  }
0xef: {  	v43 =	vsel vm4, $0x1880, v43;
	v40 =	vsel vm7, $0x1880, v40;
	v18 =	vsel vm11, $0x1800, v18  }
0xf0: {  	v19 =	vsel vm13, $0x1880, v19;
	v15 =	vsel vm11, $0x1880, v15;
	v17 =	vsel vm12, $0x4A80, v17  }
0xf1: {  	v5 =	vsel vm3, $0x3100, v5;
	v26 =	vsel vm3, $0x4B80, v26;
	v1 =	vsel vm15, $0x3080, v0  }
0xf2: {  	v0 =	vsel vm15, $0x3100, v2;
	v2 =	vsel vm14, $0x3100, v3;
	v3 =	vimm.s32 $0x3100  }
0xf3: {  	v45 =	vsel vm2, $0x2700, v45;
	v43 =	vsel vm2, $0x1900, v43;
	v40 =	vsel vm5, $0x1900, v40  }
0xf4: {  	v18 =	vsel vm12, $0x1880, v18;
	v19 =	vsel vm11, $0x1900, v19;
	v15 =	vsel vm12, $0x1900, v15  }
0xf5: {  	[tilespmem:$0x1F930] =	vst v48;
	v48 =	vsel vm13, $0x4A00, v21;
	v21 =	vsel vm13, $0x4B80, v24;
	v24 =	vsel vm13, $0x5500, v27  }
0xf6: {  	v27 =	vsel vm13, $0x5680, v30;
	v17 =	vsel vm10, $0x4B00, v17;
	v2 =	vsel vm15, $0x3180, v2  }
0xf7: {  	v3 =	vsel vm14, $0x3180, v3;
	v56 =	vsel vm3, $0x2780, v45;
	v53 =	vsel vm3, $0x1980, v43  }
0xf8: {  	v40 =	vsel vm6, $0x1980, v40;
	v18 =	vsel vm10, $0x1900, v18;
	v19 =	vsel vm12, $0x1980, v19  }
0xf9: {  	v15 =	vsel vm10, $0x1980, v15;
	v1 =	vsel vm13, $0x3100, v1;
	v0 =	vsel vm13, $0x3180, v0  }
0xfa: {  	v45 =	vsel vm13, $0x3080, v16;
	v16 =	vsel vm11, $0x4980, v46;
	v21 =	vsel vm11, $0x5400, v21  }
0xfb: {  	v24 =	vsel vm11, $0x5580, v24;
	v27 =	vsel vm11, $0x5700, v27;
	v17 =	vsel vm8, $0x4B80, v17  }
0xfc: {  	[tilespmem:$0x1F910] =	vst v44;
	v3 =	vsel vm15, $0x3200, v3;
	v44 =	vsel vm1, $0x1800, v56;
	v55 =	vsel vm1, $0x1A00, v53  }
0xfd: {  	v40 =	vsel vm4, $0x1A00, v40;
	v18 =	vsel vm8, $0x1980, v18;
	v19 =	vsel vm10, $0x1A00, v19  }
0xfe: {  	v15 =	vsel vm8, $0x1A00, v15;
	v1 =	vsel vm11, $0x3180, v1;
	v2 =	vsel vm13, $0x3200, v2  }
0xff: {  	v53 =	vsel vm13, $0x4A80, v22;
	v22 =	vsel vm13, $0x5400, v25;
	v25 =	vsel vm13, $0x5580, v28  }
0x100: {  	v0 =	vsel vm11, $0x3200, v0;
	v16 =	vsel vm12, $0x4A00, v16;
	v21 =	vsel vm12, $0x5480, v21  }
0x101: {  	v24 =	vsel vm12, $0x5600, v24;
	v27 =	vsel vm12, $0x5780, v27;
	v17 =	vsel vm9, $0x5400, v17  }
0x102: {  	v40 =	vsel vm2, $0x1A80, v40;
	v18 =	vsel vm9, $0x1A00, v18;
	v19 =	vsel vm8, $0x1A80, v19  }
0x103: {  	[tilespmem:$0x1F960] =	vst v55;
	v15 =	vsel vm9, $0x1A80, v15;
	v3 =	vsel vm13, $0x3280, v3;
	v55 =	vsel vm13, $0x5700, v31  }
0x104: {  	v1 =	vsel vm12, $0x3200, v1;
	v0 =	vsel vm12, $0x3280, v0;
	v2 =	vsel vm11, $0x3280, v2  }
0x105: {  	v22 =	vsel vm11, $0x5480, v22;
	v25 =	vsel vm11, $0x5600, v25;
	v16 =	vsel vm10, $0x4A80, v16  }
0x106: {  	v21 =	vsel vm10, $0x5500, v21;
	v24 =	vsel vm10, $0x5680, v24;
	v27 =	vsel vm10, $0x4800, v27  }
0x107: {  	v17 =	vsel vm7, $0x5480, v17;
	v56 =	vsel vm3, $0x1B00, v40;
	v18 =	vsel vm7, $0x1A80, v18  }
0x108: {  	v19 =	vsel vm9, $0x1B00, v19;
	v15 =	vsel vm7, $0x1B00, v15;
	v3 =	vsel vm11, $0x3300, v3  }
0x109: {  	v2 =	vsel vm12, $0x3300, v2;
	v22 =	vsel vm12, $0x5500, v22;
	v25 =	vsel vm12, $0x5680, v25  }
0x10a: {  	v28 =	vsel vm11, $0x5780, v55;
	v1 =	vsel vm10, $0x3280, v1;
	v0 =	vsel vm10, $0x3300, v0  }
0x10b: {  	v16 =	vsel vm8, $0x4B00, v16;
	v21 =	vsel vm8, $0x5580, v21;
	v24 =	vsel vm8, $0x5700, v24  }
0x10c: {  	v27 =	vsel vm8, $0x4880, v27;
	v17 =	vsel vm5, $0x5500, v17;
	v63 =	vsel vm1, $0x1B80, v56  }
0x10d: {  	v18 =	vsel vm5, $0x1B00, v18;
	v19 =	vsel vm7, $0x1B80, v19;
	v15 =	vsel vm5, $0x1B80, v15  }
0x10e: {  	v56 =	vsel vm13, $0x5780, v32;
	v3 =	vsel vm12, $0x3380, v3;
	v28 =	vsel vm12, $0x4800, v28  }
0x10f: {  	v1 =	vsel vm8, $0x3300, v1;
	v2 =	vsel vm10, $0x3380, v2;
	v22 =	vsel vm10, $0x5580, v22  }
0x110: {  	v25 =	vsel vm10, $0x5700, v25;
	v0 =	vsel vm8, $0x3380, v0;
	v16 =	vsel vm9, $0x4B80, v16  }
0x111: {  	v21 =	vsel vm9, $0x5600, v21;
	v24 =	vsel vm9, $0x5780, v24;
	v27 =	vsel vm9, $0x4900, v27  }
0x112: {  	v17 =	vsel vm6, $0x5580, v17;
	v18 =	vsel vm6, $0x1B80, v18;
	v19 =	vsel vm5, $0x2400, v19  }
0x113: {  	[tilespmem:$0x1F980] =	vst v63;
	v15 =	vsel vm6, $0x2400, v15;
	v63 =	vsel vm13, $0x4800, v34;
	v29 =	vsel vm11, $0x4800, v56  }
0x114: {  	v3 =	vsel vm10, $0x3C00, v3;
	v28 =	vsel vm10, $0x4880, v28;
	v1 =	vsel vm9, $0x3380, v1  }
0x115: {  	v0 =	vsel vm9, $0x3C00, v0;
	v2 =	vsel vm8, $0x3C00, v2;
	v22 =	vsel vm8, $0x5600, v22  }
0x116: {  	v25 =	vsel vm8, $0x5780, v25;
	v16 =	vsel vm7, $0x5400, v16;
	v21 =	vsel vm7, $0x5680, v21  }
0x117: {  	v24 =	vsel vm7, $0x4800, v24;
	v27 =	vsel vm7, $0x4980, v27;
	v17 =	vsel vm4, $0x5600, v17  }
0x118: {  	v18 =	vsel vm4, $0x2400, v18;
	v19 =	vsel vm6, $0x2480, v19;
	v15 =	vsel vm4, $0x2480, v15  }
0x119: {  	v30 =	vsel vm11, $0x4880, v63;
	v29 =	vsel vm12, $0x4880, v29;
	v3 =	vsel vm8, $0x3C80, v3  }
0x11a: {  	v2 =	vsel vm9, $0x3C80, v2;
	v22 =	vsel vm9, $0x5680, v22;
	v25 =	vsel vm9, $0x4800, v25  }
0x11b: {  	v28 =	vsel vm8, $0x4900, v28;
	v1 =	vsel vm7, $0x3C00, v1;
	v0 =	vsel vm7, $0x3C80, v0  }
0x11c: {  	v16 =	vsel vm5, $0x5480, v16;
	v21 =	vsel vm5, $0x5700, v21;
	v24 =	vsel vm5, $0x4880, v24  }
0x11d: {  	v27 =	vsel vm5, $0x4A00, v27;
	v17 =	vsel vm2, $0x5680, v17;
	v18 =	vsel vm2, $0x2480, v18  }
0x11e: {  	v19 =	vsel vm4, $0x2500, v19;
	v15 =	vsel vm2, $0x2500, v15;
	v30 =	vsel vm12, $0x4900, v30  }
0x11f: {  	v29 =	vsel vm10, $0x4900, v29;
	v3 =	vsel vm9, $0x3D00, v3;
	v28 =	vsel vm9, $0x4980, v28  }
0x120: {  	v1 =	vsel vm5, $0x3C80, v1;
	v2 =	vsel vm7, $0x3D00, v2;
	v22 =	vsel vm7, $0x5700, v22  }
0x121: {  	v25 =	vsel vm7, $0x4880, v25;
	v0 =	vsel vm5, $0x3D00, v0;
	v16 =	vsel vm6, $0x5500, v16  }
0x122: {  	v21 =	vsel vm6, $0x5780, v21;
	v24 =	vsel vm6, $0x4900, v24;
	v27 =	vsel vm6, $0x4A80, v27  }
0x123: {  	v17 =	vsel vm3, $0x5700, v17;
	v18 =	vsel vm3, $0x2500, v18;
	v19 =	vsel vm2, $0x2580, v19  }
0x124: {  	v15 =	vsel vm3, $0x2580, v15;
	v30 =	vsel vm10, $0x4980, v30;
	v29 =	vsel vm8, $0x4980, v29  }
0x125: {  	v3 =	vsel vm7, $0x3D80, v3;
	v28 =	vsel vm7, $0x4A00, v28;
	v1 =	vsel vm6, $0x3D00, v1  }
0x126: {  	v0 =	vsel vm6, $0x3D80, v0;
	v2 =	vsel vm5, $0x3D80, v2;
	v22 =	vsel vm5, $0x5780, v22  }
0x127: {  	v25 =	vsel vm5, $0x4900, v25;
	v16 =	vsel vm4, $0x5580, v16;
	v21 =	vsel vm4, $0x4800, v21  }
0x128: {  	v24 =	vsel vm4, $0x4980, v24;
	v27 =	vsel vm4, $0x4B00, v27;
	v18 =	vsel vm1, $0x2580, v18  }
0x129: {  	v43 =	vsel vm3, $0x2600, v19;
	v15 =	vsel vm1, $0x2600, v15;
	v19 =	vsel vm11, $0x4B00, v53  }
0x12a: {  	v30 =	vsel vm8, $0x4A00, v30;
	v29 =	vsel vm9, $0x4A00, v29;
	v3 =	vsel vm5, $0x3E00, v3  }
0x12b: {  	v2 =	vsel vm6, $0x3E00, v2;
	v22 =	vsel vm6, $0x4800, v22;
	v25 =	vsel vm6, $0x4980, v25  }
0x12c: {  	v28 =	vsel vm5, $0x4A80, v28;
	v1 =	vsel vm4, $0x3D80, v1;
	v0 =	vsel vm4, $0x3E00, v0  }
0x12d: {  	v16 =	vsel vm2, $0x5600, v16;
	v21 =	vsel vm2, $0x4880, v21;
	v24 =	vsel vm2, $0x4A00, v24;
	[tilespmem:$0x1F9C0] =	vst v18  }
0x12e: {  	v27 =	vsel vm2, $0x4B80, v27;
	[tilespmem:$0x1F9D0] =	vst v15;
	v15 =	vsel vm11, $0x3100, v45;
	v18 =	vsel vm11, $0x4A80, v48  }
0x12f: {  	v19 =	vsel vm12, $0x4B80, v19;
	v30 =	vsel vm9, $0x4A80, v30;
	v29 =	vsel vm7, $0x4A80, v29  }
0x130: {  	v3 =	vsel vm6, $0x3E80, v3;
	v1 =	vsel vm2, $0x3E00, v1;
	v2 =	vsel vm4, $0x3E80, v2  }
0x131: {  	v0 =	vsel vm2, $0x3E80, v0;
	v3 =	vsel vm4, $0x3F00, v3;
	v1 =	vsel vm3, $0x3E80, v1  }
0x132: {  	v0 =	vsel vm3, $0x3F00, v0;
	v2 =	vsel vm2, $0x3F00, v2;
	v1 =	vsel vm1, $0x3F00, v1  }
0x133: {  	v3 =	vsel vm2, $0x3F80, v3;
	v2 =	vsel vm3, $0x3F80, v2;
	v0 =	vsel vm1, $0x3F80, v0;
	[tilespmem:$0x1FAB0] =	vst v1  }
0x134: {  	v28 =	vsel vm6, $0x4B00, v28;
	v3 =	vsel vm3, $0x3000, v3;
	[tilespmem:$0x1FAC0] =	vst v0;
	v0 =	vsel vm1, $0x3000, v2  }
0x135: {  	v22 =	vsel vm4, $0x4880, v22;
	v16 =	vsel vm3, $0x5680, v16;
	[tilespmem:$0x1FAD0] =	vst v0;
	v0 =	vsel vm1, $0x3080, v3  }
0x136: {  	v15 =	vsel vm12, $0x3180, v15;
	v18 =	vsel vm12, $0x4B00, v18;
	[tilespmem:$0x1FAE0] =	vst v0;
	v0 =	vsel vm1, $0x3100, v4  }
0x137: {  	v19 =	vsel vm10, $0x5400, v19;
	v15 =	vsel vm10, $0x3200, v15;
	[tilespmem:$0x1FAF0] =	vst v0;
	v0 =	vsel vm1, $0x3180, v5  }
0x138: {  	v18 =	vsel vm10, $0x4B80, v18;
	v19 =	vsel vm8, $0x5480, v19;
	[tilespmem:$0x1FB00] =	vst v0;
	v0 =	vsel vm1, $0x3200, v6  }
0x139: {  	v15 =	vsel vm8, $0x3280, v15;
	v18 =	vsel vm8, $0x5400, v18;
	[tilespmem:$0x1FB10] =	vst v0;
	v0 =	vsel vm1, $0x3280, v7  }
0x13a: {  	v19 =	vsel vm9, $0x5500, v19;
	v15 =	vsel vm9, $0x3300, v15;
	[tilespmem:$0x1FB20] =	vst v0;
	v0 =	vsel vm1, $0x3300, v8  }
0x13b: {  	v18 =	vsel vm9, $0x5480, v18;
	v15 =	vsel vm7, $0x3380, v15;
	[tilespmem:$0x1FB30] =	vst v0;
	v0 =	vsel vm1, $0x3380, v9  }
0x13c: {  	v19 =	vsel vm7, $0x5580, v19;
	v15 =	vsel vm5, $0x3C00, v15;
	[tilespmem:$0x1FB40] =	vst v0;
	v0 =	vsel vm1, $0x3C00, v10  }
0x13d: {  	v18 =	vsel vm7, $0x5500, v18;
	v15 =	vsel vm6, $0x3C80, v15;
	[tilespmem:$0x1FB50] =	vst v0;
	v0 =	vsel vm1, $0x3C80, v11  }
0x13e: {  	v19 =	vsel vm5, $0x5600, v19;
	v15 =	vsel vm4, $0x3D00, v15;
	[tilespmem:$0x1FB60] =	vst v0;
	v0 =	vsel vm1, $0x3D00, v12  }
0x13f: {  	v18 =	vsel vm5, $0x5580, v18;
	v15 =	vsel vm2, $0x3D80, v15;
	[tilespmem:$0x1FB70] =	vst v0;
	v0 =	vsel vm1, $0x3D80, v13  }
0x140: {  	v18 =	vsel vm6, $0x5600, v18;
	v15 =	vsel vm3, $0x3E00, v15;
	[tilespmem:$0x1FB80] =	vst v0;
	v0 =	vsel vm1, $0x3E00, v14  }
0x141: {  	v19 =	vsel vm6, $0x5680, v19;
	v18 =	vsel vm4, $0x5680, v18;
	[tilespmem:$0x1FB90] =	vst v0;
	v0 =	vsel vm1, $0x3E80, v15  }
0x142: {  	v19 =	vsel vm4, $0x5700, v19;
	v18 =	vsel vm2, $0x5700, v18;
	[tilespmem:$0x1FBA0] =	vst v0;
	v0 =	vsel vm1, $0x5700, v16  }
0x143: {  	v19 =	vsel vm2, $0x5780, v19;
	v18 =	vsel vm3, $0x5780, v18;
	[tilespmem:$0x1FBB0] =	vst v0;
	v0 =	vsel vm1, $0x5780, v17  }
0x144: {  	v25 =	vsel vm4, $0x4A00, v25;
	v19 =	vsel vm3, $0x4800, v19;
	[tilespmem:$0x1FBC0] =	vst v0;
	v0 =	vsel vm1, $0x4800, v18  }
0x145: {  	v21 =	vsel vm3, $0x4900, v21;
	v24 =	vsel vm3, $0x4A80, v24;
	[tilespmem:$0x1FBE0] =	vst v0;
	v0 =	vsel vm1, $0x4880, v19  }
0x146: {  	v27 =	vsel vm3, $0x5400, v27;
	v22 =	vsel vm2, $0x4900, v22;
	[tilespmem:$0x1FC00] =	vst v0;
	v0 =	vsel vm1, $0x4900, v20  }
0x147: {  	v30 =	vsel vm7, $0x4B00, v30;
	v22 =	vsel vm3, $0x4980, v22;
	[tilespmem:$0x1FC10] =	vst v0;
	v0 =	vsel vm1, $0x4980, v21  }
0x148: {  	v29 =	vsel vm5, $0x4B00, v29;
	v28 =	vsel vm4, $0x4B80, v28;
	[tilespmem:$0x1FC30] =	vst v0;
	v0 =	vsel vm1, $0x4A00, v22  }
0x149: {  	v25 =	vsel vm2, $0x4A80, v25;
	v30 =	vsel vm5, $0x4B80, v30;
	[tilespmem:$0x1FC40] =	vst v0;
	v0 =	vsel vm1, $0x4A80, v23  }
0x14a: {  	v29 =	vsel vm6, $0x4B80, v29;
	v25 =	vsel vm3, $0x4B00, v25;
	[tilespmem:$0x1FC50] =	vst v0;
	v0 =	vsel vm1, $0x4B00, v24  }
0x14b: {  	v28 =	vsel vm2, $0x5400, v28;
	v30 =	vsel vm6, $0x5400, v30;
	[tilespmem:$0x1FC60] =	vst v0;
	v0 =	vsel vm1, $0x4B80, v25  }
0x14c: {  	v29 =	vsel vm4, $0x5400, v29;
	v28 =	vsel vm3, $0x5480, v28;
	[tilespmem:$0x1FC70] =	vst v0;
	v0 =	vsel vm1, $0x5400, v26  }
0x14d: {  	v30 =	vsel vm4, $0x5480, v30;
	v29 =	vsel vm2, $0x5480, v29;
	[tilespmem:$0x1FC80] =	vst v0;
	v0 =	vsel vm1, $0x5480, v27  }
0x14e: {  	v30 =	vsel vm2, $0x5500, v30;
	v29 =	vsel vm3, $0x5500, v29;
	[tilespmem:$0x1FC90] =	vst v0;
	v0 =	vsel vm1, $0x5500, v28  }
0x14f: {  	v41 =	vsel vm12, $0x2480, v41;
	v30 =	vsel vm3, $0x5580, v30;
	[tilespmem:$0x1FCA0] =	vst v0;
	v0 =	vsel vm1, $0x5580, v29  }
0x150: {  	v42 =	vsel vm9, $0x2580, v42;
	v38 =	vsel vm13, $0x2500, v38;
	[tilespmem:$0x1FCB0] =	vst v0;
	v0 =	vsel vm1, $0x5600, v30  }
0x151: {  	v39 =	vsel vm12, $0x2580, v39;
	v1 =	vimm.s32 $0x5211501F;
	[tilespmem:$0x1FCC0] =	vst v0;
	v0 =	vimm.s32 $0x5E1D5C1B  }
0x152: {  	v41 =	vsel vm10, $0x2500, v41;
	v25 =	vunpack.c.0.s8.s32 v0;
	v0 =	vunpack.c.0.s8.s32 v1  }
0x153: {  	v42 =	vsel vm7, $0x2600, v42;
	v38 =	vsel vm11, $0x2580, v38;
	v39 =	vsel vm10, $0x2600, v39  }
0x154: {  	v36 =	vsel vm13, $0x2600, v36;
	v41 =	vsel vm8, $0x2580, v41;
	[tilespmem:$0x1FCD0] =	vst v0;
	v0 =	vimm.s32 $0x56155413  }
0x155: {  	v42 =	vsel vm5, $0x2680, v42;
	v38 =	vsel vm12, $0x2600, v38;
	v0 =	vunpack.c.0.s8.s32 v0  }
0x156: {  	v39 =	vsel vm8, $0x2680, v39;
	v36 =	vsel vm11, $0x2680, v36;
	v33 =	vsel vm13, $0x2680, v33  }
0x157: {  	v37 =	vsel vm13, $0x2700, v37;
	v41 =	vsel vm9, $0x2600, v41;
	[tilespmem:$0x1FCE0] =	vst v0;
	v0 =	vimm.s32 $0x5A195817  }
0x158: {  	v42 =	vsel vm6, $0x2700, v42;
	v38 =	vsel vm10, $0x2680, v38;
	v0 =	vunpack.c.0.s8.s32 v0  }
0x159: {  	v39 =	vsel vm9, $0x2700, v39;
	v36 =	vsel vm12, $0x2700, v36;
	v1 =	vimm.s32 $0x6B2A6928  }
0x15a: {  	v33 =	vsel vm11, $0x2700, v33;
	v37 =	vsel vm11, $0x2780, v37;
	[tilespmem:$0x1FCF0] =	vst v0;
	v0 =	vunpack.c.0.s8.s32 v1  }
0x15b: {  	v41 =	vsel vm7, $0x2680, v41;
	v42 =	vsel vm4, $0x2780, v42;
	v38 =	vsel vm8, $0x2700, v38  }
0x15c: {  	v39 =	vsel vm7, $0x2780, v39;
	v36 =	vsel vm10, $0x2780, v36;
	[tilespmem:$0x1FD00] =	vst v0;
	v0 =	vimm.s32 $0x6F2E6D2C  }
0x15d: {  	v33 =	vsel vm12, $0x2780, v33;
	v37 =	vsel vm12, $0x1800, v37;
	v0 =	vunpack.c.0.s8.s32 v0  }
0x15e: {  	v41 =	vsel vm5, $0x2700, v41;
	v42 =	vsel vm2, $0x1800, v42;
	v38 =	vsel vm9, $0x2780, v38  }
0x15f: {  	v39 =	vsel vm5, $0x1800, v39;
	v36 =	vsel vm8, $0x1800, v36;
	[tilespmem:$0x1FD10] =	vst v0;
	v0 =	vimm.s32 $0x63226120  }
0x160: {  	v33 =	vsel vm10, $0x1800, v33;
	v37 =	vsel vm10, $0x1880, v37;
	v0 =	vunpack.c.0.s8.s32 v0  }
0x161: {  	v41 =	vsel vm6, $0x2780, v41;
	v42 =	vsel vm3, $0x1880, v42;
	v1 =	vimm.s32 $0x67266524  }
0x162: {  	v38 =	vsel vm7, $0x1800, v38;
	v39 =	vsel vm6, $0x1880, v39;
	[tilespmem:$0x1FD20] =	vst v0;
	v0 =	vunpack.c.0.s8.s32 v1  }
0x163: {  	v36 =	vsel vm9, $0x1880, v36;
	v33 =	vsel vm8, $0x1880, v33;
	v37 =	vsel vm8, $0x1900, v37  }
0x164: {  	v41 =	vsel vm4, $0x1800, v41;
	v42 =	vsel vm1, $0x1900, v42;
	[tilespmem:$0x1FD30] =	vst v0;
	v0 =	vimm.s32 $0x6C2B6A29  }
0x165: {  	v38 =	vsel vm5, $0x1880, v38;
	v39 =	vsel vm4, $0x1900, v39;
	v0 =	vunpack.c.0.s8.s32 v0  }
0x166: {  	v36 =	vsel vm7, $0x1900, v36;
	v33 =	vsel vm9, $0x1900, v33;
	v37 =	vsel vm9, $0x1980, v37  }
0x167: {  	v41 =	vsel vm2, $0x1880, v41;
	v38 =	vsel vm6, $0x1900, v38;
	[tilespmem:$0x1FD40] =	vst v0;
	v0 =	vimm.s32 $0x602F6E2D  }
0x168: {  	v39 =	vsel vm2, $0x1980, v39;
	v36 =	vsel vm5, $0x1980, v36;
	v0 =	vunpack.c.0.s8.s32 v0  }
0x169: {  	v33 =	vsel vm7, $0x1980, v33;
	v37 =	vsel vm7, $0x1A00, v37;
	v1 =	vimm.s32 $0x64236221  }
0x16a: {  	v41 =	vsel vm3, $0x1900, v41;
	v38 =	vsel vm4, $0x1980, v38;
	[tilespmem:$0x1FD50] =	vst v0;
	v0 =	vunpack.c.0.s8.s32 v1  }
0x16b: {  	[tilespmem:$0x1F940] =	vst v42;
	v39 =	vsel vm3, $0x1A00, v39;
	v36 =	vsel vm6, $0x1A00, v36;
	v33 =	vsel vm5, $0x1A00, v33  }
0x16c: {  	v37 =	vsel vm5, $0x1A80, v37;
	v41 =	vsel vm1, $0x1980, v41;
	[tilespmem:$0x1FD60] =	vst v0;
	v0 =	vimm.s32 $0x68276625  }
0x16d: {  	[tilespmem:$0x1F920] =	vst v44;
	v39 =	vsel vm1, $0x1A80, v39;
	v36 =	vsel vm4, $0x1A80, v36;
	v0 =	vunpack.c.0.s8.s32 v0  }
0x16e: {  	v33 =	vsel vm6, $0x1A80, v33;
	v37 =	vsel vm6, $0x1B00, v37;
	[tilespmem:$0x1F950] =	vst v41;
	v36 =	vsel vm2, $0x1B00, v36  }
0x16f: {  	v33 =	vsel vm4, $0x1B00, v33;
	v36 =	vsel vm3, $0x1B80, v36;
	[tilespmem:$0x1FD70] =	vst v0;
	v0 =	vimm.s32 $0x6D2C6B2A  }
0x170: {  	[tilespmem:$0x1F970] =	vst v39;
	v33 =	vsel vm2, $0x1B80, v33;
	v36 =	vsel vm1, $0x2400, v36;
	v0 =	vunpack.c.0.s8.s32 v0  }
0x171: {  	v37 =	vsel vm4, $0x1B80, v37;
	v33 =	vsel vm3, $0x2400, v33;
	[tilespmem:$0x1F990] =	vst v36;
	v1 =	vimm.s32 $0x61206F2E  }
0x172: {  	v37 =	vsel vm2, $0x2400, v37;
	v33 =	vsel vm1, $0x2480, v33;
	[tilespmem:$0x1FD80] =	vst v0;
	v0 =	vunpack.c.0.s8.s32 v1  }
0x173: {  	v38 =	vsel vm2, $0x1A00, v38;
	v41 =	vsel vm3, $0x2480, v37;
	v37 =	vimm.s32 $0x5B1A5918;
	[tilespmem:$0x1F9A0] =	vst v33  }
0x174: {  	v42 =	vsel vm1, $0x2500, v41;
	v32 =	vunpack.c.0.s8.s32 v37;
	[tilespmem:$0x1FD90] =	vst v0;
	v0 =	vimm.s32 $0x65246322  }
0x175: {  	v38 =	vsel vm3, $0x1A80, v38;
	v39 =	vimm.s32 $0x53125110;
	[tilespmem:$0x1F9B0] =	vst v42;
	v0 =	vunpack.c.0.s8.s32 v0  }
0x176: {  	v40 =	vsel vm1, $0x1B00, v38;
	v38 =	vimm.s32 $0x5F1E5D1C;
	v41 =	vunpack.c.0.s8.s32 v39;
	[tilespmem:$0x1F9F0] =	vst v32  }
0x177: {  	v32 =	vunpack.c.0.s8.s32 v38;
	[tilespmem:$0x1FDA0] =	vst v0;
	v0 =	vimm.s32 $0x69286726  }
0x178: {  	v42 =	vimm.s32 $0x57165514;
	[tilespmem:$0x1FA10] =	vst v41;
	v0 =	vunpack.c.0.s8.s32 v0  }
0x179: {  	[tilespmem:$0x1FA00] =	vst v32;
	v32 =	vunpack.c.0.s8.s32 v42;
	v1 =	vimm.s32 $0x6E2D6C2B  }
0x17a: {  	v63 =	vimm.s32 $0x59185716;
	[tilespmem:$0x1FDB0] =	vst v0;
	v0 =	vunpack.c.0.s8.s32 v1  }
0x17b: {  	v33 =	vunpack.c.0.s8.s32 v63;
	v44 =	vsel vm1, $0x2680, v43;
	v43 =	vimm.s32 $0x5C1B5A19;
	[tilespmem:$0x1FA20] =	vst v32  }
0x17c: {  	v32 =	vunpack.c.0.s8.s32 v43;
	[tilespmem:$0x1FDC0] =	vst v0;
	v0 =	vimm.s32 $0x6221602F  }
0x17d: {  	[tilespmem:$0x1FAA0] =	vst v33;
	v0 =	vunpack.c.0.s8.s32 v0  }
0x17e: {  	v46 =	vimm.s32 $0x54135211;
	[tilespmem:$0x1FA30] =	vst v32  }
0x17f: {  	v32 =	vunpack.c.0.s8.s32 v46;
	[tilespmem:$0x1FDD0] =	vst v0;
	v0 =	vimm.s32 $0x66256423  }
0x180: {  	v47 =	vimm.s32 $0x58175615;
	[tilespmem:$0x1F9E0] =	vst v44;
	v0 =	vunpack.c.0.s8.s32 v0  }
0x181: {  	[tilespmem:$0x1FA50] =	vst v32;
	v32 =	vunpack.c.0.s8.s32 v47;
	v1 =	vimm.s32 $0x6A296827  }
0x182: {  	v48 =	vimm.s32 $0x5D1C5B1A;
	[tilespmem:$0x1FDE0] =	vst v0;
	v0 =	vunpack.c.0.s8.s32 v1  }
0x183: {  	v55 =	vimm.s32 $0x51105F1E;
	v53 =	vunpack.c.0.s8.s32 v48;
	[tilespmem:$0x1FA60] =	vst v32  }
0x184: {  	v32 =	vunpack.c.0.s8.s32 v55;
	[tilespmem:$0x1FDF0] =	vst v0;
	v0 =	vimm.s32 $0x7B3A7938  }
0x185: {  	v44 =	vimm.s32 $0x501F5E1D;
	[tilespmem:$0x1FA70] =	vst v53;
	v0 =	vunpack.c.0.s8.s32 v0  }
0x186: {  	v56 =	vimm.s32 $0x55145312;
	v45 =	vunpack.c.0.s8.s32 v44;
	[tilespmem:$0x1FA80] =	vst v32  }
0x187: {  	s0 =	rddreg [dreg:$0x0];
	v32 =	vunpack.c.0.s8.s32 v56;
	[tilespmem:$0x1FE00] =	vst v0;
	v0 =	vimm.s32 $0x7F3E7D3C  }
0x188: {  	s7 =	rddreg [dreg:$0x1];
	s3 =	simm.s32 $0x0;
	v63 =	vld [tilespmem:$0x1FBD0];
	[tilespmem:$0x1FA40] =	vst v45;
	v0 =	vunpack.c.0.s8.s32 v0  }
0x189: {  	[smem:$0x7FF] =	sst s3;
	v9 =	vmov v58;
	v58 =	vld [tilespmem:$0x1FBF0];
	[tilespmem:$0x1FA90] =	vst v32;
	v1 =	vimm.s32 $0x73327130  }
0x18a: {  	s1 =	rddreg [dreg:$0x2];
	v56 =	vld [tilespmem:$0x1FC20];
	_ =	strace $0x80000047;
	[tilespmem:$0x1FE10] =	vst v0;
	v0 =	vunpack.c.0.s8.s32 v1;
	_ =	sdelay $0x1  }
0x18b: {  	[tilespmem:$0x1FE20] =	vst v0;
	v0 =	vimm.s32 $0x77367534  }
0x18c: {  	v0 =	vunpack.c.0.s8.s32 v0;
	_ =	sdelay $0x1  }
0x18d: {  	[tilespmem:$0x1FE30] =	vst v0;
	v0 =	vimm.s32 $0x7C3B7A39  }
0x18e: {  	v0 =	vunpack.c.0.s8.s32 v0  }
0x18f: {  	v1 =	vimm.s32 $0x703F7E3D  }
0x190: {  	[tilespmem:$0x1FE40] =	vst v0;
	v0 =	vunpack.c.0.s8.s32 v1;
	_ =	sdelay $0x1  }
0x191: {  	[tilespmem:$0x1FE50] =	vst v0;
	v0 =	vimm.s32 $0x74337231  }
0x192: {  	v0 =	vunpack.c.0.s8.s32 v0;
	_ =	sdelay $0x1  }
0x193: {  	[tilespmem:$0x1FE60] =	vst v0;
	v0 =	vimm.s32 $0x78377635  }
0x194: {  	v0 =	vunpack.c.0.s8.s32 v0  }
0x195: {  	v1 =	vimm.s32 $0x7D3C7B3A  }
0x196: {  	[tilespmem:$0x1FE70] =	vst v0;
	v0 =	vunpack.c.0.s8.s32 v1;
	_ =	sdelay $0x1  }
0x197: {  	[tilespmem:$0x1FE80] =	vst v0;
	v0 =	vimm.s32 $0x71307F3E  }
0x198: {  	[tilespmem:$0x1FF20] =	vst v59;
	v0 =	vunpack.c.0.s8.s32 v0  }
0x199: {  	[tilespmem:$0x1FF30] =	vst v9  }
0x19a: {  	[tilespmem:$0x1FE90] =	vst v0;
	v0 =	vimm.s32 $0x75347332  }
0x19b: {  	v35 =	vimm.s32 $0x5700;
	[tilespmem:$0x1FF40] =	vst v54;
	v0 =	vunpack.c.0.s8.s32 v0  }
0x19c: {  	v35 =	vsel vm14, $0x5780, v35;
	[tilespmem:$0x1FF50] =	vst v57;
	v1 =	vimm.s32 $0x79387736  }
0x19d: {  	v35 =	vsel vm15, $0x4800, v35;
	[tilespmem:$0x1FEA0] =	vst v0;
	v0 =	vunpack.c.0.s8.s32 v1  }
0x19e: {  	v36 =	vsel vm13, $0x4880, v35;
	[tilespmem:$0x1FF60] =	vst v52  }
0x19f: {  	v31 =	vsel vm11, $0x4900, v36;
	[tilespmem:$0x1FEB0] =	vst v0;
	v0 =	vimm.s32 $0x7E3D7C3B  }
0x1a0: {  	v31 =	vsel vm12, $0x4980, v31;
	[tilespmem:$0x1FF70] =	vst v60;
	v0 =	vunpack.c.0.s8.s32 v0  }
0x1a1: {  	v31 =	vsel vm10, $0x4A00, v31;
	[tilespmem:$0x1FF80] =	vst v51  }
0x1a2: {  	v31 =	vsel vm8, $0x4A80, v31;
	[tilespmem:$0x1FEC0] =	vst v0;
	v0 =	vimm.s32 $0x7231703F  }
0x1a3: {  	s14 =	simm.s32 $0x7A1400;
	v31 =	vsel vm9, $0x4B00, v31;
	[tilespmem:$0x1FF90] =	vst v49;
	v0 =	vunpack.c.0.s8.s32 v0  }
0x1a4: {  	s4 =	srdreg.scid;
	s2 =	stileid.u32;
	s15 =	simm.s32 $0xC00;
	v31 =	vsel vm7, $0x4B80, v31;
	[tilespmem:$0x1FFA0] =	vst v50;
	v1 =	vimm.s32 $0x76357433  }
0x1a5: {  	s16 =	simm.s32 $0x6000;
	s17 =	simm.s32 $0x1;
	s18 =	simm.s32 $0xC000;
	v31 =	vsel vm5, $0x5400, v31;
	[tilespmem:$0x1FED0] =	vst v0;
	v0 =	vunpack.c.0.s8.s32 v1  }
0x1a6: {  	s19 =	simm.s32 $0x2;
	s20 =	simm.s32 $0x4;
	s21 =	simm.s32 $0x12000;
	v31 =	vsel vm6, $0x5480, v31;
	[tilespmem:$0x1FFB0] =	vst v61  }
0x1a7: {  	s22 =	simm.s32 $0x3;
	s8 =	sand.u32 $0x1, s4;
	s31 =	sshll.u32 s2, $0x1;
	v31 =	vsel vm4, $0x5500, v31;
	[tilespmem:$0x1FEE0] =	vst v0;
	v0 =	vimm.s32 $0x7A397837  }
0x1a8: {  	s23 =	simm.s32 $0x0;
	s5 =	sadd.s32 $0xE00, s7;
	s4 =	sor.u32 s8, s31;
	v31 =	vsel vm2, $0x5580, v31;
	[tilespmem:$0x1FFC0] =	vst v62;
	v0 =	vunpack.c.0.s8.s32 v0  }
0x1a9: {  	s6 =	sadd.s32 $0x1000, s7;
	s8 =	ssub.s32 $0x2, s8;
	s9 =	smul.u32 $0xC00, s4;
	v31 =	vsel vm3, $0x5600, v31;
	[tilespmem:$0x1FFD0] =	vst v40  }
.Ltmp0:
0x1aa: {  	s7 =	sadd.s32 $0x7A2000, s7;
	s10 =	sshrl.u32 s8, $0x1;
	v55 =	vsel vm1, $0x5680, v31;
	[tilespmem:$0x1FEF0] =	vst v0;
	v0 =	vcombine.low v51, v60;
	(pc) =	sbr.rel .LBB2_1-.Ltmp0, $4  }
0x1ab: {  	s11 =	smul.u32 $0x180, s4;
	p0 =	sne.s32 s4, $0x1F;
	s12 =	ssub.s32 s8, s10;
	[tilespmem:$0x1FFE0] =	vst v55  }
0x1ac: {  	s10 =	sor.u32 $0x40, s4;
	s13 =	sshll.u32 @!p0 s2, $0x6;
	s9 =	sshrl.u32 s9, $0x3;
	[tilespmem:$0x1FF00] =	vst v0;
	v0 =	vcombine.low v50, v49  }
0x1ad: {  	s8 =	sadd.s32 s0, s11;
	s11 =	sor.u32 $0x60, s4;
	s9 =	sadd.s32 s0, s9;
	[tilespmem:$0x1FFF0] =	vst v25  }
0x1ae: {  	s12 =	smax.u32 s12, $0x1;
	s13 =	sor.u32 @!p0 $0x1C05, s13;
	s9 =	sadd.s32 $0x3000, s9;
	v3 =	vmovc v60;
	v10 =	vmovc v52;
	v22 =	vmov v51;
	v23 =	vmov v49;
	v24 =	vmov v50;
	[tilespmem:$0x1FF10] =	vst v0  }
.LBB2_12:
0x1af: {  	_ =	swait.ge [sflag:s22], $0x6000  }
0x1b0: {  	[sflag:s22] =	ssyncset.done $0x0  }
0x1b1: {  	[sflag:s22] =	ssyncadd.s32 $0xFFFFA000  }
0x1b2: {  	_ =	swait.ge [sflag:s20], $0x6000  }
0x1b3: {  	v9 =	vld [tilespmem:$0x1FF30]  }
0x1b4: {  	v54 =	vld [tilespmem:$0x1FF40]  }
0x1b5: {  	v57 =	vld [tilespmem:$0x1FF50]  }
0x1b6: {  	v10 =	vld [tilespmem:$0x1FF60]  }
0x1b7: {  	v3 =	vld [tilespmem:$0x1FF70]  }
0x1b8: {  	s23 =	sadd.s32 $0x1, s23;
	v22 =	vld [tilespmem:$0x1FF80]  }
0x1b9: {  	p1 =	sne.s32 s23, s12;
	v23 =	vld [tilespmem:$0x1FF90]  }
.Ltmp1:
0x1ba: {  	v24 =	vld [tilespmem:$0x1FFA0];
	(pc) =	sbr.rel @!p1 .LBB2_13-.Ltmp1, $4  }
0x1bb: {  	v61 =	vld [tilespmem:$0x1FFB0]  }
0x1bc: {  	v62 =	vld [tilespmem:$0x1FFC0]  }
0x1bd: {  	[sflag:s20] =	ssyncset.done $0x0;
	v40 =	vld [tilespmem:$0x1FFD0]  }
0x1be: {  	v25 =	vld [tilespmem:$0x1FFF0];
	[sflag:s20] =	ssyncadd.s32 $0xFFFFA000  }
.LBB2_1:
0x1bf: {  	[hbm:s7], [sflag:s13] =	dma.local @!p0 [hbm:s5], $0x200  }
0x1c0: {  	s24 =	simm.s32 @!p0 $0x5  }
0x1c1: {  	_ =	swait.ge @!p0 [sflag:s24], $0x200  }
0x1c2: {  	[sflag:s24] =	ssyncset.done @!p0 $0x0  }
0x1c3: {  	[sflag:s24] =	ssyncadd.s32 @!p0 $0xFFFFFE00  }
0x1c4: {  	[tilespmem:s3], [sflag:$0x1] =	stream.strided.gather [hbm4b:s8+s15], $0x6000, s14, s15, $0x38;
	[tilespmem:$0x18000] =	vst v63  }
0x1c5: {  	s24 =	simm.s32 $0x0  }
0x1c6: {  	v55 =	vmovc v54;
	v60 =	vmov v61;
	v61 =	vmov v3;
	v32 =	vmov v40;
	[tilespmem:s16], [sflag:$0x2] =	stream.strided.gather [hbm4b:s9+s15], $0x6000, s14, s15, $0x38;
	[tilespmem:$0x18000] =	vst v63  }
.LBB2_2:
0x1c7: {  	_ =	swait.ge [sflag:s17], $0x6000  }
0x1c8: {  	p1 =	seq.s32 s24, $0x0;
	[sflag:s17] =	ssyncset.done $0x0  }
0x1c9: {  	s26 =	simm.s32 @!p1 $0x3;
	[sflag:s17] =	ssyncadd.s32 $0xFFFFA000  }
0x1ca: {  	_ =	swait.ge @!p1 [sflag:s26], $0x6000  }
0x1cb: {  	s25 =	sshll.u32 s24, $0x6;
	[sflag:s26] =	ssyncset.done @!p1 $0x0  }
0x1cc: {  	s28 =	simm.s32 $0x0;
	[sflag:s26] =	ssyncadd.s32 @!p1 $0xFFFFA000;
	s26 =	simm.s32 $0x0  }
.LBB2_3:
0x1cd: {  	v17 =	vld [tilespmem:$0x1F890]  }
0x1ce: {  	v14 =	vld [tilespmem:$0x1F870]  }
0x1cf: {  	v12 =	vld [tilespmem:$0x1F860]  }
0x1d0: {  	v2 =	vld [tilespmem:$0x1F7D0]  }
0x1d1: {  	v48 =	vld [tilespmem:$0x1F7E0]  }
0x1d2: {  	v49 =	vld [tilespmem:$0x1F7F0]  }
0x1d3: {  	v3 =	vld [tilespmem:$0x1F800]  }
0x1d4: {  	v4 =	vld [tilespmem:$0x1F810]  }
0x1d5: {  	v5 =	vld [tilespmem:$0x1F820]  }
0x1d6: {  	v6 =	vld [tilespmem:$0x1F830]  }
0x1d7: {  	v7 =	vld [tilespmem:$0x1F840]  }
0x1d8: {  	v16 =	vld [tilespmem:$0x1F880]  }
0x1d9: {  	v18 =	vld [tilespmem:$0x1F8F0]  }
0x1da: {  	v51 =	vld [tilespmem:$0x1FF00]  }
0x1db: {  	v53 =	vld [tilespmem:$0x1FF10]  }
0x1dc: {  	v54 =	vld [tilespmem:$0x1F8B0]  }
0x1dd: {  	v35 =	vld [tilespmem:$0x1F900]  }
0x1de: {  	v37 =	vld [tilespmem:$0x1F910]  }
0x1df: {  	v40 =	vld [tilespmem:$0x1F920]  }
0x1e0: {  	v0 =	vmov s26;
	v1 =	vlaneseq.u32;
	v42 =	vld [tilespmem:$0x1F930]  }
0x1e1: {  	v44 =	vld [tilespmem:$0x1F940];
	v1 =	vor.u32 s26, v1;
	v0 =	vshll.u32 v0, $0x3  }
0x1e2: {  	v46 =	vld [tilespmem:$0x1F950];
	v1 =	vand.u32 $0x7F, v1;
	v0 =	vand.u32 $0xC00, v0  }
0x1e3: {  	v38 =	vor.u32 v1, v0;
	v21 =	vmov v10;
	v10 =	vld [tilespmem:$0x1F850]  }
0x1e4: {  	v11 =	vadd.s32 v56, v38;
	v56 =	vld [tilespmem:$0x1F8C0]  }
0x1e5: {  	v15 =	vadd.s32 v59, v38;
	v59 =	vld [tilespmem:$0x1F8D0]  }
0x1e6: {  	v61 =	vcombine.low v61, v22;
	v22 =	vld [tilespmem:$0x1FA20]  }
0x1e7: {  	v13 =	vmov s28;
	v1 =	vadd.s32 v48, v38;
	v48 =	vld [tilespmem:$0x1F960]  }
0x1e8: {  	v13 =	vshll.u32 v13, $0x7;
	v8 =	vadd.s32 v63, v38;
	v45 =	vadd.s32 v44, v38;
	v44 =	vld [tilespmem:$0x1F9A0]  }
0x1e9: {  	v19 =	vmovc v9;
	v9 =	vadd.s32 v58, v38;
	v52 =	vor.u32 v18, v13;
	v47 =	vadd.s32 v46, v38;
	v46 =	vld [tilespmem:$0x1F9B0]  }
0x1ea: {  	v13 =	vor.u32 v17, v52;
	v17 =	vld [tilespmem:$0x1F8A0]  }
0x1eb: {  	v58 =	vor.u32 v62, v52;
	v62 =	vld [tilespmem:$0x1F8E0]  }
0x1ec: {  	v0 =	vadd.s32 v2, v38;
	[tilespmem:$0x1F670] =	vst v61;
	v33 =	vor.u32 v61, v52;
	v61 =	vld [tilespmem:$0x1FA60]  }
0x1ed: {  	v8 =	vld.idx.msk [tilespmem:v8+s3+$0x0], $0xffff  }
0x1ee: {  	v2 =	vadd.s32 v49, v38;
	v9 =	vld.idx.msk [tilespmem:v9+s3+$0x0], $0xffff  }
0x1ef: {  	v3 =	vadd.s32 v3, v38;
	v11 =	vld.idx.msk [tilespmem:v11+s3+$0x0], $0xffff  }
0x1f0: {  	v4 =	vadd.s32 v4, v38;
	v15 =	vld.idx.msk [tilespmem:v15+s3+$0x0], $0xffff  }
0x1f1: {  	v5 =	vadd.s32 v5, v38;
	v0 =	vld.idx.msk [tilespmem:v0+s3+$0x0], $0xffff  }
0x1f2: {  	v6 =	vadd.s32 v6, v38;
	v1 =	vld.idx.msk [tilespmem:v1+s3+$0x0], $0xffff  }
0x1f3: {  	v7 =	vadd.s32 v7, v38;
	v2 =	vld.idx.msk [tilespmem:v2+s3+$0x0], $0xffff  }
0x1f4: {  	v12 =	vadd.s32 v12, v38;
	v3 =	vld.idx.msk [tilespmem:v3+s3+$0x0], $0xffff  }
0x1f5: {  	v14 =	vadd.s32 v14, v38;
	v4 =	vld.idx.msk [tilespmem:v4+s3+$0x0], $0xffff  }
0x1f6: {  	v16 =	vadd.s32 v16, v38;
	v5 =	vld.idx.msk [tilespmem:v5+s3+$0x0], $0xffff  }
0x1f7: {  	v10 =	vadd.s32 v10, v38;
	v6 =	vld.idx.msk [tilespmem:v6+s3+$0x0], $0xffff  }
0x1f8: {  	v7 =	vld.idx.msk [tilespmem:v7+s3+$0x0], $0xffff;
	v17 =	vor.u32 v17, v52  }
0x1f9: {  	v18 =	vor.u32 v19, v52;
	v12 =	vld.idx.msk [tilespmem:v12+s3+$0x0], $0xffff  }
0x1fa: {  	v19 =	vor.u32 v55, v52;
	v14 =	vld.idx.msk [tilespmem:v14+s3+$0x0], $0xffff  }
0x1fb: {  	v20 =	vor.u32 v57, v52;
	v16 =	vld.idx.msk [tilespmem:v16+s3+$0x0], $0xffff  }
0x1fc: {  	v50 =	vor.u32 v21, v52;
	v55 =	vor.u32 v60, v52;
	v10 =	vld.idx.msk [tilespmem:v10+s3+$0x0], $0xffff;
	[tilespmem:v13+s18+$0x0] =	vst.idx.msk $0xffff, v0  }
0x1fd: {  	v57 =	vor.u32 v56, v52;
	v56 =	vld [tilespmem:$0x1F9E0];
	[tilespmem:v17+s18+$0x0] =	vst.idx.msk $0xffff, v1;
	v1 =	vor.u32 v51, v52  }
0x1fe: {  	v60 =	vor.u32 v59, v52;
	v59 =	vld [tilespmem:$0x1FA10];
	[tilespmem:v18+s18+$0x0] =	vst.idx.msk $0xffff, v2;
	v2 =	vor.u32 v53, v52  }
0x1ff: {  	v49 =	vadd.s32 v48, v38;
	v48 =	vld [tilespmem:$0x1FA80];
	[tilespmem:v19+s18+$0x0] =	vst.idx.msk $0xffff, v3;
	v3 =	vor.u32 v54, v52  }
0x200: {  	v63 =	vor.u32 v62, v52;
	v62 =	vld [tilespmem:$0x1F980];
	[tilespmem:v20+s18+$0x0] =	vst.idx.msk $0xffff, v4  }
0x201: {  	v13 =	vcombine.low v23, v24;
	v23 =	vld [tilespmem:$0x1FA40];
	[tilespmem:v50+s18+$0x0] =	vst.idx.msk $0xffff, v5  }
0x202: {  	v50 =	vld [tilespmem:$0x1F970];
	[tilespmem:v1+s18+$0x0] =	vst.idx.msk $0xffff, v6  }
0x203: {  	v24 =	vld [tilespmem:$0x1FA50];
	[tilespmem:v2+s18+$0x0] =	vst.idx.msk $0xffff, v7  }
0x204: {  	v54 =	vld [tilespmem:$0x1F9C0];
	[tilespmem:v3+s18+$0x0] =	vst.idx.msk $0xffff, v8  }
0x205: {  	[tilespmem:v55+s18+$0x0] =	vst.idx.msk $0xffff, v9;
	v55 =	vld [tilespmem:$0x1F9D0]  }
0x206: {  	v34 =	vor.u32 v13, v52;
	[tilespmem:v57+s18+$0x0] =	vst.idx.msk $0xffff, v10;
	v57 =	vld [tilespmem:$0x1F9F0]  }
0x207: {  	v36 =	vadd.s32 v35, v38;
	v51 =	vadd.s32 v50, v38;
	v50 =	vld [tilespmem:$0x1FAA0];
	[tilespmem:v58+s18+$0x0] =	vst.idx.msk $0xffff, v11  }
0x208: {  	v39 =	vadd.s32 v37, v38;
	v58 =	vld [tilespmem:$0x1FA00];
	[tilespmem:v60+s18+$0x0] =	vst.idx.msk $0xffff, v12  }
0x209: {  	v41 =	vadd.s32 v40, v38;
	v60 =	vld [tilespmem:$0x1FA30];
	[tilespmem:v63+s18+$0x0] =	vst.idx.msk $0xffff, v14  }
0x20a: {  	v43 =	vadd.s32 v42, v38;
	v63 =	vadd.s32 v62, v38;
	v62 =	vld [tilespmem:$0x1FA70];
	[tilespmem:v33+s18+$0x0] =	vst.idx.msk $0xffff, v15  }
0x20b: {  	v14 =	vld [tilespmem:$0x1FDE0];
	[tilespmem:v34+s18+$0x0] =	vst.idx.msk $0xffff, v16  }
0x20c: {  	v8 =	vld.idx.msk [tilespmem:v36+s3+$0x0], $0xffff  }
0x20d: {  	v9 =	vld.idx.msk [tilespmem:v39+s3+$0x0], $0xffff  }
0x20e: {  	v10 =	vld.idx.msk [tilespmem:v41+s3+$0x0], $0xffff  }
0x20f: {  	v11 =	vld.idx.msk [tilespmem:v43+s3+$0x0], $0xffff  }
0x210: {  	v53 =	vadd.s32 v32, v38;
	v12 =	vld.idx.msk [tilespmem:v45+s3+$0x0], $0xffff  }
0x211: {  	v36 =	vld [tilespmem:$0x1F990]  }
0x212: {  	[tilespmem:$0x1F680] =	vst v13;
	v13 =	vld.idx.msk [tilespmem:v47+s3+$0x0], $0xffff  }
0x213: {  	v17 =	vld.idx.msk [tilespmem:v49+s3+$0x0], $0xffff  }
0x214: {  	v18 =	vadd.s32 v56, v38;
	v21 =	vld.idx.msk [tilespmem:v51+s3+$0x0], $0xffff  }
0x215: {  	v28 =	vld.idx.msk [tilespmem:v53+s3+$0x0], $0xffff  }
0x216: {  	v49 =	vld [tilespmem:$0x1FA90]  }
0x217: {  	v15 =	vadd.s32 v54, v38;
	v51 =	vld [tilespmem:$0x1FCE0]  }
0x218: {  	v53 =	vld [tilespmem:$0x1FCF0]  }
0x219: {  	v18 =	vld.idx.msk [tilespmem:v18+s3+$0x0], $0xffff  }
0x21a: {  	v20 =	vsel vm0, v22, v59;
	v27 =	vsel vm0, v61, v24;
	v19 =	vsel vm0, v58, v57;
	v31 =	vld.idx.msk [tilespmem:v63+s3+$0x0], $0xffff  }
0x21b: {  	v45 =	vadd.s32 v44, v38;
	v26 =	vsel vm0, v23, v60;
	v6 =	vcombine.low v19, v20;
	v63 =	vld [tilespmem:$0x1FCD0]  }
0x21c: {  	v16 =	vadd.s32 v55, v38;
	v47 =	vadd.s32 v46, v38;
	v42 =	vcombine.low v27, v26;
	v44 =	vld.idx.msk [tilespmem:v15+s3+$0x0], $0xffff  }
0x21d: {  	v40 =	vcombine.low v20, v19;
	v7 =	vcombine.low v26, v27;
	[tilespmem:$0x1F710] =	vst v6;
	v20 =	vor.u32 v6, v52;
	v6 =	vld [tilespmem:$0x1FD60]  }
0x21e: {  	[tilespmem:$0x1F6A0] =	vst v42;
	v55 =	vor.u32 v42, v52;
	v42 =	vld [tilespmem:$0x1FAB0]  }
0x21f: {  	[tilespmem:$0x1F720] =	vst v7;
	v26 =	vor.u32 v7, v52;
	v7 =	vld [tilespmem:$0x1FD70]  }
0x220: {  	v39 =	vld.idx.msk [tilespmem:v45+s3+$0x0], $0xffff  }
0x221: {  	v41 =	vld.idx.msk [tilespmem:v47+s3+$0x0], $0xffff  }
0x222: {  	v47 =	vld.idx.msk [tilespmem:v16+s3+$0x0], $0xffff  }
0x223: {  	v29 =	vsel vm0, v48, v62;
	v16 =	vsel vm0, v49, v48;
	v48 =	vld [tilespmem:$0x1FB00]  }
0x224: {  	v46 =	vsel vm0, v60, v61;
	v37 =	vadd.s32 v36, v38;
	v30 =	vsel vm0, v50, v49;
	v49 =	vld [tilespmem:$0x1FB10]  }
0x225: {  	v34 =	vsel vm0, v53, v51;
	v36 =	vsel vm0, v59, v58;
	v59 =	vsel vm0, v62, v50;
	v50 =	vld [tilespmem:$0x1FB20]  }
0x226: {  	v45 =	vsel vm0, v24, v23;
	v62 =	vsel vm0, v25, v53;
	v53 =	vld [tilespmem:$0x1FB40];
	v43 =	vcombine.low v30, v29  }
0x227: {  	[tilespmem:$0x1F690] =	vst v40;
	v58 =	vcombine.low v46, v45;
	v61 =	vsel vm0, v51, v63;
	v51 =	vld [tilespmem:$0x1FB30]  }
0x228: {  	v40 =	vor.u32 v40, v52;
	v60 =	vcombine.low v59, v16;
	[tilespmem:$0x1F6B0] =	vst v43;
	v56 =	vor.u32 v43, v52;
	v43 =	vld [tilespmem:$0x1FAC0]  }
0x229: {  	v32 =	vcombine.low v29, v30;
	v33 =	vsel vm0, v63, v25;
	[tilespmem:$0x1F6E0] =	vst v58;
	v63 =	vor.u32 v58, v52;
	v58 =	vld [tilespmem:$0x1FB90]  }
0x22a: {  	[tilespmem:$0x1F6F0] =	vst v60;
	v5 =	vor.u32 v60, v52;
	v60 =	vld [tilespmem:$0x1FD00]  }
0x22b: {  	v54 =	vcombine.low v34, v33;
	[tilespmem:$0x1F730] =	vst v32;
	v27 =	vor.u32 v32, v52;
	v32 =	vld [tilespmem:$0x1FC70]  }
0x22c: {  	v35 =	vld.idx.msk [tilespmem:v37+s3+$0x0], $0xffff  }
0x22d: {  	v37 =	vsel vm0, v57, v22;
	[tilespmem:$0x1F6C0] =	vst v54;
	v57 =	vor.u32 v54, v52;
	v54 =	vld [tilespmem:$0x1FB50]  }
0x22e: {  	v4 =	vcombine.low v62, v61;
	[tilespmem:v40+s18+$0x0] =	vst.idx.msk $0xffff, v8;
	v40 =	vcombine.low v61, v62;
	v61 =	vld [tilespmem:$0x1FD10]  }
0x22f: {  	v62 =	vld [tilespmem:$0x1FD20]  }
0x230: {  	[tilespmem:$0x1F700] =	vst v4;
	v19 =	vor.u32 v4, v52;
	v4 =	vld [tilespmem:$0x1FD40]  }
0x231: {  	v33 =	vcombine.low v33, v34;
	v8 =	vld [tilespmem:$0x1FD80];
	v0 =	vcombine.low v37, v36  }
0x232: {  	v34 =	vcombine.low v36, v37;
	v36 =	vcombine.low v45, v46;
	v45 =	vld [tilespmem:$0x1FAD0]  }
0x233: {  	[tilespmem:v55+s18+$0x0] =	vst.idx.msk $0xffff, v9;
	v46 =	vld [tilespmem:$0x1FAE0];
	v15 =	vor.u32 v0, v52  }
0x234: {  	v55 =	vld [tilespmem:$0x1FB60];
	[tilespmem:v56+s18+$0x0] =	vst.idx.msk $0xffff, v10  }
0x235: {  	v37 =	vcombine.low v16, v59;
	v59 =	vld [tilespmem:$0x1FBA0];
	[tilespmem:$0x1F750] =	vst v34  }
0x236: {  	v9 =	vld [tilespmem:$0x1FD90];
	[tilespmem:$0x1F760] =	vst v36  }
0x237: {  	v56 =	vld [tilespmem:$0x1FB70];
	[tilespmem:v57+s18+$0x0] =	vst.idx.msk $0xffff, v11  }
0x238: {  	v10 =	vld [tilespmem:$0x1FDA0];
	[tilespmem:v15+s18+$0x0] =	vst.idx.msk $0xffff, v12  }
0x239: {  	v57 =	vld [tilespmem:$0x1FB80];
	[tilespmem:v63+s18+$0x0] =	vst.idx.msk $0xffff, v13  }
0x23a: {  	v63 =	vld [tilespmem:$0x1FD30];
	[tilespmem:v5+s18+$0x0] =	vst.idx.msk $0xffff, v17;
	v17 =	vor.u32 v33, v52  }
0x23b: {  	v5 =	vld [tilespmem:$0x1FD50];
	[tilespmem:v19+s18+$0x0] =	vst.idx.msk $0xffff, v21;
	v19 =	vor.u32 v34, v52;
	v21 =	vor.u32 v37, v52  }
0x23c: {  	v11 =	vld [tilespmem:$0x1FDB0];
	v34 =	vadd.s32 v55, v38;
	[tilespmem:v20+s18+$0x0] =	vst.idx.msk $0xffff, v28;
	v20 =	vor.u32 v36, v52  }
0x23d: {  	v12 =	vld [tilespmem:$0x1FDC0];
	v55 =	vsel vm0, v62, v61;
	v36 =	vadd.s32 v56, v38;
	[tilespmem:v26+s18+$0x0] =	vst.idx.msk $0xffff, v31  }
0x23e: {  	v15 =	vld [tilespmem:$0x1FDF0];
	v26 =	vor.u32 v40, v52;
	[tilespmem:v27+s18+$0x0] =	vst.idx.msk $0xffff, v35;
	v27 =	vadd.s32 v54, v38  }
0x23f: {  	v13 =	vld [tilespmem:$0x1FDD0];
	v56 =	vsel vm0, v60, v63;
	[tilespmem:v17+s18+$0x0] =	vst.idx.msk $0xffff, v39;
	v17 =	vadd.s32 v42, v38  }
0x240: {  	v42 =	vsel vm0, v61, v60;
	v3 =	vsel vm0, v6, v5;
	v60 =	vld [tilespmem:$0x1FC50];
	[tilespmem:v19+s18+$0x0] =	vst.idx.msk $0xffff, v41  }
0x241: {  	v19 =	vadd.s32 v43, v38;
	v43 =	vsel vm0, v63, v62;
	v62 =	vld [tilespmem:$0x1FC60];
	[tilespmem:v20+s18+$0x0] =	vst.idx.msk $0xffff, v44  }
0x242: {  	[tilespmem:$0x1F770] =	vst v37;
	v20 =	vadd.s32 v45, v38;
	v45 =	vsel vm0, v5, v4;
	v5 =	vsel vm0, v4, v7;
	v4 =	vld [tilespmem:$0x1FE30]  }
0x243: {  	v37 =	vadd.s32 v57, v38;
	v25 =	vsel vm0, v12, v15;
	[tilespmem:v21+s18+$0x0] =	vst.idx.msk $0xffff, v47;
	v47 =	vld [tilespmem:$0x1FAF0]  }
0x244: {  	[tilespmem:v26+s18+$0x0] =	vst.idx.msk $0xffff, v18;
	v26 =	vadd.s32 v53, v38;
	v53 =	vsel vm0, v15, v14;
	v15 =	vld [tilespmem:$0x1FEA0]  }
0x245: {  	v39 =	vadd.s32 v58, v38;
	v28 =	vld.idx.msk [tilespmem:v17+s3+$0x0], $0xffff  }
0x246: {  	v54 =	vld.idx.msk [tilespmem:v27+s3+$0x0], $0xffff  }
0x247: {  	v57 =	vld.idx.msk [tilespmem:v34+s3+$0x0], $0xffff  }
0x248: {  	v58 =	vld.idx.msk [tilespmem:v36+s3+$0x0], $0xffff  }
0x249: {  	v41 =	vadd.s32 v59, v38;
	v61 =	vld.idx.msk [tilespmem:v37+s3+$0x0], $0xffff  }
0x24a: {  	v16 =	vcombine.low v43, v42;
	v39 =	vld.idx.msk [tilespmem:v39+s3+$0x0], $0xffff  }
0x24b: {  	v22 =	vsel vm0, v10, v9;
	v17 =	vadd.s32 v48, v38;
	v48 =	vsel vm0, v9, v8;
	v9 =	vld [tilespmem:$0x1FE50]  }
0x24c: {  	[tilespmem:$0x1F790] =	vst v16;
	v34 =	vor.u32 v16, v52;
	v16 =	vld [tilespmem:$0x1FEB0]  }
0x24d: {  	v21 =	vadd.s32 v46, v38;
	v29 =	vld.idx.msk [tilespmem:v19+s3+$0x0], $0xffff  }
0x24e: {  	v41 =	vld.idx.msk [tilespmem:v41+s3+$0x0], $0xffff  }
0x24f: {  	v19 =	vadd.s32 v49, v38;
	v49 =	vsel vm0, v11, v10;
	v10 =	vld [tilespmem:$0x1FE40]  }
0x250: {  	v23 =	vsel vm0, v8, v11;
	v11 =	vld [tilespmem:$0x1FE60]  }
0x251: {  	v30 =	vld.idx.msk [tilespmem:v20+s3+$0x0], $0xffff  }
0x252: {  	v20 =	vadd.s32 v50, v38;
	v31 =	vld.idx.msk [tilespmem:v21+s3+$0x0], $0xffff  }
0x253: {  	v50 =	vld.idx.msk [tilespmem:v26+s3+$0x0], $0xffff  }
0x254: {  	v46 =	vsel vm0, v7, v6;
	v18 =	vadd.s32 v47, v38;
	v35 =	vld.idx.msk [tilespmem:v17+s3+$0x0], $0xffff  }
0x255: {  	[tilespmem:$0x1F780] =	vst v40;
	v21 =	vadd.s32 v51, v38;
	v17 =	vcombine.low v46, v45;
	v40 =	vld.idx.msk [tilespmem:v19+s3+$0x0], $0xffff  }
0x256: {  	[tilespmem:$0x1F740] =	vst v33;
	v26 =	vcombine.low v48, v49;
	v19 =	vcombine.low v49, v48;
	v49 =	vld [tilespmem:$0x1FBB0]  }
0x257: {  	v27 =	vcombine.low v5, v3;
	v51 =	vsel vm0, v13, v12;
	v44 =	vld.idx.msk [tilespmem:v20+s3+$0x0], $0xffff;
	v36 =	vor.u32 v17, v52  }
0x258: {  	[tilespmem:$0x1F6D0] =	vst v0;
	v24 =	vsel vm0, v14, v13;
	v37 =	vcombine.low v51, v53;
	v20 =	vcombine.low v53, v51;
	v53 =	vld [tilespmem:$0x1FBE0]  }
0x259: {  	[tilespmem:$0x1F7A0] =	vst v17;
	v17 =	vcombine.low v24, v25;
	v33 =	vld.idx.msk [tilespmem:v18+s3+$0x0], $0xffff;
	v0 =	vor.u32 v19, v52  }
0x25a: {  	v47 =	vld.idx.msk [tilespmem:v21+s3+$0x0], $0xffff;
	v18 =	vcombine.low v56, v55;
	[tilespmem:v34+s18+$0x0] =	vst.idx.msk $0xffff, v28;
	v1 =	vor.u32 v20, v52  }
0x25b: {  	v28 =	vcombine.low v25, v24;
	[tilespmem:$0x1F7C0] =	vst v20;
	v20 =	vcombine.low v23, v22;
	v25 =	vadd.s32 v49, v38;
	v49 =	vld [tilespmem:$0x1FCB0]  }
0x25c: {  	v2 =	vor.u32 v18, v52;
	[tilespmem:v36+s18+$0x0] =	vst.idx.msk $0xffff, v29;
	v36 =	vcombine.low v3, v5;
	v3 =	vld [tilespmem:$0x1FE20]  }
0x25d: {  	v6 =	vor.u32 v27, v52;
	[tilespmem:$0x1F7B0] =	vst v19;
	v29 =	vld [tilespmem:$0x1FEC0]  }
0x25e: {  	v19 =	vcombine.low v42, v43;
	v7 =	vor.u32 v20, v52;
	[tilespmem:v0+s18+$0x0] =	vst.idx.msk $0xffff, v30;
	v30 =	vld [tilespmem:$0x1FED0]  }
0x25f: {  	v21 =	vcombine.low v45, v46;
	v12 =	vor.u32 v28, v52;
	[tilespmem:v1+s18+$0x0] =	vst.idx.msk $0xffff, v31;
	v1 =	vld [tilespmem:$0x1FE10]  }
0x260: {  	v43 =	vor.u32 v19, v52;
	v31 =	vld [tilespmem:$0x1FEE0]  }
0x261: {  	v45 =	vor.u32 v21, v52;
	[tilespmem:v2+s18+$0x0] =	vst.idx.msk $0xffff, v33;
	v2 =	vld [tilespmem:$0x1FE00]  }
0x262: {  	[tilespmem:v6+s18+$0x0] =	vst.idx.msk $0xffff, v35;
	v35 =	vcombine.low v55, v56;
	v55 =	vld [tilespmem:$0x1FC10]  }
0x263: {  	v13 =	vor.u32 v26, v52;
	v56 =	vld [tilespmem:$0x1FC30];
	[tilespmem:v7+s18+$0x0] =	vst.idx.msk $0xffff, v40  }
0x264: {  	v14 =	vor.u32 v37, v52;
	[tilespmem:v12+s18+$0x0] =	vst.idx.msk $0xffff, v44;
	v12 =	vld [tilespmem:$0x1FE70]  }
0x265: {  	v34 =	vcombine.low v22, v23;
	v48 =	vor.u32 v35, v52;
	[tilespmem:v43+s18+$0x0] =	vst.idx.msk $0xffff, v47;
	v47 =	vld [tilespmem:$0x1FC90]  }
0x266: {  	v22 =	vor.u32 v36, v52;
	[tilespmem:v45+s18+$0x0] =	vst.idx.msk $0xffff, v50;
	v50 =	vld [tilespmem:$0x1FBC0]  }
0x267: {  	v23 =	vor.u32 v34, v52;
	v45 =	vld [tilespmem:$0x1FC80]  }
0x268: {  	v24 =	vor.u32 v17, v52;
	[tilespmem:v13+s18+$0x0] =	vst.idx.msk $0xffff, v54;
	v54 =	vld [tilespmem:$0x1FC00]  }
0x269: {  	v13 =	vld [tilespmem:$0x1FE80];
	[tilespmem:v14+s18+$0x0] =	vst.idx.msk $0xffff, v57  }
0x26a: {  	v57 =	vadd.s32 v56, v38;
	v14 =	vld [tilespmem:$0x1FE90];
	[tilespmem:v48+s18+$0x0] =	vst.idx.msk $0xffff, v58  }
0x26b: {  	v33 =	vadd.s32 v32, v38;
	v58 =	vld [tilespmem:$0x1FC40];
	[tilespmem:v22+s18+$0x0] =	vst.idx.msk $0xffff, v61  }
0x26c: {  	v48 =	vld [tilespmem:$0x1FCA0];
	[tilespmem:v23+s18+$0x0] =	vst.idx.msk $0xffff, v39  }
0x26d: {  	v22 =	vadd.s32 v53, v38;
	v53 =	vld [tilespmem:$0x1FFE0];
	[tilespmem:v24+s18+$0x0] =	vst.idx.msk $0xffff, v41  }
0x26e: {  	v51 =	vadd.s32 v50, v38;
	v25 =	vld.idx.msk [tilespmem:v25+s3+$0x0], $0xffff  }
0x26f: {  	v50 =	vld.idx.msk [tilespmem:v57+s3+$0x0], $0xffff  }
0x270: {  	v63 =	vadd.s32 v62, v38;
	v61 =	vadd.s32 v60, v38;
	v62 =	vld.idx.msk [tilespmem:v33+s3+$0x0], $0xffff  }
0x271: {  	v44 =	vadd.s32 v45, v38;
	v33 =	vld [tilespmem:$0x1FEF0]  }
0x272: {  	v45 =	vadd.s32 v47, v38;
	v22 =	vld.idx.msk [tilespmem:v22+s3+$0x0], $0xffff  }
0x273: {  	v23 =	vadd.s32 v54, v38;
	v46 =	vld.idx.msk [tilespmem:v51+s3+$0x0], $0xffff  }
0x274: {  	v24 =	vadd.s32 v55, v38;
	v54 =	vsel vm0, v1, v2;
	v55 =	vsel vm0, v4, v3;
	v51 =	vld [tilespmem:$0x1FCC0]  }
0x275: {  	v1 =	vsel vm0, v3, v1;
	v2 =	vsel vm0, v2, v4;
	v59 =	vadd.s32 v58, v38;
	v56 =	vld.idx.msk [tilespmem:v61+s3+$0x0], $0xffff  }
0x276: {  	v57 =	vsel vm0, v9, v10;
	v60 =	vsel vm0, v14, v13;
	v42 =	vcombine.low v2, v1;
	v0 =	vld.idx.msk [tilespmem:v44+s3+$0x0], $0xffff  }
0x277: {  	v9 =	vsel vm0, v11, v9;
	v10 =	vsel vm0, v10, v12;
	v47 =	vadd.s32 v48, v38;
	v3 =	vld.idx.msk [tilespmem:v45+s3+$0x0], $0xffff  }
0x278: {  	v48 =	vadd.s32 v49, v38;
	v58 =	vsel vm0, v12, v11;
	v53 =	vadd.s32 v53, v38;
	v23 =	vld.idx.msk [tilespmem:v23+s3+$0x0], $0xffff  }
0x279: {  	v61 =	vsel vm0, v16, v15;
	v24 =	vld.idx.msk [tilespmem:v24+s3+$0x0], $0xffff;
	v49 =	vadd.s32 v51, v38;
	v38 =	vcombine.low v55, v54  }
0x27a: {  	v13 =	vsel vm0, v13, v16;
	v39 =	vcombine.low v58, v57;
	v40 =	vcombine.low v61, v60;
	v51 =	vld.idx.msk [tilespmem:v59+s3+$0x0], $0xffff  }
0x27b: {  	v32 =	vsel vm0, v33, v31;
	v59 =	vld.idx.msk [tilespmem:v63+s3+$0x0], $0xffff;
	v63 =	vsel vm0, v30, v29;
	v45 =	vor.u32 v38, v52  }
0x27c: {  	v12 =	vsel vm0, v15, v14;
	v4 =	vld.idx.msk [tilespmem:v47+s3+$0x0], $0xffff;
	v47 =	vor.u32 v39, v52;
	v41 =	vcombine.low v32, v63  }
0x27d: {  	v43 =	vcombine.low v10, v9;
	v44 =	vcombine.low v13, v12;
	v5 =	vor.u32 v40, v52;
	v7 =	vld.idx.msk [tilespmem:v48+s3+$0x0], $0xffff  }
0x27e: {  	v8 =	vor.u32 v42, v52;
	v48 =	vcombine.low v60, v61;
	v60 =	vld [tilespmem:$0x1FFB0];
	v6 =	vor.u32 v41, v52  }
0x27f: {  	v15 =	vsel vm0, v31, v30;
	v16 =	vsel vm0, v29, v33;
	v14 =	vld.idx.msk [tilespmem:v53+s3+$0x0], $0xffff;
	v53 =	vor.u32 v44, v52  }
0x280: {  	v11 =	vld.idx.msk [tilespmem:v49+s3+$0x0], $0xffff;
	[tilespmem:v45+s18+$0x0] =	vst.idx.msk $0xffff, v25;
	v25 =	vor.u32 v43, v52;
	v45 =	vcombine.low v16, v15  }
0x281: {  	v61 =	vld [tilespmem:$0x1FF70];
	v49 =	vcombine.low v63, v32;
	[tilespmem:v47+s18+$0x0] =	vst.idx.msk $0xffff, v46;
	v46 =	vcombine.low v54, v55  }
0x282: {  	v32 =	vld [tilespmem:$0x1FFD0];
	v47 =	vcombine.low v57, v58;
	[tilespmem:v5+s18+$0x0] =	vst.idx.msk $0xffff, v22;
	v54 =	vor.u32 v45, v52  }
0x283: {  	v63 =	vld [tilespmem:$0x1FBD0];
	[tilespmem:v6+s18+$0x0] =	vst.idx.msk $0xffff, v23;
	v6 =	vor.u32 v46, v52  }
0x284: {  	v57 =	vld [tilespmem:$0x1FF50];
	[tilespmem:v8+s18+$0x0] =	vst.idx.msk $0xffff, v24;
	v8 =	vor.u32 v47, v52  }
0x285: {  	v55 =	vld [tilespmem:$0x1FF40];
	[tilespmem:v25+s18+$0x0] =	vst.idx.msk $0xffff, v50;
	v50 =	vcombine.low v1, v2;
	v1 =	vor.u32 v48, v52  }
0x286: {  	v58 =	vld [tilespmem:$0x1FBF0];
	v2 =	vor.u32 v49, v52;
	[tilespmem:v53+s18+$0x0] =	vst.idx.msk $0xffff, v51;
	v51 =	vcombine.low v9, v10  }
0x287: {  	v22 =	vld [tilespmem:$0x1FF80];
	v53 =	vcombine.low v12, v13;
	[tilespmem:v54+s18+$0x0] =	vst.idx.msk $0xffff, v56;
	v13 =	vor.u32 v50, v52  }
0x288: {  	v23 =	vld [tilespmem:$0x1FF90];
	v54 =	vcombine.low v15, v16;
	[tilespmem:v6+s18+$0x0] =	vst.idx.msk $0xffff, v59;
	v33 =	vor.u32 v51, v52  }
0x289: {  	v24 =	vld [tilespmem:$0x1FFA0];
	[tilespmem:v8+s18+$0x0] =	vst.idx.msk $0xffff, v62;
	v8 =	vor.u32 v53, v52  }
0x28a: {  	p2 =	sne.s32 s28, $0xB8;
	v25 =	vld [tilespmem:$0x1FFF0];
	v52 =	vor.u32 v54, v52;
	[tilespmem:v1+s18+$0x0] =	vst.idx.msk $0xffff, v0  }
.Ltmp2:
0x28b: {  	v9 =	vld [tilespmem:$0x1FF30];
	[tilespmem:v2+s18+$0x0] =	vst.idx.msk $0xffff, v3;
	(pc) =	sbr.rel @p2 .LBB2_3-.Ltmp2, $4  }
0x28c: {  	v10 =	vld [tilespmem:$0x1FF60];
	[tilespmem:v13+s18+$0x0] =	vst.idx.msk $0xffff, v4  }
0x28d: {  	v56 =	vld [tilespmem:$0x1FC20];
	[tilespmem:v33+s18+$0x0] =	vst.idx.msk $0xffff, v7  }
0x28e: {  	v59 =	vld [tilespmem:$0x1FF20];
	[tilespmem:v8+s18+$0x0] =	vst.idx.msk $0xffff, v11  }
0x28f: {  	s28 =	sadd.s32 $0x8, s28;
	s26 =	sadd.s32 $0x10, s26;
	v62 =	vld [tilespmem:$0x1FFC0];
	[tilespmem:v52+s18+$0x0] =	vst.idx.msk $0xffff, v14  }
0x290: {  	v33 =	vmov v35;
	v35 =	vmov v27;
	v27 =	vld [tilespmem:$0x1F7C0]  }
0x291: {  	v60 =	vld [tilespmem:$0x1F7B0]  }
0x292: {  	v30 =	vmov v26;
	v26 =	vld [tilespmem:$0x1F7A0]  }
0x293: {  	v31 =	vmov v37;
	v37 =	vld [tilespmem:$0x1F790];
	p2 =	sne.s32 s24, $0x28  }
.Ltmp3:
0x294: {  	[tilespmem:$0x1F660] =	vst v34;
	v34 =	vld [tilespmem:$0x1F780];
	s26 =	sor.u32 s4, s25;
	(pc) =	sbr.rel @p2 .LBB2_6-.Ltmp3, $4  }
0x295: {  	v8 =	vld [tilespmem:$0x1F770];
	s28 =	smul.u32 $0xC00, s26  }
0x296: {  	v7 =	vld [tilespmem:$0x1F760]  }
0x297: {  	v57 =	vld [tilespmem:$0x1F750];
	s28 =	sadd.s32 s6, s28  }
0x298: {  	v25 =	vmovc v17;
	v9 =	vmovc v36;
	v29 =	vmov v21;
	v23 =	vmov v19;
	v32 =	vmov v20;
	v5 =	vld [tilespmem:$0x1F740];
	[hbm4b:s28+s3] =	stream.linear.scatter [tilespmem:s18], [sflag:$0x3], $0x6000, $0x38  }
.Ltmp4:
0x299: {  	(pc) =	sbr.rel .LBB2_7-.Ltmp4, $4  }
0x29a: {  	_ = 	snop  }
0x29b: {  	_ =	swait.ge [sflag:s19], $0x6000  }
0x29c: {  	[sflag:s19] =	ssyncset.done $0x0  }
0x29d: {  	v52 =	vmov v60;
	v55 =	vmov v27;
	v21 =	vmov v25;
	[sflag:s19] =	ssyncadd.s32 $0xFFFFA000  }
.LBB2_6:
0x29e: {  	s28 =	sadd.s32 s10, s25  }
0x29f: {  	s28 =	smin.u32 s28, $0xA2B  }
0x2a0: {  	s28 =	smul.u32 $0x180, s28;
	_ =	sdelay $0x1  }
.Ltmp5:
0x2a1: {  	s28 =	sadd.s32 s0, s28;
	(pc) =	sbr.rel @p1 .LBB2_8-.Ltmp5, $4  }
0x2a2: {  	[tilespmem:s3], [sflag:$0x1] =	stream.strided.gather [hbm4b:s28+s15], $0x6000, s14, s15, $0x38;
	[tilespmem:$0x18000] =	vst v63  }
0x2a3: {  	_ =	swait.ge [sflag:s19], $0x6000  }
0x2a4: {  	[sflag:s19] =	ssyncset.done $0x0  }
0x2a5: {  	v52 =	vmov v60;
	v55 =	vmov v27;
	v21 =	vmov v25;
	[sflag:s19] =	ssyncadd.s32 $0xFFFFA000  }
.LBB2_7:
0x2a6: {  	_ =	swait.ge [sflag:s20], $0x6000  }
0x2a7: {  	[sflag:s20] =	ssyncset.done $0x0  }
0x2a8: {  	[sflag:s20] =	ssyncadd.s32 $0xFFFFA000  }
.LBB2_8:
0x2a9: {  	v27 =	vmov v5;
	v17 =	vmov v7;
	v61 =	vmov v8  }
0x2aa: {  	v20 =	vmovc v34;
	v62 =	vmovc v37;
	v19 =	vmov v26;
	v26 =	vmov v18;
	v18 =	vmov v35  }
0x2ab: {  	s28 =	simm.s32 $0x0;
	s29 =	simm.s32 $0x0;
	v60 =	vmovc v28;
	v36 =	vld [tilespmem:$0x1F660];
	v37 =	vmovc v52;
	v28 =	vmov v55;
	v35 =	vmov v23;
	v34 =	vmov v9  }
.LBB2_9:
0x2ac: {  	v11 =	vld [tilespmem:$0x1F7D0]  }
0x2ad: {  	v12 =	vld [tilespmem:$0x1F7E0]  }
0x2ae: {  	v2 =	vld [tilespmem:$0x1F7F0]  }
0x2af: {  	v3 =	vld [tilespmem:$0x1F800]  }
0x2b0: {  	v4 =	vld [tilespmem:$0x1F810]  }
0x2b1: {  	v5 =	vld [tilespmem:$0x1F820]  }
0x2b2: {  	v0 =	vmov s28;
	v1 =	vlaneseq.u32;
	v6 =	vld [tilespmem:$0x1F830]  }
0x2b3: {  	v7 =	vld [tilespmem:$0x1F840];
	v1 =	vor.u32 s28, v1;
	v0 =	vshll.u32 v0, $0x3  }
0x2b4: {  	v22 =	vld [tilespmem:$0x1F8F0];
	v1 =	vand.u32 $0x7F, v1;
	v0 =	vand.u32 $0xC00, v0  }
0x2b5: {  	v10 =	vld [tilespmem:$0x1F850];
	v55 =	vor.u32 v1, v0  }
0x2b6: {  	v14 =	vld [tilespmem:$0x1F870];
	v8 =	vadd.s32 v63, v55  }
0x2b7: {  	v13 =	vmov s29;
	v16 =	vld [tilespmem:$0x1F880];
	v9 =	vadd.s32 v58, v55  }
0x2b8: {  	v13 =	vshll.u32 v13, $0x7;
	v15 =	vadd.s32 v59, v55;
	v1 =	vadd.s32 v12, v55;
	v12 =	vld [tilespmem:$0x1F860]  }
0x2b9: {  	v0 =	vadd.s32 v11, v55;
	v52 =	vor.u32 v22, v13;
	v13 =	vld [tilespmem:$0x1F890]  }
0x2ba: {  	v22 =	vld [tilespmem:$0x1F8A0]  }
0x2bb: {  	v2 =	vadd.s32 v2, v55;
	v8 =	vld.idx.msk [tilespmem:v8+s16+$0x0], $0xffff  }
0x2bc: {  	v3 =	vadd.s32 v3, v55;
	v9 =	vld.idx.msk [tilespmem:v9+s16+$0x0], $0xffff  }
0x2bd: {  	v4 =	vadd.s32 v4, v55;
	v15 =	vld.idx.msk [tilespmem:v15+s16+$0x0], $0xffff  }
0x2be: {  	v5 =	vadd.s32 v5, v55;
	v0 =	vld.idx.msk [tilespmem:v0+s16+$0x0], $0xffff  }
0x2bf: {  	v6 =	vadd.s32 v6, v55;
	v1 =	vld.idx.msk [tilespmem:v1+s16+$0x0], $0xffff  }
0x2c0: {  	v7 =	vadd.s32 v7, v55;
	v2 =	vld.idx.msk [tilespmem:v2+s16+$0x0], $0xffff  }
0x2c1: {  	v10 =	vadd.s32 v10, v55;
	v3 =	vld.idx.msk [tilespmem:v3+s16+$0x0], $0xffff  }
0x2c2: {  	v11 =	vadd.s32 v56, v55;
	v4 =	vld.idx.msk [tilespmem:v4+s16+$0x0], $0xffff  }
0x2c3: {  	v14 =	vadd.s32 v14, v55;
	v5 =	vld.idx.msk [tilespmem:v5+s16+$0x0], $0xffff  }
0x2c4: {  	v16 =	vadd.s32 v16, v55;
	v6 =	vld.idx.msk [tilespmem:v6+s16+$0x0], $0xffff  }
0x2c5: {  	v7 =	vld.idx.msk [tilespmem:v7+s16+$0x0], $0xffff;
	v12 =	vadd.s32 v12, v55  }
0x2c6: {  	v10 =	vld.idx.msk [tilespmem:v10+s16+$0x0], $0xffff;
	v13 =	vor.u32 v13, v52  }
0x2c7: {  	v11 =	vld.idx.msk [tilespmem:v11+s16+$0x0], $0xffff  }
0x2c8: {  	v14 =	vld.idx.msk [tilespmem:v14+s16+$0x0], $0xffff  }
0x2c9: {  	v16 =	vld.idx.msk [tilespmem:v16+s16+$0x0], $0xffff  }
0x2ca: {  	v12 =	vld.idx.msk [tilespmem:v12+s16+$0x0], $0xffff  }
0x2cb: {  	[tilespmem:v13+s21+$0x0] =	vst.idx.msk $0xffff, v0;
	v13 =	vld [tilespmem:$0x1FF60];
	_ =	sdelay $0x3  }
0x2cc: {  	v23 =	vld [tilespmem:$0x1FF30]  }
0x2cd: {  	v22 =	vor.u32 v22, v52;
	v0 =	vor.u32 v13, v52;
	v13 =	vld [tilespmem:$0x1FF00];
	_ =	sdelay $0x2  }
0x2ce: {  	v24 =	vld [tilespmem:$0x1FF40]  }
0x2cf: {  	v25 =	vld [tilespmem:$0x1FF50]  }
0x2d0: {  	v23 =	vor.u32 v23, v52;
	[tilespmem:v22+s21+$0x0] =	vst.idx.msk $0xffff, v1;
	v1 =	vor.u32 v13, v52;
	v13 =	vld [tilespmem:$0x1FF10];
	_ =	sdelay $0x2  }
0x2d1: {  	v24 =	vor.u32 v24, v52  }
0x2d2: {  	v25 =	vor.u32 v25, v52  }
0x2d3: {  	[tilespmem:v23+s21+$0x0] =	vst.idx.msk $0xffff, v2;
	v2 =	vor.u32 v13, v52;
	v13 =	vld [tilespmem:$0x1F8B0];
	_ =	sdelay $0x1  }
0x2d4: {  	v22 =	vld [tilespmem:$0x1F6A0]  }
0x2d5: {  	v23 =	vld [tilespmem:$0x1F6B0];
	[tilespmem:v24+s21+$0x0] =	vst.idx.msk $0xffff, v3  }
0x2d6: {  	v24 =	vld [tilespmem:$0x1F6C0];
	[tilespmem:v25+s21+$0x0] =	vst.idx.msk $0xffff, v4  }
0x2d7: {  	[tilespmem:v0+s21+$0x0] =	vst.idx.msk $0xffff, v5;
	v5 =	vld [tilespmem:$0x1F8C0];
	v3 =	vor.u32 v13, v52  }
0x2d8: {  	v13 =	vld [tilespmem:$0x1FFB0]  }
0x2d9: {  	v25 =	vld [tilespmem:$0x1F6D0]  }
0x2da: {  	[tilespmem:v1+s21+$0x0] =	vst.idx.msk $0xffff, v6;
	v6 =	vld [tilespmem:$0x1FFC0]  }
0x2db: {  	[tilespmem:v2+s21+$0x0] =	vst.idx.msk $0xffff, v7;
	v7 =	vld [tilespmem:$0x1F8D0]  }
0x2dc: {  	[tilespmem:v3+s21+$0x0] =	vst.idx.msk $0xffff, v8;
	v8 =	vld [tilespmem:$0x1F8E0]  }
0x2dd: {  	v0 =	vor.u32 v5, v52;
	v5 =	vld [tilespmem:$0x1F680];
	v4 =	vor.u32 v13, v52  }
0x2de: {  	v13 =	vld [tilespmem:$0x1F670]  }
0x2df: {  	v1 =	vor.u32 v6, v52;
	v6 =	vld [tilespmem:$0x1F900]  }
0x2e0: {  	v2 =	vor.u32 v7, v52;
	v7 =	vld [tilespmem:$0x1F910]  }
0x2e1: {  	v3 =	vor.u32 v8, v52;
	v8 =	vld [tilespmem:$0x1F920]  }
0x2e2: {  	[tilespmem:v4+s21+$0x0] =	vst.idx.msk $0xffff, v9;
	v9 =	vld [tilespmem:$0x1F930]  }
0x2e3: {  	v4 =	vor.u32 v13, v52;
	v13 =	vld [tilespmem:$0x1F970]  }
0x2e4: {  	[tilespmem:v0+s21+$0x0] =	vst.idx.msk $0xffff, v10;
	v10 =	vld [tilespmem:$0x1F940]  }
0x2e5: {  	v0 =	vor.u32 v5, v52;
	[tilespmem:v1+s21+$0x0] =	vst.idx.msk $0xffff, v11;
	v11 =	vld [tilespmem:$0x1F950]  }
0x2e6: {  	v1 =	vadd.s32 v6, v55;
	[tilespmem:v2+s21+$0x0] =	vst.idx.msk $0xffff, v12;
	v12 =	vld [tilespmem:$0x1F960]  }
0x2e7: {  	v2 =	vadd.s32 v7, v55;
	[tilespmem:v3+s21+$0x0] =	vst.idx.msk $0xffff, v14;
	v14 =	vld [tilespmem:$0x1FFD0]  }
0x2e8: {  	v7 =	vadd.s32 v13, v55;
	v13 =	vld [tilespmem:$0x1F990]  }
0x2e9: {  	v3 =	vadd.s32 v8, v55;
	[tilespmem:v4+s21+$0x0] =	vst.idx.msk $0xffff, v15;
	v15 =	vld [tilespmem:$0x1F9E0]  }
0x2ea: {  	[tilespmem:v0+s21+$0x0] =	vst.idx.msk $0xffff, v16;
	v16 =	vld [tilespmem:$0x1F690]  }
0x2eb: {  	v1 =	vld.idx.msk [tilespmem:v1+s16+$0x0], $0xffff  }
0x2ec: {  	v2 =	vld.idx.msk [tilespmem:v2+s16+$0x0], $0xffff  }
0x2ed: {  	v4 =	vadd.s32 v9, v55;
	v6 =	vadd.s32 v12, v55;
	v12 =	vld [tilespmem:$0x1F980]  }
0x2ee: {  	v0 =	vadd.s32 v10, v55;
	v3 =	vld.idx.msk [tilespmem:v3+s16+$0x0], $0xffff  }
0x2ef: {  	v8 =	vadd.s32 v14, v55;
	v14 =	vld [tilespmem:$0x1F9A0]  }
0x2f0: {  	v7 =	vld.idx.msk [tilespmem:v7+s16+$0x0], $0xffff  }
0x2f1: {  	v5 =	vadd.s32 v11, v55;
	v10 =	vadd.s32 v13, v55;
	v13 =	vld [tilespmem:$0x1F9C0]  }
0x2f2: {  	v4 =	vld.idx.msk [tilespmem:v4+s16+$0x0], $0xffff  }
0x2f3: {  	v0 =	vld.idx.msk [tilespmem:v0+s16+$0x0], $0xffff  }
0x2f4: {  	v9 =	vadd.s32 v12, v55;
	v12 =	vld [tilespmem:$0x1F9B0]  }
0x2f5: {  	v15 =	vadd.s32 v15, v55;
	v11 =	vadd.s32 v14, v55;
	v14 =	vld [tilespmem:$0x1F9D0]  }
0x2f6: {  	v5 =	vld.idx.msk [tilespmem:v5+s16+$0x0], $0xffff  }
0x2f7: {  	v6 =	vld.idx.msk [tilespmem:v6+s16+$0x0], $0xffff  }
0x2f8: {  	v8 =	vld.idx.msk [tilespmem:v8+s16+$0x0], $0xffff;
	v13 =	vadd.s32 v13, v55  }
0x2f9: {  	v10 =	vld.idx.msk [tilespmem:v10+s16+$0x0], $0xffff;
	v12 =	vadd.s32 v12, v55  }
0x2fa: {  	v15 =	vld.idx.msk [tilespmem:v15+s16+$0x0], $0xffff;
	v14 =	vadd.s32 v14, v55  }
0x2fb: {  	v16 =	vor.u32 v16, v52;
	v9 =	vld.idx.msk [tilespmem:v9+s16+$0x0], $0xffff  }
0x2fc: {  	v11 =	vld.idx.msk [tilespmem:v11+s16+$0x0], $0xffff  }
0x2fd: {  	v13 =	vld.idx.msk [tilespmem:v13+s16+$0x0], $0xffff  }
0x2fe: {  	v12 =	vld.idx.msk [tilespmem:v12+s16+$0x0], $0xffff  }
0x2ff: {  	v14 =	vld.idx.msk [tilespmem:v14+s16+$0x0], $0xffff  }
0x300: {  	[tilespmem:v16+s21+$0x0] =	vst.idx.msk $0xffff, v1;
	v1 =	vld [tilespmem:$0x1F6E0]  }
0x301: {  	v22 =	vor.u32 v22, v52  }
0x302: {  	v23 =	vor.u32 v23, v52  }
0x303: {  	v24 =	vor.u32 v24, v52  }
0x304: {  	v25 =	vor.u32 v25, v52  }
0x305: {  	v1 =	vor.u32 v1, v52  }
0x306: {  	[tilespmem:v22+s21+$0x0] =	vst.idx.msk $0xffff, v2;
	v2 =	vld [tilespmem:$0x1F6F0]  }
0x307: {  	[tilespmem:v23+s21+$0x0] =	vst.idx.msk $0xffff, v3;
	v3 =	vld [tilespmem:$0x1F700]  }
0x308: {  	[tilespmem:v24+s21+$0x0] =	vst.idx.msk $0xffff, v4;
	v4 =	vld [tilespmem:$0x1F710]  }
0x309: {  	[tilespmem:v25+s21+$0x0] =	vst.idx.msk $0xffff, v0;
	v0 =	vld [tilespmem:$0x1F720]  }
0x30a: {  	[tilespmem:v1+s21+$0x0] =	vst.idx.msk $0xffff, v5;
	v5 =	vld [tilespmem:$0x1F730]  }
0x30b: {  	v2 =	vor.u32 v2, v52  }
0x30c: {  	v3 =	vor.u32 v3, v52  }
0x30d: {  	v4 =	vor.u32 v4, v52  }
0x30e: {  	v0 =	vor.u32 v0, v52  }
0x30f: {  	v1 =	vor.u32 v5, v52  }
0x310: {  	[tilespmem:v2+s21+$0x0] =	vst.idx.msk $0xffff, v6;
	v2 =	vor.u32 v27, v52  }
0x311: {  	[tilespmem:v3+s21+$0x0] =	vst.idx.msk $0xffff, v7;
	v3 =	vor.u32 v57, v52  }
0x312: {  	[tilespmem:v4+s21+$0x0] =	vst.idx.msk $0xffff, v8;
	v8 =	vor.u32 v17, v52  }
0x313: {  	v6 =	vld [tilespmem:$0x1FAB0];
	[tilespmem:v0+s21+$0x0] =	vst.idx.msk $0xffff, v9  }
0x314: {  	v7 =	vld [tilespmem:$0x1FAC0];
	v9 =	vor.u32 v61, v52;
	[tilespmem:v1+s21+$0x0] =	vst.idx.msk $0xffff, v10  }
0x315: {  	[tilespmem:v2+s21+$0x0] =	vst.idx.msk $0xffff, v11;
	v11 =	vld [tilespmem:$0x1FB00]  }
0x316: {  	v10 =	vor.u32 v20, v52;
	[tilespmem:v3+s21+$0x0] =	vst.idx.msk $0xffff, v12;
	v12 =	vld [tilespmem:$0x1FB10]  }
0x317: {  	[tilespmem:v8+s21+$0x0] =	vst.idx.msk $0xffff, v13;
	v8 =	vld [tilespmem:$0x1FAD0]  }
0x318: {  	v2 =	vadd.s32 v6, v55;
	v13 =	vld [tilespmem:$0x1FB20]  }
0x319: {  	v3 =	vadd.s32 v7, v55;
	[tilespmem:v9+s21+$0x0] =	vst.idx.msk $0xffff, v14;
	v9 =	vld [tilespmem:$0x1FAE0]  }
0x31a: {  	v14 =	vld [tilespmem:$0x1FB30]  }
0x31b: {  	[tilespmem:v10+s21+$0x0] =	vst.idx.msk $0xffff, v15;
	v10 =	vld [tilespmem:$0x1FAF0]  }
0x31c: {  	v15 =	vld [tilespmem:$0x1FBA0]  }
0x31d: {  	v2 =	vld.idx.msk [tilespmem:v2+s16+$0x0], $0xffff;
	v5 =	vadd.s32 v11, v55  }
0x31e: {  	v3 =	vld.idx.msk [tilespmem:v3+s16+$0x0], $0xffff;
	v6 =	vadd.s32 v12, v55  }
0x31f: {  	v12 =	vld [tilespmem:$0x1FB40]  }
0x320: {  	v4 =	vadd.s32 v8, v55;
	v7 =	vadd.s32 v13, v55;
	v13 =	vld [tilespmem:$0x1FB50]  }
0x321: {  	v8 =	vadd.s32 v14, v55;
	v14 =	vld [tilespmem:$0x1FB60]  }
0x322: {  	v5 =	vld.idx.msk [tilespmem:v5+s16+$0x0], $0xffff  }
0x323: {  	v6 =	vld.idx.msk [tilespmem:v6+s16+$0x0], $0xffff  }
0x324: {  	v0 =	vadd.s32 v9, v55;
	v9 =	vadd.s32 v12, v55;
	v12 =	vld [tilespmem:$0x1FB70]  }
0x325: {  	v4 =	vld.idx.msk [tilespmem:v4+s16+$0x0], $0xffff  }
0x326: {  	v1 =	vadd.s32 v10, v55;
	v7 =	vld.idx.msk [tilespmem:v7+s16+$0x0], $0xffff  }
0x327: {  	v15 =	vadd.s32 v15, v55;
	v10 =	vadd.s32 v13, v55;
	v13 =	vld [tilespmem:$0x1FB80]  }
0x328: {  	v11 =	vadd.s32 v14, v55;
	v14 =	vld [tilespmem:$0x1FB90]  }
0x329: {  	v0 =	vld.idx.msk [tilespmem:v0+s16+$0x0], $0xffff  }
0x32a: {  	v8 =	vld.idx.msk [tilespmem:v8+s16+$0x0], $0xffff  }
0x32b: {  	v1 =	vld.idx.msk [tilespmem:v1+s16+$0x0], $0xffff;
	v12 =	vadd.s32 v12, v55  }
0x32c: {  	v15 =	vld.idx.msk [tilespmem:v15+s16+$0x0], $0xffff;
	v13 =	vadd.s32 v13, v55  }
0x32d: {  	v16 =	vor.u32 v62, v52;
	v9 =	vld.idx.msk [tilespmem:v9+s16+$0x0], $0xffff;
	v14 =	vadd.s32 v14, v55  }
0x32e: {  	v22 =	vor.u32 v19, v52;
	v10 =	vld.idx.msk [tilespmem:v10+s16+$0x0], $0xffff  }
0x32f: {  	v23 =	vor.u32 v37, v52;
	v11 =	vld.idx.msk [tilespmem:v11+s16+$0x0], $0xffff  }
0x330: {  	v24 =	vor.u32 v28, v52;
	v12 =	vld.idx.msk [tilespmem:v12+s16+$0x0], $0xffff  }
0x331: {  	v25 =	vor.u32 v26, v52;
	v13 =	vld.idx.msk [tilespmem:v13+s16+$0x0], $0xffff  }
0x332: {  	v14 =	vld.idx.msk [tilespmem:v14+s16+$0x0], $0xffff;
	[tilespmem:v16+s21+$0x0] =	vst.idx.msk $0xffff, v2;
	v2 =	vor.u32 v18, v52  }
0x333: {  	[tilespmem:v22+s21+$0x0] =	vst.idx.msk $0xffff, v3;
	v3 =	vor.u32 v32, v52  }
0x334: {  	[tilespmem:v23+s21+$0x0] =	vst.idx.msk $0xffff, v4;
	v4 =	vor.u32 v60, v52  }
0x335: {  	[tilespmem:v24+s21+$0x0] =	vst.idx.msk $0xffff, v0;
	v0 =	vor.u32 v35, v52  }
0x336: {  	[tilespmem:v25+s21+$0x0] =	vst.idx.msk $0xffff, v1;
	v1 =	vor.u32 v29, v52  }
0x337: {  	[tilespmem:v2+s21+$0x0] =	vst.idx.msk $0xffff, v5;
	v2 =	vor.u32 v30, v52  }
0x338: {  	[tilespmem:v3+s21+$0x0] =	vst.idx.msk $0xffff, v6;
	v3 =	vor.u32 v31, v52  }
0x339: {  	[tilespmem:v4+s21+$0x0] =	vst.idx.msk $0xffff, v7;
	v4 =	vor.u32 v33, v52  }
0x33a: {  	[tilespmem:v0+s21+$0x0] =	vst.idx.msk $0xffff, v8;
	v8 =	vor.u32 v34, v52  }
0x33b: {  	[tilespmem:v1+s21+$0x0] =	vst.idx.msk $0xffff, v9  }
0x33c: {  	v9 =	vor.u32 v36, v52;
	[tilespmem:v2+s21+$0x0] =	vst.idx.msk $0xffff, v10  }
0x33d: {  	[tilespmem:v3+s21+$0x0] =	vst.idx.msk $0xffff, v11;
	v11 =	vld [tilespmem:$0x1FBB0]  }
0x33e: {  	v10 =	vor.u32 v21, v52;
	[tilespmem:v4+s21+$0x0] =	vst.idx.msk $0xffff, v12;
	v12 =	vld [tilespmem:$0x1FBC0]  }
0x33f: {  	[tilespmem:v8+s21+$0x0] =	vst.idx.msk $0xffff, v13;
	v8 =	vld [tilespmem:$0x1FBE0]  }
0x340: {  	v13 =	vld [tilespmem:$0x1FC50]  }
0x341: {  	[tilespmem:v9+s21+$0x0] =	vst.idx.msk $0xffff, v14;
	v9 =	vld [tilespmem:$0x1FC00]  }
0x342: {  	v14 =	vld [tilespmem:$0x1FC60]  }
0x343: {  	[tilespmem:v10+s21+$0x0] =	vst.idx.msk $0xffff, v15;
	v10 =	vld [tilespmem:$0x1FC10]  }
0x344: {  	v15 =	vld [tilespmem:$0x1FFE0];
	v3 =	vadd.s32 v11, v55  }
0x345: {  	v11 =	vld [tilespmem:$0x1FC30];
	v4 =	vadd.s32 v12, v55  }
0x346: {  	v12 =	vld [tilespmem:$0x1FC40]  }
0x347: {  	v0 =	vadd.s32 v8, v55;
	v7 =	vadd.s32 v13, v55;
	v13 =	vld [tilespmem:$0x1FC80]  }
0x348: {  	v8 =	vadd.s32 v14, v55;
	v14 =	vld [tilespmem:$0x1FC90]  }
0x349: {  	v3 =	vld.idx.msk [tilespmem:v3+s16+$0x0], $0xffff  }
0x34a: {  	v1 =	vadd.s32 v9, v55;
	v4 =	vld.idx.msk [tilespmem:v4+s16+$0x0], $0xffff  }
0x34b: {  	v6 =	vadd.s32 v12, v55;
	v12 =	vld [tilespmem:$0x1FC70]  }
0x34c: {  	v0 =	vld.idx.msk [tilespmem:v0+s16+$0x0], $0xffff  }
0x34d: {  	v7 =	vld.idx.msk [tilespmem:v7+s16+$0x0], $0xffff  }
0x34e: {  	v2 =	vadd.s32 v10, v55;
	v10 =	vadd.s32 v13, v55;
	v13 =	vld [tilespmem:$0x1FCB0]  }
0x34f: {  	v15 =	vadd.s32 v15, v55;
	v1 =	vld.idx.msk [tilespmem:v1+s16+$0x0], $0xffff  }
0x350: {  	v5 =	vadd.s32 v11, v55;
	v8 =	vld.idx.msk [tilespmem:v8+s16+$0x0], $0xffff  }
0x351: {  	v11 =	vadd.s32 v14, v55;
	v14 =	vld [tilespmem:$0x1FCC0]  }
0x352: {  	v9 =	vadd.s32 v12, v55;
	v12 =	vld [tilespmem:$0x1FCA0]  }
0x353: {  	v2 =	vld.idx.msk [tilespmem:v2+s16+$0x0], $0xffff  }
0x354: {  	v15 =	vld.idx.msk [tilespmem:v15+s16+$0x0], $0xffff  }
0x355: {  	v5 =	vld.idx.msk [tilespmem:v5+s16+$0x0], $0xffff;
	v13 =	vadd.s32 v13, v55  }
0x356: {  	v6 =	vld.idx.msk [tilespmem:v6+s16+$0x0], $0xffff;
	v14 =	vadd.s32 v14, v55  }
0x357: {  	v16 =	vor.u32 v38, v52;
	v10 =	vld.idx.msk [tilespmem:v10+s16+$0x0], $0xffff;
	v12 =	vadd.s32 v12, v55  }
0x358: {  	v22 =	vor.u32 v39, v52;
	v11 =	vld.idx.msk [tilespmem:v11+s16+$0x0], $0xffff  }
0x359: {  	v23 =	vor.u32 v40, v52;
	v9 =	vld.idx.msk [tilespmem:v9+s16+$0x0], $0xffff  }
0x35a: {  	v24 =	vor.u32 v41, v52;
	v13 =	vld.idx.msk [tilespmem:v13+s16+$0x0], $0xffff  }
0x35b: {  	v25 =	vor.u32 v42, v52;
	v14 =	vld.idx.msk [tilespmem:v14+s16+$0x0], $0xffff  }
0x35c: {  	v55 =	vor.u32 v43, v52;
	v12 =	vld.idx.msk [tilespmem:v12+s16+$0x0], $0xffff;
	[tilespmem:v16+s21+$0x0] =	vst.idx.msk $0xffff, v3  }
0x35d: {  	[tilespmem:v22+s21+$0x0] =	vst.idx.msk $0xffff, v4;
	v4 =	vor.u32 v44, v52  }
0x35e: {  	[tilespmem:v23+s21+$0x0] =	vst.idx.msk $0xffff, v0;
	v0 =	vor.u32 v45, v52  }
0x35f: {  	[tilespmem:v24+s21+$0x0] =	vst.idx.msk $0xffff, v1;
	v1 =	vor.u32 v46, v52  }
0x360: {  	[tilespmem:v25+s21+$0x0] =	vst.idx.msk $0xffff, v2;
	v2 =	vor.u32 v47, v52  }
0x361: {  	[tilespmem:v55+s21+$0x0] =	vst.idx.msk $0xffff, v5;
	v55 =	vor.u32 v48, v52  }
0x362: {  	[tilespmem:v4+s21+$0x0] =	vst.idx.msk $0xffff, v6;
	v4 =	vor.u32 v49, v52  }
0x363: {  	[tilespmem:v0+s21+$0x0] =	vst.idx.msk $0xffff, v7;
	v7 =	vor.u32 v50, v52  }
0x364: {  	[tilespmem:v1+s21+$0x0] =	vst.idx.msk $0xffff, v8;
	v8 =	vor.u32 v51, v52  }
0x365: {  	[tilespmem:v2+s21+$0x0] =	vst.idx.msk $0xffff, v9;
	v9 =	vor.u32 v53, v52  }
0x366: {  	p1 =	sne.s32 s29, $0xB8;
	[tilespmem:v55+s21+$0x0] =	vst.idx.msk $0xffff, v10;
	v55 =	vor.u32 v54, v52  }
.Ltmp6:
0x367: {  	[tilespmem:v4+s21+$0x0] =	vst.idx.msk $0xffff, v11;
	(pc) =	sbr.rel @p1 .LBB2_9-.Ltmp6, $4  }
0x368: {  	[tilespmem:v7+s21+$0x0] =	vst.idx.msk $0xffff, v12  }
0x369: {  	[tilespmem:v8+s21+$0x0] =	vst.idx.msk $0xffff, v13  }
0x36a: {  	[tilespmem:v9+s21+$0x0] =	vst.idx.msk $0xffff, v14  }
0x36b: {  	s29 =	sadd.s32 $0x8, s29;
	s28 =	sadd.s32 $0x10, s28;
	[tilespmem:v55+s21+$0x0] =	vst.idx.msk $0xffff, v15  }
0x36c: {  	s26 =	sor.u32 $0x20, s26;
	p1 =	seq.s32 s24, $0x28  }
.Ltmp7:
0x36d: {  	s26 =	smin.u32 s26, $0xA2B;
	(pc) =	sbr.rel @p1 .LBB2_12-.Ltmp7, $3  }
0x36e: {  	s26 =	smul.u32 $0xC00, s26;
	_ =	sdelay $0x1  }
0x36f: {  	s26 =	sadd.s32 s6, s26  }
0x370: {  	[hbm4b:s26+s3] =	stream.linear.scatter [tilespmem:s21], [sflag:$0x4], $0x6000, $0x38;
	[tilespmem:$0x18000] =	vst v63  }
0x371: {  	v9 =	vld [tilespmem:$0x1FF30]  }
0x372: {  	v55 =	vld [tilespmem:$0x1FF40]  }
0x373: {  	v57 =	vld [tilespmem:$0x1FF50]  }
0x374: {  	v10 =	vld [tilespmem:$0x1FF60]  }
0x375: {  	v61 =	vld [tilespmem:$0x1FF70]  }
0x376: {  	v22 =	vld [tilespmem:$0x1FF80]  }
0x377: {  	s25 =	sadd.s32 s11, s25;
	v23 =	vld [tilespmem:$0x1FF90]  }
.Ltmp8:
0x378: {  	v24 =	vld [tilespmem:$0x1FFA0];
	s25 =	smin.u32 s25, $0xA2B;
	(pc) =	sbr.rel .LBB2_2-.Ltmp8, $4  }
0x379: {  	v60 =	vld [tilespmem:$0x1FFB0];
	s25 =	smul.u32 $0x180, s25  }
0x37a: {  	v62 =	vld [tilespmem:$0x1FFC0]  }
0x37b: {  	s24 =	sadd.s32 $0x1, s24;
	v32 =	vld [tilespmem:$0x1FFD0];
	s25 =	sadd.s32 s0, s25  }
0x37c: {  	v25 =	vld [tilespmem:$0x1FFF0];
	[tilespmem:s16], [sflag:$0x2] =	stream.strided.gather [hbm4b:s25+s15], $0x6000, s14, s15, $0x38  }
.LBB2_13:
0x37d: {  	_ =	sfence.sel $0x180000  }
0x37e: {  	[bflag:$0x0] =	sbarrier.arrive $0xFFFF  }
0x37f: {  	p0 =	sne.s32 s2, $0x0;
	_ =	strace $0x90000047  }
0x380: {  	s0 =	sadd.s32 @!p0 $0x100000, s1;
	[bflag:$0x2] =	sbarrier.arrive $0xFFFF  }
0x381: {  	[sflag:s0] =	ssyncadd.tile.s32 @!p0 $0x1;
	_ =	shalt  }
.Lfunc_end2:
_tile_overlayer_lowered:
.L_overlay_start_2:
0x382: {  	(tag) =	ssettag $0x2  }
0x383: {  	s0 =	rddreg [dreg:$0x0];
	s2 =	stileid.u32  }
0x384: {  	s1 =	rddreg [dreg:$0x1];
	p0 =	sne.s32 s2, $0x0  }
0x385: {  	s3 =	rddreg [dreg:$0x2];
	[bflag:$0x3] =	sbarrier.arrive $0xFFFF;
	s2 =	simm.s32 @!p0 $0x1C05  }
0x386: {  	[timem:s3], [sflag:s2] =	dma.local @!p0 [hbm:s0], s1  }
0x387: {  	s0 =	simm.s32 @!p0 $0x5  }
0x388: {  	_ =	swait.ge @!p0 [sflag:s0], s1  }
0x389: {  	s1 =	ssub.s32 @!p0 $0x0, s1;
	[sflag:s0] =	ssyncset.done @!p0 $0x0  }
0x38a: {  	[sflag:s0] =	ssyncadd.s32 @!p0 s1  }
0x38b: {  	[bflag:$0x3] =	sbarrier.arrive $0xFFFF  }
0x38c: {  	_ =	shalt  }

// kernel: kernel.7.cloned.1.call-start
scs
__scs_entry_jumppad:
0x0: {  	(pc) =	sbr.rel $0x88, $3  }
0x1: {  	(tag) =	ssettag $0x0;
	lr =	simm.s32 $0x1  }
0x2: {  	[smem:$0x3F9F] =	sst lr;
	_ =	strace $0xD0000000  }
0x3: {  	_ = 	snop  }
0x4: {  	_ = 	snop  }
0x5: {  	_ = 	snop  }
0x6: {  	_ = 	snop  }
0x7: {  	_ = 	snop  }
__scs_overlays_trampoline_lowered:
0x8: {  	[smem:$0x3FAE] =	sst s0  }
0x9: {  	[smem:$0x3FAF] =	sst s1  }
0xa: {  	[smem:$0x3FB0] =	sst s2  }
0xb: {  	[smem:$0x3FB1] =	sst s3  }
0xc: {  	[smem:$0x3FB2] =	sst s4  }
0xd: {  	[smem:$0x3FB3] =	sst s5  }
0xe: {  	[smem:$0x3FB4] =	sst s6  }
0xf: {  	[smem:$0x3FB5] =	sst s7  }
0x10: {  	[smem:$0x3FB6] =	sst s8  }
0x11: {  	[smem:$0x3FB7] =	sst s9;
	s0 =	simm.s32 @!p0 $0x0  }
0x12: {  	s1 =	sld [smem:$0x3F9D];
	s0 =	simm.s32 @p0 $0x1  }
0x13: {  	[smem:$0x3FB8] =	sst s0;
	s0 =	simm.s32 @!p1 $0x0  }
0x14: {  	s2 =	sld [smem:$0x3F9C];
	s0 =	simm.s32 @p1 $0x1  }
0x15: {  	[smem:$0x3FB9] =	sst s0;
	s0 =	simm.s32 @!p2 $0x0  }
0x16: {  	s3 =	sld [smem:$0x3FDB];
	s0 =	simm.s32 @p2 $0x1  }
0x17: {  	s4 =	simm.s32 $0x1BF5;
	[smem:$0x3FBB] =	sst s0  }
0x18: {  	s0 =	sld [smem:$0x3F9E];
	_ =	swait.ge [sflag:s4], $0x0  }
0x19: {  	s7 =	sld [smem:$0x3F9F]  }
0x1a: {  	s8 =	sadd.s32 $0xFFFFE003, lr  }
0x1b: {  	s9 =	sadd.s32 $0xFFFFFEF7, lr;
	s5 =	simm.s32 $0xFFFFFFFF;
	p2 =	slt.u32 s8, $0xFFFFF086  }
0x1c: {  	p1 =	slt.u32 s9, $0xF7A;
	s5 =	simm.s32 @!p2 $0x0  }
0x1d: {  	s5 =	simm.s32 @p1 $0x1;
	p0 =	seq.s32 s7, s2  }
0x1e: {  	s7 =	smul.u32 @!p0 $0xF7A, s2;
	p2 =	seq.s32 @!p0 s5, $0x0  }
0x1f: {  	s9 =	smul.u32 $0xF7A, s1;
	s8 =	simm.s32 @!p0 $0x1BF5;
	p2 =	por !p2, p0  }
0x20: {  	[sflag:s8] =	ssyncset.s32 @!p0 $0xFFFFF086;
	s6 =	sadd.s32 @!p0 s3, s7;
	s7 =	simm.s32 @!p0 $0x108  }
0x21: {  	s3 =	sadd.s32 s3, s9;
	s6 =	sadd.s32 @!p0 $0x88, s6;
	s7 =	simm.s32 @p2 $0x1082  }
0x22: {  	[simem:s7], [sflag:s8] =	dma.local @!p0 [hbm:s6], $0xF7A  }
0x23: {  	s9 =	sor.u32 $0xD0000000, s2;
	s6 =	simm.s32 $0x108;
	_ =	swait.ge @!p0 [sflag:s8], $0x0  }
0x24: {  	s3 =	sadd.s32 $0x88, s3;
	s6 =	simm.s32 @!p1 $0x1082;
	[sflag:s4] =	ssyncset.s32 $0xFFFFF086  }
0x25: {  	[simem:s6], [sflag:s4] =	dma.local [hbm:s3], $0xF7A  }
0x26: {  	[smem:$0x3F9F] =	sst s1;
	(tag) =	ssettag s2;
	_ =	strace s9  }
0x27: {  	s1 =	sld [smem:$0x3FAF]  }
0x28: {  	s2 =	sld [smem:$0x3FB0]  }
0x29: {  	s4 =	sld [smem:$0x3FB2]  }
0x2a: {  	p0 =	seq.s32 s5, $0x0;
	s5 =	sld [smem:$0x3FB3]  }
0x2b: {  	s6 =	sld [smem:$0x3FB4]  }
0x2c: {  	s7 =	sld [smem:$0x3FB5]  }
0x2d: {  	s3 =	simm.s32 $0x108;
	s8 =	sld [smem:$0x3FB6]  }
0x2e: {  	s3 =	simm.s32 @!p0 $0x1082;
	s9 =	sld [smem:$0x3FB7]  }
0x2f: {  	lr =	sadd.s32 s0, s3;
	s0 =	sld [smem:$0x3FAE]  }
0x30: {  	s3 =	sld [smem:$0x3FB1]  }
0x31: {  	[smem:$0x3FBA] =	sst s10  }
0x32: {  	s10 =	sld [smem:$0x3FB8];
	_ =	sdelay $0x3  }
0x33: {  	p0 =	seq.s32 s10, $0x1;
	s10 =	sld [smem:$0x3FBA];
	_ =	sdelay $0x3  }
0x34: {  	[smem:$0x3FBA] =	sst s10  }
0x35: {  	s10 =	sld [smem:$0x3FB9];
	_ =	sdelay $0x3  }
0x36: {  	p1 =	seq.s32 s10, $0x1;
	s10 =	sld [smem:$0x3FBA];
	_ =	sdelay $0x3  }
0x37: {  	[smem:$0x3FBA] =	sst s10  }
0x38: {  	s10 =	sld [smem:$0x3FBB]  }
0x39: {  	_ = 	snop;
	(pc) =	sbr.ind lr, $3  }
0x3a: {  	_ = 	snop  }
0x3b: {  	_ = 	snop  }
0x3c: {  	p2 =	seq.s32 s10, $0x1;
	s10 =	sld [smem:$0x3FBA]  }
0x3d: {  	_ =	shalt  }
0x3e: {  	_ =	shalt  }
0x3f: {  	_ =	shalt  }
0x40: {  	_ =	shalt  }
0x41: {  	_ =	shalt  }
0x42: {  	_ =	shalt  }
0x43: {  	_ =	shalt  }
0x44: {  	_ =	shalt  }
0x45: {  	_ =	shalt  }
0x46: {  	_ =	shalt  }
0x47: {  	_ =	shalt  }
0x48: {  	_ =	shalt  }
0x49: {  	_ =	shalt  }
0x4a: {  	_ =	shalt  }
0x4b: {  	_ =	shalt  }
0x4c: {  	_ =	shalt  }
0x4d: {  	_ =	shalt  }
0x4e: {  	_ =	shalt  }
0x4f: {  	_ =	shalt  }
0x50: {  	_ =	shalt  }
0x51: {  	_ =	shalt  }
0x52: {  	_ =	shalt  }
0x53: {  	_ =	shalt  }
0x54: {  	_ =	shalt  }
0x55: {  	_ =	shalt  }
0x56: {  	_ =	shalt  }
0x57: {  	_ =	shalt  }
0x58: {  	_ =	shalt  }
0x59: {  	_ =	shalt  }
0x5a: {  	_ =	shalt  }
0x5b: {  	_ =	shalt  }
0x5c: {  	_ =	shalt  }
0x5d: {  	_ =	shalt  }
0x5e: {  	_ =	shalt  }
0x5f: {  	_ =	shalt  }
0x60: {  	_ =	shalt  }
0x61: {  	_ =	shalt  }
0x62: {  	_ =	shalt  }
0x63: {  	_ =	shalt  }
0x64: {  	_ =	shalt  }
0x65: {  	_ =	shalt  }
0x66: {  	_ =	shalt  }
0x67: {  	_ =	shalt  }
0x68: {  	_ =	shalt  }
0x69: {  	_ =	shalt  }
0x6a: {  	_ =	shalt  }
0x6b: {  	_ =	shalt  }
0x6c: {  	_ =	shalt  }
0x6d: {  	_ =	shalt  }
0x6e: {  	_ =	shalt  }
0x6f: {  	_ =	shalt  }
0x70: {  	_ =	shalt  }
0x71: {  	_ =	shalt  }
0x72: {  	_ =	shalt  }
0x73: {  	_ =	shalt  }
0x74: {  	_ =	shalt  }
0x75: {  	_ =	shalt  }
0x76: {  	_ =	shalt  }
0x77: {  	_ =	shalt  }
0x78: {  	_ =	shalt  }
0x79: {  	_ =	shalt  }
0x7a: {  	_ =	shalt  }
0x7b: {  	_ =	shalt  }
0x7c: {  	_ =	shalt  }
0x7d: {  	_ =	shalt  }
0x7e: {  	_ =	shalt  }
0x7f: {  	_ =	shalt  }
0x80: {  	_ =	shalt  }
0x81: {  	_ =	shalt  }
0x82: {  	_ =	shalt  }
0x83: {  	_ =	shalt  }
0x84: {  	_ =	shalt  }
0x85: {  	_ =	shalt  }
0x86: {  	_ =	shalt  }
0x87: {  	_ =	shalt  }
.Lfunc_end0:
.L_simem_size_0:
called_computation.2_lowered:
.L_overlay_start_0:
0x88: {  	s2 =	sld [smem:$0x3FD9]  }
0x89: {  	s3 =	sld [smem:$0x3FFE];
	_ =	sdelay $0x1  }
0x8a: {  	s1 =	srdreg.scid  }
0x8b: {  	s0 =	sand.u32 $0x1, s1  }
0x8c: {  	s17 =	sshll.u32 s0, $0xA;
	s2 =	sadd.s32 s3, s2  }
0x8d: {  	s2 =	sadd.s32 s2, s17  }
0x8e: {  	[smem:$0x3FC6] =	sst s2  }
0x8f: {  	_ = 	snop  }
0x90: {  	s2 =	sld [smem:$0x3FD0];
	(tm) =	ssettm $0x1  }
0x91: {  	s18 =	sld [smem:$0x3FFB];
	_ =	sdelay $0x3  }
0x92: {  	_ =	strace s18  }
0x93: {  	s3 =	sld [smem:$0x3FFC];
	_ =	sdelay $0x3  }
0x94: {  	_ =	strace s3  }
0x95: {  	s3 =	sld [smem:$0x3FFD];
	_ =	sdelay $0x3  }
0x96: {  	_ =	strace s3  }
0x97: {  	_ =	strace $0x8FFFFFFF  }
0x98: {  	s19 =	sld [smem:$0x3FDB];
	_ =	sdelay $0x1  }
0x99: {  	s4 =	simm.s32 $_scs_section_size  }
0x9a: {  	s5 =	simm.s32 $_size__tile_overlayer_lowered;
	s6 =	simm.s32 $_tile_overlayer_lowered  }
0x9b: {  	s22 =	simm.s32 $0x1BFF;
	s21 =	sshll.u32 s6, $0x1;
	s3 =	sadd.s32 s4, s19  }
0x9c: {  	s7 =	simm.s32 $0x0;
	s20 =	sshll.u32 s5, $0x1;
	s5 =	sadd.s32 s21, s3  }
0x9d: {  	[timem:s7], [sflag:s22] =	dma.local [hbm:s5], s20  }
0x9e: {  	_ =	swait.ge [sflag:s22], s20  }
0x9f: {  	s4 =	ssub.s32 $0x0, s20;
	[sflag:s22] =	ssyncset.done $0x0  }
0xa0: {  	[sflag:s22] =	ssyncadd.s32 s4;
	_ =	sdelay $0x1  }
0xa1: {  	s23 =	simm.s32 $0x1B8B  }
0xa2: {  	_ =	swait.ge [sflag:s23], $0x1  }
0xa3: {  	[sflag:s23] =	ssyncset.done $0x0  }
0xa4: {  	s25 =	simm.s32 $0x1B8E;
	s24 =	sld [smem:$0x3FFE];
	[sflag:s23] =	ssyncadd.s32 $0xFFFFFFFF  }
0xa5: {  	s26 =	simm.s32 $execute0_lowered;
	[smem:$0x3FD2] =	sst s25  }
0xa6: {  	s5 =	sshll.u32 s26, $0x1;
	_ =	strace $0x80000049;
	[dreg:$0x1] =	wrdreg $0xFFFFFFFF  }
0xa7: {  	s28 =	simm.s32 $_size_execute0_lowered;
	s3 =	sadd.s32 s3, s5;
	[dreg:$0x0] =	wrdreg $0x0  }
0xa8: {  	s5 =	sshll.u32 s28, $0x1;
	[dreg:$0x2] =	wrdreg s3  }
0xa9: {  	[dreg:$0x3] =	wrdreg s5  }
0xaa: {  	[dreg:$0x4] =	wrdreg $0xC0  }
0xab: {  	_ =	task [dreg:s7], $0x5FFFF  }
0xac: {  	[dreg:$0x1] =	wrdreg $0xFFFFFFFF  }
0xad: {  	[dreg:$0x0] =	wrdreg $0x60  }
0xae: {  	[dreg:$0x2] =	wrdreg s2  }
0xaf: {  	[dreg:$0x3] =	wrdreg s24  }
0xb0: {  	[dreg:$0x4] =	wrdreg $0x9  }
0xb1: {  	_ =	task.clear_ibuf [dreg:s7], $0x5FFFF;
	_ =	strace $0x90000049  }
0xb2: {  	s29 =	simm.s32 $0x9;
	_ =	strace $0x8000004B  }
0xb3: {  	_ =	swait.ge [sflag:s29], $0x1  }
0xb4: {  	[sflag:s29] =	ssyncadd.s32 $0xFFFFFFFF  }
0xb5: {  	_ =	strace $0x9000004B  }
0xb6: {  	_ =	sfence  }
0xb7: {  	s30 =	sld [smem:$0x0];
	_ =	sdelay $0x2  }
0xb8: {  	s31 =	sshll.u32 s1, $0xD;
	s1 =	sshrl.u32 s1, $0x2  }
0xb9: {  	s3 =	sand.u32 $0x4000, s31;
	s1 =	sadd.s32 s1, s30  }
0xba: {  	s0 =	sor.u32 s3, s0;
	s1 =	sshll.u32 s1, $0x11  }
0xbb: {  	s0 =	sor.u32 s1, s0  }
0xbc: {  	s0 =	sadd.s32 $0x8F2B, s0  }
0xbd: {  	[sflag:s0] =	ssyncadd.remote.s32 $0x1  }
0xbe: {  	_ =	sfence.sel $0xFFFF  }
0xbf: {  	[dreg:$0x0] =	wrdreg $0xFFFFFFFF;
	(pc) =	sbr.abs _section_cstart, $3  }
0xc0: {  	[dreg:$0x1] =	wrdreg $0xFFFFFFFF  }
0xc1: {  	_ =	task.clear_ibuf [dreg:s7], $0x2FFFF;
	_ =	strace $0x9FFFFFFF  }
0xc2: {  	(tm) =	ssettm $0x7FFFFFFF  }
0xc3: {  	_ =	shalt  }
tec
execute0_lowered:
.L_overlay_start_1:
0x0: {  	(tag) =	ssettag $0x1  }
0x1: {  	s1 =	srdreg.scid;
	s4 =	rddreg [dreg:$0x0]  }
0x2: {  	s0 =	stileid.u32;
	s6 =	rddreg [dreg:$0x1];
	s2 =	simm.s32 $0x0  }
0x3: {  	s14 =	simm.s32 $0x1;
	s15 =	simm.s32 $0x40;
	s16 =	simm.s32 $0x80  }
0x4: {  	s17 =	simm.s32 $0x3;
	s18 =	simm.s32 $0x2;
	s11 =	smul.u32 $0xC8000, s0  }
0x5: {  	s19 =	simm.s32 $0x4;
	s5 =	sand.u32 $0x1, s1;
	s26 =	smul.u32 $0x640000, s0  }
0x6: {  	s20 =	simm.s32 $0x0;
	s24 =	sshll.u32 s0, $0x1;
	s13 =	smul.u32 $0x64000, s5  }
0x7: {  	s1 =	rddreg [dreg:$0x2];
	s3 =	sor.u32 s5, s24;
	s29 =	smul.u32 $0x320000, s5  }
0x8: {  	[smem:$0x7FF] =	sst s2;
	s12 =	sadd.s32 $0x7A2200, s6;
	s7 =	smul.u32 $0xC80, s3  }
0x9: {  	_ =	strace $0x8000004A;
	s10 =	ssub.s32 $0x2, s5;
	s8 =	smul.u32 $0x320000, s3  }
0xa: {  	s9 =	smul.u32 $0x64000, s3;
	s25 =	sshrl.u32 s10, $0x1;
	s30 =	sadd.s32 s11, s12  }
0xb: {  	s3 =	sadd.s32 $0x1000, s6;
	s6 =	ssub.s32 s10, s25;
	s11 =	sadd.s32 s13, s30  }
0xc: {  	s10 =	sadd.s32 s29, s26;
	s13 =	simm.s32 $0xE400;
	s8 =	sshrl.u32 s8, $0x3  }
0xd: {  	s4 =	sadd.s32 s4, s7;
	s5 =	smax.u32 s6, $0x1;
	s9 =	sadd.s32 s9, s12  }
0xe: {  	s31 =	sshrl.u32 s10, $0x3;
	s10 =	simm.s32 $0x5;
	s28 =	sadd.s32 s12, s8  }
0xf: {  	s7 =	sadd.s32 $0x62000, s9;
	s8 =	sadd.s32 $0x2000, s11;
	s9 =	sadd.s32 s31, s12  }
0x10: {  	s11 =	simm.s32 $0x200;
	s12 =	simm.s32 $0x6400;
	s6 =	sadd.s32 $0x60000, s28  }
.LBB2_1:
0x11: {  	[tilespmem:s2], [sflag:$0x5] =	stream.linear.gather [hbm4b:s4+s2], $0x6400, $0x38;
	[tilespmem:$0x16400] =	vst v63  }
0x12: {  	_ =	swait.ge [sflag:s10], $0x6400  }
0x13: {  	[sflag:s10] =	ssyncset.done $0x0  }
0x14: {  	[sflag:s10] =	ssyncadd.s32 $0xFFFF9C00  }
0x15: {  	[tilespmem:s12], [sflag:$0x1] =	stream.indirect.gather [hbm4b:s3+s11], $0x40, s2, s11, $0xb8;
	[tilespmem:$0x16400] =	vst v63  }
0x16: {  	_ = 	snop  }
0x17: {  	[tilespmem:s13], [sflag:$0x2] =	stream.indirect.gather [hbm4b:s3+s11], $0x40, s11, s11, $0xb8;
	[tilespmem:$0x16400] =	vst v63  }
0x18: {  	_ =	swait.ge [sflag:s14], $0x8000  }
0x19: {  	[sflag:s14] =	ssyncset.done $0x0  }
0x1a: {  	s21 =	sadd.s32 $0x0, s9;
	[sflag:s14] =	ssyncadd.s32 $0xFFFF8000  }
0x1b: {  	[hbm4b:s21+s15] =	stream.strided.scatter [tilespmem:s12], [sflag:$0x3], $0x8000, s16, s15, $0x38;
	[tilespmem:$0x16400] =	vst v63  }
0x1c: {  	_ =	swait.ge [sflag:s17], $0x8000  }
0x1d: {  	[sflag:s17] =	ssyncset.done $0x0  }
0x1e: {  	s30 =	simm.s32 $0x400;
	[sflag:s17] =	ssyncadd.s32 $0xFFFF8000  }
0x1f: {  	[tilespmem:s12], [sflag:$0x1] =	stream.indirect.gather [hbm4b:s3+s11], $0x40, s30, s11, $0xb8;
	[tilespmem:$0x16400] =	vst v63  }
0x20: {  	_ =	swait.ge [sflag:s18], $0x8000  }
0x21: {  	[sflag:s18] =	ssyncset.done $0x0  }
0x22: {  	s31 =	sadd.s32 $0x0, s8;
	[sflag:s18] =	ssyncadd.s32 $0xFFFF8000  }
0x23: {  	[hbm4b:s31+s15] =	stream.strided.scatter [tilespmem:s13], [sflag:$0x4], $0x8000, s16, s15, $0x38;
	[tilespmem:$0x16400] =	vst v63  }
0x24: {  	_ =	swait.ge [sflag:s19], $0x8000  }
0x25: {  	s22 =	simm.s32 $0x4000;
	[sflag:s19] =	ssyncset.done $0x0  }
0x26: {  	s23 =	simm.s32 $0xA00;
	s21 =	simm.s32 $0x600;
	[sflag:s19] =	ssyncadd.s32 $0xFFFF8000  }
.LBB2_2:
0x27: {  	[tilespmem:s13], [sflag:$0x2] =	stream.indirect.gather [hbm4b:s3+s11], $0x40, s21, s11, $0xb8;
	[tilespmem:$0x16400] =	vst v63  }
0x28: {  	s24 =	smov.u32 s22;
	s21 =	smov.u32 s23  }
0x29: {  	p0 =	sne.s32 s22, $0x5C000;
	s22 =	sadd.s32 $0x4000, s22;
	_ =	swait.ge [sflag:s14], $0x8000  }
0x2a: {  	[sflag:s14] =	ssyncset.done $0x0  }
0x2b: {  	s25 =	sadd.s32 s24, s9;
	[sflag:s14] =	ssyncadd.s32 $0xFFFF8000  }
0x2c: {  	[hbm4b:s25+s15] =	stream.strided.scatter [tilespmem:s12], [sflag:$0x3], $0x8000, s16, s15, $0x38;
	[tilespmem:$0x16400] =	vst v63  }
0x2d: {  	_ =	swait.ge [sflag:s17], $0x8000  }
0x2e: {  	[sflag:s17] =	ssyncset.done $0x0  }
0x2f: {  	s25 =	sadd.s32 $0xFFFFFE00, s23;
	[sflag:s17] =	ssyncadd.s32 $0xFFFF8000  }
0x30: {  	[tilespmem:s12], [sflag:$0x1] =	stream.indirect.gather [hbm4b:s3+s11], $0x40, s25, s11, $0xb8;
	[tilespmem:$0x16400] =	vst v63  }
0x31: {  	_ =	swait.ge [sflag:s18], $0x8000  }
0x32: {  	[sflag:s18] =	ssyncset.done $0x0  }
.Ltmp0:
0x33: {  	s24 =	sadd.s32 s24, s8;
	[sflag:s18] =	ssyncadd.s32 $0xFFFF8000;
	(pc) =	sbr.rel @p0 .LBB2_2-.Ltmp0, $4  }
0x34: {  	[hbm4b:s24+s15] =	stream.strided.scatter [tilespmem:s13], [sflag:$0x4], $0x8000, s16, s15, $0x38;
	[tilespmem:$0x16400] =	vst v63  }
0x35: {  	_ =	swait.ge [sflag:s19], $0x8000  }
0x36: {  	[sflag:s19] =	ssyncset.done $0x0  }
0x37: {  	s23 =	sadd.s32 $0x400, s23;
	[sflag:s19] =	ssyncadd.s32 $0xFFFF8000  }
0x38: {  	[tilespmem:s13], [sflag:$0x2] =	stream.indirect.gather [hbm4b:s3+s11], $0x40, s21, s11, $0xb8;
	[tilespmem:$0x16400] =	vst v63  }
0x39: {  	_ =	swait.ge [sflag:s14], $0x8000  }
0x3a: {  	[sflag:s14] =	ssyncset.done $0x0  }
0x3b: {  	[sflag:s14] =	ssyncadd.s32 $0xFFFF8000  }
0x3c: {  	[hbm4b:s6+s15] =	stream.strided.scatter [tilespmem:s12], [sflag:$0x3], $0x8000, s16, s15, $0x38;
	[tilespmem:$0x16400] =	vst v63  }
0x3d: {  	_ =	swait.ge [sflag:s18], $0x8000  }
0x3e: {  	[sflag:s18] =	ssyncset.done $0x0  }
0x3f: {  	s20 =	sadd.s32 $0x1, s20;
	[sflag:s18] =	ssyncadd.s32 $0xFFFF8000  }
0x40: {  	[hbm4b:s7+s15] =	stream.strided.scatter [tilespmem:s13], [sflag:$0x4], $0x8000, s16, s15, $0x38;
	[tilespmem:$0x16400] =	vst v63  }
0x41: {  	p0 =	sne.s32 s20, s5;
	_ =	swait.ge [sflag:s17], $0x8000  }
.Ltmp1:
0x42: {  	[sflag:s17] =	ssyncset.done $0x0;
	(pc) =	sbr.rel @p0 .LBB2_1-.Ltmp1, $4  }
0x43: {  	[sflag:s17] =	ssyncadd.s32 $0xFFFF8000  }
0x44: {  	_ =	swait.ge [sflag:s19], $0x8000  }
0x45: {  	[sflag:s19] =	ssyncset.done $0x0  }
0x46: {  	[sflag:s19] =	ssyncadd.s32 $0xFFFF8000  }
0x47: {  	_ =	sfence.sel $0x180000  }
0x48: {  	[bflag:$0x0] =	sbarrier.arrive $0xFFFF  }
0x49: {  	p0 =	sne.s32 s0, $0x0;
	_ =	strace $0x9000004A  }
0x4a: {  	s0 =	sadd.s32 @!p0 $0x100000, s1;
	[bflag:$0x2] =	sbarrier.arrive $0xFFFF  }
0x4b: {  	[sflag:s0] =	ssyncadd.tile.s32 @!p0 $0x1;
	_ =	shalt  }
.Lfunc_end2:
_tile_overlayer_lowered:
.L_overlay_start_2:
0x4c: {  	(tag) =	ssettag $0x2  }
0x4d: {  	s0 =	rddreg [dreg:$0x0];
	s2 =	stileid.u32  }
0x4e: {  	s1 =	rddreg [dreg:$0x1];
	p0 =	sne.s32 s2, $0x0  }
0x4f: {  	s3 =	rddreg [dreg:$0x2];
	[bflag:$0x3] =	sbarrier.arrive $0xFFFF;
	s2 =	simm.s32 @!p0 $0x1C05  }
0x50: {  	[timem:s3], [sflag:s2] =	dma.local @!p0 [hbm:s0], s1  }
0x51: {  	s0 =	simm.s32 @!p0 $0x5  }
0x52: {  	_ =	swait.ge @!p0 [sflag:s0], s1  }
0x53: {  	s1 =	ssub.s32 @!p0 $0x0, s1;
	[sflag:s0] =	ssyncset.done @!p0 $0x0  }
0x54: {  	[sflag:s0] =	ssyncadd.s32 @!p0 s1  }
0x55: {  	[bflag:$0x3] =	sbarrier.arrive $0xFFFF  }
0x56: {  	_ =	shalt  }

// kernel: sparse-core-data-format-call.cloned.1.call-start
scs
called_computation_lowered:
.L_overlay_start_0:
0x0: {  	s2 =	sld [smem:$0x3FD9]  }
0x1: {  	s3 =	sld [smem:$0x3FFE];
	_ =	sdelay $0x1  }
0x2: {  	s1 =	srdreg.scid  }
0x3: {  	s0 =	sand.u32 $0x1, s1  }
0x4: {  	s18 =	sshll.u32 s0, $0xA;
	s2 =	sadd.s32 s3, s2  }
0x5: {  	s2 =	sadd.s32 s2, s18  }
0x6: {  	[smem:$0x3FC6] =	sst s2  }
0x7: {  	_ = 	snop  }
0x8: {  	s2 =	sld [smem:$0x3FD0];
	(tm) =	ssettm $0x1  }
0x9: {  	s19 =	sld [smem:$0x3FFB];
	_ =	sdelay $0x3  }
0xa: {  	_ =	strace s19  }
0xb: {  	s3 =	sld [smem:$0x3FFC];
	_ =	sdelay $0x3  }
0xc: {  	_ =	strace s3  }
0xd: {  	s3 =	sld [smem:$0x3FFD];
	_ =	sdelay $0x3  }
0xe: {  	_ =	strace s3  }
0xf: {  	_ =	strace $0x8FFFFFFF  }
0x10: {  	s20 =	sld [smem:$0x3FDB];
	_ =	sdelay $0x1  }
0x11: {  	s4 =	simm.s32 $_scs_section_size  }
0x12: {  	s5 =	simm.s32 $_size__tile_overlayer_lowered;
	s6 =	simm.s32 $_tile_overlayer_lowered  }
0x13: {  	s23 =	simm.s32 $0x1BFF;
	s22 =	sshll.u32 s6, $0x1;
	s3 =	sadd.s32 s4, s20  }
0x14: {  	s7 =	simm.s32 $0x0;
	s21 =	sshll.u32 s5, $0x1;
	s5 =	sadd.s32 s22, s3  }
0x15: {  	[timem:s7], [sflag:s23] =	dma.local [hbm:s5], s21  }
0x16: {  	_ =	swait.ge [sflag:s23], s21  }
0x17: {  	s4 =	ssub.s32 $0x0, s21;
	[sflag:s23] =	ssyncset.done $0x0  }
0x18: {  	[sflag:s23] =	ssyncadd.s32 s4;
	_ =	sdelay $0x1  }
0x19: {  	s24 =	simm.s32 $0x1B8B  }
0x1a: {  	_ =	swait.ge [sflag:s24], $0x1  }
0x1b: {  	[sflag:s24] =	ssyncset.done $0x0  }
0x1c: {  	s26 =	simm.s32 $0x1B8E;
	s25 =	sld [smem:$0x3FFE];
	[sflag:s24] =	ssyncadd.s32 $0xFFFFFFFF  }
0x1d: {  	s27 =	simm.s32 $execute0_lowered;
	[smem:$0x3FD2] =	sst s26  }
0x1e: {  	s5 =	sshll.u32 s27, $0x1;
	_ =	strace $0x8000004C;
	[dreg:$0x1] =	wrdreg $0xFFFFFFFF  }
0x1f: {  	s28 =	simm.s32 $_size_execute0_lowered;
	s3 =	sadd.s32 s3, s5;
	[dreg:$0x0] =	wrdreg $0x0  }
0x20: {  	s5 =	sshll.u32 s28, $0x1;
	[dreg:$0x2] =	wrdreg s3  }
0x21: {  	[dreg:$0x3] =	wrdreg s5  }
0x22: {  	[dreg:$0x4] =	wrdreg $0xC0  }
0x23: {  	_ =	task [dreg:s7], $0x5FFFF  }
0x24: {  	[dreg:$0x1] =	wrdreg $0xFFFFFFFF  }
0x25: {  	[dreg:$0x0] =	wrdreg $0x60  }
0x26: {  	[dreg:$0x2] =	wrdreg s25  }
0x27: {  	[dreg:$0x3] =	wrdreg s2  }
0x28: {  	[dreg:$0x4] =	wrdreg $0x9  }
0x29: {  	_ =	task.clear_ibuf [dreg:s7], $0x5FFFF;
	_ =	strace $0x9000004C  }
0x2a: {  	s29 =	simm.s32 $0x9;
	_ =	strace $0x8000004E  }
0x2b: {  	_ =	swait.ge [sflag:s29], $0x1  }
0x2c: {  	[sflag:s29] =	ssyncadd.s32 $0xFFFFFFFF  }
0x2d: {  	_ =	strace $0x9000004E  }
0x2e: {  	_ =	sfence  }
0x2f: {  	s30 =	sld [smem:$0x0];
	_ =	sdelay $0x2  }
0x30: {  	s31 =	sshll.u32 s1, $0xD;
	s1 =	sshrl.u32 s1, $0x2  }
0x31: {  	s3 =	sand.u32 $0x4000, s31;
	s1 =	sadd.s32 s1, s30  }
0x32: {  	s0 =	sor.u32 s3, s0;
	s1 =	sshll.u32 s1, $0x11  }
0x33: {  	s0 =	sor.u32 s1, s0  }
0x34: {  	s0 =	sadd.s32 $0x8F2B, s0  }
0x35: {  	[sflag:s0] =	ssyncadd.remote.s32 $0x1  }
0x36: {  	_ =	sfence.sel $0xFFFF  }
0x37: {  	[dreg:$0x0] =	wrdreg $0xFFFFFFFF;
	(pc) =	sbr.abs _section_cstart, $3  }
0x38: {  	[dreg:$0x1] =	wrdreg $0xFFFFFFFF  }
0x39: {  	_ =	task.clear_ibuf [dreg:s7], $0x2FFFF;
	_ =	strace $0x9FFFFFFF  }
0x3a: {  	(tm) =	ssettm $0x7FFFFFFF  }
0x3b: {  	_ =	shalt  }
tec
execute0_lowered:
.L_overlay_start_1:
0x0: {  	(tag) =	ssettag $0x1  }
0x1: {  	s0 =	srdreg.scid  }
0x2: {  	s1 =	sshll.u32 s0, $0x4  }
0x3: {  	s0 =	stileid.u32;
	s1 =	sand.u32 $0x10, s1  }
0x4: {  	s1 =	sor.u32 s0, s1  }
0x5: {  	s6 =	rddreg [dreg:$0x0];
	s4 =	simm.s32 $0x1;
	s2 =	sshll.u32 s1, $0x7  }
0x6: {  	s7 =	simm.s32 $0x2;
	s12 =	simm.s32 $0x0;
	s1 =	ssub.s32 $0x1000, s2  }
0x7: {  	s8 =	simm.s32 $0x8000;
	s13 =	simm.s32 $0x0;
	s3 =	sand.u32 $0xF80, s1  }
0x8: {  	s9 =	simm.s32 $0x0;
	s5 =	sshrl.u32 s1, $0xC;
	p0 =	sne.s32 s3, $0x0  }
.Ltmp0:
0x9: {  	s1 =	rddreg [dreg:$0x2];
	s4 =	simm.s32 @!p0 $0x0;
	(pc) =	sbr.rel .LBB1_1-.Ltmp0, $4  }
0xa: {  	s11 =	simm.s32 $0x0;
	s3 =	rddreg [dreg:$0x1];
	s5 =	sadd.s32 s4, s5  }
0xb: {  	_ =	strace $0x8000004D;
	s4 =	simm.s32 $0x1;
	s5 =	smul.u32 $0xC8, s5  }
0xc: {  	s6 =	sadd.s32 $0x7A2200, s6;
	s10 =	smov.u32 s2;
	[sflag:s4] =	ssyncpa.u1 $0x0  }
0xd: {  	p0 =	por $0x0, $0x0;
	[sflag:s7] =	ssyncpa.u1 $0x0;
	s7 =	sor.u32 $0x1, s5  }
.LBB1_4:
0xe: {  	s16 =	sshll.u32 s13, $0x3;
	s17 =	sand.u32 $0x78, s13  }
0xf: {  	s30 =	sand.u32 $0x7E00, s13;
	s12 =	sshll.u32 s12, $0xF;
	s16 =	sand.u32 $0xC00, s16  }
0x10: {  	[tilespmem:s15+$0x810 ss:$0x81] =	vst.msk $0xffff, v2;
	s31 =	sand.u32 $0x7, s13;
	s16 =	sor.u32 s17, s16;
	s17 =	sadd.s32 s3, s30  }
0x11: {  	[tilespmem:s15+$0x1020 ss:$0x81] =	vst.msk $0xffff, v0;
	s13 =	sshll.u32 s31, $0x12;
	s12 =	sadd.s32 s12, s17;
	s16 =	sshrl.u32 s16, $0x3  }
0x12: {  	[tilespmem:s15+$0x0 ss:$0x81] =	vst.msk $0xffff, v1;
	s13 =	sor.u32 $0x400, s13;
	s12 =	sadd.s32 s16, s12  }
0x13: {  	[hbm4b:s12+s13] =	stream.strided.scatter [tilespmem:s14], [sflag:$0x2], $0x2000, s8, s13, $0x20;
	[tilespmem:$0x8080] =	vst v63  }
.LBB1_5:
0x14: {  	s14 =	sadd.s32 $0x1, s9  }
0x15: {  	s12 =	sadd.s32 $0x1000, s10;
	s16 =	smov.u32 s10;
	p2 =	sgt.s32 s14, $0xC7  }
0x16: {  	s16 =	smov.u32 @p2 s12  }
0x17: {  	s14 =	simm.s32 @p2 $0x0;
	p2 =	sgt.s32 s16, $0xFFF  }
0x18: {  	s16 =	smov.u32 @p2 s2;
	p2 =	sne.s32 s11, s7  }
.Ltmp1:
0x19: {  	p1 =	slt.u32 s11, $0x2;
	(pc) =	sbr.rel @!p2 .LBB1_6-.Ltmp1, $4  }
0x1a: {  	s15 =	simm.s32 @!p1 $0x2  }
0x1b: {  	s13 =	smov.u32 s10;
	p0 =	por !p0, !p0;
	_ =	swait.ge @!p1 [sflag:s15], $0x2000  }
0x1c: {  	s12 =	smov.u32 s9;
	[sflag:s15] =	ssyncset.done @!p1 $0x0;
	s9 =	smov.u32 s14  }
0x1d: {  	s11 =	sadd.s32 $0x1, s11;
	[sflag:s15] =	ssyncadd.s32 @!p1 $0xFFFFE000;
	s10 =	smov.u32 s16  }
.LBB1_1:
0x1e: {  	p1 =	sge.u32 s11, s5  }
0x1f: {  	s14 =	sand.u32 @!p1 $0x1FFFFFF, s9  }
0x20: {  	s15 =	smulhi.u32 @!p1 $0x147AE15, s14;
	_ =	sdelay $0x1  }
0x21: {  	s15 =	smul.u32 @!p1 $0xC8, s15  }
0x22: {  	s16 =	sxor.u32 @!p1 $0xFFFFFFFF, s11;
	s17 =	smul.u32 @!p1 $0xC80, s10  }
0x23: {  	s31 =	sadd.s32 $0xFFFFFFFF, s11;
	s16 =	sshll.u32 @!p1 s16, $0xD;
	s14 =	ssub.s32 @!p1 s14, s15  }
0x24: {  	s15 =	sand.u32 @!p1 $0x2000, s16;
	s16 =	sadd.s32 @!p1 s6, s17;
	s14 =	sshll.u32 @!p1 s14, $0x4  }
0x25: {  	s17 =	simm.s32 @!p1 $0x6400;
	s14 =	sadd.s32 @!p1 s14, s16;
	s16 =	simm.s32 @!p1 $0x40  }
0x26: {  	[tilespmem:s15], [sflag:$0x1] =	stream.strided.gather @!p1 [hbm4b:s14+s16], $0x2000, s17, s16, $0x38;
	[tilespmem:$0x8080] =	vst v63  }
0x27: {  	p1 =	sge.u32 s31, s5  }
.Ltmp2:
0x28: {  	_ = 	snop;
	(pc) =	sbr.rel @p1 .LBB1_5-.Ltmp2, $1  }
0x29: {  	_ =	sdelay $0x3  }
0x2a: {  	s14 =	simm.s32 $0x1  }
0x2b: {  	_ =	swait.ge [sflag:s4], $0x2000;
	s14 =	simm.s32 @!p0 $0x0  }
0x2c: {  	[sflag:s4] =	ssyncset.done $0x0;
	s15 =	sshll.u32 s14, $0xD  }
0x2d: {  	[sflag:s4] =	ssyncadd.s32 $0xFFFFE000;
	s18 =	sor.u32 $0x20, s15  }
0x2e: {  	s14 =	smul.u32 $0x8100, s14;
	v3 =	vld [tilespmem:s18+$0x10]  }
0x2f: {  	s30 =	sand.u32 $0x1, s11;
	v2 =	vld [tilespmem:s18+$0xFFFFFFF0]  }
0x30: {  	s15 =	smul.u32 $0x8100, s30;
	s14 =	sshrl.u32 s14, $0x2;
	v0 =	vld [tilespmem:s18+$0x0]  }
0x31: {  	v1 =	vld [tilespmem:s18+$0xFFFFFFE0];
	s16 =	sor.u32 $0x4000, s14  }
0x32: {  	s31 =	sshrl.u32 s15, $0x2;
	s15 =	sadd.s32 $0x0, s16  }
0x33: {  	s17 =	simm.s32 $0x4;
	s18 =	sadd.s32 $0x40, s18;
	s14 =	sor.u32 $0x4000, s31;
	[tilespmem:s15+$0x1830 ss:$0x81] =	vst.msk $0xffff, v3  }
.LBB1_3:
0x34: {  	v3 =	vld [tilespmem:s18+$0x10];
	p1 =	sne.s32 s17, $0x1FC;
	[tilespmem:s15+$0x810 ss:$0x81] =	vst.msk $0xffff, v2;
	s19 =	smov.u32 s17;
	s17 =	sadd.s32 $0x4, s17  }
.Ltmp3:
0x35: {  	v2 =	vld [tilespmem:s18+$0xFFFFFFF0];
	[tilespmem:s15+$0x1020 ss:$0x81] =	vst.msk $0xffff, v0;
	(pc) =	sbr.rel @p1 .LBB1_3-.Ltmp3, $4  }
0x36: {  	v0 =	vld [tilespmem:s18+$0x0];
	[tilespmem:s15+$0x0 ss:$0x81] =	vst.msk $0xffff, v1  }
0x37: {  	s15 =	sshra.s32 s19, $0x2;
	v1 =	vld [tilespmem:s18+$0xFFFFFFE0]  }
0x38: {  	s15 =	sadd.s32 s15, s16  }
0x39: {  	s18 =	sadd.s32 $0x40, s18;
	[tilespmem:s15+$0x1830 ss:$0x81] =	vst.msk $0xffff, v3  }
.Ltmp4:
0x3a: {  	_ = 	snop;
	(pc) =	sbr.rel .LBB1_4-.Ltmp4, $1  }
0x3b: {  	_ =	sdelay $0x3  }
.LBB1_6:
0x3c: {  	_ =	sfence.sel $0x180000  }
0x3d: {  	s2 =	simm.s32 $0x1;
	[bflag:$0x0] =	sbarrier.arrive $0xFFFF  }
0x3e: {  	s31 =	simm.s32 $0x2;
	[sflag:s2] =	ssyncpa.u1 $0x1  }
0x3f: {  	[sflag:s31] =	ssyncpa.u1 $0x1  }
0x40: {  	p0 =	sne.s32 s0, $0x0;
	_ =	strace $0x9000004D  }
0x41: {  	s0 =	sadd.s32 @!p0 $0x100000, s1;
	[bflag:$0x2] =	sbarrier.arrive $0xFFFF  }
0x42: {  	[sflag:s0] =	ssyncadd.tile.s32 @!p0 $0x1;
	_ =	shalt  }
.Lfunc_end1:
_tile_overlayer_lowered:
.L_overlay_start_2:
0x43: {  	(tag) =	ssettag $0x2  }
0x44: {  	s0 =	rddreg [dreg:$0x0];
	s2 =	stileid.u32  }
0x45: {  	s1 =	rddreg [dreg:$0x1];
	p0 =	sne.s32 s2, $0x0  }
0x46: {  	s3 =	rddreg [dreg:$0x2];
	[bflag:$0x3] =	sbarrier.arrive $0xFFFF;
	s2 =	simm.s32 @!p0 $0x1C01  }
0x47: {  	[timem:s3], [sflag:s2] =	dma.local @!p0 [hbm:s0], s1  }
0x48: {  	s0 =	simm.s32 @!p0 $0x1  }
0x49: {  	_ =	swait.ge @!p0 [sflag:s0], s1  }
0x4a: {  	s1 =	ssub.s32 @!p0 $0x0, s1;
	[sflag:s0] =	ssyncset.done @!p0 $0x0  }
0x4b: {  	[sflag:s0] =	ssyncadd.s32 @!p0 s1  }
0x4c: {  	[bflag:$0x3] =	sbarrier.arrive $0xFFFF  }
0x4d: {  	_ =	shalt  }

</sc_bundles>
